<compile_context>
chip_gen: v7x
topology: tpu7x:2x2x1
jax: 0.10.2.dev20260603
libtpu: 0.0.44.dev20260713+nightly
codegen_flags: <defaults>
</compile_context>

<pallas_src>
import jax
import jax.numpy as jnp
from jax import lax
from jax.experimental import pallas as pl
from jax.experimental.pallas import tpu as pltpu
from jax.experimental.pallas import tpu_sc as plsc

_E = 320000
_D = 128

_info = plsc.get_sparse_core_info()
_NC, _NS, _L = _info.num_cores, _info.num_subcores, _info.num_lanes
_NW = _NC * _NS
_E_PER_W = _E // _NW
_CHUNK = 80
_NCHUNK = _E_PER_W // _CHUNK
_GRP = _CHUNK // _L


def _sc_body(z1_hbm, z2_hbm, src_hbm, dst_hbm, out_hbm,
             sidx, didx, sr_a, dr_a, sr_b, dr_b, outbuf, sem_a, sem_b):
    wid = lax.axis_index("s") * _NC + lax.axis_index("c")
    base = wid * _E_PER_W
    pltpu.sync_copy(src_hbm.at[pl.ds(base, _E_PER_W)], sidx)
    pltpu.sync_copy(dst_hbm.at[pl.ds(base, _E_PER_W)], didx)
    lanes = lax.iota(jnp.int32, _L)

    def start(ci, srows, drows, sem):
        off = ci * _CHUNK
        pltpu.async_copy(z1_hbm.at[sidx.at[pl.ds(off, _CHUNK)]], srows, sem)
        pltpu.async_copy(z2_hbm.at[didx.at[pl.ds(off, _CHUNK)]], drows, sem)

    def wait(ci, srows, drows, sem):
        off = ci * _CHUNK
        pltpu.make_async_copy(
            z1_hbm.at[sidx.at[pl.ds(off, _CHUNK)]], srows, sem).wait()
        pltpu.make_async_copy(
            z2_hbm.at[didx.at[pl.ds(off, _CHUNK)]], drows, sem).wait()

    def compute(ci, srows, drows):
        off = ci * _CHUNK

        def grp_body(g, carry2):
            rows = g * _L + lanes
            acc = jnp.zeros((_L,), jnp.float32)
            for d in range(_D):
                cols = jnp.full((_L,), d, jnp.int32)
                s = plsc.load_gather(srows, [rows, cols])
                t = plsc.load_gather(drows, [rows, cols])
                acc = acc + s * t
            outbuf[pl.ds(off + g * _L, _L)] = 1.0 / (1.0 + jnp.exp(-acc))
            return carry2

        lax.fori_loop(0, _GRP, grp_body, 0)

    start(0, sr_a, dr_a, sem_a)

    def chunk_body(ci, carry):
        @pl.when(ci % 2 == 0)
        def _even():
            @pl.when(ci + 1 < _NCHUNK)
            def _():
                start(ci + 1, sr_b, dr_b, sem_b)
            wait(ci, sr_a, dr_a, sem_a)
            compute(ci, sr_a, dr_a)

        @pl.when(ci % 2 == 1)
        def _odd():
            @pl.when(ci + 1 < _NCHUNK)
            def _():
                start(ci + 1, sr_a, dr_a, sem_a)
            wait(ci, sr_b, dr_b, sem_b)
            compute(ci, sr_b, dr_b)

        return carry

    lax.fori_loop(0, _NCHUNK, chunk_body, 0)
    pltpu.sync_copy(outbuf, out_hbm.at[pl.ds(base, _E_PER_W)])


def kernel(z1, z2, edge_index):
    mesh = plsc.VectorSubcoreMesh(core_axis_name="c", subcore_axis_name="s")
    k = pl.kernel(
        _sc_body,
        out_type=jax.ShapeDtypeStruct((_E,), jnp.float32),
        mesh=mesh,
        compiler_params=pltpu.CompilerParams(needs_layout_passes=False),
        scratch_types=[
            pltpu.VMEM((_E_PER_W,), jnp.int32),
            pltpu.VMEM((_E_PER_W,), jnp.int32),
            pltpu.VMEM((_CHUNK, _D), jnp.float32),
            pltpu.VMEM((_CHUNK, _D), jnp.float32),
            pltpu.VMEM((_CHUNK, _D), jnp.float32),
            pltpu.VMEM((_CHUNK, _D), jnp.float32),
            pltpu.VMEM((_E_PER_W,), jnp.float32),
            pltpu.SemaphoreType.DMA,
            pltpu.SemaphoreType.DMA,
        ],
    )
    ei = edge_index.astype(jnp.int32)
    return k(z1, z2, ei[0], ei[1])

# --- scband reference (transcript-rebuilt; emitter-appended) ---
"""Pipeline reference for scband-inner-product-decoder-hetero-12077448036420 (READ-ONLY COPY).

The authoritative reference and input builder live on the scoring server;
editing this copy changes nothing except your own understanding.
"""

import jax, jax.numpy as jnp
import numpy as np

N_NODES = 10000
N_EDGES = 320000
D_FEAT = 128


def setup_inputs(seed: int = 0) -> dict:
    key = jax.random.key(seed)
    k1, k2, k3 = jax.random.split(key, 3)
    z1 = jax.random.normal(k1, (N_NODES, D_FEAT), dtype=jnp.float32)
    z2 = jax.random.normal(k2, (N_NODES, D_FEAT), dtype=jnp.float32)
    edge_index = jax.random.randint(k3, (2, N_EDGES), 0, N_NODES, dtype=jnp.int64 if jax.config.jax_enable_x64 else jnp.int32)
    return {"z1": z1, "z2": z2, "edge_index": edge_index}


def reference(z1, z2, edge_index):
    # z is a hetero dict {node_type1: z1, node_type2: z2}; node_type strings
    # just select the per-type latent matrices, so we pass them directly.
    src = jnp.take(z1, edge_index[0], axis=0)   # gather [E, d]
    dst = jnp.take(z2, edge_index[1], axis=0)   # gather [E, d]
    value = (src * dst).sum(axis=1)             # per-edge inner product [E]
    return jax.nn.sigmoid(value)                # sigmoid=True default

if __name__ == "__main__":
    import jax
    _d = setup_inputs()
    print(jax.jit(kernel)(*tuple(_d.values())))

</pallas_src>

<mosaic_0001>
#map = affine_map<(d0, d1) -> (0, 0)>
#map1 = affine_map<(d0, d1) -> (0)>
module attributes {stable_mosaic.version = 14 : i64} {
  func.func @_sc_body(%arg0: i32, %arg1: i32, %arg2: memref<10000x128xf32, #tpu.memory_space<hbm>>, %arg3: memref<10000x128xf32, #tpu.memory_space<hbm>>, %arg4: memref<320000xi32, #tpu.memory_space<hbm>>, %arg5: memref<320000xi32, #tpu.memory_space<hbm>>, %arg6: memref<320000xf32, #tpu.memory_space<hbm>>, %arg7: memref<10000xi32, #tpu.memory_space<vmem>>, %arg8: memref<10000xi32, #tpu.memory_space<vmem>>, %arg9: memref<80x128xf32, #tpu.memory_space<vmem>>, %arg10: memref<80x128xf32, #tpu.memory_space<vmem>>, %arg11: memref<80x128xf32, #tpu.memory_space<vmem>>, %arg12: memref<80x128xf32, #tpu.memory_space<vmem>>, %arg13: memref<10000xf32, #tpu.memory_space<vmem>>, %arg14: memref<!tpu.dma_semaphore, #tpu.memory_space<semaphore_mem>>, %arg15: memref<!tpu.dma_semaphore, #tpu.memory_space<semaphore_mem>>) attributes {dimension_semantics = [#tpu.dimension_semantics<core_parallel>, #tpu.dimension_semantics<subcore_parallel>], iteration_bounds = array<i64: 2, 16>, scalar_prefetch = 0 : i64, scratch_operands = 9 : i64, tpu.core_type = #tpu.core_type<sc_vector_subcore>, window_params = [{transform_indices = #map}, {transform_indices = #map}, {transform_indices = #map1}, {transform_indices = #map1}, {transform_indices = #map1}]} {
    %mul3A = arith.constant 2 : i32
    %mul3A_0 = arith.muli %arg1, %mul3A : i32
    %add3A = arith.addi %mul3A_0, %arg0 : i32
    %mul3A_1 = arith.constant 10000 : i32
    %mul3A_2 = arith.muli %add3A, %mul3A_1 : i32
    "tpu.region"() ({
      %run_scoped3A = tpu.sem_alloc : memref<!tpu.dma_semaphore, #tpu.memory_space<semaphore_mem>>
      %dma_start3A_17 = tpu.memref_slice %arg4[%mul3A_2] : memref<320000xi32, #tpu.memory_space<hbm>> -> memref<10000xi32, #tpu.memory_space<hbm>>
      %dma_start3A_18 = tpu.memref_slice %arg4[%mul3A_2] : memref<320000xi32, #tpu.memory_space<hbm>> -> memref<10000xi32, #tpu.memory_space<hbm>>
      tpu.enqueue_dma source(%dma_start3A_18 : memref<10000xi32, #tpu.memory_space<hbm>>) target(%arg7 : memref<10000xi32, #tpu.memory_space<vmem>>) target_semaphore(%run_scoped3A : memref<!tpu.dma_semaphore, #tpu.memory_space<semaphore_mem>>)
      %dma_wait3A = tpu.memref_slice %arg4[%mul3A_2] : memref<320000xi32, #tpu.memory_space<hbm>> -> memref<10000xi32, #tpu.memory_space<hbm>>
      %dma_wait3A_19 = tpu.memref_slice %arg4[%mul3A_2] : memref<320000xi32, #tpu.memory_space<hbm>> -> memref<10000xi32, #tpu.memory_space<hbm>>
      tpu.wait_dma2 semaphore(%run_scoped3A : memref<!tpu.dma_semaphore, #tpu.memory_space<semaphore_mem>>) src(%dma_wait3A_19 : memref<10000xi32, #tpu.memory_space<hbm>>) dst(%arg7 : memref<10000xi32, #tpu.memory_space<vmem>>)
      tpu.yield
    }) : () -> ()
    "tpu.region"() ({
      %run_scoped3A = tpu.sem_alloc : memref<!tpu.dma_semaphore, #tpu.memory_space<semaphore_mem>>
      %dma_start3A_17 = tpu.memref_slice %arg5[%mul3A_2] : memref<320000xi32, #tpu.memory_space<hbm>> -> memref<10000xi32, #tpu.memory_space<hbm>>
      %dma_start3A_18 = tpu.memref_slice %arg5[%mul3A_2] : memref<320000xi32, #tpu.memory_space<hbm>> -> memref<10000xi32, #tpu.memory_space<hbm>>
      tpu.enqueue_dma source(%dma_start3A_18 : memref<10000xi32, #tpu.memory_space<hbm>>) target(%arg8 : memref<10000xi32, #tpu.memory_space<vmem>>) target_semaphore(%run_scoped3A : memref<!tpu.dma_semaphore, #tpu.memory_space<semaphore_mem>>)
      %dma_wait3A = tpu.memref_slice %arg5[%mul3A_2] : memref<320000xi32, #tpu.memory_space<hbm>> -> memref<10000xi32, #tpu.memory_space<hbm>>
      %dma_wait3A_19 = tpu.memref_slice %arg5[%mul3A_2] : memref<320000xi32, #tpu.memory_space<hbm>> -> memref<10000xi32, #tpu.memory_space<hbm>>
      tpu.wait_dma2 semaphore(%run_scoped3A : memref<!tpu.dma_semaphore, #tpu.memory_space<semaphore_mem>>) src(%dma_wait3A_19 : memref<10000xi32, #tpu.memory_space<hbm>>) dst(%arg8 : memref<10000xi32, #tpu.memory_space<vmem>>)
      tpu.yield
    }) : () -> ()
    %iota3A = tpu.iota {dimensions = array<i32: 0>} : vector<16xi32>
    %dma_start3A = arith.constant 0 : i32
    %dma_start3A_3 = tpu.memref_slice %arg7[%dma_start3A] : memref<10000xi32, #tpu.memory_space<vmem>> -> memref<80xi32, #tpu.memory_space<vmem>>
    %dma_start3A_4 = arith.constant 0 : i32
    %dma_start3A_5 = arith.constant 0 : i32
    %dma_start3A_6 = tpu.memref_slice %arg2[%dma_start3A_4, %dma_start3A_5] : memref<10000x128xf32, #tpu.memory_space<hbm>> -> memref<10000x128xf32, #tpu.memory_space<hbm>>
    tpu.enqueue_indirect_dma source(%dma_start3A_6 : memref<10000x128xf32, #tpu.memory_space<hbm>>) target(%arg9 : memref<80x128xf32, #tpu.memory_space<vmem>>) offsets(%dma_start3A_3 : memref<80xi32, #tpu.memory_space<vmem>>) semaphore(%arg14 : memref<!tpu.dma_semaphore, #tpu.memory_space<semaphore_mem>>)
    %dma_start3A_7 = arith.constant 0 : i32
    %dma_start3A_8 = tpu.memref_slice %arg8[%dma_start3A_7] : memref<10000xi32, #tpu.memory_space<vmem>> -> memref<80xi32, #tpu.memory_space<vmem>>
    %dma_start3A_9 = arith.constant 0 : i32
    %dma_start3A_10 = arith.constant 0 : i32
    %dma_start3A_11 = tpu.memref_slice %arg3[%dma_start3A_9, %dma_start3A_10] : memref<10000x128xf32, #tpu.memory_space<hbm>> -> memref<10000x128xf32, #tpu.memory_space<hbm>>
    tpu.enqueue_indirect_dma source(%dma_start3A_11 : memref<10000x128xf32, #tpu.memory_space<hbm>>) target(%arg10 : memref<80x128xf32, #tpu.memory_space<vmem>>) offsets(%dma_start3A_8 : memref<80xi32, #tpu.memory_space<vmem>>) semaphore(%arg14 : memref<!tpu.dma_semaphore, #tpu.memory_space<semaphore_mem>>)
    %scan3A = arith.constant 0 : i32
    %scan3A_12 = arith.constant 0 : i32
    %scan3A_13 = arith.constant 125 : i32
    %scan3A_14 = arith.addi %scan3A_12, %scan3A_13 : i32
    %scan3A_15 = arith.constant 1 : i32
    scf.for %scan3A_17 = %scan3A_12 to %scan3A_14 step %scan3A_15  : i32 {
      %jit3A = arith.constant 2 : i32
      %eq3A = arith.constant 0 : i32
      %eq3A_18 = arith.cmpi eq, %jit3A, %eq3A : i32
      %jit3A_19 = arith.constant 1 : i32
      %select_n3A = arith.select %eq3A_18, %jit3A_19, %jit3A : i32
      %rem3A = arith.remsi %scan3A_17, %select_n3A : i32
      %ne3A = arith.constant 0 : i32
      %ne3A_20 = arith.cmpi ne, %rem3A, %ne3A : i32
      %lt3A = arith.constant 0 : i32
      %lt3A_21 = arith.cmpi slt, %rem3A, %lt3A : i32
      %lt3A_22 = arith.constant 0 : i32
      %lt3A_23 = arith.cmpi slt, %select_n3A, %lt3A_22 : i32
      %ne3A_24 = arith.xori %lt3A_21, %lt3A_23 : i1
      %and3A = arith.andi %ne3A_24, %ne3A_20 : i1
      %add3A_25 = arith.addi %rem3A, %select_n3A : i32
      %select_n3A_26 = arith.select %and3A, %add3A_25, %rem3A : i32
      %eq3A_27 = arith.constant 0 : i32
      %eq3A_28 = arith.cmpi eq, %select_n3A_26, %eq3A_27 : i32
      %convert_element_type3A = arith.extui %eq3A_28 : i1 to i32
      %cond3A = arith.constant 0 : i32
      %cond3A_29 = arith.cmpi ne, %convert_element_type3A, %cond3A : i32
      scf.if %cond3A_29 {
        %add3A_51 = arith.constant 1 : i32
        %add3A_52 = arith.addi %scan3A_17, %add3A_51 : i32
        %lt3A_53 = arith.constant 125 : i32
        %lt3A_54 = arith.cmpi slt, %add3A_52, %lt3A_53 : i32
        %convert_element_type3A_55 = arith.extui %lt3A_54 : i1 to i32
        %cond3A_56 = arith.constant 0 : i32
        %cond3A_57 = arith.cmpi ne, %convert_element_type3A_55, %cond3A_56 : i32
        scf.if %cond3A_57 {
          %add3A_75 = arith.constant 1 : i32
          %add3A_76 = arith.addi %scan3A_17, %add3A_75 : i32
          %mul3A_77 = arith.constant 80 : i32
          %mul3A_78 = arith.muli %add3A_76, %mul3A_77 : i32
          %dma_start3A_79 = tpu.memref_slice %arg7[%mul3A_78] : memref<10000xi32, #tpu.memory_space<vmem>> -> memref<80xi32, #tpu.memory_space<vmem>>
          %dma_start3A_80 = arith.constant 0 : i32
          %dma_start3A_81 = arith.constant 0 : i32
          %dma_start3A_82 = tpu.memref_slice %arg2[%dma_start3A_80, %dma_start3A_81] : memref<10000x128xf32, #tpu.memory_space<hbm>> -> memref<10000x128xf32, #tpu.memory_space<hbm>>
          tpu.enqueue_indirect_dma source(%dma_start3A_82 : memref<10000x128xf32, #tpu.memory_space<hbm>>) target(%arg11 : memref<80x128xf32, #tpu.memory_space<vmem>>) offsets(%dma_start3A_79 : memref<80xi32, #tpu.memory_space<vmem>>) semaphore(%arg15 : memref<!tpu.dma_semaphore, #tpu.memory_space<semaphore_mem>>)
          %dma_start3A_83 = tpu.memref_slice %arg8[%mul3A_78] : memref<10000xi32, #tpu.memory_space<vmem>> -> memref<80xi32, #tpu.memory_space<vmem>>
          %dma_start3A_84 = arith.constant 0 : i32
          %dma_start3A_85 = arith.constant 0 : i32
          %dma_start3A_86 = tpu.memref_slice %arg3[%dma_start3A_84, %dma_start3A_85] : memref<10000x128xf32, #tpu.memory_space<hbm>> -> memref<10000x128xf32, #tpu.memory_space<hbm>>
          tpu.enqueue_indirect_dma source(%dma_start3A_86 : memref<10000x128xf32, #tpu.memory_space<hbm>>) target(%arg12 : memref<80x128xf32, #tpu.memory_space<vmem>>) offsets(%dma_start3A_83 : memref<80xi32, #tpu.memory_space<vmem>>) semaphore(%arg15 : memref<!tpu.dma_semaphore, #tpu.memory_space<semaphore_mem>>)
        } else {
        }
        %mul3A_58 = arith.constant 80 : i32
        %mul3A_59 = arith.muli %scan3A_17, %mul3A_58 : i32
        %dma_wait3A = tpu.memref_slice %arg7[%mul3A_59] : memref<10000xi32, #tpu.memory_space<vmem>> -> memref<80xi32, #tpu.memory_space<vmem>>
        %dma_wait3A_60 = arith.constant 0 : i32
        %dma_wait3A_61 = arith.constant 0 : i32
        %dma_wait3A_62 = tpu.memref_slice %arg2[%dma_wait3A_60, %dma_wait3A_61] : memref<10000x128xf32, #tpu.memory_space<hbm>> -> memref<10000x128xf32, #tpu.memory_space<hbm>>
        tpu.wait_indirect_dma semaphore(%arg14 : memref<!tpu.dma_semaphore, #tpu.memory_space<semaphore_mem>>) src(%dma_wait3A_62 : memref<10000x128xf32, #tpu.memory_space<hbm>>) dst(%arg9 : memref<80x128xf32, #tpu.memory_space<vmem>>)
        %dma_wait3A_63 = tpu.memref_slice %arg8[%mul3A_59] : memref<10000xi32, #tpu.memory_space<vmem>> -> memref<80xi32, #tpu.memory_space<vmem>>
        %dma_wait3A_64 = arith.constant 0 : i32
        %dma_wait3A_65 = arith.constant 0 : i32
        %dma_wait3A_66 = tpu.memref_slice %arg3[%dma_wait3A_64, %dma_wait3A_65] : memref<10000x128xf32, #tpu.memory_space<hbm>> -> memref<10000x128xf32, #tpu.memory_space<hbm>>
        tpu.wait_indirect_dma semaphore(%arg14 : memref<!tpu.dma_semaphore, #tpu.memory_space<semaphore_mem>>) src(%dma_wait3A_66 : memref<10000x128xf32, #tpu.memory_space<hbm>>) dst(%arg10 : memref<80x128xf32, #tpu.memory_space<vmem>>)
        %mul3A_67 = arith.constant 80 : i32
        %mul3A_68 = arith.muli %scan3A_17, %mul3A_67 : i32
        %scan3A_69 = arith.constant 0 : i32
        %scan3A_70 = arith.constant 0 : i32
        %scan3A_71 = arith.constant 5 : i32
        %scan3A_72 = arith.addi %scan3A_70, %scan3A_71 : i32
        %scan3A_73 = arith.constant 1 : i32
        scf.for %scan3A_75 = %scan3A_70 to %scan3A_72 step %scan3A_73  : i32 {
          %mul3A_76 = arith.constant 16 : i32
          %mul3A_77 = arith.muli %scan3A_75, %mul3A_76 : i32
          %add3A_78 = vector.broadcast %mul3A_77 : i32 to vector<16xi32>
          %add3A_79 = arith.addi %add3A_78, %iota3A : vector<16xi32>
          %broadcast_in_dim3A = arith.constant 0.000000e+00 : f32
          %broadcast_in_dim3A_80 = vector.broadcast %broadcast_in_dim3A : f32 to vector<16xf32>
          %broadcast_in_dim3A_81 = arith.constant 0 : i32
          %broadcast_in_dim3A_82 = vector.broadcast %broadcast_in_dim3A_81 : i32 to vector<16xi32>
          %gather3A = tpu.vector_load_idx %arg9[%add3A_79, %broadcast_in_dim3A_82] : memref<80x128xf32, #tpu.memory_space<vmem>>[vector<16xi32>, vector<16xi32>], vector<16xf32>,
          %gather3A_83 = tpu.vector_load_idx %arg10[%add3A_79, %broadcast_in_dim3A_82] : memref<80x128xf32, #tpu.memory_space<vmem>>[vector<16xi32>, vector<16xi32>], vector<16xf32>,
          %mul3A_84 = arith.mulf %gather3A, %gather3A_83 : vector<16xf32>
          %add3A_85 = arith.addf %broadcast_in_dim3A_80, %mul3A_84 : vector<16xf32>
          %broadcast_in_dim3A_86 = arith.constant 1 : i32
          %broadcast_in_dim3A_87 = vector.broadcast %broadcast_in_dim3A_86 : i32 to vector<16xi32>
          %gather3A_88 = tpu.vector_load_idx %arg9[%add3A_79, %broadcast_in_dim3A_87] : memref<80x128xf32, #tpu.memory_space<vmem>>[vector<16xi32>, vector<16xi32>], vector<16xf32>,
          %gather3A_89 = tpu.vector_load_idx %arg10[%add3A_79, %broadcast_in_dim3A_87] : memref<80x128xf32, #tpu.memory_space<vmem>>[vector<16xi32>, vector<16xi32>], vector<16xf32>,
          %mul3A_90 = arith.mulf %gather3A_88, %gather3A_89 : vector<16xf32>
          %add3A_91 = arith.addf %add3A_85, %mul3A_90 : vector<16xf32>
          %broadcast_in_dim3A_92 = arith.constant 2 : i32
          %broadcast_in_dim3A_93 = vector.broadcast %broadcast_in_dim3A_92 : i32 to vector<16xi32>
          %gather3A_94 = tpu.vector_load_idx %arg9[%add3A_79, %broadcast_in_dim3A_93] : memref<80x128xf32, #tpu.memory_space<vmem>>[vector<16xi32>, vector<16xi32>], vector<16xf32>,
          %gather3A_95 = tpu.vector_load_idx %arg10[%add3A_79, %broadcast_in_dim3A_93] : memref<80x128xf32, #tpu.memory_space<vmem>>[vector<16xi32>, vector<16xi32>], vector<16xf32>,
          %mul3A_96 = arith.mulf %gather3A_94, %gather3A_95 : vector<16xf32>
          %add3A_97 = arith.addf %add3A_91, %mul3A_96 : vector<16xf32>
          %broadcast_in_dim3A_98 = arith.constant 3 : i32
          %broadcast_in_dim3A_99 = vector.broadcast %broadcast_in_dim3A_98 : i32 to vector<16xi32>
          %gather3A_100 = tpu.vector_load_idx %arg9[%add3A_79, %broadcast_in_dim3A_99] : memref<80x128xf32, #tpu.memory_space<vmem>>[vector<16xi32>, vector<16xi32>], vector<16xf32>,
          %gather3A_101 = tpu.vector_load_idx %arg10[%add3A_79, %broadcast_in_dim3A_99] : memref<80x128xf32, #tpu.memory_space<vmem>>[vector<16xi32>, vector<16xi32>], vector<16xf32>,
          %mul3A_102 = arith.mulf %gather3A_100, %gather3A_101 : vector<16xf32>
          %add3A_103 = arith.addf %add3A_97, %mul3A_102 : vector<16xf32>
          %broadcast_in_dim3A_104 = arith.constant 4 : i32
          %broadcast_in_dim3A_105 = vector.broadcast %broadcast_in_dim3A_104 : i32 to vector<16xi32>
          %gather3A_106 = tpu.vector_load_idx %arg9[%add3A_79, %broadcast_in_dim3A_105] : memref<80x128xf32, #tpu.memory_space<vmem>>[vector<16xi32>, vector<16xi32>], vector<16xf32>,
          %gather3A_107 = tpu.vector_load_idx %arg10[%add3A_79, %broadcast_in_dim3A_105] : memref<80x128xf32, #tpu.memory_space<vmem>>[vector<16xi32>, vector<16xi32>], vector<16xf32>,
          %mul3A_108 = arith.mulf %gather3A_106, %gather3A_107 : vector<16xf32>
          %add3A_109 = arith.addf %add3A_103, %mul3A_108 : vector<16xf32>
          %broadcast_in_dim3A_110 = arith.constant 5 : i32
          %broadcast_in_dim3A_111 = vector.broadcast %broadcast_in_dim3A_110 : i32 to vector<16xi32>
          %gather3A_112 = tpu.vector_load_idx %arg9[%add3A_79, %broadcast_in_dim3A_111] : memref<80x128xf32, #tpu.memory_space<vmem>>[vector<16xi32>, vector<16xi32>], vector<16xf32>,
          %gather3A_113 = tpu.vector_load_idx %arg10[%add3A_79, %broadcast_in_dim3A_111] : memref<80x128xf32, #tpu.memory_space<vmem>>[vector<16xi32>, vector<16xi32>], vector<16xf32>,
          %mul3A_114 = arith.mulf %gather3A_112, %gather3A_113 : vector<16xf32>
          %add3A_115 = arith.addf %add3A_109, %mul3A_114 : vector<16xf32>
          %broadcast_in_dim3A_116 = arith.constant 6 : i32
          %broadcast_in_dim3A_117 = vector.broadcast %broadcast_in_dim3A_116 : i32 to vector<16xi32>
          %gather3A_118 = tpu.vector_load_idx %arg9[%add3A_79, %broadcast_in_dim3A_117] : memref<80x128xf32, #tpu.memory_space<vmem>>[vector<16xi32>, vector<16xi32>], vector<16xf32>,
          %gather3A_119 = tpu.vector_load_idx %arg10[%add3A_79, %broadcast_in_dim3A_117] : memref<80x128xf32, #tpu.memory_space<vmem>>[vector<16xi32>, vector<16xi32>], vector<16xf32>,
          %mul3A_120 = arith.mulf %gather3A_118, %gather3A_119 : vector<16xf32>
          %add3A_121 = arith.addf %add3A_115, %mul3A_120 : vector<16xf32>
          %broadcast_in_dim3A_122 = arith.constant 7 : i32
          %broadcast_in_dim3A_123 = vector.broadcast %broadcast_in_dim3A_122 : i32 to vector<16xi32>
          %gather3A_124 = tpu.vector_load_idx %arg9[%add3A_79, %broadcast_in_dim3A_123] : memref<80x128xf32, #tpu.memory_space<vmem>>[vector<16xi32>, vector<16xi32>], vector<16xf32>,
          %gather3A_125 = tpu.vector_load_idx %arg10[%add3A_79, %broadcast_in_dim3A_123] : memref<80x128xf32, #tpu.memory_space<vmem>>[vector<16xi32>, vector<16xi32>], vector<16xf32>,
          %mul3A_126 = arith.mulf %gather3A_124, %gather3A_125 : vector<16xf32>
          %add3A_127 = arith.addf %add3A_121, %mul3A_126 : vector<16xf32>
          %broadcast_in_dim3A_128 = arith.constant 8 : i32
          %broadcast_in_dim3A_129 = vector.broadcast %broadcast_in_dim3A_128 : i32 to vector<16xi32>
          %gather3A_130 = tpu.vector_load_idx %arg9[%add3A_79, %broadcast_in_dim3A_129] : memref<80x128xf32, #tpu.memory_space<vmem>>[vector<16xi32>, vector<16xi32>], vector<16xf32>,
          %gather3A_131 = tpu.vector_load_idx %arg10[%add3A_79, %broadcast_in_dim3A_129] : memref<80x128xf32, #tpu.memory_space<vmem>>[vector<16xi32>, vector<16xi32>], vector<16xf32>,
          %mul3A_132 = arith.mulf %gather3A_130, %gather3A_131 : vector<16xf32>
          %add3A_133 = arith.addf %add3A_127, %mul3A_132 : vector<16xf32>
          %broadcast_in_dim3A_134 = arith.constant 9 : i32
          %broadcast_in_dim3A_135 = vector.broadcast %broadcast_in_dim3A_134 : i32 to vector<16xi32>
          %gather3A_136 = tpu.vector_load_idx %arg9[%add3A_79, %broadcast_in_dim3A_135] : memref<80x128xf32, #tpu.memory_space<vmem>>[vector<16xi32>, vector<16xi32>], vector<16xf32>,
          %gather3A_137 = tpu.vector_load_idx %arg10[%add3A_79, %broadcast_in_dim3A_135] : memref<80x128xf32, #tpu.memory_space<vmem>>[vector<16xi32>, vector<16xi32>], vector<16xf32>,
          %mul3A_138 = arith.mulf %gather3A_136, %gather3A_137 : vector<16xf32>
          %add3A_139 = arith.addf %add3A_133, %mul3A_138 : vector<16xf32>
          %broadcast_in_dim3A_140 = arith.constant 10 : i32
          %broadcast_in_dim3A_141 = vector.broadcast %broadcast_in_dim3A_140 : i32 to vector<16xi32>
          %gather3A_142 = tpu.vector_load_idx %arg9[%add3A_79, %broadcast_in_dim3A_141] : memref<80x128xf32, #tpu.memory_space<vmem>>[vector<16xi32>, vector<16xi32>], vector<16xf32>,
          %gather3A_143 = tpu.vector_load_idx %arg10[%add3A_79, %broadcast_in_dim3A_141] : memref<80x128xf32, #tpu.memory_space<vmem>>[vector<16xi32>, vector<16xi32>], vector<16xf32>,
          %mul3A_144 = arith.mulf %gather3A_142, %gather3A_143 : vector<16xf32>
          %add3A_145 = arith.addf %add3A_139, %mul3A_144 : vector<16xf32>
          %broadcast_in_dim3A_146 = arith.constant 11 : i32
          %broadcast_in_dim3A_147 = vector.broadcast %broadcast_in_dim3A_146 : i32 to vector<16xi32>
          %gather3A_148 = tpu.vector_load_idx %arg9[%add3A_79, %broadcast_in_dim3A_147] : memref<80x128xf32, #tpu.memory_space<vmem>>[vector<16xi32>, vector<16xi32>], vector<16xf32>,
          %gather3A_149 = tpu.vector_load_idx %arg10[%add3A_79, %broadcast_in_dim3A_147] : memref<80x128xf32, #tpu.memory_space<vmem>>[vector<16xi32>, vector<16xi32>], vector<16xf32>,
          %mul3A_150 = arith.mulf %gather3A_148, %gather3A_149 : vector<16xf32>
          %add3A_151 = arith.addf %add3A_145, %mul3A_150 : vector<16xf32>
          %broadcast_in_dim3A_152 = arith.constant 12 : i32
          %broadcast_in_dim3A_153 = vector.broadcast %broadcast_in_dim3A_152 : i32 to vector<16xi32>
          %gather3A_154 = tpu.vector_load_idx %arg9[%add3A_79, %broadcast_in_dim3A_153] : memref<80x128xf32, #tpu.memory_space<vmem>>[vector<16xi32>, vector<16xi32>], vector<16xf32>,
          %gather3A_155 = tpu.vector_load_idx %arg10[%add3A_79, %broadcast_in_dim3A_153] : memref<80x128xf32, #tpu.memory_space<vmem>>[vector<16xi32>, vector<16xi32>], vector<16xf32>,
          %mul3A_156 = arith.mulf %gather3A_154, %gather3A_155 : vector<16xf32>
          %add3A_157 = arith.addf %add3A_151, %mul3A_156 : vector<16xf32>
          %broadcast_in_dim3A_158 = arith.constant 13 : i32
          %broadcast_in_dim3A_159 = vector.broadcast %broadcast_in_dim3A_158 : i32 to vector<16xi32>
          %gather3A_160 = tpu.vector_load_idx %arg9[%add3A_79, %broadcast_in_dim3A_159] : memref<80x128xf32, #tpu.memory_space<vmem>>[vector<16xi32>, vector<16xi32>], vector<16xf32>,
          %gather3A_161 = tpu.vector_load_idx %arg10[%add3A_79, %broadcast_in_dim3A_159] : memref<80x128xf32, #tpu.memory_space<vmem>>[vector<16xi32>, vector<16xi32>], vector<16xf32>,
          %mul3A_162 = arith.mulf %gather3A_160, %gather3A_161 : vector<16xf32>
          %add3A_163 = arith.addf %add3A_157, %mul3A_162 : vector<16xf32>
          %broadcast_in_dim3A_164 = arith.constant 14 : i32
          %broadcast_in_dim3A_165 = vector.broadcast %broadcast_in_dim3A_164 : i32 to vector<16xi32>
          %gather3A_166 = tpu.vector_load_idx %arg9[%add3A_79, %broadcast_in_dim3A_165] : memref<80x128xf32, #tpu.memory_space<vmem>>[vector<16xi32>, vector<16xi32>], vector<16xf32>,
          %gather3A_167 = tpu.vector_load_idx %arg10[%add3A_79, %broadcast_in_dim3A_165] : memref<80x128xf32, #tpu.memory_space<vmem>>[vector<16xi32>, vector<16xi32>], vector<16xf32>,
          %mul3A_168 = arith.mulf %gather3A_166, %gather3A_167 : vector<16xf32>
          %add3A_169 = arith.addf %add3A_163, %mul3A_168 : vector<16xf32>
          %broadcast_in_dim3A_170 = arith.constant 15 : i32
          %broadcast_in_dim3A_171 = vector.broadcast %broadcast_in_dim3A_170 : i32 to vector<16xi32>
          %gather3A_172 = tpu.vector_load_idx %arg9[%add3A_79, %broadcast_in_dim3A_171] : memref<80x128xf32, #tpu.memory_space<vmem>>[vector<16xi32>, vector<16xi32>], vector<16xf32>,
          %gather3A_173 = tpu.vector_load_idx %arg10[%add3A_79, %broadcast_in_dim3A_171] : memref<80x128xf32, #tpu.memory_space<vmem>>[vector<16xi32>, vector<16xi32>], vector<16xf32>,
          %mul3A_174 = arith.mulf %gather3A_172, %gather3A_173 : vector<16xf32>
          %add3A_175 = arith.addf %add3A_169, %mul3A_174 : vector<16xf32>
          %broadcast_in_dim3A_176 = arith.constant 16 : i32
          %broadcast_in_dim3A_177 = vector.broadcast %broadcast_in_dim3A_176 : i32 to vector<16xi32>
          %gather3A_178 = tpu.vector_load_idx %arg9[%add3A_79, %broadcast_in_dim3A_177] : memref<80x128xf32, #tpu.memory_space<vmem>>[vector<16xi32>, vector<16xi32>], vector<16xf32>,
          %gather3A_179 = tpu.vector_load_idx %arg10[%add3A_79, %broadcast_in_dim3A_177] : memref<80x128xf32, #tpu.memory_space<vmem>>[vector<16xi32>, vector<16xi32>], vector<16xf32>,
          %mul3A_180 = arith.mulf %gather3A_178, %gather3A_179 : vector<16xf32>
          %add3A_181 = arith.addf %add3A_175, %mul3A_180 : vector<16xf32>
          %broadcast_in_dim3A_182 = arith.constant 17 : i32
          %broadcast_in_dim3A_183 = vector.broadcast %broadcast_in_dim3A_182 : i32 to vector<16xi32>
          %gather3A_184 = tpu.vector_load_idx %arg9[%add3A_79, %broadcast_in_dim3A_183] : memref<80x128xf32, #tpu.memory_space<vmem>>[vector<16xi32>, vector<16xi32>], vector<16xf32>,
          %gather3A_185 = tpu.vector_load_idx %arg10[%add3A_79, %broadcast_in_dim3A_183] : memref<80x128xf32, #tpu.memory_space<vmem>>[vector<16xi32>, vector<16xi32>], vector<16xf32>,
          %mul3A_186 = arith.mulf %gather3A_184, %gather3A_185 : vector<16xf32>
          %add3A_187 = arith.addf %add3A_181, %mul3A_186 : vector<16xf32>
          %broadcast_in_dim3A_188 = arith.constant 18 : i32
          %broadcast_in_dim3A_189 = vector.broadcast %broadcast_in_dim3A_188 : i32 to vector<16xi32>
          %gather3A_190 = tpu.vector_load_idx %arg9[%add3A_79, %broadcast_in_dim3A_189] : memref<80x128xf32, #tpu.memory_space<vmem>>[vector<16xi32>, vector<16xi32>], vector<16xf32>,
          %gather3A_191 = tpu.vector_load_idx %arg10[%add3A_79, %broadcast_in_dim3A_189] : memref<80x128xf32, #tpu.memory_space<vmem>>[vector<16xi32>, vector<16xi32>], vector<16xf32>,
          %mul3A_192 = arith.mulf %gather3A_190, %gather3A_191 : vector<16xf32>
          %add3A_193 = arith.addf %add3A_187, %mul3A_192 : vector<16xf32>
          %broadcast_in_dim3A_194 = arith.constant 19 : i32
          %broadcast_in_dim3A_195 = vector.broadcast %broadcast_in_dim3A_194 : i32 to vector<16xi32>
          %gather3A_196 = tpu.vector_load_idx %arg9[%add3A_79, %broadcast_in_dim3A_195] : memref<80x128xf32, #tpu.memory_space<vmem>>[vector<16xi32>, vector<16xi32>], vector<16xf32>,
          %gather3A_197 = tpu.vector_load_idx %arg10[%add3A_79, %broadcast_in_dim3A_195] : memref<80x128xf32, #tpu.memory_space<vmem>>[vector<16xi32>, vector<16xi32>], vector<16xf32>,
          %mul3A_198 = arith.mulf %gather3A_196, %gather3A_197 : vector<16xf32>
          %add3A_199 = arith.addf %add3A_193, %mul3A_198 : vector<16xf32>
          %broadcast_in_dim3A_200 = arith.constant 20 : i32
          %broadcast_in_dim3A_201 = vector.broadcast %broadcast_in_dim3A_200 : i32 to vector<16xi32>
          %gather3A_202 = tpu.vector_load_idx %arg9[%add3A_79, %broadcast_in_dim3A_201] : memref<80x128xf32, #tpu.memory_space<vmem>>[vector<16xi32>, vector<16xi32>], vector<16xf32>,
          %gather3A_203 = tpu.vector_load_idx %arg10[%add3A_79, %broadcast_in_dim3A_201] : memref<80x128xf32, #tpu.memory_space<vmem>>[vector<16xi32>, vector<16xi32>], vector<16xf32>,
          %mul3A_204 = arith.mulf %gather3A_202, %gather3A_203 : vector<16xf32>
          %add3A_205 = arith.addf %add3A_199, %mul3A_204 : vector<16xf32>
          %broadcast_in_dim3A_206 = arith.constant 21 : i32
          %broadcast_in_dim3A_207 = vector.broadcast %broadcast_in_dim3A_206 : i32 to vector<16xi32>
          %gather3A_208 = tpu.vector_load_idx %arg9[%add3A_79, %broadcast_in_dim3A_207] : memref<80x128xf32, #tpu.memory_space<vmem>>[vector<16xi32>, vector<16xi32>], vector<16xf32>,
          %gather3A_209 = tpu.vector_load_idx %arg10[%add3A_79, %broadcast_in_dim3A_207] : memref<80x128xf32, #tpu.memory_space<vmem>>[vector<16xi32>, vector<16xi32>], vector<16xf32>,
          %mul3A_210 = arith.mulf %gather3A_208, %gather3A_209 : vector<16xf32>
          %add3A_211 = arith.addf %add3A_205, %mul3A_210 : vector<16xf32>
          %broadcast_in_dim3A_212 = arith.constant 22 : i32
          %broadcast_in_dim3A_213 = vector.broadcast %broadcast_in_dim3A_212 : i32 to vector<16xi32>
          %gather3A_214 = tpu.vector_load_idx %arg9[%add3A_79, %broadcast_in_dim3A_213] : memref<80x128xf32, #tpu.memory_space<vmem>>[vector<16xi32>, vector<16xi32>], vector<16xf32>,
          %gather3A_215 = tpu.vector_load_idx %arg10[%add3A_79, %broadcast_in_dim3A_213] : memref<80x128xf32, #tpu.memory_space<vmem>>[vector<16xi32>, vector<16xi32>], vector<16xf32>,
          %mul3A_216 = arith.mulf %gather3A_214, %gather3A_215 : vector<16xf32>
          %add3A_217 = arith.addf %add3A_211, %mul3A_216 : vector<16xf32>
          %broadcast_in_dim3A_218 = arith.constant 23 : i32
          %broadcast_in_dim3A_219 = vector.broadcast %broadcast_in_dim3A_218 : i32 to vector<16xi32>
          %gather3A_220 = tpu.vector_load_idx %arg9[%add3A_79, %broadcast_in_dim3A_219] : memref<80x128xf32, #tpu.memory_space<vmem>>[vector<16xi32>, vector<16xi32>], vector<16xf32>,
          %gather3A_221 = tpu.vector_load_idx %arg10[%add3A_79, %broadcast_in_dim3A_219] : memref<80x128xf32, #tpu.memory_space<vmem>>[vector<16xi32>, vector<16xi32>], vector<16xf32>,
          %mul3A_222 = arith.mulf %gather3A_220, %gather3A_221 : vector<16xf32>
          %add3A_223 = arith.addf %add3A_217, %mul3A_222 : vector<16xf32>
          %broadcast_in_dim3A_224 = arith.constant 24 : i32
          %broadcast_in_dim3A_225 = vector.broadcast %broadcast_in_dim3A_224 : i32 to vector<16xi32>
          %gather3A_226 = tpu.vector_load_idx %arg9[%add3A_79, %broadcast_in_dim3A_225] : memref<80x128xf32, #tpu.memory_space<vmem>>[vector<16xi32>, vector<16xi32>], vector<16xf32>,
          %gather3A_227 = tpu.vector_load_idx %arg10[%add3A_79, %broadcast_in_dim3A_225] : memref<80x128xf32, #tpu.memory_space<vmem>>[vector<16xi32>, vector<16xi32>], vector<16xf32>,
          %mul3A_228 = arith.mulf %gather3A_226, %gather3A_227 : vector<16xf32>
          %add3A_229 = arith.addf %add3A_223, %mul3A_228 : vector<16xf32>
          %broadcast_in_dim3A_230 = arith.constant 25 : i32
          %broadcast_in_dim3A_231 = vector.broadcast %broadcast_in_dim3A_230 : i32 to vector<16xi32>
          %gather3A_232 = tpu.vector_load_idx %arg9[%add3A_79, %broadcast_in_dim3A_231] : memref<80x128xf32, #tpu.memory_space<vmem>>[vector<16xi32>, vector<16xi32>], vector<16xf32>,
          %gather3A_233 = tpu.vector_load_idx %arg10[%add3A_79, %broadcast_in_dim3A_231] : memref<80x128xf32, #tpu.memory_space<vmem>>[vector<16xi32>, vector<16xi32>], vector<16xf32>,
          %mul3A_234 = arith.mulf %gather3A_232, %gather3A_233 : vector<16xf32>
          %add3A_235 = arith.addf %add3A_229, %mul3A_234 : vector<16xf32>
          %broadcast_in_dim3A_236 = arith.constant 26 : i32
          %broadcast_in_dim3A_237 = vector.broadcast %broadcast_in_dim3A_236 : i32 to vector<16xi32>
          %gather3A_238 = tpu.vector_load_idx %arg9[%add3A_79, %broadcast_in_dim3A_237] : memref<80x128xf32, #tpu.memory_space<vmem>>[vector<16xi32>, vector<16xi32>], vector<16xf32>,
          %gather3A_239 = tpu.vector_load_idx %arg10[%add3A_79, %broadcast_in_dim3A_237] : memref<80x128xf32, #tpu.memory_space<vmem>>[vector<16xi32>, vector<16xi32>], vector<16xf32>,
          %mul3A_240 = arith.mulf %gather3A_238, %gather3A_239 : vector<16xf32>
          %add3A_241 = arith.addf %add3A_235, %mul3A_240 : vector<16xf32>
          %broadcast_in_dim3A_242 = arith.constant 27 : i32
          %broadcast_in_dim3A_243 = vector.broadcast %broadcast_in_dim3A_242 : i32 to vector<16xi32>
          %gather3A_244 = tpu.vector_load_idx %arg9[%add3A_79, %broadcast_in_dim3A_243] : memref<80x128xf32, #tpu.memory_space<vmem>>[vector<16xi32>, vector<16xi32>], vector<16xf32>,
          %gather3A_245 = tpu.vector_load_idx %arg10[%add3A_79, %broadcast_in_dim3A_243] : memref<80x128xf32, #tpu.memory_space<vmem>>[vector<16xi32>, vector<16xi32>], vector<16xf32>,
          %mul3A_246 = arith.mulf %gather3A_244, %gather3A_245 : vector<16xf32>
          %add3A_247 = arith.addf %add3A_241, %mul3A_246 : vector<16xf32>
          %broadcast_in_dim3A_248 = arith.constant 28 : i32
          %broadcast_in_dim3A_249 = vector.broadcast %broadcast_in_dim3A_248 : i32 to vector<16xi32>
          %gather3A_250 = tpu.vector_load_idx %arg9[%add3A_79, %broadcast_in_dim3A_249] : memref<80x128xf32, #tpu.memory_space<vmem>>[vector<16xi32>, vector<16xi32>], vector<16xf32>,
          %gather3A_251 = tpu.vector_load_idx %arg10[%add3A_79, %broadcast_in_dim3A_249] : memref<80x128xf32, #tpu.memory_space<vmem>>[vector<16xi32>, vector<16xi32>], vector<16xf32>,
          %mul3A_252 = arith.mulf %gather3A_250, %gather3A_251 : vector<16xf32>
          %add3A_253 = arith.addf %add3A_247, %mul3A_252 : vector<16xf32>
          %broadcast_in_dim3A_254 = arith.constant 29 : i32
          %broadcast_in_dim3A_255 = vector.broadcast %broadcast_in_dim3A_254 : i32 to vector<16xi32>
          %gather3A_256 = tpu.vector_load_idx %arg9[%add3A_79, %broadcast_in_dim3A_255] : memref<80x128xf32, #tpu.memory_space<vmem>>[vector<16xi32>, vector<16xi32>], vector<16xf32>,
          %gather3A_257 = tpu.vector_load_idx %arg10[%add3A_79, %broadcast_in_dim3A_255] : memref<80x128xf32, #tpu.memory_space<vmem>>[vector<16xi32>, vector<16xi32>], vector<16xf32>,
          %mul3A_258 = arith.mulf %gather3A_256, %gather3A_257 : vector<16xf32>
          %add3A_259 = arith.addf %add3A_253, %mul3A_258 : vector<16xf32>
          %broadcast_in_dim3A_260 = arith.constant 30 : i32
          %broadcast_in_dim3A_261 = vector.broadcast %broadcast_in_dim3A_260 : i32 to vector<16xi32>
          %gather3A_262 = tpu.vector_load_idx %arg9[%add3A_79, %broadcast_in_dim3A_261] : memref<80x128xf32, #tpu.memory_space<vmem>>[vector<16xi32>, vector<16xi32>], vector<16xf32>,
          %gather3A_263 = tpu.vector_load_idx %arg10[%add3A_79, %broadcast_in_dim3A_261] : memref<80x128xf32, #tpu.memory_space<vmem>>[vector<16xi32>, vector<16xi32>], vector<16xf32>,
          %mul3A_264 = arith.mulf %gather3A_262, %gather3A_263 : vector<16xf32>
          %add3A_265 = arith.addf %add3A_259, %mul3A_264 : vector<16xf32>
          %broadcast_in_dim3A_266 = arith.constant 31 : i32
          %broadcast_in_dim3A_267 = vector.broadcast %broadcast_in_dim3A_266 : i32 to vector<16xi32>
          %gather3A_268 = tpu.vector_load_idx %arg9[%add3A_79, %broadcast_in_dim3A_267] : memref<80x128xf32, #tpu.memory_space<vmem>>[vector<16xi32>, vector<16xi32>], vector<16xf32>,
          %gather3A_269 = tpu.vector_load_idx %arg10[%add3A_79, %broadcast_in_dim3A_267] : memref<80x128xf32, #tpu.memory_space<vmem>>[vector<16xi32>, vector<16xi32>], vector<16xf32>,
          %mul3A_270 = arith.mulf %gather3A_268, %gather3A_269 : vector<16xf32>
          %add3A_271 = arith.addf %add3A_265, %mul3A_270 : vector<16xf32>
          %broadcast_in_dim3A_272 = arith.constant 32 : i32
          %broadcast_in_dim3A_273 = vector.broadcast %broadcast_in_dim3A_272 : i32 to vector<16xi32>
          %gather3A_274 = tpu.vector_load_idx %arg9[%add3A_79, %broadcast_in_dim3A_273] : memref<80x128xf32, #tpu.memory_space<vmem>>[vector<16xi32>, vector<16xi32>], vector<16xf32>,
          %gather3A_275 = tpu.vector_load_idx %arg10[%add3A_79, %broadcast_in_dim3A_273] : memref<80x128xf32, #tpu.memory_space<vmem>>[vector<16xi32>, vector<16xi32>], vector<16xf32>,
          %mul3A_276 = arith.mulf %gather3A_274, %gather3A_275 : vector<16xf32>
          %add3A_277 = arith.addf %add3A_271, %mul3A_276 : vector<16xf32>
          %broadcast_in_dim3A_278 = arith.constant 33 : i32
          %broadcast_in_dim3A_279 = vector.broadcast %broadcast_in_dim3A_278 : i32 to vector<16xi32>
          %gather3A_280 = tpu.vector_load_idx %arg9[%add3A_79, %broadcast_in_dim3A_279] : memref<80x128xf32, #tpu.memory_space<vmem>>[vector<16xi32>, vector<16xi32>], vector<16xf32>,
          %gather3A_281 = tpu.vector_load_idx %arg10[%add3A_79, %broadcast_in_dim3A_279] : memref<80x128xf32, #tpu.memory_space<vmem>>[vector<16xi32>, vector<16xi32>], vector<16xf32>,
          %mul3A_282 = arith.mulf %gather3A_280, %gather3A_281 : vector<16xf32>
          %add3A_283 = arith.addf %add3A_277, %mul3A_282 : vector<16xf32>
          %broadcast_in_dim3A_284 = arith.constant 34 : i32
          %broadcast_in_dim3A_285 = vector.broadcast %broadcast_in_dim3A_284 : i32 to vector<16xi32>
          %gather3A_286 = tpu.vector_load_idx %arg9[%add3A_79, %broadcast_in_dim3A_285] : memref<80x128xf32, #tpu.memory_space<vmem>>[vector<16xi32>, vector<16xi32>], vector<16xf32>,
          %gather3A_287 = tpu.vector_load_idx %arg10[%add3A_79, %broadcast_in_dim3A_285] : memref<80x128xf32, #tpu.memory_space<vmem>>[vector<16xi32>, vector<16xi32>], vector<16xf32>,
          %mul3A_288 = arith.mulf %gather3A_286, %gather3A_287 : vector<16xf32>
          %add3A_289 = arith.addf %add3A_283, %mul3A_288 : vector<16xf32>
          %broadcast_in_dim3A_290 = arith.constant 35 : i32
          %broadcast_in_dim3A_291 = vector.broadcast %broadcast_in_dim3A_290 : i32 to vector<16xi32>
          %gather3A_292 = tpu.vector_load_idx %arg9[%add3A_79, %broadcast_in_dim3A_291] : memref<80x128xf32, #tpu.memory_space<vmem>>[vector<16xi32>, vector<16xi32>], vector<16xf32>,
          %gather3A_293 = tpu.vector_load_idx %arg10[%add3A_79, %broadcast_in_dim3A_291] : memref<80x128xf32, #tpu.memory_space<vmem>>[vector<16xi32>, vector<16xi32>], vector<16xf32>,
          %mul3A_294 = arith.mulf %gather3A_292, %gather3A_293 : vector<16xf32>
          %add3A_295 = arith.addf %add3A_289, %mul3A_294 : vector<16xf32>
          %broadcast_in_dim3A_296 = arith.constant 36 : i32
          %broadcast_in_dim3A_297 = vector.broadcast %broadcast_in_dim3A_296 : i32 to vector<16xi32>
          %gather3A_298 = tpu.vector_load_idx %arg9[%add3A_79, %broadcast_in_dim3A_297] : memref<80x128xf32, #tpu.memory_space<vmem>>[vector<16xi32>, vector<16xi32>], vector<16xf32>,
          %gather3A_299 = tpu.vector_load_idx %arg10[%add3A_79, %broadcast_in_dim3A_297] : memref<80x128xf32, #tpu.memory_space<vmem>>[vector<16xi32>, vector<16xi32>], vector<16xf32>,
          %mul3A_300 = arith.mulf %gather3A_298, %gather3A_299 : vector<16xf32>
          %add3A_301 = arith.addf %add3A_295, %mul3A_300 : vector<16xf32>
          %broadcast_in_dim3A_302 = arith.constant 37 : i32
          %broadcast_in_dim3A_303 = vector.broadcast %broadcast_in_dim3A_302 : i32 to vector<16xi32>
          %gather3A_304 = tpu.vector_load_idx %arg9[%add3A_79, %broadcast_in_dim3A_303] : memref<80x128xf32, #tpu.memory_space<vmem>>[vector<16xi32>, vector<16xi32>], vector<16xf32>,
          %gather3A_305 = tpu.vector_load_idx %arg10[%add3A_79, %broadcast_in_dim3A_303] : memref<80x128xf32, #tpu.memory_space<vmem>>[vector<16xi32>, vector<16xi32>], vector<16xf32>,
          %mul3A_306 = arith.mulf %gather3A_304, %gather3A_305 : vector<16xf32>
          %add3A_307 = arith.addf %add3A_301, %mul3A_306 : vector<16xf32>
          %broadcast_in_dim3A_308 = arith.constant 38 : i32
          %broadcast_in_dim3A_309 = vector.broadcast %broadcast_in_dim3A_308 : i32 to vector<16xi32>
          %gather3A_310 = tpu.vector_load_idx %arg9[%add3A_79, %broadcast_in_dim3A_309] : memref<80x128xf32, #tpu.memory_space<vmem>>[vector<16xi32>, vector<16xi32>], vector<16xf32>,
          %gather3A_311 = tpu.vector_load_idx %arg10[%add3A_79, %broadcast_in_dim3A_309] : memref<80x128xf32, #tpu.memory_space<vmem>>[vector<16xi32>, vector<16xi32>], vector<16xf32>,
          %mul3A_312 = arith.mulf %gather3A_310, %gather3A_311 : vector<16xf32>
          %add3A_313 = arith.addf %add3A_307, %mul3A_312 : vector<16xf32>
          %broadcast_in_dim3A_314 = arith.constant 39 : i32
          %broadcast_in_dim3A_315 = vector.broadcast %broadcast_in_dim3A_314 : i32 to vector<16xi32>
          %gather3A_316 = tpu.vector_load_idx %arg9[%add3A_79, %broadcast_in_dim3A_315] : memref<80x128xf32, #tpu.memory_space<vmem>>[vector<16xi32>, vector<16xi32>], vector<16xf32>,
          %gather3A_317 = tpu.vector_load_idx %arg10[%add3A_79, %broadcast_in_dim3A_315] : memref<80x128xf32, #tpu.memory_space<vmem>>[vector<16xi32>, vector<16xi32>], vector<16xf32>,
          %mul3A_318 = arith.mulf %gather3A_316, %gather3A_317 : vector<16xf32>
          %add3A_319 = arith.addf %add3A_313, %mul3A_318 : vector<16xf32>
          %broadcast_in_dim3A_320 = arith.constant 40 : i32
          %broadcast_in_dim3A_321 = vector.broadcast %broadcast_in_dim3A_320 : i32 to vector<16xi32>
          %gather3A_322 = tpu.vector_load_idx %arg9[%add3A_79, %broadcast_in_dim3A_321] : memref<80x128xf32, #tpu.memory_space<vmem>>[vector<16xi32>, vector<16xi32>], vector<16xf32>,
          %gather3A_323 = tpu.vector_load_idx %arg10[%add3A_79, %broadcast_in_dim3A_321] : memref<80x128xf32, #tpu.memory_space<vmem>>[vector<16xi32>, vector<16xi32>], vector<16xf32>,
          %mul3A_324 = arith.mulf %gather3A_322, %gather3A_323 : vector<16xf32>
          %add3A_325 = arith.addf %add3A_319, %mul3A_324 : vector<16xf32>
          %broadcast_in_dim3A_326 = arith.constant 41 : i32
          %broadcast_in_dim3A_327 = vector.broadcast %broadcast_in_dim3A_326 : i32 to vector<16xi32>
          %gather3A_328 = tpu.vector_load_idx %arg9[%add3A_79, %broadcast_in_dim3A_327] : memref<80x128xf32, #tpu.memory_space<vmem>>[vector<16xi32>, vector<16xi32>], vector<16xf32>,
          %gather3A_329 = tpu.vector_load_idx %arg10[%add3A_79, %broadcast_in_dim3A_327] : memref<80x128xf32, #tpu.memory_space<vmem>>[vector<16xi32>, vector<16xi32>], vector<16xf32>,
          %mul3A_330 = arith.mulf %gather3A_328, %gather3A_329 : vector<16xf32>
          %add3A_331 = arith.addf %add3A_325, %mul3A_330 : vector<16xf32>
          %broadcast_in_dim3A_332 = arith.constant 42 : i32
          %broadcast_in_dim3A_333 = vector.broadcast %broadcast_in_dim3A_332 : i32 to vector<16xi32>
          %gather3A_334 = tpu.vector_load_idx %arg9[%add3A_79, %broadcast_in_dim3A_333] : memref<80x128xf32, #tpu.memory_space<vmem>>[vector<16xi32>, vector<16xi32>], vector<16xf32>,
          %gather3A_335 = tpu.vector_load_idx %arg10[%add3A_79, %broadcast_in_dim3A_333] : memref<80x128xf32, #tpu.memory_space<vmem>>[vector<16xi32>, vector<16xi32>], vector<16xf32>,
          %mul3A_336 = arith.mulf %gather3A_334, %gather3A_335 : vector<16xf32>
          %add3A_337 = arith.addf %add3A_331, %mul3A_336 : vector<16xf32>
          %broadcast_in_dim3A_338 = arith.constant 43 : i32
          %broadcast_in_dim3A_339 = vector.broadcast %broadcast_in_dim3A_338 : i32 to vector<16xi32>
          %gather3A_340 = tpu.vector_load_idx %arg9[%add3A_79, %broadcast_in_dim3A_339] : memref<80x128xf32, #tpu.memory_space<vmem>>[vector<16xi32>, vector<16xi32>], vector<16xf32>,
          %gather3A_341 = tpu.vector_load_idx %arg10[%add3A_79, %broadcast_in_dim3A_339] : memref<80x128xf32, #tpu.memory_space<vmem>>[vector<16xi32>, vector<16xi32>], vector<16xf32>,
          %mul3A_342 = arith.mulf %gather3A_340, %gather3A_341 : vector<16xf32>
          %add3A_343 = arith.addf %add3A_337, %mul3A_342 : vector<16xf32>
          %broadcast_in_dim3A_344 = arith.constant 44 : i32
          %broadcast_in_dim3A_345 = vector.broadcast %broadcast_in_dim3A_344 : i32 to vector<16xi32>
          %gather3A_346 = tpu.vector_load_idx %arg9[%add3A_79, %broadcast_in_dim3A_345] : memref<80x128xf32, #tpu.memory_space<vmem>>[vector<16xi32>, vector<16xi32>], vector<16xf32>,
          %gather3A_347 = tpu.vector_load_idx %arg10[%add3A_79, %broadcast_in_dim3A_345] : memref<80x128xf32, #tpu.memory_space<vmem>>[vector<16xi32>, vector<16xi32>], vector<16xf32>,
          %mul3A_348 = arith.mulf %gather3A_346, %gather3A_347 : vector<16xf32>
          %add3A_349 = arith.addf %add3A_343, %mul3A_348 : vector<16xf32>
          %broadcast_in_dim3A_350 = arith.constant 45 : i32
          %broadcast_in_dim3A_351 = vector.broadcast %broadcast_in_dim3A_350 : i32 to vector<16xi32>
          %gather3A_352 = tpu.vector_load_idx %arg9[%add3A_79, %broadcast_in_dim3A_351] : memref<80x128xf32, #tpu.memory_space<vmem>>[vector<16xi32>, vector<16xi32>], vector<16xf32>,
          %gather3A_353 = tpu.vector_load_idx %arg10[%add3A_79, %broadcast_in_dim3A_351] : memref<80x128xf32, #tpu.memory_space<vmem>>[vector<16xi32>, vector<16xi32>], vector<16xf32>,
          %mul3A_354 = arith.mulf %gather3A_352, %gather3A_353 : vector<16xf32>
          %add3A_355 = arith.addf %add3A_349, %mul3A_354 : vector<16xf32>
          %broadcast_in_dim3A_356 = arith.constant 46 : i32
          %broadcast_in_dim3A_357 = vector.broadcast %broadcast_in_dim3A_356 : i32 to vector<16xi32>
          %gather3A_358 = tpu.vector_load_idx %arg9[%add3A_79, %broadcast_in_dim3A_357] : memref<80x128xf32, #tpu.memory_space<vmem>>[vector<16xi32>, vector<16xi32>], vector<16xf32>,
          %gather3A_359 = tpu.vector_load_idx %arg10[%add3A_79, %broadcast_in_dim3A_357] : memref<80x128xf32, #tpu.memory_space<vmem>>[vector<16xi32>, vector<16xi32>], vector<16xf32>,
          %mul3A_360 = arith.mulf %gather3A_358, %gather3A_359 : vector<16xf32>
          %add3A_361 = arith.addf %add3A_355, %mul3A_360 : vector<16xf32>
          %broadcast_in_dim3A_362 = arith.constant 47 : i32
          %broadcast_in_dim3A_363 = vector.broadcast %broadcast_in_dim3A_362 : i32 to vector<16xi32>
          %gather3A_364 = tpu.vector_load_idx %arg9[%add3A_79, %broadcast_in_dim3A_363] : memref<80x128xf32, #tpu.memory_space<vmem>>[vector<16xi32>, vector<16xi32>], vector<16xf32>,
          %gather3A_365 = tpu.vector_load_idx %arg10[%add3A_79, %broadcast_in_dim3A_363] : memref<80x128xf32, #tpu.memory_space<vmem>>[vector<16xi32>, vector<16xi32>], vector<16xf32>,
          %mul3A_366 = arith.mulf %gather3A_364, %gather3A_365 : vector<16xf32>
          %add3A_367 = arith.addf %add3A_361, %mul3A_366 : vector<16xf32>
          %broadcast_in_dim3A_368 = arith.constant 48 : i32
          %broadcast_in_dim3A_369 = vector.broadcast %broadcast_in_dim3A_368 : i32 to vector<16xi32>
          %gather3A_370 = tpu.vector_load_idx %arg9[%add3A_79, %broadcast_in_dim3A_369] : memref<80x128xf32, #tpu.memory_space<vmem>>[vector<16xi32>, vector<16xi32>], vector<16xf32>,
          %gather3A_371 = tpu.vector_load_idx %arg10[%add3A_79, %broadcast_in_dim3A_369] : memref<80x128xf32, #tpu.memory_space<vmem>>[vector<16xi32>, vector<16xi32>], vector<16xf32>,
          %mul3A_372 = arith.mulf %gather3A_370, %gather3A_371 : vector<16xf32>
          %add3A_373 = arith.addf %add3A_367, %mul3A_372 : vector<16xf32>
          %broadcast_in_dim3A_374 = arith.constant 49 : i32
          %broadcast_in_dim3A_375 = vector.broadcast %broadcast_in_dim3A_374 : i32 to vector<16xi32>
          %gather3A_376 = tpu.vector_load_idx %arg9[%add3A_79, %broadcast_in_dim3A_375] : memref<80x128xf32, #tpu.memory_space<vmem>>[vector<16xi32>, vector<16xi32>], vector<16xf32>,
          %gather3A_377 = tpu.vector_load_idx %arg10[%add3A_79, %broadcast_in_dim3A_375] : memref<80x128xf32, #tpu.memory_space<vmem>>[vector<16xi32>, vector<16xi32>], vector<16xf32>,
          %mul3A_378 = arith.mulf %gather3A_376, %gather3A_377 : vector<16xf32>
          %add3A_379 = arith.addf %add3A_373, %mul3A_378 : vector<16xf32>
          %broadcast_in_dim3A_380 = arith.constant 50 : i32
          %broadcast_in_dim3A_381 = vector.broadcast %broadcast_in_dim3A_380 : i32 to vector<16xi32>
          %gather3A_382 = tpu.vector_load_idx %arg9[%add3A_79, %broadcast_in_dim3A_381] : memref<80x128xf32, #tpu.memory_space<vmem>>[vector<16xi32>, vector<16xi32>], vector<16xf32>,
          %gather3A_383 = tpu.vector_load_idx %arg10[%add3A_79, %broadcast_in_dim3A_381] : memref<80x128xf32, #tpu.memory_space<vmem>>[vector<16xi32>, vector<16xi32>], vector<16xf32>,
          %mul3A_384 = arith.mulf %gather3A_382, %gather3A_383 : vector<16xf32>
          %add3A_385 = arith.addf %add3A_379, %mul3A_384 : vector<16xf32>
          %broadcast_in_dim3A_386 = arith.constant 51 : i32
          %broadcast_in_dim3A_387 = vector.broadcast %broadcast_in_dim3A_386 : i32 to vector<16xi32>
          %gather3A_388 = tpu.vector_load_idx %arg9[%add3A_79, %broadcast_in_dim3A_387] : memref<80x128xf32, #tpu.memory_space<vmem>>[vector<16xi32>, vector<16xi32>], vector<16xf32>,
          %gather3A_389 = tpu.vector_load_idx %arg10[%add3A_79, %broadcast_in_dim3A_387] : memref<80x128xf32, #tpu.memory_space<vmem>>[vector<16xi32>, vector<16xi32>], vector<16xf32>,
          %mul3A_390 = arith.mulf %gather3A_388, %gather3A_389 : vector<16xf32>
          %add3A_391 = arith.addf %add3A_385, %mul3A_390 : vector<16xf32>
          %broadcast_in_dim3A_392 = arith.constant 52 : i32
          %broadcast_in_dim3A_393 = vector.broadcast %broadcast_in_dim3A_392 : i32 to vector<16xi32>
          %gather3A_394 = tpu.vector_load_idx %arg9[%add3A_79, %broadcast_in_dim3A_393] : memref<80x128xf32, #tpu.memory_space<vmem>>[vector<16xi32>, vector<16xi32>], vector<16xf32>,
          %gather3A_395 = tpu.vector_load_idx %arg10[%add3A_79, %broadcast_in_dim3A_393] : memref<80x128xf32, #tpu.memory_space<vmem>>[vector<16xi32>, vector<16xi32>], vector<16xf32>,
          %mul3A_396 = arith.mulf %gather3A_394, %gather3A_395 : vector<16xf32>
          %add3A_397 = arith.addf %add3A_391, %mul3A_396 : vector<16xf32>
          %broadcast_in_dim3A_398 = arith.constant 53 : i32
          %broadcast_in_dim3A_399 = vector.broadcast %broadcast_in_dim3A_398 : i32 to vector<16xi32>
          %gather3A_400 = tpu.vector_load_idx %arg9[%add3A_79, %broadcast_in_dim3A_399] : memref<80x128xf32, #tpu.memory_space<vmem>>[vector<16xi32>, vector<16xi32>], vector<16xf32>,
          %gather3A_401 = tpu.vector_load_idx %arg10[%add3A_79, %broadcast_in_dim3A_399] : memref<80x128xf32, #tpu.memory_space<vmem>>[vector<16xi32>, vector<16xi32>], vector<16xf32>,
          %mul3A_402 = arith.mulf %gather3A_400, %gather3A_401 : vector<16xf32>
          %add3A_403 = arith.addf %add3A_397, %mul3A_402 : vector<16xf32>
          %broadcast_in_dim3A_404 = arith.constant 54 : i32
          %broadcast_in_dim3A_405 = vector.broadcast %broadcast_in_dim3A_404 : i32 to vector<16xi32>
          %gather3A_406 = tpu.vector_load_idx %arg9[%add3A_79, %broadcast_in_dim3A_405] : memref<80x128xf32, #tpu.memory_space<vmem>>[vector<16xi32>, vector<16xi32>], vector<16xf32>,
          %gather3A_407 = tpu.vector_load_idx %arg10[%add3A_79, %broadcast_in_dim3A_405] : memref<80x128xf32, #tpu.memory_space<vmem>>[vector<16xi32>, vector<16xi32>], vector<16xf32>,
          %mul3A_408 = arith.mulf %gather3A_406, %gather3A_407 : vector<16xf32>
          %add3A_409 = arith.addf %add3A_403, %mul3A_408 : vector<16xf32>
          %broadcast_in_dim3A_410 = arith.constant 55 : i32
          %broadcast_in_dim3A_411 = vector.broadcast %broadcast_in_dim3A_410 : i32 to vector<16xi32>
          %gather3A_412 = tpu.vector_load_idx %arg9[%add3A_79, %broadcast_in_dim3A_411] : memref<80x128xf32, #tpu.memory_space<vmem>>[vector<16xi32>, vector<16xi32>], vector<16xf32>,
          %gather3A_413 = tpu.vector_load_idx %arg10[%add3A_79, %broadcast_in_dim3A_411] : memref<80x128xf32, #tpu.memory_space<vmem>>[vector<16xi32>, vector<16xi32>], vector<16xf32>,
          %mul3A_414 = arith.mulf %gather3A_412, %gather3A_413 : vector<16xf32>
          %add3A_415 = arith.addf %add3A_409, %mul3A_414 : vector<16xf32>
          %broadcast_in_dim3A_416 = arith.constant 56 : i32
          %broadcast_in_dim3A_417 = vector.broadcast %broadcast_in_dim3A_416 : i32 to vector<16xi32>
          %gather3A_418 = tpu.vector_load_idx %arg9[%add3A_79, %broadcast_in_dim3A_417] : memref<80x128xf32, #tpu.memory_space<vmem>>[vector<16xi32>, vector<16xi32>], vector<16xf32>,
          %gather3A_419 = tpu.vector_load_idx %arg10[%add3A_79, %broadcast_in_dim3A_417] : memref<80x128xf32, #tpu.memory_space<vmem>>[vector<16xi32>, vector<16xi32>], vector<16xf32>,
          %mul3A_420 = arith.mulf %gather3A_418, %gather3A_419 : vector<16xf32>
          %add3A_421 = arith.addf %add3A_415, %mul3A_420 : vector<16xf32>
          %broadcast_in_dim3A_422 = arith.constant 57 : i32
          %broadcast_in_dim3A_423 = vector.broadcast %broadcast_in_dim3A_422 : i32 to vector<16xi32>
          %gather3A_424 = tpu.vector_load_idx %arg9[%add3A_79, %broadcast_in_dim3A_423] : memref<80x128xf32, #tpu.memory_space<vmem>>[vector<16xi32>, vector<16xi32>], vector<16xf32>,
          %gather3A_425 = tpu.vector_load_idx %arg10[%add3A_79, %broadcast_in_dim3A_423] : memref<80x128xf32, #tpu.memory_space<vmem>>[vector<16xi32>, vector<16xi32>], vector<16xf32>,
          %mul3A_426 = arith.mulf %gather3A_424, %gather3A_425 : vector<16xf32>
          %add3A_427 = arith.addf %add3A_421, %mul3A_426 : vector<16xf32>
          %broadcast_in_dim3A_428 = arith.constant 58 : i32
          %broadcast_in_dim3A_429 = vector.broadcast %broadcast_in_dim3A_428 : i32 to vector<16xi32>
          %gather3A_430 = tpu.vector_load_idx %arg9[%add3A_79, %broadcast_in_dim3A_429] : memref<80x128xf32, #tpu.memory_space<vmem>>[vector<16xi32>, vector<16xi32>], vector<16xf32>,
          %gather3A_431 = tpu.vector_load_idx %arg10[%add3A_79, %broadcast_in_dim3A_429] : memref<80x128xf32, #tpu.memory_space<vmem>>[vector<16xi32>, vector<16xi32>], vector<16xf32>,
          %mul3A_432 = arith.mulf %gather3A_430, %gather3A_431 : vector<16xf32>
          %add3A_433 = arith.addf %add3A_427, %mul3A_432 : vector<16xf32>
          %broadcast_in_dim3A_434 = arith.constant 59 : i32
          %broadcast_in_dim3A_435 = vector.broadcast %broadcast_in_dim3A_434 : i32 to vector<16xi32>
          %gather3A_436 = tpu.vector_load_idx %arg9[%add3A_79, %broadcast_in_dim3A_435] : memref<80x128xf32, #tpu.memory_space<vmem>>[vector<16xi32>, vector<16xi32>], vector<16xf32>,
          %gather3A_437 = tpu.vector_load_idx %arg10[%add3A_79, %broadcast_in_dim3A_435] : memref<80x128xf32, #tpu.memory_space<vmem>>[vector<16xi32>, vector<16xi32>], vector<16xf32>,
          %mul3A_438 = arith.mulf %gather3A_436, %gather3A_437 : vector<16xf32>
          %add3A_439 = arith.addf %add3A_433, %mul3A_438 : vector<16xf32>
          %broadcast_in_dim3A_440 = arith.constant 60 : i32
          %broadcast_in_dim3A_441 = vector.broadcast %broadcast_in_dim3A_440 : i32 to vector<16xi32>
          %gather3A_442 = tpu.vector_load_idx %arg9[%add3A_79, %broadcast_in_dim3A_441] : memref<80x128xf32, #tpu.memory_space<vmem>>[vector<16xi32>, vector<16xi32>], vector<16xf32>,
          %gather3A_443 = tpu.vector_load_idx %arg10[%add3A_79, %broadcast_in_dim3A_441] : memref<80x128xf32, #tpu.memory_space<vmem>>[vector<16xi32>, vector<16xi32>], vector<16xf32>,
          %mul3A_444 = arith.mulf %gather3A_442, %gather3A_443 : vector<16xf32>
          %add3A_445 = arith.addf %add3A_439, %mul3A_444 : vector<16xf32>
          %broadcast_in_dim3A_446 = arith.constant 61 : i32
          %broadcast_in_dim3A_447 = vector.broadcast %broadcast_in_dim3A_446 : i32 to vector<16xi32>
          %gather3A_448 = tpu.vector_load_idx %arg9[%add3A_79, %broadcast_in_dim3A_447] : memref<80x128xf32, #tpu.memory_space<vmem>>[vector<16xi32>, vector<16xi32>], vector<16xf32>,
          %gather3A_449 = tpu.vector_load_idx %arg10[%add3A_79, %broadcast_in_dim3A_447] : memref<80x128xf32, #tpu.memory_space<vmem>>[vector<16xi32>, vector<16xi32>], vector<16xf32>,
          %mul3A_450 = arith.mulf %gather3A_448, %gather3A_449 : vector<16xf32>
          %add3A_451 = arith.addf %add3A_445, %mul3A_450 : vector<16xf32>
          %broadcast_in_dim3A_452 = arith.constant 62 : i32
          %broadcast_in_dim3A_453 = vector.broadcast %broadcast_in_dim3A_452 : i32 to vector<16xi32>
          %gather3A_454 = tpu.vector_load_idx %arg9[%add3A_79, %broadcast_in_dim3A_453] : memref<80x128xf32, #tpu.memory_space<vmem>>[vector<16xi32>, vector<16xi32>], vector<16xf32>,
          %gather3A_455 = tpu.vector_load_idx %arg10[%add3A_79, %broadcast_in_dim3A_453] : memref<80x128xf32, #tpu.memory_space<vmem>>[vector<16xi32>, vector<16xi32>], vector<16xf32>,
          %mul3A_456 = arith.mulf %gather3A_454, %gather3A_455 : vector<16xf32>
          %add3A_457 = arith.addf %add3A_451, %mul3A_456 : vector<16xf32>
          %broadcast_in_dim3A_458 = arith.constant 63 : i32
          %broadcast_in_dim3A_459 = vector.broadcast %broadcast_in_dim3A_458 : i32 to vector<16xi32>
          %gather3A_460 = tpu.vector_load_idx %arg9[%add3A_79, %broadcast_in_dim3A_459] : memref<80x128xf32, #tpu.memory_space<vmem>>[vector<16xi32>, vector<16xi32>], vector<16xf32>,
          %gather3A_461 = tpu.vector_load_idx %arg10[%add3A_79, %broadcast_in_dim3A_459] : memref<80x128xf32, #tpu.memory_space<vmem>>[vector<16xi32>, vector<16xi32>], vector<16xf32>,
          %mul3A_462 = arith.mulf %gather3A_460, %gather3A_461 : vector<16xf32>
          %add3A_463 = arith.addf %add3A_457, %mul3A_462 : vector<16xf32>
          %broadcast_in_dim3A_464 = arith.constant 64 : i32
          %broadcast_in_dim3A_465 = vector.broadcast %broadcast_in_dim3A_464 : i32 to vector<16xi32>
          %gather3A_466 = tpu.vector_load_idx %arg9[%add3A_79, %broadcast_in_dim3A_465] : memref<80x128xf32, #tpu.memory_space<vmem>>[vector<16xi32>, vector<16xi32>], vector<16xf32>,
          %gather3A_467 = tpu.vector_load_idx %arg10[%add3A_79, %broadcast_in_dim3A_465] : memref<80x128xf32, #tpu.memory_space<vmem>>[vector<16xi32>, vector<16xi32>], vector<16xf32>,
          %mul3A_468 = arith.mulf %gather3A_466, %gather3A_467 : vector<16xf32>
          %add3A_469 = arith.addf %add3A_463, %mul3A_468 : vector<16xf32>
          %broadcast_in_dim3A_470 = arith.constant 65 : i32
          %broadcast_in_dim3A_471 = vector.broadcast %broadcast_in_dim3A_470 : i32 to vector<16xi32>
          %gather3A_472 = tpu.vector_load_idx %arg9[%add3A_79, %broadcast_in_dim3A_471] : memref<80x128xf32, #tpu.memory_space<vmem>>[vector<16xi32>, vector<16xi32>], vector<16xf32>,
          %gather3A_473 = tpu.vector_load_idx %arg10[%add3A_79, %broadcast_in_dim3A_471] : memref<80x128xf32, #tpu.memory_space<vmem>>[vector<16xi32>, vector<16xi32>], vector<16xf32>,
          %mul3A_474 = arith.mulf %gather3A_472, %gather3A_473 : vector<16xf32>
          %add3A_475 = arith.addf %add3A_469, %mul3A_474 : vector<16xf32>
          %broadcast_in_dim3A_476 = arith.constant 66 : i32
          %broadcast_in_dim3A_477 = vector.broadcast %broadcast_in_dim3A_476 : i32 to vector<16xi32>
          %gather3A_478 = tpu.vector_load_idx %arg9[%add3A_79, %broadcast_in_dim3A_477] : memref<80x128xf32, #tpu.memory_space<vmem>>[vector<16xi32>, vector<16xi32>], vector<16xf32>,
          %gather3A_479 = tpu.vector_load_idx %arg10[%add3A_79, %broadcast_in_dim3A_477] : memref<80x128xf32, #tpu.memory_space<vmem>>[vector<16xi32>, vector<16xi32>], vector<16xf32>,
          %mul3A_480 = arith.mulf %gather3A_478, %gather3A_479 : vector<16xf32>
          %add3A_481 = arith.addf %add3A_475, %mul3A_480 : vector<16xf32>
          %broadcast_in_dim3A_482 = arith.constant 67 : i32
          %broadcast_in_dim3A_483 = vector.broadcast %broadcast_in_dim3A_482 : i32 to vector<16xi32>
          %gather3A_484 = tpu.vector_load_idx %arg9[%add3A_79, %broadcast_in_dim3A_483] : memref<80x128xf32, #tpu.memory_space<vmem>>[vector<16xi32>, vector<16xi32>], vector<16xf32>,
          %gather3A_485 = tpu.vector_load_idx %arg10[%add3A_79, %broadcast_in_dim3A_483] : memref<80x128xf32, #tpu.memory_space<vmem>>[vector<16xi32>, vector<16xi32>], vector<16xf32>,
          %mul3A_486 = arith.mulf %gather3A_484, %gather3A_485 : vector<16xf32>
          %add3A_487 = arith.addf %add3A_481, %mul3A_486 : vector<16xf32>
          %broadcast_in_dim3A_488 = arith.constant 68 : i32
          %broadcast_in_dim3A_489 = vector.broadcast %broadcast_in_dim3A_488 : i32 to vector<16xi32>
          %gather3A_490 = tpu.vector_load_idx %arg9[%add3A_79, %broadcast_in_dim3A_489] : memref<80x128xf32, #tpu.memory_space<vmem>>[vector<16xi32>, vector<16xi32>], vector<16xf32>,
          %gather3A_491 = tpu.vector_load_idx %arg10[%add3A_79, %broadcast_in_dim3A_489] : memref<80x128xf32, #tpu.memory_space<vmem>>[vector<16xi32>, vector<16xi32>], vector<16xf32>,
          %mul3A_492 = arith.mulf %gather3A_490, %gather3A_491 : vector<16xf32>
          %add3A_493 = arith.addf %add3A_487, %mul3A_492 : vector<16xf32>
          %broadcast_in_dim3A_494 = arith.constant 69 : i32
          %broadcast_in_dim3A_495 = vector.broadcast %broadcast_in_dim3A_494 : i32 to vector<16xi32>
          %gather3A_496 = tpu.vector_load_idx %arg9[%add3A_79, %broadcast_in_dim3A_495] : memref<80x128xf32, #tpu.memory_space<vmem>>[vector<16xi32>, vector<16xi32>], vector<16xf32>,
          %gather3A_497 = tpu.vector_load_idx %arg10[%add3A_79, %broadcast_in_dim3A_495] : memref<80x128xf32, #tpu.memory_space<vmem>>[vector<16xi32>, vector<16xi32>], vector<16xf32>,
          %mul3A_498 = arith.mulf %gather3A_496, %gather3A_497 : vector<16xf32>
          %add3A_499 = arith.addf %add3A_493, %mul3A_498 : vector<16xf32>
          %broadcast_in_dim3A_500 = arith.constant 70 : i32
          %broadcast_in_dim3A_501 = vector.broadcast %broadcast_in_dim3A_500 : i32 to vector<16xi32>
          %gather3A_502 = tpu.vector_load_idx %arg9[%add3A_79, %broadcast_in_dim3A_501] : memref<80x128xf32, #tpu.memory_space<vmem>>[vector<16xi32>, vector<16xi32>], vector<16xf32>,
          %gather3A_503 = tpu.vector_load_idx %arg10[%add3A_79, %broadcast_in_dim3A_501] : memref<80x128xf32, #tpu.memory_space<vmem>>[vector<16xi32>, vector<16xi32>], vector<16xf32>,
          %mul3A_504 = arith.mulf %gather3A_502, %gather3A_503 : vector<16xf32>
          %add3A_505 = arith.addf %add3A_499, %mul3A_504 : vector<16xf32>
          %broadcast_in_dim3A_506 = arith.constant 71 : i32
          %broadcast_in_dim3A_507 = vector.broadcast %broadcast_in_dim3A_506 : i32 to vector<16xi32>
          %gather3A_508 = tpu.vector_load_idx %arg9[%add3A_79, %broadcast_in_dim3A_507] : memref<80x128xf32, #tpu.memory_space<vmem>>[vector<16xi32>, vector<16xi32>], vector<16xf32>,
          %gather3A_509 = tpu.vector_load_idx %arg10[%add3A_79, %broadcast_in_dim3A_507] : memref<80x128xf32, #tpu.memory_space<vmem>>[vector<16xi32>, vector<16xi32>], vector<16xf32>,
          %mul3A_510 = arith.mulf %gather3A_508, %gather3A_509 : vector<16xf32>
          %add3A_511 = arith.addf %add3A_505, %mul3A_510 : vector<16xf32>
          %broadcast_in_dim3A_512 = arith.constant 72 : i32
          %broadcast_in_dim3A_513 = vector.broadcast %broadcast_in_dim3A_512 : i32 to vector<16xi32>
          %gather3A_514 = tpu.vector_load_idx %arg9[%add3A_79, %broadcast_in_dim3A_513] : memref<80x128xf32, #tpu.memory_space<vmem>>[vector<16xi32>, vector<16xi32>], vector<16xf32>,
          %gather3A_515 = tpu.vector_load_idx %arg10[%add3A_79, %broadcast_in_dim3A_513] : memref<80x128xf32, #tpu.memory_space<vmem>>[vector<16xi32>, vector<16xi32>], vector<16xf32>,
          %mul3A_516 = arith.mulf %gather3A_514, %gather3A_515 : vector<16xf32>
          %add3A_517 = arith.addf %add3A_511, %mul3A_516 : vector<16xf32>
          %broadcast_in_dim3A_518 = arith.constant 73 : i32
          %broadcast_in_dim3A_519 = vector.broadcast %broadcast_in_dim3A_518 : i32 to vector<16xi32>
          %gather3A_520 = tpu.vector_load_idx %arg9[%add3A_79, %broadcast_in_dim3A_519] : memref<80x128xf32, #tpu.memory_space<vmem>>[vector<16xi32>, vector<16xi32>], vector<16xf32>,
          %gather3A_521 = tpu.vector_load_idx %arg10[%add3A_79, %broadcast_in_dim3A_519] : memref<80x128xf32, #tpu.memory_space<vmem>>[vector<16xi32>, vector<16xi32>], vector<16xf32>,
          %mul3A_522 = arith.mulf %gather3A_520, %gather3A_521 : vector<16xf32>
          %add3A_523 = arith.addf %add3A_517, %mul3A_522 : vector<16xf32>
          %broadcast_in_dim3A_524 = arith.constant 74 : i32
          %broadcast_in_dim3A_525 = vector.broadcast %broadcast_in_dim3A_524 : i32 to vector<16xi32>
          %gather3A_526 = tpu.vector_load_idx %arg9[%add3A_79, %broadcast_in_dim3A_525] : memref<80x128xf32, #tpu.memory_space<vmem>>[vector<16xi32>, vector<16xi32>], vector<16xf32>,
          %gather3A_527 = tpu.vector_load_idx %arg10[%add3A_79, %broadcast_in_dim3A_525] : memref<80x128xf32, #tpu.memory_space<vmem>>[vector<16xi32>, vector<16xi32>], vector<16xf32>,
          %mul3A_528 = arith.mulf %gather3A_526, %gather3A_527 : vector<16xf32>
          %add3A_529 = arith.addf %add3A_523, %mul3A_528 : vector<16xf32>
          %broadcast_in_dim3A_530 = arith.constant 75 : i32
          %broadcast_in_dim3A_531 = vector.broadcast %broadcast_in_dim3A_530 : i32 to vector<16xi32>
          %gather3A_532 = tpu.vector_load_idx %arg9[%add3A_79, %broadcast_in_dim3A_531] : memref<80x128xf32, #tpu.memory_space<vmem>>[vector<16xi32>, vector<16xi32>], vector<16xf32>,
          %gather3A_533 = tpu.vector_load_idx %arg10[%add3A_79, %broadcast_in_dim3A_531] : memref<80x128xf32, #tpu.memory_space<vmem>>[vector<16xi32>, vector<16xi32>], vector<16xf32>,
          %mul3A_534 = arith.mulf %gather3A_532, %gather3A_533 : vector<16xf32>
          %add3A_535 = arith.addf %add3A_529, %mul3A_534 : vector<16xf32>
          %broadcast_in_dim3A_536 = arith.constant 76 : i32
          %broadcast_in_dim3A_537 = vector.broadcast %broadcast_in_dim3A_536 : i32 to vector<16xi32>
          %gather3A_538 = tpu.vector_load_idx %arg9[%add3A_79, %broadcast_in_dim3A_537] : memref<80x128xf32, #tpu.memory_space<vmem>>[vector<16xi32>, vector<16xi32>], vector<16xf32>,
          %gather3A_539 = tpu.vector_load_idx %arg10[%add3A_79, %broadcast_in_dim3A_537] : memref<80x128xf32, #tpu.memory_space<vmem>>[vector<16xi32>, vector<16xi32>], vector<16xf32>,
          %mul3A_540 = arith.mulf %gather3A_538, %gather3A_539 : vector<16xf32>
          %add3A_541 = arith.addf %add3A_535, %mul3A_540 : vector<16xf32>
          %broadcast_in_dim3A_542 = arith.constant 77 : i32
          %broadcast_in_dim3A_543 = vector.broadcast %broadcast_in_dim3A_542 : i32 to vector<16xi32>
          %gather3A_544 = tpu.vector_load_idx %arg9[%add3A_79, %broadcast_in_dim3A_543] : memref<80x128xf32, #tpu.memory_space<vmem>>[vector<16xi32>, vector<16xi32>], vector<16xf32>,
          %gather3A_545 = tpu.vector_load_idx %arg10[%add3A_79, %broadcast_in_dim3A_543] : memref<80x128xf32, #tpu.memory_space<vmem>>[vector<16xi32>, vector<16xi32>], vector<16xf32>,
          %mul3A_546 = arith.mulf %gather3A_544, %gather3A_545 : vector<16xf32>
          %add3A_547 = arith.addf %add3A_541, %mul3A_546 : vector<16xf32>
          %broadcast_in_dim3A_548 = arith.constant 78 : i32
          %broadcast_in_dim3A_549 = vector.broadcast %broadcast_in_dim3A_548 : i32 to vector<16xi32>
          %gather3A_550 = tpu.vector_load_idx %arg9[%add3A_79, %broadcast_in_dim3A_549] : memref<80x128xf32, #tpu.memory_space<vmem>>[vector<16xi32>, vector<16xi32>], vector<16xf32>,
          %gather3A_551 = tpu.vector_load_idx %arg10[%add3A_79, %broadcast_in_dim3A_549] : memref<80x128xf32, #tpu.memory_space<vmem>>[vector<16xi32>, vector<16xi32>], vector<16xf32>,
          %mul3A_552 = arith.mulf %gather3A_550, %gather3A_551 : vector<16xf32>
          %add3A_553 = arith.addf %add3A_547, %mul3A_552 : vector<16xf32>
          %broadcast_in_dim3A_554 = arith.constant 79 : i32
          %broadcast_in_dim3A_555 = vector.broadcast %broadcast_in_dim3A_554 : i32 to vector<16xi32>
          %gather3A_556 = tpu.vector_load_idx %arg9[%add3A_79, %broadcast_in_dim3A_555] : memref<80x128xf32, #tpu.memory_space<vmem>>[vector<16xi32>, vector<16xi32>], vector<16xf32>,
          %gather3A_557 = tpu.vector_load_idx %arg10[%add3A_79, %broadcast_in_dim3A_555] : memref<80x128xf32, #tpu.memory_space<vmem>>[vector<16xi32>, vector<16xi32>], vector<16xf32>,
          %mul3A_558 = arith.mulf %gather3A_556, %gather3A_557 : vector<16xf32>
          %add3A_559 = arith.addf %add3A_553, %mul3A_558 : vector<16xf32>
          %broadcast_in_dim3A_560 = arith.constant 80 : i32
          %broadcast_in_dim3A_561 = vector.broadcast %broadcast_in_dim3A_560 : i32 to vector<16xi32>
          %gather3A_562 = tpu.vector_load_idx %arg9[%add3A_79, %broadcast_in_dim3A_561] : memref<80x128xf32, #tpu.memory_space<vmem>>[vector<16xi32>, vector<16xi32>], vector<16xf32>,
          %gather3A_563 = tpu.vector_load_idx %arg10[%add3A_79, %broadcast_in_dim3A_561] : memref<80x128xf32, #tpu.memory_space<vmem>>[vector<16xi32>, vector<16xi32>], vector<16xf32>,
          %mul3A_564 = arith.mulf %gather3A_562, %gather3A_563 : vector<16xf32>
          %add3A_565 = arith.addf %add3A_559, %mul3A_564 : vector<16xf32>
          %broadcast_in_dim3A_566 = arith.constant 81 : i32
          %broadcast_in_dim3A_567 = vector.broadcast %broadcast_in_dim3A_566 : i32 to vector<16xi32>
          %gather3A_568 = tpu.vector_load_idx %arg9[%add3A_79, %broadcast_in_dim3A_567] : memref<80x128xf32, #tpu.memory_space<vmem>>[vector<16xi32>, vector<16xi32>], vector<16xf32>,
          %gather3A_569 = tpu.vector_load_idx %arg10[%add3A_79, %broadcast_in_dim3A_567] : memref<80x128xf32, #tpu.memory_space<vmem>>[vector<16xi32>, vector<16xi32>], vector<16xf32>,
          %mul3A_570 = arith.mulf %gather3A_568, %gather3A_569 : vector<16xf32>
          %add3A_571 = arith.addf %add3A_565, %mul3A_570 : vector<16xf32>
          %broadcast_in_dim3A_572 = arith.constant 82 : i32
          %broadcast_in_dim3A_573 = vector.broadcast %broadcast_in_dim3A_572 : i32 to vector<16xi32>
          %gather3A_574 = tpu.vector_load_idx %arg9[%add3A_79, %broadcast_in_dim3A_573] : memref<80x128xf32, #tpu.memory_space<vmem>>[vector<16xi32>, vector<16xi32>], vector<16xf32>,
          %gather3A_575 = tpu.vector_load_idx %arg10[%add3A_79, %broadcast_in_dim3A_573] : memref<80x128xf32, #tpu.memory_space<vmem>>[vector<16xi32>, vector<16xi32>], vector<16xf32>,
          %mul3A_576 = arith.mulf %gather3A_574, %gather3A_575 : vector<16xf32>
          %add3A_577 = arith.addf %add3A_571, %mul3A_576 : vector<16xf32>
          %broadcast_in_dim3A_578 = arith.constant 83 : i32
          %broadcast_in_dim3A_579 = vector.broadcast %broadcast_in_dim3A_578 : i32 to vector<16xi32>
          %gather3A_580 = tpu.vector_load_idx %arg9[%add3A_79, %broadcast_in_dim3A_579] : memref<80x128xf32, #tpu.memory_space<vmem>>[vector<16xi32>, vector<16xi32>], vector<16xf32>,
          %gather3A_581 = tpu.vector_load_idx %arg10[%add3A_79, %broadcast_in_dim3A_579] : memref<80x128xf32, #tpu.memory_space<vmem>>[vector<16xi32>, vector<16xi32>], vector<16xf32>,
          %mul3A_582 = arith.mulf %gather3A_580, %gather3A_581 : vector<16xf32>
          %add3A_583 = arith.addf %add3A_577, %mul3A_582 : vector<16xf32>
          %broadcast_in_dim3A_584 = arith.constant 84 : i32
          %broadcast_in_dim3A_585 = vector.broadcast %broadcast_in_dim3A_584 : i32 to vector<16xi32>
          %gather3A_586 = tpu.vector_load_idx %arg9[%add3A_79, %broadcast_in_dim3A_585] : memref<80x128xf32, #tpu.memory_space<vmem>>[vector<16xi32>, vector<16xi32>], vector<16xf32>,
          %gather3A_587 = tpu.vector_load_idx %arg10[%add3A_79, %broadcast_in_dim3A_585] : memref<80x128xf32, #tpu.memory_space<vmem>>[vector<16xi32>, vector<16xi32>], vector<16xf32>,
          %mul3A_588 = arith.mulf %gather3A_586, %gather3A_587 : vector<16xf32>
          %add3A_589 = arith.addf %add3A_583, %mul3A_588 : vector<16xf32>
          %broadcast_in_dim3A_590 = arith.constant 85 : i32
          %broadcast_in_dim3A_591 = vector.broadcast %broadcast_in_dim3A_590 : i32 to vector<16xi32>
          %gather3A_592 = tpu.vector_load_idx %arg9[%add3A_79, %broadcast_in_dim3A_591] : memref<80x128xf32, #tpu.memory_space<vmem>>[vector<16xi32>, vector<16xi32>], vector<16xf32>,
          %gather3A_593 = tpu.vector_load_idx %arg10[%add3A_79, %broadcast_in_dim3A_591] : memref<80x128xf32, #tpu.memory_space<vmem>>[vector<16xi32>, vector<16xi32>], vector<16xf32>,
          %mul3A_594 = arith.mulf %gather3A_592, %gather3A_593 : vector<16xf32>
          %add3A_595 = arith.addf %add3A_589, %mul3A_594 : vector<16xf32>
          %broadcast_in_dim3A_596 = arith.constant 86 : i32
          %broadcast_in_dim3A_597 = vector.broadcast %broadcast_in_dim3A_596 : i32 to vector<16xi32>
          %gather3A_598 = tpu.vector_load_idx %arg9[%add3A_79, %broadcast_in_dim3A_597] : memref<80x128xf32, #tpu.memory_space<vmem>>[vector<16xi32>, vector<16xi32>], vector<16xf32>,
          %gather3A_599 = tpu.vector_load_idx %arg10[%add3A_79, %broadcast_in_dim3A_597] : memref<80x128xf32, #tpu.memory_space<vmem>>[vector<16xi32>, vector<16xi32>], vector<16xf32>,
          %mul3A_600 = arith.mulf %gather3A_598, %gather3A_599 : vector<16xf32>
          %add3A_601 = arith.addf %add3A_595, %mul3A_600 : vector<16xf32>
          %broadcast_in_dim3A_602 = arith.constant 87 : i32
          %broadcast_in_dim3A_603 = vector.broadcast %broadcast_in_dim3A_602 : i32 to vector<16xi32>
          %gather3A_604 = tpu.vector_load_idx %arg9[%add3A_79, %broadcast_in_dim3A_603] : memref<80x128xf32, #tpu.memory_space<vmem>>[vector<16xi32>, vector<16xi32>], vector<16xf32>,
          %gather3A_605 = tpu.vector_load_idx %arg10[%add3A_79, %broadcast_in_dim3A_603] : memref<80x128xf32, #tpu.memory_space<vmem>>[vector<16xi32>, vector<16xi32>], vector<16xf32>,
          %mul3A_606 = arith.mulf %gather3A_604, %gather3A_605 : vector<16xf32>
          %add3A_607 = arith.addf %add3A_601, %mul3A_606 : vector<16xf32>
          %broadcast_in_dim3A_608 = arith.constant 88 : i32
          %broadcast_in_dim3A_609 = vector.broadcast %broadcast_in_dim3A_608 : i32 to vector<16xi32>
          %gather3A_610 = tpu.vector_load_idx %arg9[%add3A_79, %broadcast_in_dim3A_609] : memref<80x128xf32, #tpu.memory_space<vmem>>[vector<16xi32>, vector<16xi32>], vector<16xf32>,
          %gather3A_611 = tpu.vector_load_idx %arg10[%add3A_79, %broadcast_in_dim3A_609] : memref<80x128xf32, #tpu.memory_space<vmem>>[vector<16xi32>, vector<16xi32>], vector<16xf32>,
          %mul3A_612 = arith.mulf %gather3A_610, %gather3A_611 : vector<16xf32>
          %add3A_613 = arith.addf %add3A_607, %mul3A_612 : vector<16xf32>
          %broadcast_in_dim3A_614 = arith.constant 89 : i32
          %broadcast_in_dim3A_615 = vector.broadcast %broadcast_in_dim3A_614 : i32 to vector<16xi32>
          %gather3A_616 = tpu.vector_load_idx %arg9[%add3A_79, %broadcast_in_dim3A_615] : memref<80x128xf32, #tpu.memory_space<vmem>>[vector<16xi32>, vector<16xi32>], vector<16xf32>,
          %gather3A_617 = tpu.vector_load_idx %arg10[%add3A_79, %broadcast_in_dim3A_615] : memref<80x128xf32, #tpu.memory_space<vmem>>[vector<16xi32>, vector<16xi32>], vector<16xf32>,
          %mul3A_618 = arith.mulf %gather3A_616, %gather3A_617 : vector<16xf32>
          %add3A_619 = arith.addf %add3A_613, %mul3A_618 : vector<16xf32>
          %broadcast_in_dim3A_620 = arith.constant 90 : i32
          %broadcast_in_dim3A_621 = vector.broadcast %broadcast_in_dim3A_620 : i32 to vector<16xi32>
          %gather3A_622 = tpu.vector_load_idx %arg9[%add3A_79, %broadcast_in_dim3A_621] : memref<80x128xf32, #tpu.memory_space<vmem>>[vector<16xi32>, vector<16xi32>], vector<16xf32>,
          %gather3A_623 = tpu.vector_load_idx %arg10[%add3A_79, %broadcast_in_dim3A_621] : memref<80x128xf32, #tpu.memory_space<vmem>>[vector<16xi32>, vector<16xi32>], vector<16xf32>,
          %mul3A_624 = arith.mulf %gather3A_622, %gather3A_623 : vector<16xf32>
          %add3A_625 = arith.addf %add3A_619, %mul3A_624 : vector<16xf32>
          %broadcast_in_dim3A_626 = arith.constant 91 : i32
          %broadcast_in_dim3A_627 = vector.broadcast %broadcast_in_dim3A_626 : i32 to vector<16xi32>
          %gather3A_628 = tpu.vector_load_idx %arg9[%add3A_79, %broadcast_in_dim3A_627] : memref<80x128xf32, #tpu.memory_space<vmem>>[vector<16xi32>, vector<16xi32>], vector<16xf32>,
          %gather3A_629 = tpu.vector_load_idx %arg10[%add3A_79, %broadcast_in_dim3A_627] : memref<80x128xf32, #tpu.memory_space<vmem>>[vector<16xi32>, vector<16xi32>], vector<16xf32>,
          %mul3A_630 = arith.mulf %gather3A_628, %gather3A_629 : vector<16xf32>
          %add3A_631 = arith.addf %add3A_625, %mul3A_630 : vector<16xf32>
          %broadcast_in_dim3A_632 = arith.constant 92 : i32
          %broadcast_in_dim3A_633 = vector.broadcast %broadcast_in_dim3A_632 : i32 to vector<16xi32>
          %gather3A_634 = tpu.vector_load_idx %arg9[%add3A_79, %broadcast_in_dim3A_633] : memref<80x128xf32, #tpu.memory_space<vmem>>[vector<16xi32>, vector<16xi32>], vector<16xf32>,
          %gather3A_635 = tpu.vector_load_idx %arg10[%add3A_79, %broadcast_in_dim3A_633] : memref<80x128xf32, #tpu.memory_space<vmem>>[vector<16xi32>, vector<16xi32>], vector<16xf32>,
          %mul3A_636 = arith.mulf %gather3A_634, %gather3A_635 : vector<16xf32>
          %add3A_637 = arith.addf %add3A_631, %mul3A_636 : vector<16xf32>
          %broadcast_in_dim3A_638 = arith.constant 93 : i32
          %broadcast_in_dim3A_639 = vector.broadcast %broadcast_in_dim3A_638 : i32 to vector<16xi32>
          %gather3A_640 = tpu.vector_load_idx %arg9[%add3A_79, %broadcast_in_dim3A_639] : memref<80x128xf32, #tpu.memory_space<vmem>>[vector<16xi32>, vector<16xi32>], vector<16xf32>,
          %gather3A_641 = tpu.vector_load_idx %arg10[%add3A_79, %broadcast_in_dim3A_639] : memref<80x128xf32, #tpu.memory_space<vmem>>[vector<16xi32>, vector<16xi32>], vector<16xf32>,
          %mul3A_642 = arith.mulf %gather3A_640, %gather3A_641 : vector<16xf32>
          %add3A_643 = arith.addf %add3A_637, %mul3A_642 : vector<16xf32>
          %broadcast_in_dim3A_644 = arith.constant 94 : i32
          %broadcast_in_dim3A_645 = vector.broadcast %broadcast_in_dim3A_644 : i32 to vector<16xi32>
          %gather3A_646 = tpu.vector_load_idx %arg9[%add3A_79, %broadcast_in_dim3A_645] : memref<80x128xf32, #tpu.memory_space<vmem>>[vector<16xi32>, vector<16xi32>], vector<16xf32>,
          %gather3A_647 = tpu.vector_load_idx %arg10[%add3A_79, %broadcast_in_dim3A_645] : memref<80x128xf32, #tpu.memory_space<vmem>>[vector<16xi32>, vector<16xi32>], vector<16xf32>,
          %mul3A_648 = arith.mulf %gather3A_646, %gather3A_647 : vector<16xf32>
          %add3A_649 = arith.addf %add3A_643, %mul3A_648 : vector<16xf32>
          %broadcast_in_dim3A_650 = arith.constant 95 : i32
          %broadcast_in_dim3A_651 = vector.broadcast %broadcast_in_dim3A_650 : i32 to vector<16xi32>
          %gather3A_652 = tpu.vector_load_idx %arg9[%add3A_79, %broadcast_in_dim3A_651] : memref<80x128xf32, #tpu.memory_space<vmem>>[vector<16xi32>, vector<16xi32>], vector<16xf32>,
          %gather3A_653 = tpu.vector_load_idx %arg10[%add3A_79, %broadcast_in_dim3A_651] : memref<80x128xf32, #tpu.memory_space<vmem>>[vector<16xi32>, vector<16xi32>], vector<16xf32>,
          %mul3A_654 = arith.mulf %gather3A_652, %gather3A_653 : vector<16xf32>
          %add3A_655 = arith.addf %add3A_649, %mul3A_654 : vector<16xf32>
          %broadcast_in_dim3A_656 = arith.constant 96 : i32
          %broadcast_in_dim3A_657 = vector.broadcast %broadcast_in_dim3A_656 : i32 to vector<16xi32>
          %gather3A_658 = tpu.vector_load_idx %arg9[%add3A_79, %broadcast_in_dim3A_657] : memref<80x128xf32, #tpu.memory_space<vmem>>[vector<16xi32>, vector<16xi32>], vector<16xf32>,
          %gather3A_659 = tpu.vector_load_idx %arg10[%add3A_79, %broadcast_in_dim3A_657] : memref<80x128xf32, #tpu.memory_space<vmem>>[vector<16xi32>, vector<16xi32>], vector<16xf32>,
          %mul3A_660 = arith.mulf %gather3A_658, %gather3A_659 : vector<16xf32>
          %add3A_661 = arith.addf %add3A_655, %mul3A_660 : vector<16xf32>
          %broadcast_in_dim3A_662 = arith.constant 97 : i32
          %broadcast_in_dim3A_663 = vector.broadcast %broadcast_in_dim3A_662 : i32 to vector<16xi32>
          %gather3A_664 = tpu.vector_load_idx %arg9[%add3A_79, %broadcast_in_dim3A_663] : memref<80x128xf32, #tpu.memory_space<vmem>>[vector<16xi32>, vector<16xi32>], vector<16xf32>,
          %gather3A_665 = tpu.vector_load_idx %arg10[%add3A_79, %broadcast_in_dim3A_663] : memref<80x128xf32, #tpu.memory_space<vmem>>[vector<16xi32>, vector<16xi32>], vector<16xf32>,
          %mul3A_666 = arith.mulf %gather3A_664, %gather3A_665 : vector<16xf32>
          %add3A_667 = arith.addf %add3A_661, %mul3A_666 : vector<16xf32>
          %broadcast_in_dim3A_668 = arith.constant 98 : i32
          %broadcast_in_dim3A_669 = vector.broadcast %broadcast_in_dim3A_668 : i32 to vector<16xi32>
          %gather3A_670 = tpu.vector_load_idx %arg9[%add3A_79, %broadcast_in_dim3A_669] : memref<80x128xf32, #tpu.memory_space<vmem>>[vector<16xi32>, vector<16xi32>], vector<16xf32>,
          %gather3A_671 = tpu.vector_load_idx %arg10[%add3A_79, %broadcast_in_dim3A_669] : memref<80x128xf32, #tpu.memory_space<vmem>>[vector<16xi32>, vector<16xi32>], vector<16xf32>,
          %mul3A_672 = arith.mulf %gather3A_670, %gather3A_671 : vector<16xf32>
          %add3A_673 = arith.addf %add3A_667, %mul3A_672 : vector<16xf32>
          %broadcast_in_dim3A_674 = arith.constant 99 : i32
          %broadcast_in_dim3A_675 = vector.broadcast %broadcast_in_dim3A_674 : i32 to vector<16xi32>
          %gather3A_676 = tpu.vector_load_idx %arg9[%add3A_79, %broadcast_in_dim3A_675] : memref<80x128xf32, #tpu.memory_space<vmem>>[vector<16xi32>, vector<16xi32>], vector<16xf32>,
          %gather3A_677 = tpu.vector_load_idx %arg10[%add3A_79, %broadcast_in_dim3A_675] : memref<80x128xf32, #tpu.memory_space<vmem>>[vector<16xi32>, vector<16xi32>], vector<16xf32>,
          %mul3A_678 = arith.mulf %gather3A_676, %gather3A_677 : vector<16xf32>
          %add3A_679 = arith.addf %add3A_673, %mul3A_678 : vector<16xf32>
          %broadcast_in_dim3A_680 = arith.constant 100 : i32
          %broadcast_in_dim3A_681 = vector.broadcast %broadcast_in_dim3A_680 : i32 to vector<16xi32>
          %gather3A_682 = tpu.vector_load_idx %arg9[%add3A_79, %broadcast_in_dim3A_681] : memref<80x128xf32, #tpu.memory_space<vmem>>[vector<16xi32>, vector<16xi32>], vector<16xf32>,
          %gather3A_683 = tpu.vector_load_idx %arg10[%add3A_79, %broadcast_in_dim3A_681] : memref<80x128xf32, #tpu.memory_space<vmem>>[vector<16xi32>, vector<16xi32>], vector<16xf32>,
          %mul3A_684 = arith.mulf %gather3A_682, %gather3A_683 : vector<16xf32>
          %add3A_685 = arith.addf %add3A_679, %mul3A_684 : vector<16xf32>
          %broadcast_in_dim3A_686 = arith.constant 101 : i32
          %broadcast_in_dim3A_687 = vector.broadcast %broadcast_in_dim3A_686 : i32 to vector<16xi32>
          %gather3A_688 = tpu.vector_load_idx %arg9[%add3A_79, %broadcast_in_dim3A_687] : memref<80x128xf32, #tpu.memory_space<vmem>>[vector<16xi32>, vector<16xi32>], vector<16xf32>,
          %gather3A_689 = tpu.vector_load_idx %arg10[%add3A_79, %broadcast_in_dim3A_687] : memref<80x128xf32, #tpu.memory_space<vmem>>[vector<16xi32>, vector<16xi32>], vector<16xf32>,
          %mul3A_690 = arith.mulf %gather3A_688, %gather3A_689 : vector<16xf32>
          %add3A_691 = arith.addf %add3A_685, %mul3A_690 : vector<16xf32>
          %broadcast_in_dim3A_692 = arith.constant 102 : i32
          %broadcast_in_dim3A_693 = vector.broadcast %broadcast_in_dim3A_692 : i32 to vector<16xi32>
          %gather3A_694 = tpu.vector_load_idx %arg9[%add3A_79, %broadcast_in_dim3A_693] : memref<80x128xf32, #tpu.memory_space<vmem>>[vector<16xi32>, vector<16xi32>], vector<16xf32>,
          %gather3A_695 = tpu.vector_load_idx %arg10[%add3A_79, %broadcast_in_dim3A_693] : memref<80x128xf32, #tpu.memory_space<vmem>>[vector<16xi32>, vector<16xi32>], vector<16xf32>,
          %mul3A_696 = arith.mulf %gather3A_694, %gather3A_695 : vector<16xf32>
          %add3A_697 = arith.addf %add3A_691, %mul3A_696 : vector<16xf32>
          %broadcast_in_dim3A_698 = arith.constant 103 : i32
          %broadcast_in_dim3A_699 = vector.broadcast %broadcast_in_dim3A_698 : i32 to vector<16xi32>
          %gather3A_700 = tpu.vector_load_idx %arg9[%add3A_79, %broadcast_in_dim3A_699] : memref<80x128xf32, #tpu.memory_space<vmem>>[vector<16xi32>, vector<16xi32>], vector<16xf32>,
          %gather3A_701 = tpu.vector_load_idx %arg10[%add3A_79, %broadcast_in_dim3A_699] : memref<80x128xf32, #tpu.memory_space<vmem>>[vector<16xi32>, vector<16xi32>], vector<16xf32>,
          %mul3A_702 = arith.mulf %gather3A_700, %gather3A_701 : vector<16xf32>
          %add3A_703 = arith.addf %add3A_697, %mul3A_702 : vector<16xf32>
          %broadcast_in_dim3A_704 = arith.constant 104 : i32
          %broadcast_in_dim3A_705 = vector.broadcast %broadcast_in_dim3A_704 : i32 to vector<16xi32>
          %gather3A_706 = tpu.vector_load_idx %arg9[%add3A_79, %broadcast_in_dim3A_705] : memref<80x128xf32, #tpu.memory_space<vmem>>[vector<16xi32>, vector<16xi32>], vector<16xf32>,
          %gather3A_707 = tpu.vector_load_idx %arg10[%add3A_79, %broadcast_in_dim3A_705] : memref<80x128xf32, #tpu.memory_space<vmem>>[vector<16xi32>, vector<16xi32>], vector<16xf32>,
          %mul3A_708 = arith.mulf %gather3A_706, %gather3A_707 : vector<16xf32>
          %add3A_709 = arith.addf %add3A_703, %mul3A_708 : vector<16xf32>
          %broadcast_in_dim3A_710 = arith.constant 105 : i32
          %broadcast_in_dim3A_711 = vector.broadcast %broadcast_in_dim3A_710 : i32 to vector<16xi32>
          %gather3A_712 = tpu.vector_load_idx %arg9[%add3A_79, %broadcast_in_dim3A_711] : memref<80x128xf32, #tpu.memory_space<vmem>>[vector<16xi32>, vector<16xi32>], vector<16xf32>,
          %gather3A_713 = tpu.vector_load_idx %arg10[%add3A_79, %broadcast_in_dim3A_711] : memref<80x128xf32, #tpu.memory_space<vmem>>[vector<16xi32>, vector<16xi32>], vector<16xf32>,
          %mul3A_714 = arith.mulf %gather3A_712, %gather3A_713 : vector<16xf32>
          %add3A_715 = arith.addf %add3A_709, %mul3A_714 : vector<16xf32>
          %broadcast_in_dim3A_716 = arith.constant 106 : i32
          %broadcast_in_dim3A_717 = vector.broadcast %broadcast_in_dim3A_716 : i32 to vector<16xi32>
          %gather3A_718 = tpu.vector_load_idx %arg9[%add3A_79, %broadcast_in_dim3A_717] : memref<80x128xf32, #tpu.memory_space<vmem>>[vector<16xi32>, vector<16xi32>], vector<16xf32>,
          %gather3A_719 = tpu.vector_load_idx %arg10[%add3A_79, %broadcast_in_dim3A_717] : memref<80x128xf32, #tpu.memory_space<vmem>>[vector<16xi32>, vector<16xi32>], vector<16xf32>,
          %mul3A_720 = arith.mulf %gather3A_718, %gather3A_719 : vector<16xf32>
          %add3A_721 = arith.addf %add3A_715, %mul3A_720 : vector<16xf32>
          %broadcast_in_dim3A_722 = arith.constant 107 : i32
          %broadcast_in_dim3A_723 = vector.broadcast %broadcast_in_dim3A_722 : i32 to vector<16xi32>
          %gather3A_724 = tpu.vector_load_idx %arg9[%add3A_79, %broadcast_in_dim3A_723] : memref<80x128xf32, #tpu.memory_space<vmem>>[vector<16xi32>, vector<16xi32>], vector<16xf32>,
          %gather3A_725 = tpu.vector_load_idx %arg10[%add3A_79, %broadcast_in_dim3A_723] : memref<80x128xf32, #tpu.memory_space<vmem>>[vector<16xi32>, vector<16xi32>], vector<16xf32>,
          %mul3A_726 = arith.mulf %gather3A_724, %gather3A_725 : vector<16xf32>
          %add3A_727 = arith.addf %add3A_721, %mul3A_726 : vector<16xf32>
          %broadcast_in_dim3A_728 = arith.constant 108 : i32
          %broadcast_in_dim3A_729 = vector.broadcast %broadcast_in_dim3A_728 : i32 to vector<16xi32>
          %gather3A_730 = tpu.vector_load_idx %arg9[%add3A_79, %broadcast_in_dim3A_729] : memref<80x128xf32, #tpu.memory_space<vmem>>[vector<16xi32>, vector<16xi32>], vector<16xf32>,
          %gather3A_731 = tpu.vector_load_idx %arg10[%add3A_79, %broadcast_in_dim3A_729] : memref<80x128xf32, #tpu.memory_space<vmem>>[vector<16xi32>, vector<16xi32>], vector<16xf32>,
          %mul3A_732 = arith.mulf %gather3A_730, %gather3A_731 : vector<16xf32>
          %add3A_733 = arith.addf %add3A_727, %mul3A_732 : vector<16xf32>
          %broadcast_in_dim3A_734 = arith.constant 109 : i32
          %broadcast_in_dim3A_735 = vector.broadcast %broadcast_in_dim3A_734 : i32 to vector<16xi32>
          %gather3A_736 = tpu.vector_load_idx %arg9[%add3A_79, %broadcast_in_dim3A_735] : memref<80x128xf32, #tpu.memory_space<vmem>>[vector<16xi32>, vector<16xi32>], vector<16xf32>,
          %gather3A_737 = tpu.vector_load_idx %arg10[%add3A_79, %broadcast_in_dim3A_735] : memref<80x128xf32, #tpu.memory_space<vmem>>[vector<16xi32>, vector<16xi32>], vector<16xf32>,
          %mul3A_738 = arith.mulf %gather3A_736, %gather3A_737 : vector<16xf32>
          %add3A_739 = arith.addf %add3A_733, %mul3A_738 : vector<16xf32>
          %broadcast_in_dim3A_740 = arith.constant 110 : i32
          %broadcast_in_dim3A_741 = vector.broadcast %broadcast_in_dim3A_740 : i32 to vector<16xi32>
          %gather3A_742 = tpu.vector_load_idx %arg9[%add3A_79, %broadcast_in_dim3A_741] : memref<80x128xf32, #tpu.memory_space<vmem>>[vector<16xi32>, vector<16xi32>], vector<16xf32>,
          %gather3A_743 = tpu.vector_load_idx %arg10[%add3A_79, %broadcast_in_dim3A_741] : memref<80x128xf32, #tpu.memory_space<vmem>>[vector<16xi32>, vector<16xi32>], vector<16xf32>,
          %mul3A_744 = arith.mulf %gather3A_742, %gather3A_743 : vector<16xf32>
          %add3A_745 = arith.addf %add3A_739, %mul3A_744 : vector<16xf32>
          %broadcast_in_dim3A_746 = arith.constant 111 : i32
          %broadcast_in_dim3A_747 = vector.broadcast %broadcast_in_dim3A_746 : i32 to vector<16xi32>
          %gather3A_748 = tpu.vector_load_idx %arg9[%add3A_79, %broadcast_in_dim3A_747] : memref<80x128xf32, #tpu.memory_space<vmem>>[vector<16xi32>, vector<16xi32>], vector<16xf32>,
          %gather3A_749 = tpu.vector_load_idx %arg10[%add3A_79, %broadcast_in_dim3A_747] : memref<80x128xf32, #tpu.memory_space<vmem>>[vector<16xi32>, vector<16xi32>], vector<16xf32>,
          %mul3A_750 = arith.mulf %gather3A_748, %gather3A_749 : vector<16xf32>
          %add3A_751 = arith.addf %add3A_745, %mul3A_750 : vector<16xf32>
          %broadcast_in_dim3A_752 = arith.constant 112 : i32
          %broadcast_in_dim3A_753 = vector.broadcast %broadcast_in_dim3A_752 : i32 to vector<16xi32>
          %gather3A_754 = tpu.vector_load_idx %arg9[%add3A_79, %broadcast_in_dim3A_753] : memref<80x128xf32, #tpu.memory_space<vmem>>[vector<16xi32>, vector<16xi32>], vector<16xf32>,
          %gather3A_755 = tpu.vector_load_idx %arg10[%add3A_79, %broadcast_in_dim3A_753] : memref<80x128xf32, #tpu.memory_space<vmem>>[vector<16xi32>, vector<16xi32>], vector<16xf32>,
          %mul3A_756 = arith.mulf %gather3A_754, %gather3A_755 : vector<16xf32>
          %add3A_757 = arith.addf %add3A_751, %mul3A_756 : vector<16xf32>
          %broadcast_in_dim3A_758 = arith.constant 113 : i32
          %broadcast_in_dim3A_759 = vector.broadcast %broadcast_in_dim3A_758 : i32 to vector<16xi32>
          %gather3A_760 = tpu.vector_load_idx %arg9[%add3A_79, %broadcast_in_dim3A_759] : memref<80x128xf32, #tpu.memory_space<vmem>>[vector<16xi32>, vector<16xi32>], vector<16xf32>,
          %gather3A_761 = tpu.vector_load_idx %arg10[%add3A_79, %broadcast_in_dim3A_759] : memref<80x128xf32, #tpu.memory_space<vmem>>[vector<16xi32>, vector<16xi32>], vector<16xf32>,
          %mul3A_762 = arith.mulf %gather3A_760, %gather3A_761 : vector<16xf32>
          %add3A_763 = arith.addf %add3A_757, %mul3A_762 : vector<16xf32>
          %broadcast_in_dim3A_764 = arith.constant 114 : i32
          %broadcast_in_dim3A_765 = vector.broadcast %broadcast_in_dim3A_764 : i32 to vector<16xi32>
          %gather3A_766 = tpu.vector_load_idx %arg9[%add3A_79, %broadcast_in_dim3A_765] : memref<80x128xf32, #tpu.memory_space<vmem>>[vector<16xi32>, vector<16xi32>], vector<16xf32>,
          %gather3A_767 = tpu.vector_load_idx %arg10[%add3A_79, %broadcast_in_dim3A_765] : memref<80x128xf32, #tpu.memory_space<vmem>>[vector<16xi32>, vector<16xi32>], vector<16xf32>,
          %mul3A_768 = arith.mulf %gather3A_766, %gather3A_767 : vector<16xf32>
          %add3A_769 = arith.addf %add3A_763, %mul3A_768 : vector<16xf32>
          %broadcast_in_dim3A_770 = arith.constant 115 : i32
          %broadcast_in_dim3A_771 = vector.broadcast %broadcast_in_dim3A_770 : i32 to vector<16xi32>
          %gather3A_772 = tpu.vector_load_idx %arg9[%add3A_79, %broadcast_in_dim3A_771] : memref<80x128xf32, #tpu.memory_space<vmem>>[vector<16xi32>, vector<16xi32>], vector<16xf32>,
          %gather3A_773 = tpu.vector_load_idx %arg10[%add3A_79, %broadcast_in_dim3A_771] : memref<80x128xf32, #tpu.memory_space<vmem>>[vector<16xi32>, vector<16xi32>], vector<16xf32>,
          %mul3A_774 = arith.mulf %gather3A_772, %gather3A_773 : vector<16xf32>
          %add3A_775 = arith.addf %add3A_769, %mul3A_774 : vector<16xf32>
          %broadcast_in_dim3A_776 = arith.constant 116 : i32
          %broadcast_in_dim3A_777 = vector.broadcast %broadcast_in_dim3A_776 : i32 to vector<16xi32>
          %gather3A_778 = tpu.vector_load_idx %arg9[%add3A_79, %broadcast_in_dim3A_777] : memref<80x128xf32, #tpu.memory_space<vmem>>[vector<16xi32>, vector<16xi32>], vector<16xf32>,
          %gather3A_779 = tpu.vector_load_idx %arg10[%add3A_79, %broadcast_in_dim3A_777] : memref<80x128xf32, #tpu.memory_space<vmem>>[vector<16xi32>, vector<16xi32>], vector<16xf32>,
          %mul3A_780 = arith.mulf %gather3A_778, %gather3A_779 : vector<16xf32>
          %add3A_781 = arith.addf %add3A_775, %mul3A_780 : vector<16xf32>
          %broadcast_in_dim3A_782 = arith.constant 117 : i32
          %broadcast_in_dim3A_783 = vector.broadcast %broadcast_in_dim3A_782 : i32 to vector<16xi32>
          %gather3A_784 = tpu.vector_load_idx %arg9[%add3A_79, %broadcast_in_dim3A_783] : memref<80x128xf32, #tpu.memory_space<vmem>>[vector<16xi32>, vector<16xi32>], vector<16xf32>,
          %gather3A_785 = tpu.vector_load_idx %arg10[%add3A_79, %broadcast_in_dim3A_783] : memref<80x128xf32, #tpu.memory_space<vmem>>[vector<16xi32>, vector<16xi32>], vector<16xf32>,
          %mul3A_786 = arith.mulf %gather3A_784, %gather3A_785 : vector<16xf32>
          %add3A_787 = arith.addf %add3A_781, %mul3A_786 : vector<16xf32>
          %broadcast_in_dim3A_788 = arith.constant 118 : i32
          %broadcast_in_dim3A_789 = vector.broadcast %broadcast_in_dim3A_788 : i32 to vector<16xi32>
          %gather3A_790 = tpu.vector_load_idx %arg9[%add3A_79, %broadcast_in_dim3A_789] : memref<80x128xf32, #tpu.memory_space<vmem>>[vector<16xi32>, vector<16xi32>], vector<16xf32>,
          %gather3A_791 = tpu.vector_load_idx %arg10[%add3A_79, %broadcast_in_dim3A_789] : memref<80x128xf32, #tpu.memory_space<vmem>>[vector<16xi32>, vector<16xi32>], vector<16xf32>,
          %mul3A_792 = arith.mulf %gather3A_790, %gather3A_791 : vector<16xf32>
          %add3A_793 = arith.addf %add3A_787, %mul3A_792 : vector<16xf32>
          %broadcast_in_dim3A_794 = arith.constant 119 : i32
          %broadcast_in_dim3A_795 = vector.broadcast %broadcast_in_dim3A_794 : i32 to vector<16xi32>
          %gather3A_796 = tpu.vector_load_idx %arg9[%add3A_79, %broadcast_in_dim3A_795] : memref<80x128xf32, #tpu.memory_space<vmem>>[vector<16xi32>, vector<16xi32>], vector<16xf32>,
          %gather3A_797 = tpu.vector_load_idx %arg10[%add3A_79, %broadcast_in_dim3A_795] : memref<80x128xf32, #tpu.memory_space<vmem>>[vector<16xi32>, vector<16xi32>], vector<16xf32>,
          %mul3A_798 = arith.mulf %gather3A_796, %gather3A_797 : vector<16xf32>
          %add3A_799 = arith.addf %add3A_793, %mul3A_798 : vector<16xf32>
          %broadcast_in_dim3A_800 = arith.constant 120 : i32
          %broadcast_in_dim3A_801 = vector.broadcast %broadcast_in_dim3A_800 : i32 to vector<16xi32>
          %gather3A_802 = tpu.vector_load_idx %arg9[%add3A_79, %broadcast_in_dim3A_801] : memref<80x128xf32, #tpu.memory_space<vmem>>[vector<16xi32>, vector<16xi32>], vector<16xf32>,
          %gather3A_803 = tpu.vector_load_idx %arg10[%add3A_79, %broadcast_in_dim3A_801] : memref<80x128xf32, #tpu.memory_space<vmem>>[vector<16xi32>, vector<16xi32>], vector<16xf32>,
          %mul3A_804 = arith.mulf %gather3A_802, %gather3A_803 : vector<16xf32>
          %add3A_805 = arith.addf %add3A_799, %mul3A_804 : vector<16xf32>
          %broadcast_in_dim3A_806 = arith.constant 121 : i32
          %broadcast_in_dim3A_807 = vector.broadcast %broadcast_in_dim3A_806 : i32 to vector<16xi32>
          %gather3A_808 = tpu.vector_load_idx %arg9[%add3A_79, %broadcast_in_dim3A_807] : memref<80x128xf32, #tpu.memory_space<vmem>>[vector<16xi32>, vector<16xi32>], vector<16xf32>,
          %gather3A_809 = tpu.vector_load_idx %arg10[%add3A_79, %broadcast_in_dim3A_807] : memref<80x128xf32, #tpu.memory_space<vmem>>[vector<16xi32>, vector<16xi32>], vector<16xf32>,
          %mul3A_810 = arith.mulf %gather3A_808, %gather3A_809 : vector<16xf32>
          %add3A_811 = arith.addf %add3A_805, %mul3A_810 : vector<16xf32>
          %broadcast_in_dim3A_812 = arith.constant 122 : i32
          %broadcast_in_dim3A_813 = vector.broadcast %broadcast_in_dim3A_812 : i32 to vector<16xi32>
          %gather3A_814 = tpu.vector_load_idx %arg9[%add3A_79, %broadcast_in_dim3A_813] : memref<80x128xf32, #tpu.memory_space<vmem>>[vector<16xi32>, vector<16xi32>], vector<16xf32>,
          %gather3A_815 = tpu.vector_load_idx %arg10[%add3A_79, %broadcast_in_dim3A_813] : memref<80x128xf32, #tpu.memory_space<vmem>>[vector<16xi32>, vector<16xi32>], vector<16xf32>,
          %mul3A_816 = arith.mulf %gather3A_814, %gather3A_815 : vector<16xf32>
          %add3A_817 = arith.addf %add3A_811, %mul3A_816 : vector<16xf32>
          %broadcast_in_dim3A_818 = arith.constant 123 : i32
          %broadcast_in_dim3A_819 = vector.broadcast %broadcast_in_dim3A_818 : i32 to vector<16xi32>
          %gather3A_820 = tpu.vector_load_idx %arg9[%add3A_79, %broadcast_in_dim3A_819] : memref<80x128xf32, #tpu.memory_space<vmem>>[vector<16xi32>, vector<16xi32>], vector<16xf32>,
          %gather3A_821 = tpu.vector_load_idx %arg10[%add3A_79, %broadcast_in_dim3A_819] : memref<80x128xf32, #tpu.memory_space<vmem>>[vector<16xi32>, vector<16xi32>], vector<16xf32>,
          %mul3A_822 = arith.mulf %gather3A_820, %gather3A_821 : vector<16xf32>
          %add3A_823 = arith.addf %add3A_817, %mul3A_822 : vector<16xf32>
          %broadcast_in_dim3A_824 = arith.constant 124 : i32
          %broadcast_in_dim3A_825 = vector.broadcast %broadcast_in_dim3A_824 : i32 to vector<16xi32>
          %gather3A_826 = tpu.vector_load_idx %arg9[%add3A_79, %broadcast_in_dim3A_825] : memref<80x128xf32, #tpu.memory_space<vmem>>[vector<16xi32>, vector<16xi32>], vector<16xf32>,
          %gather3A_827 = tpu.vector_load_idx %arg10[%add3A_79, %broadcast_in_dim3A_825] : memref<80x128xf32, #tpu.memory_space<vmem>>[vector<16xi32>, vector<16xi32>], vector<16xf32>,
          %mul3A_828 = arith.mulf %gather3A_826, %gather3A_827 : vector<16xf32>
          %add3A_829 = arith.addf %add3A_823, %mul3A_828 : vector<16xf32>
          %broadcast_in_dim3A_830 = arith.constant 125 : i32
          %broadcast_in_dim3A_831 = vector.broadcast %broadcast_in_dim3A_830 : i32 to vector<16xi32>
          %gather3A_832 = tpu.vector_load_idx %arg9[%add3A_79, %broadcast_in_dim3A_831] : memref<80x128xf32, #tpu.memory_space<vmem>>[vector<16xi32>, vector<16xi32>], vector<16xf32>,
          %gather3A_833 = tpu.vector_load_idx %arg10[%add3A_79, %broadcast_in_dim3A_831] : memref<80x128xf32, #tpu.memory_space<vmem>>[vector<16xi32>, vector<16xi32>], vector<16xf32>,
          %mul3A_834 = arith.mulf %gather3A_832, %gather3A_833 : vector<16xf32>
          %add3A_835 = arith.addf %add3A_829, %mul3A_834 : vector<16xf32>
          %broadcast_in_dim3A_836 = arith.constant 126 : i32
          %broadcast_in_dim3A_837 = vector.broadcast %broadcast_in_dim3A_836 : i32 to vector<16xi32>
          %gather3A_838 = tpu.vector_load_idx %arg9[%add3A_79, %broadcast_in_dim3A_837] : memref<80x128xf32, #tpu.memory_space<vmem>>[vector<16xi32>, vector<16xi32>], vector<16xf32>,
          %gather3A_839 = tpu.vector_load_idx %arg10[%add3A_79, %broadcast_in_dim3A_837] : memref<80x128xf32, #tpu.memory_space<vmem>>[vector<16xi32>, vector<16xi32>], vector<16xf32>,
          %mul3A_840 = arith.mulf %gather3A_838, %gather3A_839 : vector<16xf32>
          %add3A_841 = arith.addf %add3A_835, %mul3A_840 : vector<16xf32>
          %broadcast_in_dim3A_842 = arith.constant 127 : i32
          %broadcast_in_dim3A_843 = vector.broadcast %broadcast_in_dim3A_842 : i32 to vector<16xi32>
          %gather3A_844 = tpu.vector_load_idx %arg9[%add3A_79, %broadcast_in_dim3A_843] : memref<80x128xf32, #tpu.memory_space<vmem>>[vector<16xi32>, vector<16xi32>], vector<16xf32>,
          %gather3A_845 = tpu.vector_load_idx %arg10[%add3A_79, %broadcast_in_dim3A_843] : memref<80x128xf32, #tpu.memory_space<vmem>>[vector<16xi32>, vector<16xi32>], vector<16xf32>,
          %mul3A_846 = arith.mulf %gather3A_844, %gather3A_845 : vector<16xf32>
          %add3A_847 = arith.addf %add3A_841, %mul3A_846 : vector<16xf32>
          %neg3A = arith.constant 0.000000e+00 : f32
          %neg3A_848 = vector.broadcast %neg3A : f32 to vector<16xf32>
          %neg3A_849 = arith.subf %neg3A_848, %add3A_847 : vector<16xf32>
          %exp3A = math.exp %neg3A_849 : vector<16xf32>
          %add3A_850 = arith.constant 1.000000e+00 : f32
          %add3A_851 = vector.broadcast %add3A_850 : f32 to vector<16xf32>
          %add3A_852 = arith.addf %add3A_851, %exp3A : vector<16xf32>
          %div3A = arith.constant 1.000000e+00 : f32
          %div3A_853 = vector.broadcast %div3A : f32 to vector<16xf32>
          %div3A_854 = arith.divf %div3A_853, %add3A_852 : vector<16xf32>
          %mul3A_855 = arith.constant 16 : i32
          %mul3A_856 = arith.muli %scan3A_75, %mul3A_855 : i32
          %add3A_857 = arith.addi %mul3A_68, %mul3A_856 : i32
          %swap3A = arith.index_cast %add3A_857 : i32 to index
          %swap3A_858 = tpu.vector_load %arg13[%swap3A] {strides = array<i32>} : memref<10000xf32, #tpu.memory_space<vmem>>, vector<16xf32>,
          tpu.vector_store %arg13[%swap3A], %div3A_854 {strides = array<i32>} : memref<10000xf32, #tpu.memory_space<vmem>>, vector<16xf32>,
        }
        %scan3A_74 = arith.constant 5 : i32
      } else {
      }
      %jit3A_30 = arith.constant 2 : i32
      %eq3A_31 = arith.constant 0 : i32
      %eq3A_32 = arith.cmpi eq, %jit3A_30, %eq3A_31 : i32
      %jit3A_33 = arith.constant 1 : i32
      %select_n3A_34 = arith.select %eq3A_32, %jit3A_33, %jit3A_30 : i32
      %rem3A_35 = arith.remsi %scan3A_17, %select_n3A_34 : i32
      %ne3A_36 = arith.constant 0 : i32
      %ne3A_37 = arith.cmpi ne, %rem3A_35, %ne3A_36 : i32
      %lt3A_38 = arith.constant 0 : i32
      %lt3A_39 = arith.cmpi slt, %rem3A_35, %lt3A_38 : i32
      %lt3A_40 = arith.constant 0 : i32
      %lt3A_41 = arith.cmpi slt, %select_n3A_34, %lt3A_40 : i32
      %ne3A_42 = arith.xori %lt3A_39, %lt3A_41 : i1
      %and3A_43 = arith.andi %ne3A_42, %ne3A_37 : i1
      %add3A_44 = arith.addi %rem3A_35, %select_n3A_34 : i32
      %select_n3A_45 = arith.select %and3A_43, %add3A_44, %rem3A_35 : i32
      %eq3A_46 = arith.constant 1 : i32
      %eq3A_47 = arith.cmpi eq, %select_n3A_45, %eq3A_46 : i32
      %convert_element_type3A_48 = arith.extui %eq3A_47 : i1 to i32
      %cond3A_49 = arith.constant 0 : i32
      %cond3A_50 = arith.cmpi ne, %convert_element_type3A_48, %cond3A_49 : i32
      scf.if %cond3A_50 {
        %add3A_51 = arith.constant 1 : i32
        %add3A_52 = arith.addi %scan3A_17, %add3A_51 : i32
        %lt3A_53 = arith.constant 125 : i32
        %lt3A_54 = arith.cmpi slt, %add3A_52, %lt3A_53 : i32
        %convert_element_type3A_55 = arith.extui %lt3A_54 : i1 to i32
        %cond3A_56 = arith.constant 0 : i32
        %cond3A_57 = arith.cmpi ne, %convert_element_type3A_55, %cond3A_56 : i32
        scf.if %cond3A_57 {
          %add3A_75 = arith.constant 1 : i32
          %add3A_76 = arith.addi %scan3A_17, %add3A_75 : i32
          %mul3A_77 = arith.constant 80 : i32
          %mul3A_78 = arith.muli %add3A_76, %mul3A_77 : i32
          %dma_start3A_79 = tpu.memref_slice %arg7[%mul3A_78] : memref<10000xi32, #tpu.memory_space<vmem>> -> memref<80xi32, #tpu.memory_space<vmem>>
          %dma_start3A_80 = arith.constant 0 : i32
          %dma_start3A_81 = arith.constant 0 : i32
          %dma_start3A_82 = tpu.memref_slice %arg2[%dma_start3A_80, %dma_start3A_81] : memref<10000x128xf32, #tpu.memory_space<hbm>> -> memref<10000x128xf32, #tpu.memory_space<hbm>>
          tpu.enqueue_indirect_dma source(%dma_start3A_82 : memref<10000x128xf32, #tpu.memory_space<hbm>>) target(%arg9 : memref<80x128xf32, #tpu.memory_space<vmem>>) offsets(%dma_start3A_79 : memref<80xi32, #tpu.memory_space<vmem>>) semaphore(%arg14 : memref<!tpu.dma_semaphore, #tpu.memory_space<semaphore_mem>>)
          %dma_start3A_83 = tpu.memref_slice %arg8[%mul3A_78] : memref<10000xi32, #tpu.memory_space<vmem>> -> memref<80xi32, #tpu.memory_space<vmem>>
          %dma_start3A_84 = arith.constant 0 : i32
          %dma_start3A_85 = arith.constant 0 : i32
          %dma_start3A_86 = tpu.memref_slice %arg3[%dma_start3A_84, %dma_start3A_85] : memref<10000x128xf32, #tpu.memory_space<hbm>> -> memref<10000x128xf32, #tpu.memory_space<hbm>>
          tpu.enqueue_indirect_dma source(%dma_start3A_86 : memref<10000x128xf32, #tpu.memory_space<hbm>>) target(%arg10 : memref<80x128xf32, #tpu.memory_space<vmem>>) offsets(%dma_start3A_83 : memref<80xi32, #tpu.memory_space<vmem>>) semaphore(%arg14 : memref<!tpu.dma_semaphore, #tpu.memory_space<semaphore_mem>>)
        } else {
        }
        %mul3A_58 = arith.constant 80 : i32
        %mul3A_59 = arith.muli %scan3A_17, %mul3A_58 : i32
        %dma_wait3A = tpu.memref_slice %arg7[%mul3A_59] : memref<10000xi32, #tpu.memory_space<vmem>> -> memref<80xi32, #tpu.memory_space<vmem>>
        %dma_wait3A_60 = arith.constant 0 : i32
        %dma_wait3A_61 = arith.constant 0 : i32
        %dma_wait3A_62 = tpu.memref_slice %arg2[%dma_wait3A_60, %dma_wait3A_61] : memref<10000x128xf32, #tpu.memory_space<hbm>> -> memref<10000x128xf32, #tpu.memory_space<hbm>>
        tpu.wait_indirect_dma semaphore(%arg15 : memref<!tpu.dma_semaphore, #tpu.memory_space<semaphore_mem>>) src(%dma_wait3A_62 : memref<10000x128xf32, #tpu.memory_space<hbm>>) dst(%arg11 : memref<80x128xf32, #tpu.memory_space<vmem>>)
        %dma_wait3A_63 = tpu.memref_slice %arg8[%mul3A_59] : memref<10000xi32, #tpu.memory_space<vmem>> -> memref<80xi32, #tpu.memory_space<vmem>>
        %dma_wait3A_64 = arith.constant 0 : i32
        %dma_wait3A_65 = arith.constant 0 : i32
        %dma_wait3A_66 = tpu.memref_slice %arg3[%dma_wait3A_64, %dma_wait3A_65] : memref<10000x128xf32, #tpu.memory_space<hbm>> -> memref<10000x128xf32, #tpu.memory_space<hbm>>
        tpu.wait_indirect_dma semaphore(%arg15 : memref<!tpu.dma_semaphore, #tpu.memory_space<semaphore_mem>>) src(%dma_wait3A_66 : memref<10000x128xf32, #tpu.memory_space<hbm>>) dst(%arg12 : memref<80x128xf32, #tpu.memory_space<vmem>>)
        %mul3A_67 = arith.constant 80 : i32
        %mul3A_68 = arith.muli %scan3A_17, %mul3A_67 : i32
        %scan3A_69 = arith.constant 0 : i32
        %scan3A_70 = arith.constant 0 : i32
        %scan3A_71 = arith.constant 5 : i32
        %scan3A_72 = arith.addi %scan3A_70, %scan3A_71 : i32
        %scan3A_73 = arith.constant 1 : i32
        scf.for %scan3A_75 = %scan3A_70 to %scan3A_72 step %scan3A_73  : i32 {
          %mul3A_76 = arith.constant 16 : i32
          %mul3A_77 = arith.muli %scan3A_75, %mul3A_76 : i32
          %add3A_78 = vector.broadcast %mul3A_77 : i32 to vector<16xi32>
          %add3A_79 = arith.addi %add3A_78, %iota3A : vector<16xi32>
          %broadcast_in_dim3A = arith.constant 0.000000e+00 : f32
          %broadcast_in_dim3A_80 = vector.broadcast %broadcast_in_dim3A : f32 to vector<16xf32>
          %broadcast_in_dim3A_81 = arith.constant 0 : i32
          %broadcast_in_dim3A_82 = vector.broadcast %broadcast_in_dim3A_81 : i32 to vector<16xi32>
          %gather3A = tpu.vector_load_idx %arg11[%add3A_79, %broadcast_in_dim3A_82] : memref<80x128xf32, #tpu.memory_space<vmem>>[vector<16xi32>, vector<16xi32>], vector<16xf32>,
          %gather3A_83 = tpu.vector_load_idx %arg12[%add3A_79, %broadcast_in_dim3A_82] : memref<80x128xf32, #tpu.memory_space<vmem>>[vector<16xi32>, vector<16xi32>], vector<16xf32>,
          %mul3A_84 = arith.mulf %gather3A, %gather3A_83 : vector<16xf32>
          %add3A_85 = arith.addf %broadcast_in_dim3A_80, %mul3A_84 : vector<16xf32>
          %broadcast_in_dim3A_86 = arith.constant 1 : i32
          %broadcast_in_dim3A_87 = vector.broadcast %broadcast_in_dim3A_86 : i32 to vector<16xi32>
          %gather3A_88 = tpu.vector_load_idx %arg11[%add3A_79, %broadcast_in_dim3A_87] : memref<80x128xf32, #tpu.memory_space<vmem>>[vector<16xi32>, vector<16xi32>], vector<16xf32>,
          %gather3A_89 = tpu.vector_load_idx %arg12[%add3A_79, %broadcast_in_dim3A_87] : memref<80x128xf32, #tpu.memory_space<vmem>>[vector<16xi32>, vector<16xi32>], vector<16xf32>,
          %mul3A_90 = arith.mulf %gather3A_88, %gather3A_89 : vector<16xf32>
          %add3A_91 = arith.addf %add3A_85, %mul3A_90 : vector<16xf32>
          %broadcast_in_dim3A_92 = arith.constant 2 : i32
          %broadcast_in_dim3A_93 = vector.broadcast %broadcast_in_dim3A_92 : i32 to vector<16xi32>
          %gather3A_94 = tpu.vector_load_idx %arg11[%add3A_79, %broadcast_in_dim3A_93] : memref<80x128xf32, #tpu.memory_space<vmem>>[vector<16xi32>, vector<16xi32>], vector<16xf32>,
          %gather3A_95 = tpu.vector_load_idx %arg12[%add3A_79, %broadcast_in_dim3A_93] : memref<80x128xf32, #tpu.memory_space<vmem>>[vector<16xi32>, vector<16xi32>], vector<16xf32>,
          %mul3A_96 = arith.mulf %gather3A_94, %gather3A_95 : vector<16xf32>
          %add3A_97 = arith.addf %add3A_91, %mul3A_96 : vector<16xf32>
          %broadcast_in_dim3A_98 = arith.constant 3 : i32
          %broadcast_in_dim3A_99 = vector.broadcast %broadcast_in_dim3A_98 : i32 to vector<16xi32>
          %gather3A_100 = tpu.vector_load_idx %arg11[%add3A_79, %broadcast_in_dim3A_99] : memref<80x128xf32, #tpu.memory_space<vmem>>[vector<16xi32>, vector<16xi32>], vector<16xf32>,
          %gather3A_101 = tpu.vector_load_idx %arg12[%add3A_79, %broadcast_in_dim3A_99] : memref<80x128xf32, #tpu.memory_space<vmem>>[vector<16xi32>, vector<16xi32>], vector<16xf32>,
          %mul3A_102 = arith.mulf %gather3A_100, %gather3A_101 : vector<16xf32>
          %add3A_103 = arith.addf %add3A_97, %mul3A_102 : vector<16xf32>
          %broadcast_in_dim3A_104 = arith.constant 4 : i32
          %broadcast_in_dim3A_105 = vector.broadcast %broadcast_in_dim3A_104 : i32 to vector<16xi32>
          %gather3A_106 = tpu.vector_load_idx %arg11[%add3A_79, %broadcast_in_dim3A_105] : memref<80x128xf32, #tpu.memory_space<vmem>>[vector<16xi32>, vector<16xi32>], vector<16xf32>,
          %gather3A_107 = tpu.vector_load_idx %arg12[%add3A_79, %broadcast_in_dim3A_105] : memref<80x128xf32, #tpu.memory_space<vmem>>[vector<16xi32>, vector<16xi32>], vector<16xf32>,
          %mul3A_108 = arith.mulf %gather3A_106, %gather3A_107 : vector<16xf32>
          %add3A_109 = arith.addf %add3A_103, %mul3A_108 : vector<16xf32>
          %broadcast_in_dim3A_110 = arith.constant 5 : i32
          %broadcast_in_dim3A_111 = vector.broadcast %broadcast_in_dim3A_110 : i32 to vector<16xi32>
          %gather3A_112 = tpu.vector_load_idx %arg11[%add3A_79, %broadcast_in_dim3A_111] : memref<80x128xf32, #tpu.memory_space<vmem>>[vector<16xi32>, vector<16xi32>], vector<16xf32>,
          %gather3A_113 = tpu.vector_load_idx %arg12[%add3A_79, %broadcast_in_dim3A_111] : memref<80x128xf32, #tpu.memory_space<vmem>>[vector<16xi32>, vector<16xi32>], vector<16xf32>,
          %mul3A_114 = arith.mulf %gather3A_112, %gather3A_113 : vector<16xf32>
          %add3A_115 = arith.addf %add3A_109, %mul3A_114 : vector<16xf32>
          %broadcast_in_dim3A_116 = arith.constant 6 : i32
          %broadcast_in_dim3A_117 = vector.broadcast %broadcast_in_dim3A_116 : i32 to vector<16xi32>
          %gather3A_118 = tpu.vector_load_idx %arg11[%add3A_79, %broadcast_in_dim3A_117] : memref<80x128xf32, #tpu.memory_space<vmem>>[vector<16xi32>, vector<16xi32>], vector<16xf32>,
          %gather3A_119 = tpu.vector_load_idx %arg12[%add3A_79, %broadcast_in_dim3A_117] : memref<80x128xf32, #tpu.memory_space<vmem>>[vector<16xi32>, vector<16xi32>], vector<16xf32>,
          %mul3A_120 = arith.mulf %gather3A_118, %gather3A_119 : vector<16xf32>
          %add3A_121 = arith.addf %add3A_115, %mul3A_120 : vector<16xf32>
          %broadcast_in_dim3A_122 = arith.constant 7 : i32
          %broadcast_in_dim3A_123 = vector.broadcast %broadcast_in_dim3A_122 : i32 to vector<16xi32>
          %gather3A_124 = tpu.vector_load_idx %arg11[%add3A_79, %broadcast_in_dim3A_123] : memref<80x128xf32, #tpu.memory_space<vmem>>[vector<16xi32>, vector<16xi32>], vector<16xf32>,
          %gather3A_125 = tpu.vector_load_idx %arg12[%add3A_79, %broadcast_in_dim3A_123] : memref<80x128xf32, #tpu.memory_space<vmem>>[vector<16xi32>, vector<16xi32>], vector<16xf32>,
          %mul3A_126 = arith.mulf %gather3A_124, %gather3A_125 : vector<16xf32>
          %add3A_127 = arith.addf %add3A_121, %mul3A_126 : vector<16xf32>
          %broadcast_in_dim3A_128 = arith.constant 8 : i32
          %broadcast_in_dim3A_129 = vector.broadcast %broadcast_in_dim3A_128 : i32 to vector<16xi32>
          %gather3A_130 = tpu.vector_load_idx %arg11[%add3A_79, %broadcast_in_dim3A_129] : memref<80x128xf32, #tpu.memory_space<vmem>>[vector<16xi32>, vector<16xi32>], vector<16xf32>,
          %gather3A_131 = tpu.vector_load_idx %arg12[%add3A_79, %broadcast_in_dim3A_129] : memref<80x128xf32, #tpu.memory_space<vmem>>[vector<16xi32>, vector<16xi32>], vector<16xf32>,
          %mul3A_132 = arith.mulf %gather3A_130, %gather3A_131 : vector<16xf32>
          %add3A_133 = arith.addf %add3A_127, %mul3A_132 : vector<16xf32>
          %broadcast_in_dim3A_134 = arith.constant 9 : i32
          %broadcast_in_dim3A_135 = vector.broadcast %broadcast_in_dim3A_134 : i32 to vector<16xi32>
          %gather3A_136 = tpu.vector_load_idx %arg11[%add3A_79, %broadcast_in_dim3A_135] : memref<80x128xf32, #tpu.memory_space<vmem>>[vector<16xi32>, vector<16xi32>], vector<16xf32>,
          %gather3A_137 = tpu.vector_load_idx %arg12[%add3A_79, %broadcast_in_dim3A_135] : memref<80x128xf32, #tpu.memory_space<vmem>>[vector<16xi32>, vector<16xi32>], vector<16xf32>,
          %mul3A_138 = arith.mulf %gather3A_136, %gather3A_137 : vector<16xf32>
          %add3A_139 = arith.addf %add3A_133, %mul3A_138 : vector<16xf32>
          %broadcast_in_dim3A_140 = arith.constant 10 : i32
          %broadcast_in_dim3A_141 = vector.broadcast %broadcast_in_dim3A_140 : i32 to vector<16xi32>
          %gather3A_142 = tpu.vector_load_idx %arg11[%add3A_79, %broadcast_in_dim3A_141] : memref<80x128xf32, #tpu.memory_space<vmem>>[vector<16xi32>, vector<16xi32>], vector<16xf32>,
          %gather3A_143 = tpu.vector_load_idx %arg12[%add3A_79, %broadcast_in_dim3A_141] : memref<80x128xf32, #tpu.memory_space<vmem>>[vector<16xi32>, vector<16xi32>], vector<16xf32>,
          %mul3A_144 = arith.mulf %gather3A_142, %gather3A_143 : vector<16xf32>
          %add3A_145 = arith.addf %add3A_139, %mul3A_144 : vector<16xf32>
          %broadcast_in_dim3A_146 = arith.constant 11 : i32
          %broadcast_in_dim3A_147 = vector.broadcast %broadcast_in_dim3A_146 : i32 to vector<16xi32>
          %gather3A_148 = tpu.vector_load_idx %arg11[%add3A_79, %broadcast_in_dim3A_147] : memref<80x128xf32, #tpu.memory_space<vmem>>[vector<16xi32>, vector<16xi32>], vector<16xf32>,
          %gather3A_149 = tpu.vector_load_idx %arg12[%add3A_79, %broadcast_in_dim3A_147] : memref<80x128xf32, #tpu.memory_space<vmem>>[vector<16xi32>, vector<16xi32>], vector<16xf32>,
          %mul3A_150 = arith.mulf %gather3A_148, %gather3A_149 : vector<16xf32>
          %add3A_151 = arith.addf %add3A_145, %mul3A_150 : vector<16xf32>
          %broadcast_in_dim3A_152 = arith.constant 12 : i32
          %broadcast_in_dim3A_153 = vector.broadcast %broadcast_in_dim3A_152 : i32 to vector<16xi32>
          %gather3A_154 = tpu.vector_load_idx %arg11[%add3A_79, %broadcast_in_dim3A_153] : memref<80x128xf32, #tpu.memory_space<vmem>>[vector<16xi32>, vector<16xi32>], vector<16xf32>,
          %gather3A_155 = tpu.vector_load_idx %arg12[%add3A_79, %broadcast_in_dim3A_153] : memref<80x128xf32, #tpu.memory_space<vmem>>[vector<16xi32>, vector<16xi32>], vector<16xf32>,
          %mul3A_156 = arith.mulf %gather3A_154, %gather3A_155 : vector<16xf32>
          %add3A_157 = arith.addf %add3A_151, %mul3A_156 : vector<16xf32>
          %broadcast_in_dim3A_158 = arith.constant 13 : i32
          %broadcast_in_dim3A_159 = vector.broadcast %broadcast_in_dim3A_158 : i32 to vector<16xi32>
          %gather3A_160 = tpu.vector_load_idx %arg11[%add3A_79, %broadcast_in_dim3A_159] : memref<80x128xf32, #tpu.memory_space<vmem>>[vector<16xi32>, vector<16xi32>], vector<16xf32>,
          %gather3A_161 = tpu.vector_load_idx %arg12[%add3A_79, %broadcast_in_dim3A_159] : memref<80x128xf32, #tpu.memory_space<vmem>>[vector<16xi32>, vector<16xi32>], vector<16xf32>,
          %mul3A_162 = arith.mulf %gather3A_160, %gather3A_161 : vector<16xf32>
          %add3A_163 = arith.addf %add3A_157, %mul3A_162 : vector<16xf32>
          %broadcast_in_dim3A_164 = arith.constant 14 : i32
          %broadcast_in_dim3A_165 = vector.broadcast %broadcast_in_dim3A_164 : i32 to vector<16xi32>
          %gather3A_166 = tpu.vector_load_idx %arg11[%add3A_79, %broadcast_in_dim3A_165] : memref<80x128xf32, #tpu.memory_space<vmem>>[vector<16xi32>, vector<16xi32>], vector<16xf32>,
          %gather3A_167 = tpu.vector_load_idx %arg12[%add3A_79, %broadcast_in_dim3A_165] : memref<80x128xf32, #tpu.memory_space<vmem>>[vector<16xi32>, vector<16xi32>], vector<16xf32>,
          %mul3A_168 = arith.mulf %gather3A_166, %gather3A_167 : vector<16xf32>
          %add3A_169 = arith.addf %add3A_163, %mul3A_168 : vector<16xf32>
          %broadcast_in_dim3A_170 = arith.constant 15 : i32
          %broadcast_in_dim3A_171 = vector.broadcast %broadcast_in_dim3A_170 : i32 to vector<16xi32>
          %gather3A_172 = tpu.vector_load_idx %arg11[%add3A_79, %broadcast_in_dim3A_171] : memref<80x128xf32, #tpu.memory_space<vmem>>[vector<16xi32>, vector<16xi32>], vector<16xf32>,
          %gather3A_173 = tpu.vector_load_idx %arg12[%add3A_79, %broadcast_in_dim3A_171] : memref<80x128xf32, #tpu.memory_space<vmem>>[vector<16xi32>, vector<16xi32>], vector<16xf32>,
          %mul3A_174 = arith.mulf %gather3A_172, %gather3A_173 : vector<16xf32>
          %add3A_175 = arith.addf %add3A_169, %mul3A_174 : vector<16xf32>
          %broadcast_in_dim3A_176 = arith.constant 16 : i32
          %broadcast_in_dim3A_177 = vector.broadcast %broadcast_in_dim3A_176 : i32 to vector<16xi32>
          %gather3A_178 = tpu.vector_load_idx %arg11[%add3A_79, %broadcast_in_dim3A_177] : memref<80x128xf32, #tpu.memory_space<vmem>>[vector<16xi32>, vector<16xi32>], vector<16xf32>,
          %gather3A_179 = tpu.vector_load_idx %arg12[%add3A_79, %broadcast_in_dim3A_177] : memref<80x128xf32, #tpu.memory_space<vmem>>[vector<16xi32>, vector<16xi32>], vector<16xf32>,
          %mul3A_180 = arith.mulf %gather3A_178, %gather3A_179 : vector<16xf32>
          %add3A_181 = arith.addf %add3A_175, %mul3A_180 : vector<16xf32>
          %broadcast_in_dim3A_182 = arith.constant 17 : i32
          %broadcast_in_dim3A_183 = vector.broadcast %broadcast_in_dim3A_182 : i32 to vector<16xi32>
          %gather3A_184 = tpu.vector_load_idx %arg11[%add3A_79, %broadcast_in_dim3A_183] : memref<80x128xf32, #tpu.memory_space<vmem>>[vector<16xi32>, vector<16xi32>], vector<16xf32>,
          %gather3A_185 = tpu.vector_load_idx %arg12[%add3A_79, %broadcast_in_dim3A_183] : memref<80x128xf32, #tpu.memory_space<vmem>>[vector<16xi32>, vector<16xi32>], vector<16xf32>,
          %mul3A_186 = arith.mulf %gather3A_184, %gather3A_185 : vector<16xf32>
          %add3A_187 = arith.addf %add3A_181, %mul3A_186 : vector<16xf32>
          %broadcast_in_dim3A_188 = arith.constant 18 : i32
          %broadcast_in_dim3A_189 = vector.broadcast %broadcast_in_dim3A_188 : i32 to vector<16xi32>
          %gather3A_190 = tpu.vector_load_idx %arg11[%add3A_79, %broadcast_in_dim3A_189] : memref<80x128xf32, #tpu.memory_space<vmem>>[vector<16xi32>, vector<16xi32>], vector<16xf32>,
          %gather3A_191 = tpu.vector_load_idx %arg12[%add3A_79, %broadcast_in_dim3A_189] : memref<80x128xf32, #tpu.memory_space<vmem>>[vector<16xi32>, vector<16xi32>], vector<16xf32>,
          %mul3A_192 = arith.mulf %gather3A_190, %gather3A_191 : vector<16xf32>
          %add3A_193 = arith.addf %add3A_187, %mul3A_192 : vector<16xf32>
          %broadcast_in_dim3A_194 = arith.constant 19 : i32
          %broadcast_in_dim3A_195 = vector.broadcast %broadcast_in_dim3A_194 : i32 to vector<16xi32>
          %gather3A_196 = tpu.vector_load_idx %arg11[%add3A_79, %broadcast_in_dim3A_195] : memref<80x128xf32, #tpu.memory_space<vmem>>[vector<16xi32>, vector<16xi32>], vector<16xf32>,
          %gather3A_197 = tpu.vector_load_idx %arg12[%add3A_79, %broadcast_in_dim3A_195] : memref<80x128xf32, #tpu.memory_space<vmem>>[vector<16xi32>, vector<16xi32>], vector<16xf32>,
          %mul3A_198 = arith.mulf %gather3A_196, %gather3A_197 : vector<16xf32>
          %add3A_199 = arith.addf %add3A_193, %mul3A_198 : vector<16xf32>
          %broadcast_in_dim3A_200 = arith.constant 20 : i32
          %broadcast_in_dim3A_201 = vector.broadcast %broadcast_in_dim3A_200 : i32 to vector<16xi32>
          %gather3A_202 = tpu.vector_load_idx %arg11[%add3A_79, %broadcast_in_dim3A_201] : memref<80x128xf32, #tpu.memory_space<vmem>>[vector<16xi32>, vector<16xi32>], vector<16xf32>,
          %gather3A_203 = tpu.vector_load_idx %arg12[%add3A_79, %broadcast_in_dim3A_201] : memref<80x128xf32, #tpu.memory_space<vmem>>[vector<16xi32>, vector<16xi32>], vector<16xf32>,
          %mul3A_204 = arith.mulf %gather3A_202, %gather3A_203 : vector<16xf32>
          %add3A_205 = arith.addf %add3A_199, %mul3A_204 : vector<16xf32>
          %broadcast_in_dim3A_206 = arith.constant 21 : i32
          %broadcast_in_dim3A_207 = vector.broadcast %broadcast_in_dim3A_206 : i32 to vector<16xi32>
          %gather3A_208 = tpu.vector_load_idx %arg11[%add3A_79, %broadcast_in_dim3A_207] : memref<80x128xf32, #tpu.memory_space<vmem>>[vector<16xi32>, vector<16xi32>], vector<16xf32>,
          %gather3A_209 = tpu.vector_load_idx %arg12[%add3A_79, %broadcast_in_dim3A_207] : memref<80x128xf32, #tpu.memory_space<vmem>>[vector<16xi32>, vector<16xi32>], vector<16xf32>,
          %mul3A_210 = arith.mulf %gather3A_208, %gather3A_209 : vector<16xf32>
          %add3A_211 = arith.addf %add3A_205, %mul3A_210 : vector<16xf32>
          %broadcast_in_dim3A_212 = arith.constant 22 : i32
          %broadcast_in_dim3A_213 = vector.broadcast %broadcast_in_dim3A_212 : i32 to vector<16xi32>
          %gather3A_214 = tpu.vector_load_idx %arg11[%add3A_79, %broadcast_in_dim3A_213] : memref<80x128xf32, #tpu.memory_space<vmem>>[vector<16xi32>, vector<16xi32>], vector<16xf32>,
          %gather3A_215 = tpu.vector_load_idx %arg12[%add3A_79, %broadcast_in_dim3A_213] : memref<80x128xf32, #tpu.memory_space<vmem>>[vector<16xi32>, vector<16xi32>], vector<16xf32>,
          %mul3A_216 = arith.mulf %gather3A_214, %gather3A_215 : vector<16xf32>
          %add3A_217 = arith.addf %add3A_211, %mul3A_216 : vector<16xf32>
          %broadcast_in_dim3A_218 = arith.constant 23 : i32
          %broadcast_in_dim3A_219 = vector.broadcast %broadcast_in_dim3A_218 : i32 to vector<16xi32>
          %gather3A_220 = tpu.vector_load_idx %arg11[%add3A_79, %broadcast_in_dim3A_219] : memref<80x128xf32, #tpu.memory_space<vmem>>[vector<16xi32>, vector<16xi32>], vector<16xf32>,
          %gather3A_221 = tpu.vector_load_idx %arg12[%add3A_79, %broadcast_in_dim3A_219] : memref<80x128xf32, #tpu.memory_space<vmem>>[vector<16xi32>, vector<16xi32>], vector<16xf32>,
          %mul3A_222 = arith.mulf %gather3A_220, %gather3A_221 : vector<16xf32>
          %add3A_223 = arith.addf %add3A_217, %mul3A_222 : vector<16xf32>
          %broadcast_in_dim3A_224 = arith.constant 24 : i32
          %broadcast_in_dim3A_225 = vector.broadcast %broadcast_in_dim3A_224 : i32 to vector<16xi32>
          %gather3A_226 = tpu.vector_load_idx %arg11[%add3A_79, %broadcast_in_dim3A_225] : memref<80x128xf32, #tpu.memory_space<vmem>>[vector<16xi32>, vector<16xi32>], vector<16xf32>,
          %gather3A_227 = tpu.vector_load_idx %arg12[%add3A_79, %broadcast_in_dim3A_225] : memref<80x128xf32, #tpu.memory_space<vmem>>[vector<16xi32>, vector<16xi32>], vector<16xf32>,
          %mul3A_228 = arith.mulf %gather3A_226, %gather3A_227 : vector<16xf32>
          %add3A_229 = arith.addf %add3A_223, %mul3A_228 : vector<16xf32>
          %broadcast_in_dim3A_230 = arith.constant 25 : i32
          %broadcast_in_dim3A_231 = vector.broadcast %broadcast_in_dim3A_230 : i32 to vector<16xi32>
          %gather3A_232 = tpu.vector_load_idx %arg11[%add3A_79, %broadcast_in_dim3A_231] : memref<80x128xf32, #tpu.memory_space<vmem>>[vector<16xi32>, vector<16xi32>], vector<16xf32>,
          %gather3A_233 = tpu.vector_load_idx %arg12[%add3A_79, %broadcast_in_dim3A_231] : memref<80x128xf32, #tpu.memory_space<vmem>>[vector<16xi32>, vector<16xi32>], vector<16xf32>,
          %mul3A_234 = arith.mulf %gather3A_232, %gather3A_233 : vector<16xf32>
          %add3A_235 = arith.addf %add3A_229, %mul3A_234 : vector<16xf32>
          %broadcast_in_dim3A_236 = arith.constant 26 : i32
          %broadcast_in_dim3A_237 = vector.broadcast %broadcast_in_dim3A_236 : i32 to vector<16xi32>
          %gather3A_238 = tpu.vector_load_idx %arg11[%add3A_79, %broadcast_in_dim3A_237] : memref<80x128xf32, #tpu.memory_space<vmem>>[vector<16xi32>, vector<16xi32>], vector<16xf32>,
          %gather3A_239 = tpu.vector_load_idx %arg12[%add3A_79, %broadcast_in_dim3A_237] : memref<80x128xf32, #tpu.memory_space<vmem>>[vector<16xi32>, vector<16xi32>], vector<16xf32>,
          %mul3A_240 = arith.mulf %gather3A_238, %gather3A_239 : vector<16xf32>
          %add3A_241 = arith.addf %add3A_235, %mul3A_240 : vector<16xf32>
          %broadcast_in_dim3A_242 = arith.constant 27 : i32
          %broadcast_in_dim3A_243 = vector.broadcast %broadcast_in_dim3A_242 : i32 to vector<16xi32>
          %gather3A_244 = tpu.vector_load_idx %arg11[%add3A_79, %broadcast_in_dim3A_243] : memref<80x128xf32, #tpu.memory_space<vmem>>[vector<16xi32>, vector<16xi32>], vector<16xf32>,
          %gather3A_245 = tpu.vector_load_idx %arg12[%add3A_79, %broadcast_in_dim3A_243] : memref<80x128xf32, #tpu.memory_space<vmem>>[vector<16xi32>, vector<16xi32>], vector<16xf32>,
          %mul3A_246 = arith.mulf %gather3A_244, %gather3A_245 : vector<16xf32>
          %add3A_247 = arith.addf %add3A_241, %mul3A_246 : vector<16xf32>
          %broadcast_in_dim3A_248 = arith.constant 28 : i32
          %broadcast_in_dim3A_249 = vector.broadcast %broadcast_in_dim3A_248 : i32 to vector<16xi32>
          %gather3A_250 = tpu.vector_load_idx %arg11[%add3A_79, %broadcast_in_dim3A_249] : memref<80x128xf32, #tpu.memory_space<vmem>>[vector<16xi32>, vector<16xi32>], vector<16xf32>,
          %gather3A_251 = tpu.vector_load_idx %arg12[%add3A_79, %broadcast_in_dim3A_249] : memref<80x128xf32, #tpu.memory_space<vmem>>[vector<16xi32>, vector<16xi32>], vector<16xf32>,
          %mul3A_252 = arith.mulf %gather3A_250, %gather3A_251 : vector<16xf32>
          %add3A_253 = arith.addf %add3A_247, %mul3A_252 : vector<16xf32>
          %broadcast_in_dim3A_254 = arith.constant 29 : i32
          %broadcast_in_dim3A_255 = vector.broadcast %broadcast_in_dim3A_254 : i32 to vector<16xi32>
          %gather3A_256 = tpu.vector_load_idx %arg11[%add3A_79, %broadcast_in_dim3A_255] : memref<80x128xf32, #tpu.memory_space<vmem>>[vector<16xi32>, vector<16xi32>], vector<16xf32>,
          %gather3A_257 = tpu.vector_load_idx %arg12[%add3A_79, %broadcast_in_dim3A_255] : memref<80x128xf32, #tpu.memory_space<vmem>>[vector<16xi32>, vector<16xi32>], vector<16xf32>,
          %mul3A_258 = arith.mulf %gather3A_256, %gather3A_257 : vector<16xf32>
          %add3A_259 = arith.addf %add3A_253, %mul3A_258 : vector<16xf32>
          %broadcast_in_dim3A_260 = arith.constant 30 : i32
          %broadcast_in_dim3A_261 = vector.broadcast %broadcast_in_dim3A_260 : i32 to vector<16xi32>
          %gather3A_262 = tpu.vector_load_idx %arg11[%add3A_79, %broadcast_in_dim3A_261] : memref<80x128xf32, #tpu.memory_space<vmem>>[vector<16xi32>, vector<16xi32>], vector<16xf32>,
          %gather3A_263 = tpu.vector_load_idx %arg12[%add3A_79, %broadcast_in_dim3A_261] : memref<80x128xf32, #tpu.memory_space<vmem>>[vector<16xi32>, vector<16xi32>], vector<16xf32>,
          %mul3A_264 = arith.mulf %gather3A_262, %gather3A_263 : vector<16xf32>
          %add3A_265 = arith.addf %add3A_259, %mul3A_264 : vector<16xf32>
          %broadcast_in_dim3A_266 = arith.constant 31 : i32
          %broadcast_in_dim3A_267 = vector.broadcast %broadcast_in_dim3A_266 : i32 to vector<16xi32>
          %gather3A_268 = tpu.vector_load_idx %arg11[%add3A_79, %broadcast_in_dim3A_267] : memref<80x128xf32, #tpu.memory_space<vmem>>[vector<16xi32>, vector<16xi32>], vector<16xf32>,
          %gather3A_269 = tpu.vector_load_idx %arg12[%add3A_79, %broadcast_in_dim3A_267] : memref<80x128xf32, #tpu.memory_space<vmem>>[vector<16xi32>, vector<16xi32>], vector<16xf32>,
          %mul3A_270 = arith.mulf %gather3A_268, %gather3A_269 : vector<16xf32>
          %add3A_271 = arith.addf %add3A_265, %mul3A_270 : vector<16xf32>
          %broadcast_in_dim3A_272 = arith.constant 32 : i32
          %broadcast_in_dim3A_273 = vector.broadcast %broadcast_in_dim3A_272 : i32 to vector<16xi32>
          %gather3A_274 = tpu.vector_load_idx %arg11[%add3A_79, %broadcast_in_dim3A_273] : memref<80x128xf32, #tpu.memory_space<vmem>>[vector<16xi32>, vector<16xi32>], vector<16xf32>,
          %gather3A_275 = tpu.vector_load_idx %arg12[%add3A_79, %broadcast_in_dim3A_273] : memref<80x128xf32, #tpu.memory_space<vmem>>[vector<16xi32>, vector<16xi32>], vector<16xf32>,
          %mul3A_276 = arith.mulf %gather3A_274, %gather3A_275 : vector<16xf32>
          %add3A_277 = arith.addf %add3A_271, %mul3A_276 : vector<16xf32>
          %broadcast_in_dim3A_278 = arith.constant 33 : i32
          %broadcast_in_dim3A_279 = vector.broadcast %broadcast_in_dim3A_278 : i32 to vector<16xi32>
          %gather3A_280 = tpu.vector_load_idx %arg11[%add3A_79, %broadcast_in_dim3A_279] : memref<80x128xf32, #tpu.memory_space<vmem>>[vector<16xi32>, vector<16xi32>], vector<16xf32>,
          %gather3A_281 = tpu.vector_load_idx %arg12[%add3A_79, %broadcast_in_dim3A_279] : memref<80x128xf32, #tpu.memory_space<vmem>>[vector<16xi32>, vector<16xi32>], vector<16xf32>,
          %mul3A_282 = arith.mulf %gather3A_280, %gather3A_281 : vector<16xf32>
          %add3A_283 = arith.addf %add3A_277, %mul3A_282 : vector<16xf32>
          %broadcast_in_dim3A_284 = arith.constant 34 : i32
          %broadcast_in_dim3A_285 = vector.broadcast %broadcast_in_dim3A_284 : i32 to vector<16xi32>
          %gather3A_286 = tpu.vector_load_idx %arg11[%add3A_79, %broadcast_in_dim3A_285] : memref<80x128xf32, #tpu.memory_space<vmem>>[vector<16xi32>, vector<16xi32>], vector<16xf32>,
          %gather3A_287 = tpu.vector_load_idx %arg12[%add3A_79, %broadcast_in_dim3A_285] : memref<80x128xf32, #tpu.memory_space<vmem>>[vector<16xi32>, vector<16xi32>], vector<16xf32>,
          %mul3A_288 = arith.mulf %gather3A_286, %gather3A_287 : vector<16xf32>
          %add3A_289 = arith.addf %add3A_283, %mul3A_288 : vector<16xf32>
          %broadcast_in_dim3A_290 = arith.constant 35 : i32
          %broadcast_in_dim3A_291 = vector.broadcast %broadcast_in_dim3A_290 : i32 to vector<16xi32>
          %gather3A_292 = tpu.vector_load_idx %arg11[%add3A_79, %broadcast_in_dim3A_291] : memref<80x128xf32, #tpu.memory_space<vmem>>[vector<16xi32>, vector<16xi32>], vector<16xf32>,
          %gather3A_293 = tpu.vector_load_idx %arg12[%add3A_79, %broadcast_in_dim3A_291] : memref<80x128xf32, #tpu.memory_space<vmem>>[vector<16xi32>, vector<16xi32>], vector<16xf32>,
          %mul3A_294 = arith.mulf %gather3A_292, %gather3A_293 : vector<16xf32>
          %add3A_295 = arith.addf %add3A_289, %mul3A_294 : vector<16xf32>
          %broadcast_in_dim3A_296 = arith.constant 36 : i32
          %broadcast_in_dim3A_297 = vector.broadcast %broadcast_in_dim3A_296 : i32 to vector<16xi32>
          %gather3A_298 = tpu.vector_load_idx %arg11[%add3A_79, %broadcast_in_dim3A_297] : memref<80x128xf32, #tpu.memory_space<vmem>>[vector<16xi32>, vector<16xi32>], vector<16xf32>,
          %gather3A_299 = tpu.vector_load_idx %arg12[%add3A_79, %broadcast_in_dim3A_297] : memref<80x128xf32, #tpu.memory_space<vmem>>[vector<16xi32>, vector<16xi32>], vector<16xf32>,
          %mul3A_300 = arith.mulf %gather3A_298, %gather3A_299 : vector<16xf32>
          %add3A_301 = arith.addf %add3A_295, %mul3A_300 : vector<16xf32>
          %broadcast_in_dim3A_302 = arith.constant 37 : i32
          %broadcast_in_dim3A_303 = vector.broadcast %broadcast_in_dim3A_302 : i32 to vector<16xi32>
          %gather3A_304 = tpu.vector_load_idx %arg11[%add3A_79, %broadcast_in_dim3A_303] : memref<80x128xf32, #tpu.memory_space<vmem>>[vector<16xi32>, vector<16xi32>], vector<16xf32>,
          %gather3A_305 = tpu.vector_load_idx %arg12[%add3A_79, %broadcast_in_dim3A_303] : memref<80x128xf32, #tpu.memory_space<vmem>>[vector<16xi32>, vector<16xi32>], vector<16xf32>,
          %mul3A_306 = arith.mulf %gather3A_304, %gather3A_305 : vector<16xf32>
          %add3A_307 = arith.addf %add3A_301, %mul3A_306 : vector<16xf32>
          %broadcast_in_dim3A_308 = arith.constant 38 : i32
          %broadcast_in_dim3A_309 = vector.broadcast %broadcast_in_dim3A_308 : i32 to vector<16xi32>
          %gather3A_310 = tpu.vector_load_idx %arg11[%add3A_79, %broadcast_in_dim3A_309] : memref<80x128xf32, #tpu.memory_space<vmem>>[vector<16xi32>, vector<16xi32>], vector<16xf32>,
          %gather3A_311 = tpu.vector_load_idx %arg12[%add3A_79, %broadcast_in_dim3A_309] : memref<80x128xf32, #tpu.memory_space<vmem>>[vector<16xi32>, vector<16xi32>], vector<16xf32>,
          %mul3A_312 = arith.mulf %gather3A_310, %gather3A_311 : vector<16xf32>
          %add3A_313 = arith.addf %add3A_307, %mul3A_312 : vector<16xf32>
          %broadcast_in_dim3A_314 = arith.constant 39 : i32
          %broadcast_in_dim3A_315 = vector.broadcast %broadcast_in_dim3A_314 : i32 to vector<16xi32>
          %gather3A_316 = tpu.vector_load_idx %arg11[%add3A_79, %broadcast_in_dim3A_315] : memref<80x128xf32, #tpu.memory_space<vmem>>[vector<16xi32>, vector<16xi32>], vector<16xf32>,
          %gather3A_317 = tpu.vector_load_idx %arg12[%add3A_79, %broadcast_in_dim3A_315] : memref<80x128xf32, #tpu.memory_space<vmem>>[vector<16xi32>, vector<16xi32>], vector<16xf32>,
          %mul3A_318 = arith.mulf %gather3A_316, %gather3A_317 : vector<16xf32>
          %add3A_319 = arith.addf %add3A_313, %mul3A_318 : vector<16xf32>
          %broadcast_in_dim3A_320 = arith.constant 40 : i32
          %broadcast_in_dim3A_321 = vector.broadcast %broadcast_in_dim3A_320 : i32 to vector<16xi32>
          %gather3A_322 = tpu.vector_load_idx %arg11[%add3A_79, %broadcast_in_dim3A_321] : memref<80x128xf32, #tpu.memory_space<vmem>>[vector<16xi32>, vector<16xi32>], vector<16xf32>,
          %gather3A_323 = tpu.vector_load_idx %arg12[%add3A_79, %broadcast_in_dim3A_321] : memref<80x128xf32, #tpu.memory_space<vmem>>[vector<16xi32>, vector<16xi32>], vector<16xf32>,
          %mul3A_324 = arith.mulf %gather3A_322, %gather3A_323 : vector<16xf32>
          %add3A_325 = arith.addf %add3A_319, %mul3A_324 : vector<16xf32>
          %broadcast_in_dim3A_326 = arith.constant 41 : i32
          %broadcast_in_dim3A_327 = vector.broadcast %broadcast_in_dim3A_326 : i32 to vector<16xi32>
          %gather3A_328 = tpu.vector_load_idx %arg11[%add3A_79, %broadcast_in_dim3A_327] : memref<80x128xf32, #tpu.memory_space<vmem>>[vector<16xi32>, vector<16xi32>], vector<16xf32>,
          %gather3A_329 = tpu.vector_load_idx %arg12[%add3A_79, %broadcast_in_dim3A_327] : memref<80x128xf32, #tpu.memory_space<vmem>>[vector<16xi32>, vector<16xi32>], vector<16xf32>,
          %mul3A_330 = arith.mulf %gather3A_328, %gather3A_329 : vector<16xf32>
          %add3A_331 = arith.addf %add3A_325, %mul3A_330 : vector<16xf32>
          %broadcast_in_dim3A_332 = arith.constant 42 : i32
          %broadcast_in_dim3A_333 = vector.broadcast %broadcast_in_dim3A_332 : i32 to vector<16xi32>
          %gather3A_334 = tpu.vector_load_idx %arg11[%add3A_79, %broadcast_in_dim3A_333] : memref<80x128xf32, #tpu.memory_space<vmem>>[vector<16xi32>, vector<16xi32>], vector<16xf32>,
          %gather3A_335 = tpu.vector_load_idx %arg12[%add3A_79, %broadcast_in_dim3A_333] : memref<80x128xf32, #tpu.memory_space<vmem>>[vector<16xi32>, vector<16xi32>], vector<16xf32>,
          %mul3A_336 = arith.mulf %gather3A_334, %gather3A_335 : vector<16xf32>
          %add3A_337 = arith.addf %add3A_331, %mul3A_336 : vector<16xf32>
          %broadcast_in_dim3A_338 = arith.constant 43 : i32
          %broadcast_in_dim3A_339 = vector.broadcast %broadcast_in_dim3A_338 : i32 to vector<16xi32>
          %gather3A_340 = tpu.vector_load_idx %arg11[%add3A_79, %broadcast_in_dim3A_339] : memref<80x128xf32, #tpu.memory_space<vmem>>[vector<16xi32>, vector<16xi32>], vector<16xf32>,
          %gather3A_341 = tpu.vector_load_idx %arg12[%add3A_79, %broadcast_in_dim3A_339] : memref<80x128xf32, #tpu.memory_space<vmem>>[vector<16xi32>, vector<16xi32>], vector<16xf32>,
          %mul3A_342 = arith.mulf %gather3A_340, %gather3A_341 : vector<16xf32>
          %add3A_343 = arith.addf %add3A_337, %mul3A_342 : vector<16xf32>
          %broadcast_in_dim3A_344 = arith.constant 44 : i32
          %broadcast_in_dim3A_345 = vector.broadcast %broadcast_in_dim3A_344 : i32 to vector<16xi32>
          %gather3A_346 = tpu.vector_load_idx %arg11[%add3A_79, %broadcast_in_dim3A_345] : memref<80x128xf32, #tpu.memory_space<vmem>>[vector<16xi32>, vector<16xi32>], vector<16xf32>,
          %gather3A_347 = tpu.vector_load_idx %arg12[%add3A_79, %broadcast_in_dim3A_345] : memref<80x128xf32, #tpu.memory_space<vmem>>[vector<16xi32>, vector<16xi32>], vector<16xf32>,
          %mul3A_348 = arith.mulf %gather3A_346, %gather3A_347 : vector<16xf32>
          %add3A_349 = arith.addf %add3A_343, %mul3A_348 : vector<16xf32>
          %broadcast_in_dim3A_350 = arith.constant 45 : i32
          %broadcast_in_dim3A_351 = vector.broadcast %broadcast_in_dim3A_350 : i32 to vector<16xi32>
          %gather3A_352 = tpu.vector_load_idx %arg11[%add3A_79, %broadcast_in_dim3A_351] : memref<80x128xf32, #tpu.memory_space<vmem>>[vector<16xi32>, vector<16xi32>], vector<16xf32>,
          %gather3A_353 = tpu.vector_load_idx %arg12[%add3A_79, %broadcast_in_dim3A_351] : memref<80x128xf32, #tpu.memory_space<vmem>>[vector<16xi32>, vector<16xi32>], vector<16xf32>,
          %mul3A_354 = arith.mulf %gather3A_352, %gather3A_353 : vector<16xf32>
          %add3A_355 = arith.addf %add3A_349, %mul3A_354 : vector<16xf32>
          %broadcast_in_dim3A_356 = arith.constant 46 : i32
          %broadcast_in_dim3A_357 = vector.broadcast %broadcast_in_dim3A_356 : i32 to vector<16xi32>
          %gather3A_358 = tpu.vector_load_idx %arg11[%add3A_79, %broadcast_in_dim3A_357] : memref<80x128xf32, #tpu.memory_space<vmem>>[vector<16xi32>, vector<16xi32>], vector<16xf32>,
          %gather3A_359 = tpu.vector_load_idx %arg12[%add3A_79, %broadcast_in_dim3A_357] : memref<80x128xf32, #tpu.memory_space<vmem>>[vector<16xi32>, vector<16xi32>], vector<16xf32>,
          %mul3A_360 = arith.mulf %gather3A_358, %gather3A_359 : vector<16xf32>
          %add3A_361 = arith.addf %add3A_355, %mul3A_360 : vector<16xf32>
          %broadcast_in_dim3A_362 = arith.constant 47 : i32
          %broadcast_in_dim3A_363 = vector.broadcast %broadcast_in_dim3A_362 : i32 to vector<16xi32>
          %gather3A_364 = tpu.vector_load_idx %arg11[%add3A_79, %broadcast_in_dim3A_363] : memref<80x128xf32, #tpu.memory_space<vmem>>[vector<16xi32>, vector<16xi32>], vector<16xf32>,
          %gather3A_365 = tpu.vector_load_idx %arg12[%add3A_79, %broadcast_in_dim3A_363] : memref<80x128xf32, #tpu.memory_space<vmem>>[vector<16xi32>, vector<16xi32>], vector<16xf32>,
          %mul3A_366 = arith.mulf %gather3A_364, %gather3A_365 : vector<16xf32>
          %add3A_367 = arith.addf %add3A_361, %mul3A_366 : vector<16xf32>
          %broadcast_in_dim3A_368 = arith.constant 48 : i32
          %broadcast_in_dim3A_369 = vector.broadcast %broadcast_in_dim3A_368 : i32 to vector<16xi32>
          %gather3A_370 = tpu.vector_load_idx %arg11[%add3A_79, %broadcast_in_dim3A_369] : memref<80x128xf32, #tpu.memory_space<vmem>>[vector<16xi32>, vector<16xi32>], vector<16xf32>,
          %gather3A_371 = tpu.vector_load_idx %arg12[%add3A_79, %broadcast_in_dim3A_369] : memref<80x128xf32, #tpu.memory_space<vmem>>[vector<16xi32>, vector<16xi32>], vector<16xf32>,
          %mul3A_372 = arith.mulf %gather3A_370, %gather3A_371 : vector<16xf32>
          %add3A_373 = arith.addf %add3A_367, %mul3A_372 : vector<16xf32>
          %broadcast_in_dim3A_374 = arith.constant 49 : i32
          %broadcast_in_dim3A_375 = vector.broadcast %broadcast_in_dim3A_374 : i32 to vector<16xi32>
          %gather3A_376 = tpu.vector_load_idx %arg11[%add3A_79, %broadcast_in_dim3A_375] : memref<80x128xf32, #tpu.memory_space<vmem>>[vector<16xi32>, vector<16xi32>], vector<16xf32>,
          %gather3A_377 = tpu.vector_load_idx %arg12[%add3A_79, %broadcast_in_dim3A_375] : memref<80x128xf32, #tpu.memory_space<vmem>>[vector<16xi32>, vector<16xi32>], vector<16xf32>,
          %mul3A_378 = arith.mulf %gather3A_376, %gather3A_377 : vector<16xf32>
          %add3A_379 = arith.addf %add3A_373, %mul3A_378 : vector<16xf32>
          %broadcast_in_dim3A_380 = arith.constant 50 : i32
          %broadcast_in_dim3A_381 = vector.broadcast %broadcast_in_dim3A_380 : i32 to vector<16xi32>
          %gather3A_382 = tpu.vector_load_idx %arg11[%add3A_79, %broadcast_in_dim3A_381] : memref<80x128xf32, #tpu.memory_space<vmem>>[vector<16xi32>, vector<16xi32>], vector<16xf32>,
          %gather3A_383 = tpu.vector_load_idx %arg12[%add3A_79, %broadcast_in_dim3A_381] : memref<80x128xf32, #tpu.memory_space<vmem>>[vector<16xi32>, vector<16xi32>], vector<16xf32>,
          %mul3A_384 = arith.mulf %gather3A_382, %gather3A_383 : vector<16xf32>
          %add3A_385 = arith.addf %add3A_379, %mul3A_384 : vector<16xf32>
          %broadcast_in_dim3A_386 = arith.constant 51 : i32
          %broadcast_in_dim3A_387 = vector.broadcast %broadcast_in_dim3A_386 : i32 to vector<16xi32>
          %gather3A_388 = tpu.vector_load_idx %arg11[%add3A_79, %broadcast_in_dim3A_387] : memref<80x128xf32, #tpu.memory_space<vmem>>[vector<16xi32>, vector<16xi32>], vector<16xf32>,
          %gather3A_389 = tpu.vector_load_idx %arg12[%add3A_79, %broadcast_in_dim3A_387] : memref<80x128xf32, #tpu.memory_space<vmem>>[vector<16xi32>, vector<16xi32>], vector<16xf32>,
          %mul3A_390 = arith.mulf %gather3A_388, %gather3A_389 : vector<16xf32>
          %add3A_391 = arith.addf %add3A_385, %mul3A_390 : vector<16xf32>
          %broadcast_in_dim3A_392 = arith.constant 52 : i32
          %broadcast_in_dim3A_393 = vector.broadcast %broadcast_in_dim3A_392 : i32 to vector<16xi32>
          %gather3A_394 = tpu.vector_load_idx %arg11[%add3A_79, %broadcast_in_dim3A_393] : memref<80x128xf32, #tpu.memory_space<vmem>>[vector<16xi32>, vector<16xi32>], vector<16xf32>,
          %gather3A_395 = tpu.vector_load_idx %arg12[%add3A_79, %broadcast_in_dim3A_393] : memref<80x128xf32, #tpu.memory_space<vmem>>[vector<16xi32>, vector<16xi32>], vector<16xf32>,
          %mul3A_396 = arith.mulf %gather3A_394, %gather3A_395 : vector<16xf32>
          %add3A_397 = arith.addf %add3A_391, %mul3A_396 : vector<16xf32>
          %broadcast_in_dim3A_398 = arith.constant 53 : i32
          %broadcast_in_dim3A_399 = vector.broadcast %broadcast_in_dim3A_398 : i32 to vector<16xi32>
          %gather3A_400 = tpu.vector_load_idx %arg11[%add3A_79, %broadcast_in_dim3A_399] : memref<80x128xf32, #tpu.memory_space<vmem>>[vector<16xi32>, vector<16xi32>], vector<16xf32>,
          %gather3A_401 = tpu.vector_load_idx %arg12[%add3A_79, %broadcast_in_dim3A_399] : memref<80x128xf32, #tpu.memory_space<vmem>>[vector<16xi32>, vector<16xi32>], vector<16xf32>,
          %mul3A_402 = arith.mulf %gather3A_400, %gather3A_401 : vector<16xf32>
          %add3A_403 = arith.addf %add3A_397, %mul3A_402 : vector<16xf32>
          %broadcast_in_dim3A_404 = arith.constant 54 : i32
          %broadcast_in_dim3A_405 = vector.broadcast %broadcast_in_dim3A_404 : i32 to vector<16xi32>
          %gather3A_406 = tpu.vector_load_idx %arg11[%add3A_79, %broadcast_in_dim3A_405] : memref<80x128xf32, #tpu.memory_space<vmem>>[vector<16xi32>, vector<16xi32>], vector<16xf32>,
          %gather3A_407 = tpu.vector_load_idx %arg12[%add3A_79, %broadcast_in_dim3A_405] : memref<80x128xf32, #tpu.memory_space<vmem>>[vector<16xi32>, vector<16xi32>], vector<16xf32>,
          %mul3A_408 = arith.mulf %gather3A_406, %gather3A_407 : vector<16xf32>
          %add3A_409 = arith.addf %add3A_403, %mul3A_408 : vector<16xf32>
          %broadcast_in_dim3A_410 = arith.constant 55 : i32
          %broadcast_in_dim3A_411 = vector.broadcast %broadcast_in_dim3A_410 : i32 to vector<16xi32>
          %gather3A_412 = tpu.vector_load_idx %arg11[%add3A_79, %broadcast_in_dim3A_411] : memref<80x128xf32, #tpu.memory_space<vmem>>[vector<16xi32>, vector<16xi32>], vector<16xf32>,
          %gather3A_413 = tpu.vector_load_idx %arg12[%add3A_79, %broadcast_in_dim3A_411] : memref<80x128xf32, #tpu.memory_space<vmem>>[vector<16xi32>, vector<16xi32>], vector<16xf32>,
          %mul3A_414 = arith.mulf %gather3A_412, %gather3A_413 : vector<16xf32>
          %add3A_415 = arith.addf %add3A_409, %mul3A_414 : vector<16xf32>
          %broadcast_in_dim3A_416 = arith.constant 56 : i32
          %broadcast_in_dim3A_417 = vector.broadcast %broadcast_in_dim3A_416 : i32 to vector<16xi32>
          %gather3A_418 = tpu.vector_load_idx %arg11[%add3A_79, %broadcast_in_dim3A_417] : memref<80x128xf32, #tpu.memory_space<vmem>>[vector<16xi32>, vector<16xi32>], vector<16xf32>,
          %gather3A_419 = tpu.vector_load_idx %arg12[%add3A_79, %broadcast_in_dim3A_417] : memref<80x128xf32, #tpu.memory_space<vmem>>[vector<16xi32>, vector<16xi32>], vector<16xf32>,
          %mul3A_420 = arith.mulf %gather3A_418, %gather3A_419 : vector<16xf32>
          %add3A_421 = arith.addf %add3A_415, %mul3A_420 : vector<16xf32>
          %broadcast_in_dim3A_422 = arith.constant 57 : i32
          %broadcast_in_dim3A_423 = vector.broadcast %broadcast_in_dim3A_422 : i32 to vector<16xi32>
          %gather3A_424 = tpu.vector_load_idx %arg11[%add3A_79, %broadcast_in_dim3A_423] : memref<80x128xf32, #tpu.memory_space<vmem>>[vector<16xi32>, vector<16xi32>], vector<16xf32>,
          %gather3A_425 = tpu.vector_load_idx %arg12[%add3A_79, %broadcast_in_dim3A_423] : memref<80x128xf32, #tpu.memory_space<vmem>>[vector<16xi32>, vector<16xi32>], vector<16xf32>,
          %mul3A_426 = arith.mulf %gather3A_424, %gather3A_425 : vector<16xf32>
          %add3A_427 = arith.addf %add3A_421, %mul3A_426 : vector<16xf32>
          %broadcast_in_dim3A_428 = arith.constant 58 : i32
          %broadcast_in_dim3A_429 = vector.broadcast %broadcast_in_dim3A_428 : i32 to vector<16xi32>
          %gather3A_430 = tpu.vector_load_idx %arg11[%add3A_79, %broadcast_in_dim3A_429] : memref<80x128xf32, #tpu.memory_space<vmem>>[vector<16xi32>, vector<16xi32>], vector<16xf32>,
          %gather3A_431 = tpu.vector_load_idx %arg12[%add3A_79, %broadcast_in_dim3A_429] : memref<80x128xf32, #tpu.memory_space<vmem>>[vector<16xi32>, vector<16xi32>], vector<16xf32>,
          %mul3A_432 = arith.mulf %gather3A_430, %gather3A_431 : vector<16xf32>
          %add3A_433 = arith.addf %add3A_427, %mul3A_432 : vector<16xf32>
          %broadcast_in_dim3A_434 = arith.constant 59 : i32
          %broadcast_in_dim3A_435 = vector.broadcast %broadcast_in_dim3A_434 : i32 to vector<16xi32>
          %gather3A_436 = tpu.vector_load_idx %arg11[%add3A_79, %broadcast_in_dim3A_435] : memref<80x128xf32, #tpu.memory_space<vmem>>[vector<16xi32>, vector<16xi32>], vector<16xf32>,
          %gather3A_437 = tpu.vector_load_idx %arg12[%add3A_79, %broadcast_in_dim3A_435] : memref<80x128xf32, #tpu.memory_space<vmem>>[vector<16xi32>, vector<16xi32>], vector<16xf32>,
          %mul3A_438 = arith.mulf %gather3A_436, %gather3A_437 : vector<16xf32>
          %add3A_439 = arith.addf %add3A_433, %mul3A_438 : vector<16xf32>
          %broadcast_in_dim3A_440 = arith.constant 60 : i32
          %broadcast_in_dim3A_441 = vector.broadcast %broadcast_in_dim3A_440 : i32 to vector<16xi32>
          %gather3A_442 = tpu.vector_load_idx %arg11[%add3A_79, %broadcast_in_dim3A_441] : memref<80x128xf32, #tpu.memory_space<vmem>>[vector<16xi32>, vector<16xi32>], vector<16xf32>,
          %gather3A_443 = tpu.vector_load_idx %arg12[%add3A_79, %broadcast_in_dim3A_441] : memref<80x128xf32, #tpu.memory_space<vmem>>[vector<16xi32>, vector<16xi32>], vector<16xf32>,
          %mul3A_444 = arith.mulf %gather3A_442, %gather3A_443 : vector<16xf32>
          %add3A_445 = arith.addf %add3A_439, %mul3A_444 : vector<16xf32>
          %broadcast_in_dim3A_446 = arith.constant 61 : i32
          %broadcast_in_dim3A_447 = vector.broadcast %broadcast_in_dim3A_446 : i32 to vector<16xi32>
          %gather3A_448 = tpu.vector_load_idx %arg11[%add3A_79, %broadcast_in_dim3A_447] : memref<80x128xf32, #tpu.memory_space<vmem>>[vector<16xi32>, vector<16xi32>], vector<16xf32>,
          %gather3A_449 = tpu.vector_load_idx %arg12[%add3A_79, %broadcast_in_dim3A_447] : memref<80x128xf32, #tpu.memory_space<vmem>>[vector<16xi32>, vector<16xi32>], vector<16xf32>,
          %mul3A_450 = arith.mulf %gather3A_448, %gather3A_449 : vector<16xf32>
          %add3A_451 = arith.addf %add3A_445, %mul3A_450 : vector<16xf32>
          %broadcast_in_dim3A_452 = arith.constant 62 : i32
          %broadcast_in_dim3A_453 = vector.broadcast %broadcast_in_dim3A_452 : i32 to vector<16xi32>
          %gather3A_454 = tpu.vector_load_idx %arg11[%add3A_79, %broadcast_in_dim3A_453] : memref<80x128xf32, #tpu.memory_space<vmem>>[vector<16xi32>, vector<16xi32>], vector<16xf32>,
          %gather3A_455 = tpu.vector_load_idx %arg12[%add3A_79, %broadcast_in_dim3A_453] : memref<80x128xf32, #tpu.memory_space<vmem>>[vector<16xi32>, vector<16xi32>], vector<16xf32>,
          %mul3A_456 = arith.mulf %gather3A_454, %gather3A_455 : vector<16xf32>
          %add3A_457 = arith.addf %add3A_451, %mul3A_456 : vector<16xf32>
          %broadcast_in_dim3A_458 = arith.constant 63 : i32
          %broadcast_in_dim3A_459 = vector.broadcast %broadcast_in_dim3A_458 : i32 to vector<16xi32>
          %gather3A_460 = tpu.vector_load_idx %arg11[%add3A_79, %broadcast_in_dim3A_459] : memref<80x128xf32, #tpu.memory_space<vmem>>[vector<16xi32>, vector<16xi32>], vector<16xf32>,
          %gather3A_461 = tpu.vector_load_idx %arg12[%add3A_79, %broadcast_in_dim3A_459] : memref<80x128xf32, #tpu.memory_space<vmem>>[vector<16xi32>, vector<16xi32>], vector<16xf32>,
          %mul3A_462 = arith.mulf %gather3A_460, %gather3A_461 : vector<16xf32>
          %add3A_463 = arith.addf %add3A_457, %mul3A_462 : vector<16xf32>
          %broadcast_in_dim3A_464 = arith.constant 64 : i32
          %broadcast_in_dim3A_465 = vector.broadcast %broadcast_in_dim3A_464 : i32 to vector<16xi32>
          %gather3A_466 = tpu.vector_load_idx %arg11[%add3A_79, %broadcast_in_dim3A_465] : memref<80x128xf32, #tpu.memory_space<vmem>>[vector<16xi32>, vector<16xi32>], vector<16xf32>,
          %gather3A_467 = tpu.vector_load_idx %arg12[%add3A_79, %broadcast_in_dim3A_465] : memref<80x128xf32, #tpu.memory_space<vmem>>[vector<16xi32>, vector<16xi32>], vector<16xf32>,
          %mul3A_468 = arith.mulf %gather3A_466, %gather3A_467 : vector<16xf32>
          %add3A_469 = arith.addf %add3A_463, %mul3A_468 : vector<16xf32>
          %broadcast_in_dim3A_470 = arith.constant 65 : i32
          %broadcast_in_dim3A_471 = vector.broadcast %broadcast_in_dim3A_470 : i32 to vector<16xi32>
          %gather3A_472 = tpu.vector_load_idx %arg11[%add3A_79, %broadcast_in_dim3A_471] : memref<80x128xf32, #tpu.memory_space<vmem>>[vector<16xi32>, vector<16xi32>], vector<16xf32>,
          %gather3A_473 = tpu.vector_load_idx %arg12[%add3A_79, %broadcast_in_dim3A_471] : memref<80x128xf32, #tpu.memory_space<vmem>>[vector<16xi32>, vector<16xi32>], vector<16xf32>,
          %mul3A_474 = arith.mulf %gather3A_472, %gather3A_473 : vector<16xf32>
          %add3A_475 = arith.addf %add3A_469, %mul3A_474 : vector<16xf32>
          %broadcast_in_dim3A_476 = arith.constant 66 : i32
          %broadcast_in_dim3A_477 = vector.broadcast %broadcast_in_dim3A_476 : i32 to vector<16xi32>
          %gather3A_478 = tpu.vector_load_idx %arg11[%add3A_79, %broadcast_in_dim3A_477] : memref<80x128xf32, #tpu.memory_space<vmem>>[vector<16xi32>, vector<16xi32>], vector<16xf32>,
          %gather3A_479 = tpu.vector_load_idx %arg12[%add3A_79, %broadcast_in_dim3A_477] : memref<80x128xf32, #tpu.memory_space<vmem>>[vector<16xi32>, vector<16xi32>], vector<16xf32>,
          %mul3A_480 = arith.mulf %gather3A_478, %gather3A_479 : vector<16xf32>
          %add3A_481 = arith.addf %add3A_475, %mul3A_480 : vector<16xf32>
          %broadcast_in_dim3A_482 = arith.constant 67 : i32
          %broadcast_in_dim3A_483 = vector.broadcast %broadcast_in_dim3A_482 : i32 to vector<16xi32>
          %gather3A_484 = tpu.vector_load_idx %arg11[%add3A_79, %broadcast_in_dim3A_483] : memref<80x128xf32, #tpu.memory_space<vmem>>[vector<16xi32>, vector<16xi32>], vector<16xf32>,
          %gather3A_485 = tpu.vector_load_idx %arg12[%add3A_79, %broadcast_in_dim3A_483] : memref<80x128xf32, #tpu.memory_space<vmem>>[vector<16xi32>, vector<16xi32>], vector<16xf32>,
          %mul3A_486 = arith.mulf %gather3A_484, %gather3A_485 : vector<16xf32>
          %add3A_487 = arith.addf %add3A_481, %mul3A_486 : vector<16xf32>
          %broadcast_in_dim3A_488 = arith.constant 68 : i32
          %broadcast_in_dim3A_489 = vector.broadcast %broadcast_in_dim3A_488 : i32 to vector<16xi32>
          %gather3A_490 = tpu.vector_load_idx %arg11[%add3A_79, %broadcast_in_dim3A_489] : memref<80x128xf32, #tpu.memory_space<vmem>>[vector<16xi32>, vector<16xi32>], vector<16xf32>,
          %gather3A_491 = tpu.vector_load_idx %arg12[%add3A_79, %broadcast_in_dim3A_489] : memref<80x128xf32, #tpu.memory_space<vmem>>[vector<16xi32>, vector<16xi32>], vector<16xf32>,
          %mul3A_492 = arith.mulf %gather3A_490, %gather3A_491 : vector<16xf32>
          %add3A_493 = arith.addf %add3A_487, %mul3A_492 : vector<16xf32>
          %broadcast_in_dim3A_494 = arith.constant 69 : i32
          %broadcast_in_dim3A_495 = vector.broadcast %broadcast_in_dim3A_494 : i32 to vector<16xi32>
          %gather3A_496 = tpu.vector_load_idx %arg11[%add3A_79, %broadcast_in_dim3A_495] : memref<80x128xf32, #tpu.memory_space<vmem>>[vector<16xi32>, vector<16xi32>], vector<16xf32>,
          %gather3A_497 = tpu.vector_load_idx %arg12[%add3A_79, %broadcast_in_dim3A_495] : memref<80x128xf32, #tpu.memory_space<vmem>>[vector<16xi32>, vector<16xi32>], vector<16xf32>,
          %mul3A_498 = arith.mulf %gather3A_496, %gather3A_497 : vector<16xf32>
          %add3A_499 = arith.addf %add3A_493, %mul3A_498 : vector<16xf32>
          %broadcast_in_dim3A_500 = arith.constant 70 : i32
          %broadcast_in_dim3A_501 = vector.broadcast %broadcast_in_dim3A_500 : i32 to vector<16xi32>
          %gather3A_502 = tpu.vector_load_idx %arg11[%add3A_79, %broadcast_in_dim3A_501] : memref<80x128xf32, #tpu.memory_space<vmem>>[vector<16xi32>, vector<16xi32>], vector<16xf32>,
          %gather3A_503 = tpu.vector_load_idx %arg12[%add3A_79, %broadcast_in_dim3A_501] : memref<80x128xf32, #tpu.memory_space<vmem>>[vector<16xi32>, vector<16xi32>], vector<16xf32>,
          %mul3A_504 = arith.mulf %gather3A_502, %gather3A_503 : vector<16xf32>
          %add3A_505 = arith.addf %add3A_499, %mul3A_504 : vector<16xf32>
          %broadcast_in_dim3A_506 = arith.constant 71 : i32
          %broadcast_in_dim3A_507 = vector.broadcast %broadcast_in_dim3A_506 : i32 to vector<16xi32>
          %gather3A_508 = tpu.vector_load_idx %arg11[%add3A_79, %broadcast_in_dim3A_507] : memref<80x128xf32, #tpu.memory_space<vmem>>[vector<16xi32>, vector<16xi32>], vector<16xf32>,
          %gather3A_509 = tpu.vector_load_idx %arg12[%add3A_79, %broadcast_in_dim3A_507] : memref<80x128xf32, #tpu.memory_space<vmem>>[vector<16xi32>, vector<16xi32>], vector<16xf32>,
          %mul3A_510 = arith.mulf %gather3A_508, %gather3A_509 : vector<16xf32>
          %add3A_511 = arith.addf %add3A_505, %mul3A_510 : vector<16xf32>
          %broadcast_in_dim3A_512 = arith.constant 72 : i32
          %broadcast_in_dim3A_513 = vector.broadcast %broadcast_in_dim3A_512 : i32 to vector<16xi32>
          %gather3A_514 = tpu.vector_load_idx %arg11[%add3A_79, %broadcast_in_dim3A_513] : memref<80x128xf32, #tpu.memory_space<vmem>>[vector<16xi32>, vector<16xi32>], vector<16xf32>,
          %gather3A_515 = tpu.vector_load_idx %arg12[%add3A_79, %broadcast_in_dim3A_513] : memref<80x128xf32, #tpu.memory_space<vmem>>[vector<16xi32>, vector<16xi32>], vector<16xf32>,
          %mul3A_516 = arith.mulf %gather3A_514, %gather3A_515 : vector<16xf32>
          %add3A_517 = arith.addf %add3A_511, %mul3A_516 : vector<16xf32>
          %broadcast_in_dim3A_518 = arith.constant 73 : i32
          %broadcast_in_dim3A_519 = vector.broadcast %broadcast_in_dim3A_518 : i32 to vector<16xi32>
          %gather3A_520 = tpu.vector_load_idx %arg11[%add3A_79, %broadcast_in_dim3A_519] : memref<80x128xf32, #tpu.memory_space<vmem>>[vector<16xi32>, vector<16xi32>], vector<16xf32>,
          %gather3A_521 = tpu.vector_load_idx %arg12[%add3A_79, %broadcast_in_dim3A_519] : memref<80x128xf32, #tpu.memory_space<vmem>>[vector<16xi32>, vector<16xi32>], vector<16xf32>,
          %mul3A_522 = arith.mulf %gather3A_520, %gather3A_521 : vector<16xf32>
          %add3A_523 = arith.addf %add3A_517, %mul3A_522 : vector<16xf32>
          %broadcast_in_dim3A_524 = arith.constant 74 : i32
          %broadcast_in_dim3A_525 = vector.broadcast %broadcast_in_dim3A_524 : i32 to vector<16xi32>
          %gather3A_526 = tpu.vector_load_idx %arg11[%add3A_79, %broadcast_in_dim3A_525] : memref<80x128xf32, #tpu.memory_space<vmem>>[vector<16xi32>, vector<16xi32>], vector<16xf32>,
          %gather3A_527 = tpu.vector_load_idx %arg12[%add3A_79, %broadcast_in_dim3A_525] : memref<80x128xf32, #tpu.memory_space<vmem>>[vector<16xi32>, vector<16xi32>], vector<16xf32>,
          %mul3A_528 = arith.mulf %gather3A_526, %gather3A_527 : vector<16xf32>
          %add3A_529 = arith.addf %add3A_523, %mul3A_528 : vector<16xf32>
          %broadcast_in_dim3A_530 = arith.constant 75 : i32
          %broadcast_in_dim3A_531 = vector.broadcast %broadcast_in_dim3A_530 : i32 to vector<16xi32>
          %gather3A_532 = tpu.vector_load_idx %arg11[%add3A_79, %broadcast_in_dim3A_531] : memref<80x128xf32, #tpu.memory_space<vmem>>[vector<16xi32>, vector<16xi32>], vector<16xf32>,
          %gather3A_533 = tpu.vector_load_idx %arg12[%add3A_79, %broadcast_in_dim3A_531] : memref<80x128xf32, #tpu.memory_space<vmem>>[vector<16xi32>, vector<16xi32>], vector<16xf32>,
          %mul3A_534 = arith.mulf %gather3A_532, %gather3A_533 : vector<16xf32>
          %add3A_535 = arith.addf %add3A_529, %mul3A_534 : vector<16xf32>
          %broadcast_in_dim3A_536 = arith.constant 76 : i32
          %broadcast_in_dim3A_537 = vector.broadcast %broadcast_in_dim3A_536 : i32 to vector<16xi32>
          %gather3A_538 = tpu.vector_load_idx %arg11[%add3A_79, %broadcast_in_dim3A_537] : memref<80x128xf32, #tpu.memory_space<vmem>>[vector<16xi32>, vector<16xi32>], vector<16xf32>,
          %gather3A_539 = tpu.vector_load_idx %arg12[%add3A_79, %broadcast_in_dim3A_537] : memref<80x128xf32, #tpu.memory_space<vmem>>[vector<16xi32>, vector<16xi32>], vector<16xf32>,
          %mul3A_540 = arith.mulf %gather3A_538, %gather3A_539 : vector<16xf32>
          %add3A_541 = arith.addf %add3A_535, %mul3A_540 : vector<16xf32>
          %broadcast_in_dim3A_542 = arith.constant 77 : i32
          %broadcast_in_dim3A_543 = vector.broadcast %broadcast_in_dim3A_542 : i32 to vector<16xi32>
          %gather3A_544 = tpu.vector_load_idx %arg11[%add3A_79, %broadcast_in_dim3A_543] : memref<80x128xf32, #tpu.memory_space<vmem>>[vector<16xi32>, vector<16xi32>], vector<16xf32>,
          %gather3A_545 = tpu.vector_load_idx %arg12[%add3A_79, %broadcast_in_dim3A_543] : memref<80x128xf32, #tpu.memory_space<vmem>>[vector<16xi32>, vector<16xi32>], vector<16xf32>,
          %mul3A_546 = arith.mulf %gather3A_544, %gather3A_545 : vector<16xf32>
          %add3A_547 = arith.addf %add3A_541, %mul3A_546 : vector<16xf32>
          %broadcast_in_dim3A_548 = arith.constant 78 : i32
          %broadcast_in_dim3A_549 = vector.broadcast %broadcast_in_dim3A_548 : i32 to vector<16xi32>
          %gather3A_550 = tpu.vector_load_idx %arg11[%add3A_79, %broadcast_in_dim3A_549] : memref<80x128xf32, #tpu.memory_space<vmem>>[vector<16xi32>, vector<16xi32>], vector<16xf32>,
          %gather3A_551 = tpu.vector_load_idx %arg12[%add3A_79, %broadcast_in_dim3A_549] : memref<80x128xf32, #tpu.memory_space<vmem>>[vector<16xi32>, vector<16xi32>], vector<16xf32>,
          %mul3A_552 = arith.mulf %gather3A_550, %gather3A_551 : vector<16xf32>
          %add3A_553 = arith.addf %add3A_547, %mul3A_552 : vector<16xf32>
          %broadcast_in_dim3A_554 = arith.constant 79 : i32
          %broadcast_in_dim3A_555 = vector.broadcast %broadcast_in_dim3A_554 : i32 to vector<16xi32>
          %gather3A_556 = tpu.vector_load_idx %arg11[%add3A_79, %broadcast_in_dim3A_555] : memref<80x128xf32, #tpu.memory_space<vmem>>[vector<16xi32>, vector<16xi32>], vector<16xf32>,
          %gather3A_557 = tpu.vector_load_idx %arg12[%add3A_79, %broadcast_in_dim3A_555] : memref<80x128xf32, #tpu.memory_space<vmem>>[vector<16xi32>, vector<16xi32>], vector<16xf32>,
          %mul3A_558 = arith.mulf %gather3A_556, %gather3A_557 : vector<16xf32>
          %add3A_559 = arith.addf %add3A_553, %mul3A_558 : vector<16xf32>
          %broadcast_in_dim3A_560 = arith.constant 80 : i32
          %broadcast_in_dim3A_561 = vector.broadcast %broadcast_in_dim3A_560 : i32 to vector<16xi32>
          %gather3A_562 = tpu.vector_load_idx %arg11[%add3A_79, %broadcast_in_dim3A_561] : memref<80x128xf32, #tpu.memory_space<vmem>>[vector<16xi32>, vector<16xi32>], vector<16xf32>,
          %gather3A_563 = tpu.vector_load_idx %arg12[%add3A_79, %broadcast_in_dim3A_561] : memref<80x128xf32, #tpu.memory_space<vmem>>[vector<16xi32>, vector<16xi32>], vector<16xf32>,
          %mul3A_564 = arith.mulf %gather3A_562, %gather3A_563 : vector<16xf32>
          %add3A_565 = arith.addf %add3A_559, %mul3A_564 : vector<16xf32>
          %broadcast_in_dim3A_566 = arith.constant 81 : i32
          %broadcast_in_dim3A_567 = vector.broadcast %broadcast_in_dim3A_566 : i32 to vector<16xi32>
          %gather3A_568 = tpu.vector_load_idx %arg11[%add3A_79, %broadcast_in_dim3A_567] : memref<80x128xf32, #tpu.memory_space<vmem>>[vector<16xi32>, vector<16xi32>], vector<16xf32>,
          %gather3A_569 = tpu.vector_load_idx %arg12[%add3A_79, %broadcast_in_dim3A_567] : memref<80x128xf32, #tpu.memory_space<vmem>>[vector<16xi32>, vector<16xi32>], vector<16xf32>,
          %mul3A_570 = arith.mulf %gather3A_568, %gather3A_569 : vector<16xf32>
          %add3A_571 = arith.addf %add3A_565, %mul3A_570 : vector<16xf32>
          %broadcast_in_dim3A_572 = arith.constant 82 : i32
          %broadcast_in_dim3A_573 = vector.broadcast %broadcast_in_dim3A_572 : i32 to vector<16xi32>
          %gather3A_574 = tpu.vector_load_idx %arg11[%add3A_79, %broadcast_in_dim3A_573] : memref<80x128xf32, #tpu.memory_space<vmem>>[vector<16xi32>, vector<16xi32>], vector<16xf32>,
          %gather3A_575 = tpu.vector_load_idx %arg12[%add3A_79, %broadcast_in_dim3A_573] : memref<80x128xf32, #tpu.memory_space<vmem>>[vector<16xi32>, vector<16xi32>], vector<16xf32>,
          %mul3A_576 = arith.mulf %gather3A_574, %gather3A_575 : vector<16xf32>
          %add3A_577 = arith.addf %add3A_571, %mul3A_576 : vector<16xf32>
          %broadcast_in_dim3A_578 = arith.constant 83 : i32
          %broadcast_in_dim3A_579 = vector.broadcast %broadcast_in_dim3A_578 : i32 to vector<16xi32>
          %gather3A_580 = tpu.vector_load_idx %arg11[%add3A_79, %broadcast_in_dim3A_579] : memref<80x128xf32, #tpu.memory_space<vmem>>[vector<16xi32>, vector<16xi32>], vector<16xf32>,
          %gather3A_581 = tpu.vector_load_idx %arg12[%add3A_79, %broadcast_in_dim3A_579] : memref<80x128xf32, #tpu.memory_space<vmem>>[vector<16xi32>, vector<16xi32>], vector<16xf32>,
          %mul3A_582 = arith.mulf %gather3A_580, %gather3A_581 : vector<16xf32>
          %add3A_583 = arith.addf %add3A_577, %mul3A_582 : vector<16xf32>
          %broadcast_in_dim3A_584 = arith.constant 84 : i32
          %broadcast_in_dim3A_585 = vector.broadcast %broadcast_in_dim3A_584 : i32 to vector<16xi32>
          %gather3A_586 = tpu.vector_load_idx %arg11[%add3A_79, %broadcast_in_dim3A_585] : memref<80x128xf32, #tpu.memory_space<vmem>>[vector<16xi32>, vector<16xi32>], vector<16xf32>,
          %gather3A_587 = tpu.vector_load_idx %arg12[%add3A_79, %broadcast_in_dim3A_585] : memref<80x128xf32, #tpu.memory_space<vmem>>[vector<16xi32>, vector<16xi32>], vector<16xf32>,
          %mul3A_588 = arith.mulf %gather3A_586, %gather3A_587 : vector<16xf32>
          %add3A_589 = arith.addf %add3A_583, %mul3A_588 : vector<16xf32>
          %broadcast_in_dim3A_590 = arith.constant 85 : i32
          %broadcast_in_dim3A_591 = vector.broadcast %broadcast_in_dim3A_590 : i32 to vector<16xi32>
          %gather3A_592 = tpu.vector_load_idx %arg11[%add3A_79, %broadcast_in_dim3A_591] : memref<80x128xf32, #tpu.memory_space<vmem>>[vector<16xi32>, vector<16xi32>], vector<16xf32>,
          %gather3A_593 = tpu.vector_load_idx %arg12[%add3A_79, %broadcast_in_dim3A_591] : memref<80x128xf32, #tpu.memory_space<vmem>>[vector<16xi32>, vector<16xi32>], vector<16xf32>,
          %mul3A_594 = arith.mulf %gather3A_592, %gather3A_593 : vector<16xf32>
          %add3A_595 = arith.addf %add3A_589, %mul3A_594 : vector<16xf32>
          %broadcast_in_dim3A_596 = arith.constant 86 : i32
          %broadcast_in_dim3A_597 = vector.broadcast %broadcast_in_dim3A_596 : i32 to vector<16xi32>
          %gather3A_598 = tpu.vector_load_idx %arg11[%add3A_79, %broadcast_in_dim3A_597] : memref<80x128xf32, #tpu.memory_space<vmem>>[vector<16xi32>, vector<16xi32>], vector<16xf32>,
          %gather3A_599 = tpu.vector_load_idx %arg12[%add3A_79, %broadcast_in_dim3A_597] : memref<80x128xf32, #tpu.memory_space<vmem>>[vector<16xi32>, vector<16xi32>], vector<16xf32>,
          %mul3A_600 = arith.mulf %gather3A_598, %gather3A_599 : vector<16xf32>
          %add3A_601 = arith.addf %add3A_595, %mul3A_600 : vector<16xf32>
          %broadcast_in_dim3A_602 = arith.constant 87 : i32
          %broadcast_in_dim3A_603 = vector.broadcast %broadcast_in_dim3A_602 : i32 to vector<16xi32>
          %gather3A_604 = tpu.vector_load_idx %arg11[%add3A_79, %broadcast_in_dim3A_603] : memref<80x128xf32, #tpu.memory_space<vmem>>[vector<16xi32>, vector<16xi32>], vector<16xf32>,
          %gather3A_605 = tpu.vector_load_idx %arg12[%add3A_79, %broadcast_in_dim3A_603] : memref<80x128xf32, #tpu.memory_space<vmem>>[vector<16xi32>, vector<16xi32>], vector<16xf32>,
          %mul3A_606 = arith.mulf %gather3A_604, %gather3A_605 : vector<16xf32>
          %add3A_607 = arith.addf %add3A_601, %mul3A_606 : vector<16xf32>
          %broadcast_in_dim3A_608 = arith.constant 88 : i32
          %broadcast_in_dim3A_609 = vector.broadcast %broadcast_in_dim3A_608 : i32 to vector<16xi32>
          %gather3A_610 = tpu.vector_load_idx %arg11[%add3A_79, %broadcast_in_dim3A_609] : memref<80x128xf32, #tpu.memory_space<vmem>>[vector<16xi32>, vector<16xi32>], vector<16xf32>,
          %gather3A_611 = tpu.vector_load_idx %arg12[%add3A_79, %broadcast_in_dim3A_609] : memref<80x128xf32, #tpu.memory_space<vmem>>[vector<16xi32>, vector<16xi32>], vector<16xf32>,
          %mul3A_612 = arith.mulf %gather3A_610, %gather3A_611 : vector<16xf32>
          %add3A_613 = arith.addf %add3A_607, %mul3A_612 : vector<16xf32>
          %broadcast_in_dim3A_614 = arith.constant 89 : i32
          %broadcast_in_dim3A_615 = vector.broadcast %broadcast_in_dim3A_614 : i32 to vector<16xi32>
          %gather3A_616 = tpu.vector_load_idx %arg11[%add3A_79, %broadcast_in_dim3A_615] : memref<80x128xf32, #tpu.memory_space<vmem>>[vector<16xi32>, vector<16xi32>], vector<16xf32>,
          %gather3A_617 = tpu.vector_load_idx %arg12[%add3A_79, %broadcast_in_dim3A_615] : memref<80x128xf32, #tpu.memory_space<vmem>>[vector<16xi32>, vector<16xi32>], vector<16xf32>,
          %mul3A_618 = arith.mulf %gather3A_616, %gather3A_617 : vector<16xf32>
          %add3A_619 = arith.addf %add3A_613, %mul3A_618 : vector<16xf32>
          %broadcast_in_dim3A_620 = arith.constant 90 : i32
          %broadcast_in_dim3A_621 = vector.broadcast %broadcast_in_dim3A_620 : i32 to vector<16xi32>
          %gather3A_622 = tpu.vector_load_idx %arg11[%add3A_79, %broadcast_in_dim3A_621] : memref<80x128xf32, #tpu.memory_space<vmem>>[vector<16xi32>, vector<16xi32>], vector<16xf32>,
          %gather3A_623 = tpu.vector_load_idx %arg12[%add3A_79, %broadcast_in_dim3A_621] : memref<80x128xf32, #tpu.memory_space<vmem>>[vector<16xi32>, vector<16xi32>], vector<16xf32>,
          %mul3A_624 = arith.mulf %gather3A_622, %gather3A_623 : vector<16xf32>
          %add3A_625 = arith.addf %add3A_619, %mul3A_624 : vector<16xf32>
          %broadcast_in_dim3A_626 = arith.constant 91 : i32
          %broadcast_in_dim3A_627 = vector.broadcast %broadcast_in_dim3A_626 : i32 to vector<16xi32>
          %gather3A_628 = tpu.vector_load_idx %arg11[%add3A_79, %broadcast_in_dim3A_627] : memref<80x128xf32, #tpu.memory_space<vmem>>[vector<16xi32>, vector<16xi32>], vector<16xf32>,
          %gather3A_629 = tpu.vector_load_idx %arg12[%add3A_79, %broadcast_in_dim3A_627] : memref<80x128xf32, #tpu.memory_space<vmem>>[vector<16xi32>, vector<16xi32>], vector<16xf32>,
          %mul3A_630 = arith.mulf %gather3A_628, %gather3A_629 : vector<16xf32>
          %add3A_631 = arith.addf %add3A_625, %mul3A_630 : vector<16xf32>
          %broadcast_in_dim3A_632 = arith.constant 92 : i32
          %broadcast_in_dim3A_633 = vector.broadcast %broadcast_in_dim3A_632 : i32 to vector<16xi32>
          %gather3A_634 = tpu.vector_load_idx %arg11[%add3A_79, %broadcast_in_dim3A_633] : memref<80x128xf32, #tpu.memory_space<vmem>>[vector<16xi32>, vector<16xi32>], vector<16xf32>,
          %gather3A_635 = tpu.vector_load_idx %arg12[%add3A_79, %broadcast_in_dim3A_633] : memref<80x128xf32, #tpu.memory_space<vmem>>[vector<16xi32>, vector<16xi32>], vector<16xf32>,
          %mul3A_636 = arith.mulf %gather3A_634, %gather3A_635 : vector<16xf32>
          %add3A_637 = arith.addf %add3A_631, %mul3A_636 : vector<16xf32>
          %broadcast_in_dim3A_638 = arith.constant 93 : i32
          %broadcast_in_dim3A_639 = vector.broadcast %broadcast_in_dim3A_638 : i32 to vector<16xi32>
          %gather3A_640 = tpu.vector_load_idx %arg11[%add3A_79, %broadcast_in_dim3A_639] : memref<80x128xf32, #tpu.memory_space<vmem>>[vector<16xi32>, vector<16xi32>], vector<16xf32>,
          %gather3A_641 = tpu.vector_load_idx %arg12[%add3A_79, %broadcast_in_dim3A_639] : memref<80x128xf32, #tpu.memory_space<vmem>>[vector<16xi32>, vector<16xi32>], vector<16xf32>,
          %mul3A_642 = arith.mulf %gather3A_640, %gather3A_641 : vector<16xf32>
          %add3A_643 = arith.addf %add3A_637, %mul3A_642 : vector<16xf32>
          %broadcast_in_dim3A_644 = arith.constant 94 : i32
          %broadcast_in_dim3A_645 = vector.broadcast %broadcast_in_dim3A_644 : i32 to vector<16xi32>
          %gather3A_646 = tpu.vector_load_idx %arg11[%add3A_79, %broadcast_in_dim3A_645] : memref<80x128xf32, #tpu.memory_space<vmem>>[vector<16xi32>, vector<16xi32>], vector<16xf32>,
          %gather3A_647 = tpu.vector_load_idx %arg12[%add3A_79, %broadcast_in_dim3A_645] : memref<80x128xf32, #tpu.memory_space<vmem>>[vector<16xi32>, vector<16xi32>], vector<16xf32>,
          %mul3A_648 = arith.mulf %gather3A_646, %gather3A_647 : vector<16xf32>
          %add3A_649 = arith.addf %add3A_643, %mul3A_648 : vector<16xf32>
          %broadcast_in_dim3A_650 = arith.constant 95 : i32
          %broadcast_in_dim3A_651 = vector.broadcast %broadcast_in_dim3A_650 : i32 to vector<16xi32>
          %gather3A_652 = tpu.vector_load_idx %arg11[%add3A_79, %broadcast_in_dim3A_651] : memref<80x128xf32, #tpu.memory_space<vmem>>[vector<16xi32>, vector<16xi32>], vector<16xf32>,
          %gather3A_653 = tpu.vector_load_idx %arg12[%add3A_79, %broadcast_in_dim3A_651] : memref<80x128xf32, #tpu.memory_space<vmem>>[vector<16xi32>, vector<16xi32>], vector<16xf32>,
          %mul3A_654 = arith.mulf %gather3A_652, %gather3A_653 : vector<16xf32>
          %add3A_655 = arith.addf %add3A_649, %mul3A_654 : vector<16xf32>
          %broadcast_in_dim3A_656 = arith.constant 96 : i32
          %broadcast_in_dim3A_657 = vector.broadcast %broadcast_in_dim3A_656 : i32 to vector<16xi32>
          %gather3A_658 = tpu.vector_load_idx %arg11[%add3A_79, %broadcast_in_dim3A_657] : memref<80x128xf32, #tpu.memory_space<vmem>>[vector<16xi32>, vector<16xi32>], vector<16xf32>,
          %gather3A_659 = tpu.vector_load_idx %arg12[%add3A_79, %broadcast_in_dim3A_657] : memref<80x128xf32, #tpu.memory_space<vmem>>[vector<16xi32>, vector<16xi32>], vector<16xf32>,
          %mul3A_660 = arith.mulf %gather3A_658, %gather3A_659 : vector<16xf32>
          %add3A_661 = arith.addf %add3A_655, %mul3A_660 : vector<16xf32>
          %broadcast_in_dim3A_662 = arith.constant 97 : i32
          %broadcast_in_dim3A_663 = vector.broadcast %broadcast_in_dim3A_662 : i32 to vector<16xi32>
          %gather3A_664 = tpu.vector_load_idx %arg11[%add3A_79, %broadcast_in_dim3A_663] : memref<80x128xf32, #tpu.memory_space<vmem>>[vector<16xi32>, vector<16xi32>], vector<16xf32>,
          %gather3A_665 = tpu.vector_load_idx %arg12[%add3A_79, %broadcast_in_dim3A_663] : memref<80x128xf32, #tpu.memory_space<vmem>>[vector<16xi32>, vector<16xi32>], vector<16xf32>,
          %mul3A_666 = arith.mulf %gather3A_664, %gather3A_665 : vector<16xf32>
          %add3A_667 = arith.addf %add3A_661, %mul3A_666 : vector<16xf32>
          %broadcast_in_dim3A_668 = arith.constant 98 : i32
          %broadcast_in_dim3A_669 = vector.broadcast %broadcast_in_dim3A_668 : i32 to vector<16xi32>
          %gather3A_670 = tpu.vector_load_idx %arg11[%add3A_79, %broadcast_in_dim3A_669] : memref<80x128xf32, #tpu.memory_space<vmem>>[vector<16xi32>, vector<16xi32>], vector<16xf32>,
          %gather3A_671 = tpu.vector_load_idx %arg12[%add3A_79, %broadcast_in_dim3A_669] : memref<80x128xf32, #tpu.memory_space<vmem>>[vector<16xi32>, vector<16xi32>], vector<16xf32>,
          %mul3A_672 = arith.mulf %gather3A_670, %gather3A_671 : vector<16xf32>
          %add3A_673 = arith.addf %add3A_667, %mul3A_672 : vector<16xf32>
          %broadcast_in_dim3A_674 = arith.constant 99 : i32
          %broadcast_in_dim3A_675 = vector.broadcast %broadcast_in_dim3A_674 : i32 to vector<16xi32>
          %gather3A_676 = tpu.vector_load_idx %arg11[%add3A_79, %broadcast_in_dim3A_675] : memref<80x128xf32, #tpu.memory_space<vmem>>[vector<16xi32>, vector<16xi32>], vector<16xf32>,
          %gather3A_677 = tpu.vector_load_idx %arg12[%add3A_79, %broadcast_in_dim3A_675] : memref<80x128xf32, #tpu.memory_space<vmem>>[vector<16xi32>, vector<16xi32>], vector<16xf32>,
          %mul3A_678 = arith.mulf %gather3A_676, %gather3A_677 : vector<16xf32>
          %add3A_679 = arith.addf %add3A_673, %mul3A_678 : vector<16xf32>
          %broadcast_in_dim3A_680 = arith.constant 100 : i32
          %broadcast_in_dim3A_681 = vector.broadcast %broadcast_in_dim3A_680 : i32 to vector<16xi32>
          %gather3A_682 = tpu.vector_load_idx %arg11[%add3A_79, %broadcast_in_dim3A_681] : memref<80x128xf32, #tpu.memory_space<vmem>>[vector<16xi32>, vector<16xi32>], vector<16xf32>,
          %gather3A_683 = tpu.vector_load_idx %arg12[%add3A_79, %broadcast_in_dim3A_681] : memref<80x128xf32, #tpu.memory_space<vmem>>[vector<16xi32>, vector<16xi32>], vector<16xf32>,
          %mul3A_684 = arith.mulf %gather3A_682, %gather3A_683 : vector<16xf32>
          %add3A_685 = arith.addf %add3A_679, %mul3A_684 : vector<16xf32>
          %broadcast_in_dim3A_686 = arith.constant 101 : i32
          %broadcast_in_dim3A_687 = vector.broadcast %broadcast_in_dim3A_686 : i32 to vector<16xi32>
          %gather3A_688 = tpu.vector_load_idx %arg11[%add3A_79, %broadcast_in_dim3A_687] : memref<80x128xf32, #tpu.memory_space<vmem>>[vector<16xi32>, vector<16xi32>], vector<16xf32>,
          %gather3A_689 = tpu.vector_load_idx %arg12[%add3A_79, %broadcast_in_dim3A_687] : memref<80x128xf32, #tpu.memory_space<vmem>>[vector<16xi32>, vector<16xi32>], vector<16xf32>,
          %mul3A_690 = arith.mulf %gather3A_688, %gather3A_689 : vector<16xf32>
          %add3A_691 = arith.addf %add3A_685, %mul3A_690 : vector<16xf32>
          %broadcast_in_dim3A_692 = arith.constant 102 : i32
          %broadcast_in_dim3A_693 = vector.broadcast %broadcast_in_dim3A_692 : i32 to vector<16xi32>
          %gather3A_694 = tpu.vector_load_idx %arg11[%add3A_79, %broadcast_in_dim3A_693] : memref<80x128xf32, #tpu.memory_space<vmem>>[vector<16xi32>, vector<16xi32>], vector<16xf32>,
          %gather3A_695 = tpu.vector_load_idx %arg12[%add3A_79, %broadcast_in_dim3A_693] : memref<80x128xf32, #tpu.memory_space<vmem>>[vector<16xi32>, vector<16xi32>], vector<16xf32>,
          %mul3A_696 = arith.mulf %gather3A_694, %gather3A_695 : vector<16xf32>
          %add3A_697 = arith.addf %add3A_691, %mul3A_696 : vector<16xf32>
          %broadcast_in_dim3A_698 = arith.constant 103 : i32
          %broadcast_in_dim3A_699 = vector.broadcast %broadcast_in_dim3A_698 : i32 to vector<16xi32>
          %gather3A_700 = tpu.vector_load_idx %arg11[%add3A_79, %broadcast_in_dim3A_699] : memref<80x128xf32, #tpu.memory_space<vmem>>[vector<16xi32>, vector<16xi32>], vector<16xf32>,
          %gather3A_701 = tpu.vector_load_idx %arg12[%add3A_79, %broadcast_in_dim3A_699] : memref<80x128xf32, #tpu.memory_space<vmem>>[vector<16xi32>, vector<16xi32>], vector<16xf32>,
          %mul3A_702 = arith.mulf %gather3A_700, %gather3A_701 : vector<16xf32>
          %add3A_703 = arith.addf %add3A_697, %mul3A_702 : vector<16xf32>
          %broadcast_in_dim3A_704 = arith.constant 104 : i32
          %broadcast_in_dim3A_705 = vector.broadcast %broadcast_in_dim3A_704 : i32 to vector<16xi32>
          %gather3A_706 = tpu.vector_load_idx %arg11[%add3A_79, %broadcast_in_dim3A_705] : memref<80x128xf32, #tpu.memory_space<vmem>>[vector<16xi32>, vector<16xi32>], vector<16xf32>,
          %gather3A_707 = tpu.vector_load_idx %arg12[%add3A_79, %broadcast_in_dim3A_705] : memref<80x128xf32, #tpu.memory_space<vmem>>[vector<16xi32>, vector<16xi32>], vector<16xf32>,
          %mul3A_708 = arith.mulf %gather3A_706, %gather3A_707 : vector<16xf32>
          %add3A_709 = arith.addf %add3A_703, %mul3A_708 : vector<16xf32>
          %broadcast_in_dim3A_710 = arith.constant 105 : i32
          %broadcast_in_dim3A_711 = vector.broadcast %broadcast_in_dim3A_710 : i32 to vector<16xi32>
          %gather3A_712 = tpu.vector_load_idx %arg11[%add3A_79, %broadcast_in_dim3A_711] : memref<80x128xf32, #tpu.memory_space<vmem>>[vector<16xi32>, vector<16xi32>], vector<16xf32>,
          %gather3A_713 = tpu.vector_load_idx %arg12[%add3A_79, %broadcast_in_dim3A_711] : memref<80x128xf32, #tpu.memory_space<vmem>>[vector<16xi32>, vector<16xi32>], vector<16xf32>,
          %mul3A_714 = arith.mulf %gather3A_712, %gather3A_713 : vector<16xf32>
          %add3A_715 = arith.addf %add3A_709, %mul3A_714 : vector<16xf32>
          %broadcast_in_dim3A_716 = arith.constant 106 : i32
          %broadcast_in_dim3A_717 = vector.broadcast %broadcast_in_dim3A_716 : i32 to vector<16xi32>
          %gather3A_718 = tpu.vector_load_idx %arg11[%add3A_79, %broadcast_in_dim3A_717] : memref<80x128xf32, #tpu.memory_space<vmem>>[vector<16xi32>, vector<16xi32>], vector<16xf32>,
          %gather3A_719 = tpu.vector_load_idx %arg12[%add3A_79, %broadcast_in_dim3A_717] : memref<80x128xf32, #tpu.memory_space<vmem>>[vector<16xi32>, vector<16xi32>], vector<16xf32>,
          %mul3A_720 = arith.mulf %gather3A_718, %gather3A_719 : vector<16xf32>
          %add3A_721 = arith.addf %add3A_715, %mul3A_720 : vector<16xf32>
          %broadcast_in_dim3A_722 = arith.constant 107 : i32
          %broadcast_in_dim3A_723 = vector.broadcast %broadcast_in_dim3A_722 : i32 to vector<16xi32>
          %gather3A_724 = tpu.vector_load_idx %arg11[%add3A_79, %broadcast_in_dim3A_723] : memref<80x128xf32, #tpu.memory_space<vmem>>[vector<16xi32>, vector<16xi32>], vector<16xf32>,
          %gather3A_725 = tpu.vector_load_idx %arg12[%add3A_79, %broadcast_in_dim3A_723] : memref<80x128xf32, #tpu.memory_space<vmem>>[vector<16xi32>, vector<16xi32>], vector<16xf32>,
          %mul3A_726 = arith.mulf %gather3A_724, %gather3A_725 : vector<16xf32>
          %add3A_727 = arith.addf %add3A_721, %mul3A_726 : vector<16xf32>
          %broadcast_in_dim3A_728 = arith.constant 108 : i32
          %broadcast_in_dim3A_729 = vector.broadcast %broadcast_in_dim3A_728 : i32 to vector<16xi32>
          %gather3A_730 = tpu.vector_load_idx %arg11[%add3A_79, %broadcast_in_dim3A_729] : memref<80x128xf32, #tpu.memory_space<vmem>>[vector<16xi32>, vector<16xi32>], vector<16xf32>,
          %gather3A_731 = tpu.vector_load_idx %arg12[%add3A_79, %broadcast_in_dim3A_729] : memref<80x128xf32, #tpu.memory_space<vmem>>[vector<16xi32>, vector<16xi32>], vector<16xf32>,
          %mul3A_732 = arith.mulf %gather3A_730, %gather3A_731 : vector<16xf32>
          %add3A_733 = arith.addf %add3A_727, %mul3A_732 : vector<16xf32>
          %broadcast_in_dim3A_734 = arith.constant 109 : i32
          %broadcast_in_dim3A_735 = vector.broadcast %broadcast_in_dim3A_734 : i32 to vector<16xi32>
          %gather3A_736 = tpu.vector_load_idx %arg11[%add3A_79, %broadcast_in_dim3A_735] : memref<80x128xf32, #tpu.memory_space<vmem>>[vector<16xi32>, vector<16xi32>], vector<16xf32>,
          %gather3A_737 = tpu.vector_load_idx %arg12[%add3A_79, %broadcast_in_dim3A_735] : memref<80x128xf32, #tpu.memory_space<vmem>>[vector<16xi32>, vector<16xi32>], vector<16xf32>,
          %mul3A_738 = arith.mulf %gather3A_736, %gather3A_737 : vector<16xf32>
          %add3A_739 = arith.addf %add3A_733, %mul3A_738 : vector<16xf32>
          %broadcast_in_dim3A_740 = arith.constant 110 : i32
          %broadcast_in_dim3A_741 = vector.broadcast %broadcast_in_dim3A_740 : i32 to vector<16xi32>
          %gather3A_742 = tpu.vector_load_idx %arg11[%add3A_79, %broadcast_in_dim3A_741] : memref<80x128xf32, #tpu.memory_space<vmem>>[vector<16xi32>, vector<16xi32>], vector<16xf32>,
          %gather3A_743 = tpu.vector_load_idx %arg12[%add3A_79, %broadcast_in_dim3A_741] : memref<80x128xf32, #tpu.memory_space<vmem>>[vector<16xi32>, vector<16xi32>], vector<16xf32>,
          %mul3A_744 = arith.mulf %gather3A_742, %gather3A_743 : vector<16xf32>
          %add3A_745 = arith.addf %add3A_739, %mul3A_744 : vector<16xf32>
          %broadcast_in_dim3A_746 = arith.constant 111 : i32
          %broadcast_in_dim3A_747 = vector.broadcast %broadcast_in_dim3A_746 : i32 to vector<16xi32>
          %gather3A_748 = tpu.vector_load_idx %arg11[%add3A_79, %broadcast_in_dim3A_747] : memref<80x128xf32, #tpu.memory_space<vmem>>[vector<16xi32>, vector<16xi32>], vector<16xf32>,
          %gather3A_749 = tpu.vector_load_idx %arg12[%add3A_79, %broadcast_in_dim3A_747] : memref<80x128xf32, #tpu.memory_space<vmem>>[vector<16xi32>, vector<16xi32>], vector<16xf32>,
          %mul3A_750 = arith.mulf %gather3A_748, %gather3A_749 : vector<16xf32>
          %add3A_751 = arith.addf %add3A_745, %mul3A_750 : vector<16xf32>
          %broadcast_in_dim3A_752 = arith.constant 112 : i32
          %broadcast_in_dim3A_753 = vector.broadcast %broadcast_in_dim3A_752 : i32 to vector<16xi32>
          %gather3A_754 = tpu.vector_load_idx %arg11[%add3A_79, %broadcast_in_dim3A_753] : memref<80x128xf32, #tpu.memory_space<vmem>>[vector<16xi32>, vector<16xi32>], vector<16xf32>,
          %gather3A_755 = tpu.vector_load_idx %arg12[%add3A_79, %broadcast_in_dim3A_753] : memref<80x128xf32, #tpu.memory_space<vmem>>[vector<16xi32>, vector<16xi32>], vector<16xf32>,
          %mul3A_756 = arith.mulf %gather3A_754, %gather3A_755 : vector<16xf32>
          %add3A_757 = arith.addf %add3A_751, %mul3A_756 : vector<16xf32>
          %broadcast_in_dim3A_758 = arith.constant 113 : i32
          %broadcast_in_dim3A_759 = vector.broadcast %broadcast_in_dim3A_758 : i32 to vector<16xi32>
          %gather3A_760 = tpu.vector_load_idx %arg11[%add3A_79, %broadcast_in_dim3A_759] : memref<80x128xf32, #tpu.memory_space<vmem>>[vector<16xi32>, vector<16xi32>], vector<16xf32>,
          %gather3A_761 = tpu.vector_load_idx %arg12[%add3A_79, %broadcast_in_dim3A_759] : memref<80x128xf32, #tpu.memory_space<vmem>>[vector<16xi32>, vector<16xi32>], vector<16xf32>,
          %mul3A_762 = arith.mulf %gather3A_760, %gather3A_761 : vector<16xf32>
          %add3A_763 = arith.addf %add3A_757, %mul3A_762 : vector<16xf32>
          %broadcast_in_dim3A_764 = arith.constant 114 : i32
          %broadcast_in_dim3A_765 = vector.broadcast %broadcast_in_dim3A_764 : i32 to vector<16xi32>
          %gather3A_766 = tpu.vector_load_idx %arg11[%add3A_79, %broadcast_in_dim3A_765] : memref<80x128xf32, #tpu.memory_space<vmem>>[vector<16xi32>, vector<16xi32>], vector<16xf32>,
          %gather3A_767 = tpu.vector_load_idx %arg12[%add3A_79, %broadcast_in_dim3A_765] : memref<80x128xf32, #tpu.memory_space<vmem>>[vector<16xi32>, vector<16xi32>], vector<16xf32>,
          %mul3A_768 = arith.mulf %gather3A_766, %gather3A_767 : vector<16xf32>
          %add3A_769 = arith.addf %add3A_763, %mul3A_768 : vector<16xf32>
          %broadcast_in_dim3A_770 = arith.constant 115 : i32
          %broadcast_in_dim3A_771 = vector.broadcast %broadcast_in_dim3A_770 : i32 to vector<16xi32>
          %gather3A_772 = tpu.vector_load_idx %arg11[%add3A_79, %broadcast_in_dim3A_771] : memref<80x128xf32, #tpu.memory_space<vmem>>[vector<16xi32>, vector<16xi32>], vector<16xf32>,
          %gather3A_773 = tpu.vector_load_idx %arg12[%add3A_79, %broadcast_in_dim3A_771] : memref<80x128xf32, #tpu.memory_space<vmem>>[vector<16xi32>, vector<16xi32>], vector<16xf32>,
          %mul3A_774 = arith.mulf %gather3A_772, %gather3A_773 : vector<16xf32>
          %add3A_775 = arith.addf %add3A_769, %mul3A_774 : vector<16xf32>
          %broadcast_in_dim3A_776 = arith.constant 116 : i32
          %broadcast_in_dim3A_777 = vector.broadcast %broadcast_in_dim3A_776 : i32 to vector<16xi32>
          %gather3A_778 = tpu.vector_load_idx %arg11[%add3A_79, %broadcast_in_dim3A_777] : memref<80x128xf32, #tpu.memory_space<vmem>>[vector<16xi32>, vector<16xi32>], vector<16xf32>,
          %gather3A_779 = tpu.vector_load_idx %arg12[%add3A_79, %broadcast_in_dim3A_777] : memref<80x128xf32, #tpu.memory_space<vmem>>[vector<16xi32>, vector<16xi32>], vector<16xf32>,
          %mul3A_780 = arith.mulf %gather3A_778, %gather3A_779 : vector<16xf32>
          %add3A_781 = arith.addf %add3A_775, %mul3A_780 : vector<16xf32>
          %broadcast_in_dim3A_782 = arith.constant 117 : i32
          %broadcast_in_dim3A_783 = vector.broadcast %broadcast_in_dim3A_782 : i32 to vector<16xi32>
          %gather3A_784 = tpu.vector_load_idx %arg11[%add3A_79, %broadcast_in_dim3A_783] : memref<80x128xf32, #tpu.memory_space<vmem>>[vector<16xi32>, vector<16xi32>], vector<16xf32>,
          %gather3A_785 = tpu.vector_load_idx %arg12[%add3A_79, %broadcast_in_dim3A_783] : memref<80x128xf32, #tpu.memory_space<vmem>>[vector<16xi32>, vector<16xi32>], vector<16xf32>,
          %mul3A_786 = arith.mulf %gather3A_784, %gather3A_785 : vector<16xf32>
          %add3A_787 = arith.addf %add3A_781, %mul3A_786 : vector<16xf32>
          %broadcast_in_dim3A_788 = arith.constant 118 : i32
          %broadcast_in_dim3A_789 = vector.broadcast %broadcast_in_dim3A_788 : i32 to vector<16xi32>
          %gather3A_790 = tpu.vector_load_idx %arg11[%add3A_79, %broadcast_in_dim3A_789] : memref<80x128xf32, #tpu.memory_space<vmem>>[vector<16xi32>, vector<16xi32>], vector<16xf32>,
          %gather3A_791 = tpu.vector_load_idx %arg12[%add3A_79, %broadcast_in_dim3A_789] : memref<80x128xf32, #tpu.memory_space<vmem>>[vector<16xi32>, vector<16xi32>], vector<16xf32>,
          %mul3A_792 = arith.mulf %gather3A_790, %gather3A_791 : vector<16xf32>
          %add3A_793 = arith.addf %add3A_787, %mul3A_792 : vector<16xf32>
          %broadcast_in_dim3A_794 = arith.constant 119 : i32
          %broadcast_in_dim3A_795 = vector.broadcast %broadcast_in_dim3A_794 : i32 to vector<16xi32>
          %gather3A_796 = tpu.vector_load_idx %arg11[%add3A_79, %broadcast_in_dim3A_795] : memref<80x128xf32, #tpu.memory_space<vmem>>[vector<16xi32>, vector<16xi32>], vector<16xf32>,
          %gather3A_797 = tpu.vector_load_idx %arg12[%add3A_79, %broadcast_in_dim3A_795] : memref<80x128xf32, #tpu.memory_space<vmem>>[vector<16xi32>, vector<16xi32>], vector<16xf32>,
          %mul3A_798 = arith.mulf %gather3A_796, %gather3A_797 : vector<16xf32>
          %add3A_799 = arith.addf %add3A_793, %mul3A_798 : vector<16xf32>
          %broadcast_in_dim3A_800 = arith.constant 120 : i32
          %broadcast_in_dim3A_801 = vector.broadcast %broadcast_in_dim3A_800 : i32 to vector<16xi32>
          %gather3A_802 = tpu.vector_load_idx %arg11[%add3A_79, %broadcast_in_dim3A_801] : memref<80x128xf32, #tpu.memory_space<vmem>>[vector<16xi32>, vector<16xi32>], vector<16xf32>,
          %gather3A_803 = tpu.vector_load_idx %arg12[%add3A_79, %broadcast_in_dim3A_801] : memref<80x128xf32, #tpu.memory_space<vmem>>[vector<16xi32>, vector<16xi32>], vector<16xf32>,
          %mul3A_804 = arith.mulf %gather3A_802, %gather3A_803 : vector<16xf32>
          %add3A_805 = arith.addf %add3A_799, %mul3A_804 : vector<16xf32>
          %broadcast_in_dim3A_806 = arith.constant 121 : i32
          %broadcast_in_dim3A_807 = vector.broadcast %broadcast_in_dim3A_806 : i32 to vector<16xi32>
          %gather3A_808 = tpu.vector_load_idx %arg11[%add3A_79, %broadcast_in_dim3A_807] : memref<80x128xf32, #tpu.memory_space<vmem>>[vector<16xi32>, vector<16xi32>], vector<16xf32>,
          %gather3A_809 = tpu.vector_load_idx %arg12[%add3A_79, %broadcast_in_dim3A_807] : memref<80x128xf32, #tpu.memory_space<vmem>>[vector<16xi32>, vector<16xi32>], vector<16xf32>,
          %mul3A_810 = arith.mulf %gather3A_808, %gather3A_809 : vector<16xf32>
          %add3A_811 = arith.addf %add3A_805, %mul3A_810 : vector<16xf32>
          %broadcast_in_dim3A_812 = arith.constant 122 : i32
          %broadcast_in_dim3A_813 = vector.broadcast %broadcast_in_dim3A_812 : i32 to vector<16xi32>
          %gather3A_814 = tpu.vector_load_idx %arg11[%add3A_79, %broadcast_in_dim3A_813] : memref<80x128xf32, #tpu.memory_space<vmem>>[vector<16xi32>, vector<16xi32>], vector<16xf32>,
          %gather3A_815 = tpu.vector_load_idx %arg12[%add3A_79, %broadcast_in_dim3A_813] : memref<80x128xf32, #tpu.memory_space<vmem>>[vector<16xi32>, vector<16xi32>], vector<16xf32>,
          %mul3A_816 = arith.mulf %gather3A_814, %gather3A_815 : vector<16xf32>
          %add3A_817 = arith.addf %add3A_811, %mul3A_816 : vector<16xf32>
          %broadcast_in_dim3A_818 = arith.constant 123 : i32
          %broadcast_in_dim3A_819 = vector.broadcast %broadcast_in_dim3A_818 : i32 to vector<16xi32>
          %gather3A_820 = tpu.vector_load_idx %arg11[%add3A_79, %broadcast_in_dim3A_819] : memref<80x128xf32, #tpu.memory_space<vmem>>[vector<16xi32>, vector<16xi32>], vector<16xf32>,
          %gather3A_821 = tpu.vector_load_idx %arg12[%add3A_79, %broadcast_in_dim3A_819] : memref<80x128xf32, #tpu.memory_space<vmem>>[vector<16xi32>, vector<16xi32>], vector<16xf32>,
          %mul3A_822 = arith.mulf %gather3A_820, %gather3A_821 : vector<16xf32>
          %add3A_823 = arith.addf %add3A_817, %mul3A_822 : vector<16xf32>
          %broadcast_in_dim3A_824 = arith.constant 124 : i32
          %broadcast_in_dim3A_825 = vector.broadcast %broadcast_in_dim3A_824 : i32 to vector<16xi32>
          %gather3A_826 = tpu.vector_load_idx %arg11[%add3A_79, %broadcast_in_dim3A_825] : memref<80x128xf32, #tpu.memory_space<vmem>>[vector<16xi32>, vector<16xi32>], vector<16xf32>,
          %gather3A_827 = tpu.vector_load_idx %arg12[%add3A_79, %broadcast_in_dim3A_825] : memref<80x128xf32, #tpu.memory_space<vmem>>[vector<16xi32>, vector<16xi32>], vector<16xf32>,
          %mul3A_828 = arith.mulf %gather3A_826, %gather3A_827 : vector<16xf32>
          %add3A_829 = arith.addf %add3A_823, %mul3A_828 : vector<16xf32>
          %broadcast_in_dim3A_830 = arith.constant 125 : i32
          %broadcast_in_dim3A_831 = vector.broadcast %broadcast_in_dim3A_830 : i32 to vector<16xi32>
          %gather3A_832 = tpu.vector_load_idx %arg11[%add3A_79, %broadcast_in_dim3A_831] : memref<80x128xf32, #tpu.memory_space<vmem>>[vector<16xi32>, vector<16xi32>], vector<16xf32>,
          %gather3A_833 = tpu.vector_load_idx %arg12[%add3A_79, %broadcast_in_dim3A_831] : memref<80x128xf32, #tpu.memory_space<vmem>>[vector<16xi32>, vector<16xi32>], vector<16xf32>,
          %mul3A_834 = arith.mulf %gather3A_832, %gather3A_833 : vector<16xf32>
          %add3A_835 = arith.addf %add3A_829, %mul3A_834 : vector<16xf32>
          %broadcast_in_dim3A_836 = arith.constant 126 : i32
          %broadcast_in_dim3A_837 = vector.broadcast %broadcast_in_dim3A_836 : i32 to vector<16xi32>
          %gather3A_838 = tpu.vector_load_idx %arg11[%add3A_79, %broadcast_in_dim3A_837] : memref<80x128xf32, #tpu.memory_space<vmem>>[vector<16xi32>, vector<16xi32>], vector<16xf32>,
          %gather3A_839 = tpu.vector_load_idx %arg12[%add3A_79, %broadcast_in_dim3A_837] : memref<80x128xf32, #tpu.memory_space<vmem>>[vector<16xi32>, vector<16xi32>], vector<16xf32>,
          %mul3A_840 = arith.mulf %gather3A_838, %gather3A_839 : vector<16xf32>
          %add3A_841 = arith.addf %add3A_835, %mul3A_840 : vector<16xf32>
          %broadcast_in_dim3A_842 = arith.constant 127 : i32
          %broadcast_in_dim3A_843 = vector.broadcast %broadcast_in_dim3A_842 : i32 to vector<16xi32>
          %gather3A_844 = tpu.vector_load_idx %arg11[%add3A_79, %broadcast_in_dim3A_843] : memref<80x128xf32, #tpu.memory_space<vmem>>[vector<16xi32>, vector<16xi32>], vector<16xf32>,
          %gather3A_845 = tpu.vector_load_idx %arg12[%add3A_79, %broadcast_in_dim3A_843] : memref<80x128xf32, #tpu.memory_space<vmem>>[vector<16xi32>, vector<16xi32>], vector<16xf32>,
          %mul3A_846 = arith.mulf %gather3A_844, %gather3A_845 : vector<16xf32>
          %add3A_847 = arith.addf %add3A_841, %mul3A_846 : vector<16xf32>
          %neg3A = arith.constant 0.000000e+00 : f32
          %neg3A_848 = vector.broadcast %neg3A : f32 to vector<16xf32>
          %neg3A_849 = arith.subf %neg3A_848, %add3A_847 : vector<16xf32>
          %exp3A = math.exp %neg3A_849 : vector<16xf32>
          %add3A_850 = arith.constant 1.000000e+00 : f32
          %add3A_851 = vector.broadcast %add3A_850 : f32 to vector<16xf32>
          %add3A_852 = arith.addf %add3A_851, %exp3A : vector<16xf32>
          %div3A = arith.constant 1.000000e+00 : f32
          %div3A_853 = vector.broadcast %div3A : f32 to vector<16xf32>
          %div3A_854 = arith.divf %div3A_853, %add3A_852 : vector<16xf32>
          %mul3A_855 = arith.constant 16 : i32
          %mul3A_856 = arith.muli %scan3A_75, %mul3A_855 : i32
          %add3A_857 = arith.addi %mul3A_68, %mul3A_856 : i32
          %swap3A = arith.index_cast %add3A_857 : i32 to index
          %swap3A_858 = tpu.vector_load %arg13[%swap3A] {strides = array<i32>} : memref<10000xf32, #tpu.memory_space<vmem>>, vector<16xf32>,
          tpu.vector_store %arg13[%swap3A], %div3A_854 {strides = array<i32>} : memref<10000xf32, #tpu.memory_space<vmem>>, vector<16xf32>,
        }
        %scan3A_74 = arith.constant 5 : i32
      } else {
      }
    }
    %scan3A_16 = arith.constant 125 : i32
    "tpu.region"() ({
      %run_scoped3A = tpu.sem_alloc : memref<!tpu.dma_semaphore, #tpu.memory_space<semaphore_mem>>
      %dma_start3A_17 = tpu.memref_slice %arg6[%mul3A_2] : memref<320000xf32, #tpu.memory_space<hbm>> -> memref<10000xf32, #tpu.memory_space<hbm>>
      %dma_start3A_18 = tpu.memref_slice %arg6[%mul3A_2] : memref<320000xf32, #tpu.memory_space<hbm>> -> memref<10000xf32, #tpu.memory_space<hbm>>
      tpu.enqueue_dma source(%arg13 : memref<10000xf32, #tpu.memory_space<vmem>>) target(%dma_start3A_18 : memref<10000xf32, #tpu.memory_space<hbm>>) target_semaphore(%run_scoped3A : memref<!tpu.dma_semaphore, #tpu.memory_space<semaphore_mem>>)
      %dma_wait3A = tpu.memref_slice %arg6[%mul3A_2] : memref<320000xf32, #tpu.memory_space<hbm>> -> memref<10000xf32, #tpu.memory_space<hbm>>
      %dma_wait3A_19 = tpu.memref_slice %arg6[%mul3A_2] : memref<320000xf32, #tpu.memory_space<hbm>> -> memref<10000xf32, #tpu.memory_space<hbm>>
      tpu.wait_dma2 semaphore(%run_scoped3A : memref<!tpu.dma_semaphore, #tpu.memory_space<semaphore_mem>>) src(%arg13 : memref<10000xf32, #tpu.memory_space<vmem>>) dst(%dma_wait3A_19 : memref<10000xf32, #tpu.memory_space<hbm>>)
      tpu.yield
    }) : () -> ()
    return
  }
}

</mosaic_0001>

<sc_bundles>
// kernel: kernel.3.cloned.1.call-start
scs
__scs_entry_jumppad:
0x0: {  	(pc) =	sbr.rel $0x88, $3  }
0x1: {  	(tag) =	ssettag $0x0;
	lr =	simm.s32 $0x1  }
0x2: {  	[smem:$0x3F9E] =	sst lr;
	_ =	strace $0xD0000000  }
0x3: {  	_ = 	snop  }
0x4: {  	_ = 	snop  }
0x5: {  	_ = 	snop  }
0x6: {  	_ = 	snop  }
0x7: {  	_ = 	snop  }
__scs_overlays_trampoline_lowered:
0x8: {  	[smem:$0x3FAD] =	sst s0  }
0x9: {  	[smem:$0x3FAE] =	sst s1  }
0xa: {  	[smem:$0x3FAF] =	sst s2  }
0xb: {  	[smem:$0x3FB0] =	sst s3  }
0xc: {  	[smem:$0x3FB1] =	sst s4  }
0xd: {  	[smem:$0x3FB2] =	sst s5  }
0xe: {  	[smem:$0x3FB3] =	sst s6  }
0xf: {  	[smem:$0x3FB4] =	sst s7  }
0x10: {  	[smem:$0x3FB5] =	sst s8  }
0x11: {  	[smem:$0x3FB6] =	sst s9;
	s0 =	simm.s32 @!p0 $0x0  }
0x12: {  	s1 =	sld [smem:$0x3F9C];
	s0 =	simm.s32 @p0 $0x1  }
0x13: {  	[smem:$0x3FB7] =	sst s0;
	s0 =	simm.s32 @!p1 $0x0  }
0x14: {  	s2 =	sld [smem:$0x3F9B];
	s0 =	simm.s32 @p1 $0x1  }
0x15: {  	[smem:$0x3FB8] =	sst s0;
	s0 =	simm.s32 @!p2 $0x0  }
0x16: {  	s3 =	sld [smem:$0x3FDB];
	s0 =	simm.s32 @p2 $0x1  }
0x17: {  	s4 =	simm.s32 $0x1BF5;
	[smem:$0x3FBA] =	sst s0  }
0x18: {  	s0 =	sld [smem:$0x3F9D];
	_ =	swait.ge [sflag:s4], $0x0  }
0x19: {  	s7 =	sld [smem:$0x3F9E]  }
0x1a: {  	s8 =	sadd.s32 $0xFFFFE003, lr  }
0x1b: {  	s9 =	sadd.s32 $0xFFFFFEF7, lr;
	s5 =	simm.s32 $0xFFFFFFFF;
	p2 =	slt.u32 s8, $0xFFFFF086  }
0x1c: {  	p1 =	slt.u32 s9, $0xF7A;
	s5 =	simm.s32 @!p2 $0x0  }
0x1d: {  	s5 =	simm.s32 @p1 $0x1;
	p0 =	seq.s32 s7, s2  }
0x1e: {  	s7 =	smul.u32 @!p0 $0xF7A, s2;
	p2 =	seq.s32 @!p0 s5, $0x0  }
0x1f: {  	s9 =	smul.u32 $0xF7A, s1;
	s8 =	simm.s32 @!p0 $0x1BF5;
	p2 =	por !p2, p0  }
0x20: {  	[sflag:s8] =	ssyncset.s32 @!p0 $0xFFFFF086;
	s6 =	sadd.s32 @!p0 s3, s7;
	s7 =	simm.s32 @!p0 $0x108  }
0x21: {  	s3 =	sadd.s32 s3, s9;
	s6 =	sadd.s32 @!p0 $0x88, s6;
	s7 =	simm.s32 @p2 $0x1082  }
0x22: {  	[simem:s7], [sflag:s8] =	dma.local @!p0 [hbm:s6], $0xF7A  }
0x23: {  	s9 =	sor.u32 $0xD0000000, s2;
	s6 =	simm.s32 $0x108;
	_ =	swait.ge @!p0 [sflag:s8], $0x0  }
0x24: {  	s3 =	sadd.s32 $0x88, s3;
	s6 =	simm.s32 @!p1 $0x1082;
	[sflag:s4] =	ssyncset.s32 $0xFFFFF086  }
0x25: {  	[simem:s6], [sflag:s4] =	dma.local [hbm:s3], $0xF7A  }
0x26: {  	[smem:$0x3F9E] =	sst s1;
	(tag) =	ssettag s2;
	_ =	strace s9  }
0x27: {  	s1 =	sld [smem:$0x3FAE]  }
0x28: {  	s2 =	sld [smem:$0x3FAF]  }
0x29: {  	s4 =	sld [smem:$0x3FB1]  }
0x2a: {  	p0 =	seq.s32 s5, $0x0;
	s5 =	sld [smem:$0x3FB2]  }
0x2b: {  	s6 =	sld [smem:$0x3FB3]  }
0x2c: {  	s7 =	sld [smem:$0x3FB4]  }
0x2d: {  	s3 =	simm.s32 $0x108;
	s8 =	sld [smem:$0x3FB5]  }
0x2e: {  	s3 =	simm.s32 @!p0 $0x1082;
	s9 =	sld [smem:$0x3FB6]  }
0x2f: {  	lr =	sadd.s32 s0, s3;
	s0 =	sld [smem:$0x3FAD]  }
0x30: {  	s3 =	sld [smem:$0x3FB0]  }
0x31: {  	[smem:$0x3FB9] =	sst s10  }
0x32: {  	s10 =	sld [smem:$0x3FB7];
	_ =	sdelay $0x3  }
0x33: {  	p0 =	seq.s32 s10, $0x1;
	s10 =	sld [smem:$0x3FB9];
	_ =	sdelay $0x3  }
0x34: {  	[smem:$0x3FB9] =	sst s10  }
0x35: {  	s10 =	sld [smem:$0x3FB8];
	_ =	sdelay $0x3  }
0x36: {  	p1 =	seq.s32 s10, $0x1;
	s10 =	sld [smem:$0x3FB9];
	_ =	sdelay $0x3  }
0x37: {  	[smem:$0x3FB9] =	sst s10  }
0x38: {  	s10 =	sld [smem:$0x3FBA]  }
0x39: {  	_ = 	snop;
	(pc) =	sbr.ind lr, $3  }
0x3a: {  	_ = 	snop  }
0x3b: {  	_ = 	snop  }
0x3c: {  	p2 =	seq.s32 s10, $0x1;
	s10 =	sld [smem:$0x3FB9]  }
0x3d: {  	_ =	shalt  }
0x3e: {  	_ =	shalt  }
0x3f: {  	_ =	shalt  }
0x40: {  	_ =	shalt  }
0x41: {  	_ =	shalt  }
0x42: {  	_ =	shalt  }
0x43: {  	_ =	shalt  }
0x44: {  	_ =	shalt  }
0x45: {  	_ =	shalt  }
0x46: {  	_ =	shalt  }
0x47: {  	_ =	shalt  }
0x48: {  	_ =	shalt  }
0x49: {  	_ =	shalt  }
0x4a: {  	_ =	shalt  }
0x4b: {  	_ =	shalt  }
0x4c: {  	_ =	shalt  }
0x4d: {  	_ =	shalt  }
0x4e: {  	_ =	shalt  }
0x4f: {  	_ =	shalt  }
0x50: {  	_ =	shalt  }
0x51: {  	_ =	shalt  }
0x52: {  	_ =	shalt  }
0x53: {  	_ =	shalt  }
0x54: {  	_ =	shalt  }
0x55: {  	_ =	shalt  }
0x56: {  	_ =	shalt  }
0x57: {  	_ =	shalt  }
0x58: {  	_ =	shalt  }
0x59: {  	_ =	shalt  }
0x5a: {  	_ =	shalt  }
0x5b: {  	_ =	shalt  }
0x5c: {  	_ =	shalt  }
0x5d: {  	_ =	shalt  }
0x5e: {  	_ =	shalt  }
0x5f: {  	_ =	shalt  }
0x60: {  	_ =	shalt  }
0x61: {  	_ =	shalt  }
0x62: {  	_ =	shalt  }
0x63: {  	_ =	shalt  }
0x64: {  	_ =	shalt  }
0x65: {  	_ =	shalt  }
0x66: {  	_ =	shalt  }
0x67: {  	_ =	shalt  }
0x68: {  	_ =	shalt  }
0x69: {  	_ =	shalt  }
0x6a: {  	_ =	shalt  }
0x6b: {  	_ =	shalt  }
0x6c: {  	_ =	shalt  }
0x6d: {  	_ =	shalt  }
0x6e: {  	_ =	shalt  }
0x6f: {  	_ =	shalt  }
0x70: {  	_ =	shalt  }
0x71: {  	_ =	shalt  }
0x72: {  	_ =	shalt  }
0x73: {  	_ =	shalt  }
0x74: {  	_ =	shalt  }
0x75: {  	_ =	shalt  }
0x76: {  	_ =	shalt  }
0x77: {  	_ =	shalt  }
0x78: {  	_ =	shalt  }
0x79: {  	_ =	shalt  }
0x7a: {  	_ =	shalt  }
0x7b: {  	_ =	shalt  }
0x7c: {  	_ =	shalt  }
0x7d: {  	_ =	shalt  }
0x7e: {  	_ =	shalt  }
0x7f: {  	_ =	shalt  }
0x80: {  	_ =	shalt  }
0x81: {  	_ =	shalt  }
0x82: {  	_ =	shalt  }
0x83: {  	_ =	shalt  }
0x84: {  	_ =	shalt  }
0x85: {  	_ =	shalt  }
0x86: {  	_ =	shalt  }
0x87: {  	_ =	shalt  }
.Lfunc_end0:
.L_simem_size_0:
called_computation_lowered:
.L_overlay_start_0:
0x88: {  	s2 =	sld [smem:$0x3FD9]  }
0x89: {  	s3 =	sld [smem:$0x3FFE];
	_ =	sdelay $0x1  }
0x8a: {  	s1 =	srdreg.scid  }
0x8b: {  	s0 =	sand.u32 $0x1, s1  }
0x8c: {  	s17 =	sshll.u32 s0, $0xA;
	s2 =	sadd.s32 s3, s2  }
0x8d: {  	s2 =	sadd.s32 s2, s17  }
0x8e: {  	[smem:$0x3FC5] =	sst s2  }
0x8f: {  	_ = 	snop  }
0x90: {  	s2 =	sld [smem:$0x3FC9]  }
0x91: {  	s18 =	sld [smem:$0x3FC8]  }
0x92: {  	s4 =	sld [smem:$0x3FD0];
	(tm) =	ssettm $0x1  }
0x93: {  	s5 =	sld [smem:$0x3FFB];
	_ =	sdelay $0x3  }
0x94: {  	_ =	strace s5  }
0x95: {  	s5 =	sld [smem:$0x3FFC];
	_ =	sdelay $0x3  }
0x96: {  	_ =	strace s5  }
0x97: {  	s5 =	sld [smem:$0x3FFD];
	_ =	sdelay $0x3  }
0x98: {  	_ =	strace s5  }
0x99: {  	_ =	strace $0x8FFFFFFF  }
0x9a: {  	s19 =	sld [smem:$0x3FDB];
	_ =	sdelay $0x1  }
0x9b: {  	s6 =	simm.s32 $_scs_section_size  }
0x9c: {  	s7 =	simm.s32 $_size__tile_overlayer_lowered;
	s8 =	simm.s32 $_tile_overlayer_lowered  }
0x9d: {  	s22 =	simm.s32 $0x1BFF;
	s21 =	sshll.u32 s8, $0x1;
	s5 =	sadd.s32 s6, s19  }
0x9e: {  	s9 =	simm.s32 $0x0;
	s20 =	sshll.u32 s7, $0x1;
	s7 =	sadd.s32 s21, s5  }
0x9f: {  	[timem:s9], [sflag:s22] =	dma.local [hbm:s7], s20  }
0xa0: {  	_ =	swait.ge [sflag:s22], s20  }
0xa1: {  	s6 =	ssub.s32 $0x0, s20;
	[sflag:s22] =	ssyncset.done $0x0  }
0xa2: {  	[sflag:s22] =	ssyncadd.s32 s6;
	_ =	sdelay $0x1  }
0xa3: {  	s23 =	simm.s32 $0x1B8B  }
0xa4: {  	_ =	swait.ge [sflag:s23], $0x1  }
0xa5: {  	[sflag:s23] =	ssyncset.done $0x0  }
0xa6: {  	s25 =	simm.s32 $0x1B8E;
	s24 =	sld [smem:$0x3FFE];
	[sflag:s23] =	ssyncadd.s32 $0xFFFFFFFF  }
0xa7: {  	s26 =	simm.s32 $execute0_lowered;
	[smem:$0x3FD2] =	sst s25  }
0xa8: {  	s7 =	sshll.u32 s26, $0x1;
	_ =	strace $0x80000046;
	[dreg:$0x1] =	wrdreg $0xFFFFFFFF  }
0xa9: {  	s28 =	simm.s32 $_size_execute0_lowered;
	s5 =	sadd.s32 s5, s7;
	[dreg:$0x0] =	wrdreg $0x0  }
0xaa: {  	s7 =	sshll.u32 s28, $0x1;
	[dreg:$0x2] =	wrdreg s5  }
0xab: {  	[dreg:$0x3] =	wrdreg s7  }
0xac: {  	[dreg:$0x4] =	wrdreg $0xC0  }
0xad: {  	_ =	task [dreg:s9], $0x5FFFF  }
0xae: {  	[dreg:$0x1] =	wrdreg $0xFFFFFFFF  }
0xaf: {  	[dreg:$0x0] =	wrdreg $0x60  }
0xb0: {  	[dreg:$0x2] =	wrdreg s2  }
0xb1: {  	[dreg:$0x3] =	wrdreg s18  }
0xb2: {  	[dreg:$0x4] =	wrdreg s24  }
0xb3: {  	[dreg:$0x5] =	wrdreg s4  }
0xb4: {  	[dreg:$0x6] =	wrdreg $0x9  }
0xb5: {  	_ =	task.clear_ibuf [dreg:s9], $0x7FFFF;
	_ =	strace $0x90000046  }
0xb6: {  	s29 =	simm.s32 $0x9;
	_ =	strace $0x80000048  }
0xb7: {  	_ =	swait.ge [sflag:s29], $0x1  }
0xb8: {  	[sflag:s29] =	ssyncadd.s32 $0xFFFFFFFF  }
0xb9: {  	_ =	strace $0x90000048  }
0xba: {  	_ =	sfence  }
0xbb: {  	s30 =	sld [smem:$0x0];
	_ =	sdelay $0x2  }
0xbc: {  	s31 =	sshll.u32 s1, $0xD;
	s1 =	sshrl.u32 s1, $0x2  }
0xbd: {  	s3 =	sand.u32 $0x4000, s31;
	s1 =	sadd.s32 s1, s30  }
0xbe: {  	s0 =	sor.u32 s3, s0;
	s1 =	sshll.u32 s1, $0x11  }
0xbf: {  	s0 =	sor.u32 s1, s0  }
0xc0: {  	s0 =	sadd.s32 $0x8F2B, s0  }
0xc1: {  	[sflag:s0] =	ssyncadd.remote.s32 $0x1  }
0xc2: {  	_ =	sfence.sel $0xFFFF  }
0xc3: {  	[dreg:$0x0] =	wrdreg $0xFFFFFFFF;
	(pc) =	sbr.abs _section_cstart, $3  }
0xc4: {  	[dreg:$0x1] =	wrdreg $0xFFFFFFFF  }
0xc5: {  	_ =	task.clear_ibuf [dreg:s9], $0x2FFFF;
	_ =	strace $0x9FFFFFFF  }
0xc6: {  	(tm) =	ssettm $0x7FFFFFFF  }
0xc7: {  	_ =	shalt  }
tec
execute0_lowered:
.L_overlay_start_1:
0x0: {  	(tag) =	ssettag $0x1  }
0x1: {  	s1 =	rddreg [dreg:$0x0]  }
0x2: {  	s2 =	rddreg [dreg:$0x1]  }
0x3: {  	s3 =	srdreg.scid;
	s5 =	rddreg [dreg:$0x2]  }
0x4: {  	s0 =	stileid.u32;
	s7 =	rddreg [dreg:$0x3]  }
0x5: {  	s4 =	simm.s32 $0x0;
	s10 =	simm.s32 $0x2780;
	s11 =	simm.s32 $0x50  }
0x6: {  	s12 =	simm.s32 $0x4F00;
	s13 =	simm.s32 $0x7700;
	s14 =	simm.s32 $0x2  }
0x7: {  	s15 =	simm.s32 $0x9F00;
	s16 =	simm.s32 $0xC700;
	s17 =	simm.s32 $0xEF00  }
0x8: {  	s18 =	simm.s32 $0x1;
	s6 =	sand.u32 $0x1, s3;
	s31 =	sshll.u32 s0, $0x1  }
.Ltmp0:
0x9: {  	s19 =	simm.s32 $0x0;
	s8 =	sor.u32 s6, s31;
	(pc) =	sbr.rel .LBB2_1-.Ltmp0, $4  }
0xa: {  	[smem:$0x7FF] =	sst s4;
	s6 =	ssub.s32 $0x2, s6;
	s8 =	smul.u32 $0x4E2, s8  }
0xb: {  	v0 =	vlaneseq.u32;
	s3 =	rddreg [dreg:$0x4];
	_ =	strace $0x80000047;
	s9 =	sshrl.u32 s6, $0x1  }
0xc: {  	v0 =	vmul.u32 $0x80, v0;
	s9 =	ssub.s32 s6, s9;
	s5 =	sadd.s32 s5, s8;
	s7 =	sadd.s32 s7, s8  }
0xd: {  	s8 =	smax.u32 s9, $0x1;
	s9 =	simm.s32 $0x3;
	s6 =	sadd.s32 $0x9E00, s5  }
.LBB2_10:
0xe: {  	s19 =	sadd.s32 $0x1, s19  }
0xf: {  	p0 =	sne.s32 s19, s8  }
.Ltmp1:
0x10: {  	_ = 	snop;
	(pc) =	sbr.rel @!p0 .LBB2_11-.Ltmp1, $4  }
0x11: {  	[hbm4b:s7+s4] =	stream.linear.scatter [tilespmem:s17], [sflag:$0x3], $0x2710, $0x38;
	[tilespmem:$0x11680] =	vst v63  }
0x12: {  	_ =	swait.ge [sflag:s9], $0x2710  }
0x13: {  	[sflag:s9] =	ssyncset.done $0x0  }
0x14: {  	[sflag:s9] =	ssyncadd.s32 $0xFFFFD8F0  }
.LBB2_1:
0x15: {  	[tilespmem:s4], [sflag:$0x3] =	stream.linear.gather [hbm4b:s6+s4], $0x2710, $0x38;
	[tilespmem:$0x11680] =	vst v63  }
0x16: {  	_ =	swait.ge [sflag:s9], $0x2710  }
0x17: {  	[sflag:s9] =	ssyncset.done $0x0  }
0x18: {  	[sflag:s9] =	ssyncadd.s32 $0xFFFFD8F0  }
0x19: {  	[tilespmem:s10], [sflag:$0x3] =	stream.linear.gather [hbm4b:s5+s4], $0x2710, $0x38;
	[tilespmem:$0x11680] =	vst v63  }
0x1a: {  	_ =	swait.ge [sflag:s9], $0x2710  }
.Ltmp2:
0x1b: {  	[sflag:s9] =	ssyncset.done $0x0;
	(pc) =	sbr.rel .LBB2_2-.Ltmp2, $4  }
0x1c: {  	[sflag:s9] =	ssyncadd.s32 $0xFFFFD8F0  }
0x1d: {  	[tilespmem:s12], [sflag:$0x1] =	stream.indirect.gather [hbm4b:s1+s11], $0x80, s4, s11, $0xb8;
	[tilespmem:$0x11680] =	vst v63  }
0x1e: {  	s20 =	simm.s32 $0xEF00;
	s21 =	simm.s32 $0x0  }
0x1f: {  	[tilespmem:s13], [sflag:$0x1] =	stream.indirect.gather [hbm4b:s2+s11], $0x80, s10, s11, $0xb8;
	[tilespmem:$0x11680] =	vst v63  }
.LBB2_9:
0x20: {  	s21 =	sadd.s32 $0x1, s21  }
0x21: {  	p0 =	sne.s32 s21, $0x7D  }
.Ltmp3:
0x22: {  	_ = 	snop;
	(pc) =	sbr.rel @!p0 .LBB2_10-.Ltmp3, $2  }
0x23: {  	_ =	sdelay $0x2  }
0x24: {  	s20 =	sadd.s32 $0x50, s20  }
.LBB2_2:
0x25: {  	s22 =	sand.u32 $0x1, s21  }
0x26: {  	p0 =	seq.s32 s22, $0x1  }
.Ltmp4:
0x27: {  	_ = 	snop;
	(pc) =	sbr.rel @p0 .LBB2_6-.Ltmp4, $1  }
0x28: {  	_ =	sdelay $0x3  }
0x29: {  	p0 =	seq.s32 s21, $0x7C  }
0x2a: {  	s23 =	smul.u32 @!p0 $0x50, s21;
	_ =	sdelay $0x1  }
0x2b: {  	s25 =	simm.s32 @!p0 $0x50;
	s26 =	simm.s32 @!p0 $0x9F00;
	s24 =	sadd.s32 @!p0 $0x50, s23  }
0x2c: {  	[tilespmem:s26], [sflag:$0x2] =	stream.indirect.gather @!p0 [hbm4b:s1+s25], $0x80, s24, s25, $0xb8;
	[tilespmem:$0x11680] =	vst v63  }
0x2d: {  	s29 =	simm.s32 $0x0;
	s23 =	sadd.s32 @!p0 $0x27D0, s23;
	s24 =	simm.s32 @!p0 $0xC700  }
0x2e: {  	v1 =	vmov s29;
	[tilespmem:s24], [sflag:$0x2] =	stream.indirect.gather @!p0 [hbm4b:s2+s25], $0x80, s23, s25, $0xb8;
	[tilespmem:$0x11680] =	vst v63  }
0x2f: {  	v1 =	vshll.u32 v1, $0x7;
	_ =	swait.ge [sflag:s18], $0x2800  }
0x30: {  	v1 =	vor.u32 v0, v1;
	[sflag:s18] =	ssyncset.done $0x0  }
0x31: {  	[sflag:s18] =	ssyncadd.s32 $0xFFFFD800  }
0x32: {  	v2 =	vor.u32 $0x1, v1;
	_ =	swait.ge [sflag:s18], $0x2800  }
0x33: {  	[sflag:s18] =	ssyncset.done $0x0  }
0x34: {  	v3 =	vor.u32 $0x2, v1;
	[sflag:s18] =	ssyncadd.s32 $0xFFFFD800  }
0x35: {  	v4 =	vld.idx.msk [tilespmem:v1+s13+$0x0], $0xffff  }
0x36: {  	v6 =	vor.u32 $0x3, v1;
	v5 =	vld.idx.msk [tilespmem:v1+s12+$0x0], $0xffff  }
0x37: {  	v7 =	vld.idx.msk [tilespmem:v2+s12+$0x0], $0xffff  }
0x38: {  	v8 =	vor.u32 $0x4, v1;
	v2 =	vld.idx.msk [tilespmem:v2+s13+$0x0], $0xffff  }
0x39: {  	v9 =	vld.idx.msk [tilespmem:v3+s12+$0x0], $0xffff  }
0x3a: {  	v10 =	vor.u32 $0x5, v1;
	v3 =	vld.idx.msk [tilespmem:v3+s13+$0x0], $0xffff  }
0x3b: {  	v11 =	vld.idx.msk [tilespmem:v6+s12+$0x0], $0xffff;
	v4 =	vmul.f32 v4, v5  }
0x3c: {  	v41 =	vor.u32 $0x6, v1;
	v40 =	vld.idx.msk [tilespmem:v6+s13+$0x0], $0xffff  }
0x3d: {  	v12 =	vld.idx.msk [tilespmem:v8+s12+$0x0], $0xffff;
	v2 =	vmul.f32 v2, v7;
	v4 =	vadd.f32 $0.0e+00, v4  }
0x3e: {  	v43 =	vor.u32 $0x7, v1;
	v42 =	vld.idx.msk [tilespmem:v8+s13+$0x0], $0xffff  }
0x3f: {  	v13 =	vld.idx.msk [tilespmem:v10+s12+$0x0], $0xffff;
	v3 =	vmul.f32 v3, v9;
	v2 =	vadd.f32 v2, v4  }
0x40: {  	v45 =	vor.u32 $0x8, v1;
	v44 =	vld.idx.msk [tilespmem:v10+s13+$0x0], $0xffff  }
0x41: {  	v46 =	vld.idx.msk [tilespmem:v41+s12+$0x0], $0xffff;
	v2 =	vadd.f32 v3, v2;
	v3 =	vmul.f32 v40, v11  }
0x42: {  	v48 =	vor.u32 $0x9, v1;
	v47 =	vld.idx.msk [tilespmem:v41+s13+$0x0], $0xffff  }
0x43: {  	v49 =	vld.idx.msk [tilespmem:v43+s12+$0x0], $0xffff;
	v2 =	vadd.f32 v3, v2;
	v3 =	vmul.f32 v42, v12  }
0x44: {  	v51 =	vor.u32 $0xA, v1;
	v50 =	vld.idx.msk [tilespmem:v43+s13+$0x0], $0xffff  }
0x45: {  	v52 =	vld.idx.msk [tilespmem:v45+s12+$0x0], $0xffff;
	v2 =	vadd.f32 v3, v2;
	v3 =	vmul.f32 v44, v13  }
0x46: {  	v54 =	vor.u32 $0xB, v1;
	v53 =	vld.idx.msk [tilespmem:v45+s13+$0x0], $0xffff  }
0x47: {  	v55 =	vld.idx.msk [tilespmem:v48+s12+$0x0], $0xffff;
	v2 =	vadd.f32 v3, v2;
	v3 =	vmul.f32 v47, v46  }
0x48: {  	v57 =	vor.u32 $0xC, v1;
	v56 =	vld.idx.msk [tilespmem:v48+s13+$0x0], $0xffff  }
0x49: {  	v58 =	vld.idx.msk [tilespmem:v51+s12+$0x0], $0xffff;
	v2 =	vadd.f32 v3, v2;
	v3 =	vmul.f32 v50, v49  }
0x4a: {  	v60 =	vor.u32 $0xD, v1;
	v59 =	vld.idx.msk [tilespmem:v51+s13+$0x0], $0xffff  }
0x4b: {  	v61 =	vld.idx.msk [tilespmem:v54+s12+$0x0], $0xffff;
	v2 =	vadd.f32 v3, v2;
	v3 =	vmul.f32 v53, v52  }
0x4c: {  	v63 =	vor.u32 $0xE, v1;
	v62 =	vld.idx.msk [tilespmem:v54+s13+$0x0], $0xffff  }
0x4d: {  	v16 =	vld.idx.msk [tilespmem:v57+s12+$0x0], $0xffff;
	v2 =	vadd.f32 v3, v2;
	v3 =	vmul.f32 v56, v55  }
0x4e: {  	v18 =	vor.u32 $0xF, v1;
	v17 =	vld.idx.msk [tilespmem:v57+s13+$0x0], $0xffff  }
0x4f: {  	v19 =	vld.idx.msk [tilespmem:v60+s12+$0x0], $0xffff;
	v2 =	vadd.f32 v3, v2;
	v3 =	vmul.f32 v59, v58  }
0x50: {  	v21 =	vor.u32 $0x10, v1;
	v20 =	vld.idx.msk [tilespmem:v60+s13+$0x0], $0xffff  }
0x51: {  	v22 =	vld.idx.msk [tilespmem:v63+s12+$0x0], $0xffff;
	v2 =	vadd.f32 v3, v2;
	v3 =	vmul.f32 v62, v61  }
0x52: {  	v24 =	vor.u32 $0x11, v1;
	v23 =	vld.idx.msk [tilespmem:v63+s13+$0x0], $0xffff  }
0x53: {  	v25 =	vld.idx.msk [tilespmem:v18+s12+$0x0], $0xffff;
	v2 =	vadd.f32 v3, v2;
	v3 =	vmul.f32 v17, v16  }
0x54: {  	v27 =	vor.u32 $0x12, v1;
	v26 =	vld.idx.msk [tilespmem:v18+s13+$0x0], $0xffff  }
0x55: {  	v28 =	vld.idx.msk [tilespmem:v21+s12+$0x0], $0xffff;
	v2 =	vadd.f32 v3, v2;
	v3 =	vmul.f32 v20, v19  }
0x56: {  	v30 =	vor.u32 $0x13, v1;
	v29 =	vld.idx.msk [tilespmem:v21+s13+$0x0], $0xffff  }
0x57: {  	v31 =	vld.idx.msk [tilespmem:v24+s12+$0x0], $0xffff;
	v2 =	vadd.f32 v3, v2;
	v3 =	vmul.f32 v23, v22  }
0x58: {  	v33 =	vor.u32 $0x14, v1;
	v32 =	vld.idx.msk [tilespmem:v24+s13+$0x0], $0xffff  }
0x59: {  	v34 =	vld.idx.msk [tilespmem:v27+s12+$0x0], $0xffff;
	v2 =	vadd.f32 v3, v2;
	v3 =	vmul.f32 v26, v25  }
0x5a: {  	v36 =	vor.u32 $0x15, v1;
	v35 =	vld.idx.msk [tilespmem:v27+s13+$0x0], $0xffff  }
0x5b: {  	v37 =	vld.idx.msk [tilespmem:v30+s12+$0x0], $0xffff;
	v2 =	vadd.f32 v3, v2;
	v3 =	vmul.f32 v29, v28  }
0x5c: {  	v39 =	vor.u32 $0x16, v1;
	v38 =	vld.idx.msk [tilespmem:v30+s13+$0x0], $0xffff  }
0x5d: {  	v41 =	vld.idx.msk [tilespmem:v33+s13+$0x0], $0xffff;
	v2 =	vadd.f32 v3, v2;
	v3 =	vmul.f32 v32, v31  }
0x5e: {  	v40 =	vld.idx.msk [tilespmem:v33+s12+$0x0], $0xffff;
	v42 =	vor.u32 $0x17, v1  }
0x5f: {  	v43 =	vld.idx.msk [tilespmem:v36+s12+$0x0], $0xffff;
	v2 =	vadd.f32 v3, v2;
	v3 =	vmul.f32 v35, v34  }
0x60: {  	v45 =	vor.u32 $0x18, v1;
	v44 =	vld.idx.msk [tilespmem:v36+s13+$0x0], $0xffff  }
0x61: {  	v46 =	vld.idx.msk [tilespmem:v39+s12+$0x0], $0xffff;
	v2 =	vadd.f32 v3, v2;
	v3 =	vmul.f32 v38, v37  }
0x62: {  	v48 =	vor.u32 $0x19, v1;
	v47 =	vld.idx.msk [tilespmem:v39+s13+$0x0], $0xffff  }
0x63: {  	v49 =	vld.idx.msk [tilespmem:v42+s12+$0x0], $0xffff;
	v2 =	vadd.f32 v3, v2;
	v3 =	vmul.f32 v41, v40  }
0x64: {  	v51 =	vor.u32 $0x1A, v1;
	v50 =	vld.idx.msk [tilespmem:v42+s13+$0x0], $0xffff  }
0x65: {  	v52 =	vld.idx.msk [tilespmem:v45+s12+$0x0], $0xffff;
	v2 =	vadd.f32 v3, v2;
	v3 =	vmul.f32 v44, v43  }
0x66: {  	v54 =	vor.u32 $0x1B, v1;
	v53 =	vld.idx.msk [tilespmem:v45+s13+$0x0], $0xffff  }
0x67: {  	v55 =	vld.idx.msk [tilespmem:v48+s12+$0x0], $0xffff;
	v2 =	vadd.f32 v3, v2;
	v3 =	vmul.f32 v47, v46  }
0x68: {  	v57 =	vor.u32 $0x1C, v1;
	v56 =	vld.idx.msk [tilespmem:v48+s13+$0x0], $0xffff  }
0x69: {  	v58 =	vld.idx.msk [tilespmem:v51+s12+$0x0], $0xffff;
	v2 =	vadd.f32 v3, v2;
	v3 =	vmul.f32 v50, v49  }
0x6a: {  	v60 =	vor.u32 $0x1D, v1;
	v59 =	vld.idx.msk [tilespmem:v51+s13+$0x0], $0xffff  }
0x6b: {  	v61 =	vld.idx.msk [tilespmem:v54+s12+$0x0], $0xffff;
	v2 =	vadd.f32 v3, v2;
	v3 =	vmul.f32 v53, v52  }
0x6c: {  	v63 =	vor.u32 $0x1E, v1;
	v62 =	vld.idx.msk [tilespmem:v54+s13+$0x0], $0xffff  }
0x6d: {  	v16 =	vld.idx.msk [tilespmem:v57+s12+$0x0], $0xffff;
	v2 =	vadd.f32 v3, v2;
	v3 =	vmul.f32 v56, v55  }
0x6e: {  	v18 =	vor.u32 $0x1F, v1;
	v17 =	vld.idx.msk [tilespmem:v57+s13+$0x0], $0xffff  }
0x6f: {  	v19 =	vld.idx.msk [tilespmem:v60+s12+$0x0], $0xffff;
	v2 =	vadd.f32 v3, v2;
	v3 =	vmul.f32 v59, v58  }
0x70: {  	v21 =	vor.u32 $0x20, v1;
	v20 =	vld.idx.msk [tilespmem:v60+s13+$0x0], $0xffff  }
0x71: {  	v22 =	vld.idx.msk [tilespmem:v63+s12+$0x0], $0xffff;
	v2 =	vadd.f32 v3, v2;
	v3 =	vmul.f32 v62, v61  }
0x72: {  	v24 =	vor.u32 $0x21, v1;
	v23 =	vld.idx.msk [tilespmem:v63+s13+$0x0], $0xffff  }
0x73: {  	v25 =	vld.idx.msk [tilespmem:v18+s12+$0x0], $0xffff;
	v2 =	vadd.f32 v3, v2;
	v3 =	vmul.f32 v17, v16  }
0x74: {  	v27 =	vor.u32 $0x22, v1;
	v26 =	vld.idx.msk [tilespmem:v18+s13+$0x0], $0xffff  }
0x75: {  	v28 =	vld.idx.msk [tilespmem:v21+s12+$0x0], $0xffff;
	v2 =	vadd.f32 v3, v2;
	v3 =	vmul.f32 v20, v19  }
0x76: {  	v30 =	vor.u32 $0x23, v1;
	v29 =	vld.idx.msk [tilespmem:v21+s13+$0x0], $0xffff  }
0x77: {  	v31 =	vld.idx.msk [tilespmem:v24+s12+$0x0], $0xffff;
	v2 =	vadd.f32 v3, v2;
	v3 =	vmul.f32 v23, v22  }
0x78: {  	v33 =	vor.u32 $0x24, v1;
	v32 =	vld.idx.msk [tilespmem:v24+s13+$0x0], $0xffff  }
0x79: {  	v34 =	vld.idx.msk [tilespmem:v27+s12+$0x0], $0xffff;
	v2 =	vadd.f32 v3, v2;
	v3 =	vmul.f32 v26, v25  }
0x7a: {  	v36 =	vor.u32 $0x25, v1;
	v35 =	vld.idx.msk [tilespmem:v27+s13+$0x0], $0xffff  }
0x7b: {  	v37 =	vld.idx.msk [tilespmem:v30+s12+$0x0], $0xffff;
	v2 =	vadd.f32 v3, v2;
	v3 =	vmul.f32 v29, v28  }
0x7c: {  	v39 =	vor.u32 $0x26, v1;
	v38 =	vld.idx.msk [tilespmem:v30+s13+$0x0], $0xffff  }
0x7d: {  	v40 =	vld.idx.msk [tilespmem:v33+s12+$0x0], $0xffff;
	v2 =	vadd.f32 v3, v2;
	v3 =	vmul.f32 v32, v31  }
0x7e: {  	v42 =	vor.u32 $0x27, v1;
	v41 =	vld.idx.msk [tilespmem:v33+s13+$0x0], $0xffff  }
0x7f: {  	v43 =	vld.idx.msk [tilespmem:v36+s12+$0x0], $0xffff;
	v2 =	vadd.f32 v3, v2;
	v3 =	vmul.f32 v35, v34  }
0x80: {  	v45 =	vor.u32 $0x28, v1;
	v44 =	vld.idx.msk [tilespmem:v36+s13+$0x0], $0xffff  }
0x81: {  	v46 =	vld.idx.msk [tilespmem:v39+s12+$0x0], $0xffff;
	v2 =	vadd.f32 v3, v2;
	v3 =	vmul.f32 v38, v37  }
0x82: {  	v48 =	vor.u32 $0x29, v1;
	v47 =	vld.idx.msk [tilespmem:v39+s13+$0x0], $0xffff  }
0x83: {  	v49 =	vld.idx.msk [tilespmem:v42+s12+$0x0], $0xffff;
	v2 =	vadd.f32 v3, v2;
	v3 =	vmul.f32 v41, v40  }
0x84: {  	v51 =	vor.u32 $0x2A, v1;
	v50 =	vld.idx.msk [tilespmem:v42+s13+$0x0], $0xffff  }
0x85: {  	v52 =	vld.idx.msk [tilespmem:v45+s12+$0x0], $0xffff;
	v2 =	vadd.f32 v3, v2;
	v3 =	vmul.f32 v44, v43  }
0x86: {  	v54 =	vor.u32 $0x2B, v1;
	v53 =	vld.idx.msk [tilespmem:v45+s13+$0x0], $0xffff  }
0x87: {  	v55 =	vld.idx.msk [tilespmem:v48+s12+$0x0], $0xffff;
	v2 =	vadd.f32 v3, v2;
	v3 =	vmul.f32 v47, v46  }
0x88: {  	v57 =	vor.u32 $0x2C, v1;
	v56 =	vld.idx.msk [tilespmem:v48+s13+$0x0], $0xffff  }
0x89: {  	v58 =	vld.idx.msk [tilespmem:v51+s12+$0x0], $0xffff;
	v2 =	vadd.f32 v3, v2;
	v3 =	vmul.f32 v50, v49  }
0x8a: {  	v60 =	vor.u32 $0x2D, v1;
	v59 =	vld.idx.msk [tilespmem:v51+s13+$0x0], $0xffff  }
0x8b: {  	v61 =	vld.idx.msk [tilespmem:v54+s12+$0x0], $0xffff;
	v2 =	vadd.f32 v3, v2;
	v3 =	vmul.f32 v53, v52  }
0x8c: {  	v63 =	vor.u32 $0x2E, v1;
	v62 =	vld.idx.msk [tilespmem:v54+s13+$0x0], $0xffff  }
0x8d: {  	v16 =	vld.idx.msk [tilespmem:v57+s12+$0x0], $0xffff;
	v2 =	vadd.f32 v3, v2;
	v3 =	vmul.f32 v56, v55  }
0x8e: {  	v18 =	vor.u32 $0x2F, v1;
	v17 =	vld.idx.msk [tilespmem:v57+s13+$0x0], $0xffff  }
0x8f: {  	v19 =	vld.idx.msk [tilespmem:v60+s12+$0x0], $0xffff;
	v2 =	vadd.f32 v3, v2;
	v3 =	vmul.f32 v59, v58  }
0x90: {  	v21 =	vor.u32 $0x30, v1;
	v20 =	vld.idx.msk [tilespmem:v60+s13+$0x0], $0xffff  }
0x91: {  	v22 =	vld.idx.msk [tilespmem:v63+s12+$0x0], $0xffff;
	v2 =	vadd.f32 v3, v2;
	v3 =	vmul.f32 v62, v61  }
0x92: {  	v24 =	vor.u32 $0x31, v1;
	v23 =	vld.idx.msk [tilespmem:v63+s13+$0x0], $0xffff  }
0x93: {  	v25 =	vld.idx.msk [tilespmem:v18+s12+$0x0], $0xffff;
	v2 =	vadd.f32 v3, v2;
	v3 =	vmul.f32 v17, v16  }
0x94: {  	v27 =	vor.u32 $0x32, v1;
	v26 =	vld.idx.msk [tilespmem:v18+s13+$0x0], $0xffff  }
0x95: {  	v28 =	vld.idx.msk [tilespmem:v21+s12+$0x0], $0xffff;
	v2 =	vadd.f32 v3, v2;
	v3 =	vmul.f32 v20, v19  }
0x96: {  	v30 =	vor.u32 $0x33, v1;
	v29 =	vld.idx.msk [tilespmem:v21+s13+$0x0], $0xffff  }
0x97: {  	v31 =	vld.idx.msk [tilespmem:v24+s12+$0x0], $0xffff;
	v2 =	vadd.f32 v3, v2;
	v3 =	vmul.f32 v23, v22  }
0x98: {  	v33 =	vor.u32 $0x34, v1;
	v32 =	vld.idx.msk [tilespmem:v24+s13+$0x0], $0xffff  }
0x99: {  	v34 =	vld.idx.msk [tilespmem:v27+s12+$0x0], $0xffff;
	v2 =	vadd.f32 v3, v2;
	v3 =	vmul.f32 v26, v25  }
0x9a: {  	v36 =	vor.u32 $0x35, v1;
	v35 =	vld.idx.msk [tilespmem:v27+s13+$0x0], $0xffff  }
0x9b: {  	v37 =	vld.idx.msk [tilespmem:v30+s12+$0x0], $0xffff;
	v2 =	vadd.f32 v3, v2;
	v3 =	vmul.f32 v29, v28  }
0x9c: {  	v39 =	vor.u32 $0x36, v1;
	v38 =	vld.idx.msk [tilespmem:v30+s13+$0x0], $0xffff  }
0x9d: {  	v40 =	vld.idx.msk [tilespmem:v33+s12+$0x0], $0xffff;
	v2 =	vadd.f32 v3, v2;
	v3 =	vmul.f32 v32, v31  }
0x9e: {  	v42 =	vor.u32 $0x37, v1;
	v41 =	vld.idx.msk [tilespmem:v33+s13+$0x0], $0xffff  }
0x9f: {  	v43 =	vld.idx.msk [tilespmem:v36+s12+$0x0], $0xffff;
	v2 =	vadd.f32 v3, v2;
	v3 =	vmul.f32 v35, v34  }
0xa0: {  	v45 =	vor.u32 $0x38, v1;
	v44 =	vld.idx.msk [tilespmem:v36+s13+$0x0], $0xffff  }
0xa1: {  	v46 =	vld.idx.msk [tilespmem:v39+s12+$0x0], $0xffff;
	v2 =	vadd.f32 v3, v2;
	v3 =	vmul.f32 v38, v37  }
0xa2: {  	v48 =	vor.u32 $0x39, v1;
	v47 =	vld.idx.msk [tilespmem:v39+s13+$0x0], $0xffff  }
0xa3: {  	v49 =	vld.idx.msk [tilespmem:v42+s12+$0x0], $0xffff;
	v2 =	vadd.f32 v3, v2;
	v3 =	vmul.f32 v41, v40  }
0xa4: {  	v51 =	vor.u32 $0x3A, v1;
	v50 =	vld.idx.msk [tilespmem:v42+s13+$0x0], $0xffff  }
0xa5: {  	v52 =	vld.idx.msk [tilespmem:v45+s12+$0x0], $0xffff;
	v2 =	vadd.f32 v3, v2;
	v3 =	vmul.f32 v44, v43  }
0xa6: {  	v54 =	vor.u32 $0x3B, v1;
	v53 =	vld.idx.msk [tilespmem:v45+s13+$0x0], $0xffff  }
0xa7: {  	v55 =	vld.idx.msk [tilespmem:v48+s12+$0x0], $0xffff;
	v2 =	vadd.f32 v3, v2;
	v3 =	vmul.f32 v47, v46  }
0xa8: {  	v57 =	vor.u32 $0x3C, v1;
	v56 =	vld.idx.msk [tilespmem:v48+s13+$0x0], $0xffff  }
0xa9: {  	v58 =	vld.idx.msk [tilespmem:v51+s12+$0x0], $0xffff;
	v2 =	vadd.f32 v3, v2;
	v3 =	vmul.f32 v50, v49  }
0xaa: {  	v60 =	vor.u32 $0x3D, v1;
	v59 =	vld.idx.msk [tilespmem:v51+s13+$0x0], $0xffff  }
0xab: {  	v61 =	vld.idx.msk [tilespmem:v54+s12+$0x0], $0xffff;
	v2 =	vadd.f32 v3, v2;
	v3 =	vmul.f32 v53, v52  }
0xac: {  	v63 =	vor.u32 $0x3E, v1;
	v62 =	vld.idx.msk [tilespmem:v54+s13+$0x0], $0xffff  }
0xad: {  	v16 =	vld.idx.msk [tilespmem:v57+s12+$0x0], $0xffff;
	v2 =	vadd.f32 v3, v2;
	v3 =	vmul.f32 v56, v55  }
0xae: {  	v18 =	vor.u32 $0x3F, v1;
	v17 =	vld.idx.msk [tilespmem:v57+s13+$0x0], $0xffff  }
0xaf: {  	v19 =	vld.idx.msk [tilespmem:v60+s12+$0x0], $0xffff;
	v2 =	vadd.f32 v3, v2;
	v3 =	vmul.f32 v59, v58  }
0xb0: {  	v21 =	vor.u32 $0x40, v1;
	v20 =	vld.idx.msk [tilespmem:v60+s13+$0x0], $0xffff  }
0xb1: {  	v22 =	vld.idx.msk [tilespmem:v63+s12+$0x0], $0xffff;
	v2 =	vadd.f32 v3, v2;
	v3 =	vmul.f32 v62, v61  }
0xb2: {  	v24 =	vor.u32 $0x41, v1;
	v23 =	vld.idx.msk [tilespmem:v63+s13+$0x0], $0xffff  }
0xb3: {  	v25 =	vld.idx.msk [tilespmem:v18+s12+$0x0], $0xffff;
	v2 =	vadd.f32 v3, v2;
	v3 =	vmul.f32 v17, v16  }
0xb4: {  	v27 =	vor.u32 $0x42, v1;
	v26 =	vld.idx.msk [tilespmem:v18+s13+$0x0], $0xffff  }
0xb5: {  	v28 =	vld.idx.msk [tilespmem:v21+s12+$0x0], $0xffff;
	v2 =	vadd.f32 v3, v2;
	v3 =	vmul.f32 v20, v19  }
0xb6: {  	v30 =	vor.u32 $0x43, v1;
	v29 =	vld.idx.msk [tilespmem:v21+s13+$0x0], $0xffff  }
0xb7: {  	v31 =	vld.idx.msk [tilespmem:v24+s12+$0x0], $0xffff;
	v2 =	vadd.f32 v3, v2;
	v3 =	vmul.f32 v23, v22  }
0xb8: {  	v33 =	vor.u32 $0x44, v1;
	v32 =	vld.idx.msk [tilespmem:v24+s13+$0x0], $0xffff  }
0xb9: {  	v34 =	vld.idx.msk [tilespmem:v27+s12+$0x0], $0xffff;
	v2 =	vadd.f32 v3, v2;
	v3 =	vmul.f32 v26, v25  }
0xba: {  	v36 =	vor.u32 $0x45, v1;
	v35 =	vld.idx.msk [tilespmem:v27+s13+$0x0], $0xffff  }
0xbb: {  	v37 =	vld.idx.msk [tilespmem:v30+s12+$0x0], $0xffff;
	v2 =	vadd.f32 v3, v2;
	v3 =	vmul.f32 v29, v28  }
0xbc: {  	v39 =	vor.u32 $0x46, v1;
	v38 =	vld.idx.msk [tilespmem:v30+s13+$0x0], $0xffff  }
0xbd: {  	v40 =	vld.idx.msk [tilespmem:v33+s12+$0x0], $0xffff;
	v2 =	vadd.f32 v3, v2;
	v3 =	vmul.f32 v32, v31  }
0xbe: {  	v42 =	vor.u32 $0x47, v1;
	v41 =	vld.idx.msk [tilespmem:v33+s13+$0x0], $0xffff  }
0xbf: {  	v43 =	vld.idx.msk [tilespmem:v36+s12+$0x0], $0xffff;
	v2 =	vadd.f32 v3, v2;
	v3 =	vmul.f32 v35, v34  }
0xc0: {  	v45 =	vor.u32 $0x48, v1;
	v44 =	vld.idx.msk [tilespmem:v36+s13+$0x0], $0xffff  }
0xc1: {  	v46 =	vld.idx.msk [tilespmem:v39+s12+$0x0], $0xffff;
	v2 =	vadd.f32 v3, v2;
	v3 =	vmul.f32 v38, v37  }
0xc2: {  	v48 =	vor.u32 $0x49, v1;
	v47 =	vld.idx.msk [tilespmem:v39+s13+$0x0], $0xffff  }
0xc3: {  	v49 =	vld.idx.msk [tilespmem:v42+s12+$0x0], $0xffff;
	v2 =	vadd.f32 v3, v2;
	v3 =	vmul.f32 v41, v40  }
0xc4: {  	v51 =	vor.u32 $0x4A, v1;
	v50 =	vld.idx.msk [tilespmem:v42+s13+$0x0], $0xffff  }
0xc5: {  	v52 =	vld.idx.msk [tilespmem:v45+s12+$0x0], $0xffff;
	v2 =	vadd.f32 v3, v2;
	v3 =	vmul.f32 v44, v43  }
0xc6: {  	v54 =	vor.u32 $0x4B, v1;
	v53 =	vld.idx.msk [tilespmem:v45+s13+$0x0], $0xffff  }
0xc7: {  	v55 =	vld.idx.msk [tilespmem:v48+s12+$0x0], $0xffff;
	v2 =	vadd.f32 v3, v2;
	v3 =	vmul.f32 v47, v46  }
0xc8: {  	v57 =	vor.u32 $0x4C, v1;
	v56 =	vld.idx.msk [tilespmem:v48+s13+$0x0], $0xffff  }
0xc9: {  	v58 =	vld.idx.msk [tilespmem:v51+s12+$0x0], $0xffff;
	v2 =	vadd.f32 v3, v2;
	v3 =	vmul.f32 v50, v49  }
0xca: {  	v60 =	vor.u32 $0x4D, v1;
	v59 =	vld.idx.msk [tilespmem:v51+s13+$0x0], $0xffff  }
0xcb: {  	v61 =	vld.idx.msk [tilespmem:v54+s12+$0x0], $0xffff;
	v2 =	vadd.f32 v3, v2;
	v3 =	vmul.f32 v53, v52  }
0xcc: {  	v63 =	vor.u32 $0x4E, v1;
	v62 =	vld.idx.msk [tilespmem:v54+s13+$0x0], $0xffff  }
0xcd: {  	v16 =	vld.idx.msk [tilespmem:v57+s12+$0x0], $0xffff;
	v2 =	vadd.f32 v3, v2;
	v3 =	vmul.f32 v56, v55  }
0xce: {  	v18 =	vor.u32 $0x4F, v1;
	v17 =	vld.idx.msk [tilespmem:v57+s13+$0x0], $0xffff  }
0xcf: {  	v19 =	vld.idx.msk [tilespmem:v60+s12+$0x0], $0xffff;
	v2 =	vadd.f32 v3, v2;
	v3 =	vmul.f32 v59, v58  }
0xd0: {  	v21 =	vor.u32 $0x50, v1;
	v20 =	vld.idx.msk [tilespmem:v60+s13+$0x0], $0xffff  }
0xd1: {  	v22 =	vld.idx.msk [tilespmem:v63+s12+$0x0], $0xffff;
	v2 =	vadd.f32 v3, v2;
	v3 =	vmul.f32 v62, v61  }
0xd2: {  	v24 =	vor.u32 $0x51, v1;
	v23 =	vld.idx.msk [tilespmem:v63+s13+$0x0], $0xffff  }
0xd3: {  	v25 =	vld.idx.msk [tilespmem:v18+s12+$0x0], $0xffff;
	v2 =	vadd.f32 v3, v2;
	v3 =	vmul.f32 v17, v16  }
0xd4: {  	v27 =	vor.u32 $0x52, v1;
	v26 =	vld.idx.msk [tilespmem:v18+s13+$0x0], $0xffff  }
0xd5: {  	v28 =	vld.idx.msk [tilespmem:v21+s12+$0x0], $0xffff;
	v2 =	vadd.f32 v3, v2;
	v3 =	vmul.f32 v20, v19  }
0xd6: {  	v30 =	vor.u32 $0x53, v1;
	v29 =	vld.idx.msk [tilespmem:v21+s13+$0x0], $0xffff  }
0xd7: {  	v31 =	vld.idx.msk [tilespmem:v24+s12+$0x0], $0xffff;
	v2 =	vadd.f32 v3, v2;
	v3 =	vmul.f32 v23, v22  }
0xd8: {  	v33 =	vor.u32 $0x54, v1;
	v32 =	vld.idx.msk [tilespmem:v24+s13+$0x0], $0xffff  }
0xd9: {  	v34 =	vld.idx.msk [tilespmem:v27+s12+$0x0], $0xffff;
	v2 =	vadd.f32 v3, v2;
	v3 =	vmul.f32 v26, v25  }
0xda: {  	v36 =	vor.u32 $0x55, v1;
	v35 =	vld.idx.msk [tilespmem:v27+s13+$0x0], $0xffff  }
0xdb: {  	v37 =	vld.idx.msk [tilespmem:v30+s12+$0x0], $0xffff;
	v2 =	vadd.f32 v3, v2;
	v3 =	vmul.f32 v29, v28  }
0xdc: {  	v39 =	vor.u32 $0x56, v1;
	v38 =	vld.idx.msk [tilespmem:v30+s13+$0x0], $0xffff  }
0xdd: {  	v40 =	vld.idx.msk [tilespmem:v33+s12+$0x0], $0xffff;
	v2 =	vadd.f32 v3, v2;
	v3 =	vmul.f32 v32, v31  }
0xde: {  	v42 =	vor.u32 $0x57, v1;
	v41 =	vld.idx.msk [tilespmem:v33+s13+$0x0], $0xffff  }
0xdf: {  	v43 =	vld.idx.msk [tilespmem:v36+s12+$0x0], $0xffff;
	v2 =	vadd.f32 v3, v2;
	v3 =	vmul.f32 v35, v34  }
0xe0: {  	v45 =	vor.u32 $0x58, v1;
	v44 =	vld.idx.msk [tilespmem:v36+s13+$0x0], $0xffff  }
0xe1: {  	v46 =	vld.idx.msk [tilespmem:v39+s12+$0x0], $0xffff;
	v2 =	vadd.f32 v3, v2;
	v3 =	vmul.f32 v38, v37  }
0xe2: {  	v48 =	vor.u32 $0x59, v1;
	v47 =	vld.idx.msk [tilespmem:v39+s13+$0x0], $0xffff  }
0xe3: {  	v49 =	vld.idx.msk [tilespmem:v42+s12+$0x0], $0xffff;
	v2 =	vadd.f32 v3, v2;
	v3 =	vmul.f32 v41, v40  }
0xe4: {  	v51 =	vor.u32 $0x5A, v1;
	v50 =	vld.idx.msk [tilespmem:v42+s13+$0x0], $0xffff  }
0xe5: {  	v52 =	vld.idx.msk [tilespmem:v45+s12+$0x0], $0xffff;
	v2 =	vadd.f32 v3, v2;
	v3 =	vmul.f32 v44, v43  }
0xe6: {  	v54 =	vor.u32 $0x5B, v1;
	v53 =	vld.idx.msk [tilespmem:v45+s13+$0x0], $0xffff  }
0xe7: {  	v55 =	vld.idx.msk [tilespmem:v48+s12+$0x0], $0xffff;
	v2 =	vadd.f32 v3, v2;
	v3 =	vmul.f32 v47, v46  }
0xe8: {  	v57 =	vor.u32 $0x5C, v1;
	v56 =	vld.idx.msk [tilespmem:v48+s13+$0x0], $0xffff  }
0xe9: {  	v58 =	vld.idx.msk [tilespmem:v51+s12+$0x0], $0xffff;
	v2 =	vadd.f32 v3, v2;
	v3 =	vmul.f32 v50, v49  }
0xea: {  	v60 =	vor.u32 $0x5D, v1;
	v59 =	vld.idx.msk [tilespmem:v51+s13+$0x0], $0xffff  }
0xeb: {  	v61 =	vld.idx.msk [tilespmem:v54+s12+$0x0], $0xffff;
	v2 =	vadd.f32 v3, v2;
	v3 =	vmul.f32 v53, v52  }
0xec: {  	v63 =	vor.u32 $0x5E, v1;
	v62 =	vld.idx.msk [tilespmem:v54+s13+$0x0], $0xffff  }
0xed: {  	v16 =	vld.idx.msk [tilespmem:v57+s12+$0x0], $0xffff;
	v2 =	vadd.f32 v3, v2;
	v3 =	vmul.f32 v56, v55  }
0xee: {  	v18 =	vor.u32 $0x5F, v1;
	v17 =	vld.idx.msk [tilespmem:v57+s13+$0x0], $0xffff  }
0xef: {  	v19 =	vld.idx.msk [tilespmem:v60+s12+$0x0], $0xffff;
	v2 =	vadd.f32 v3, v2;
	v3 =	vmul.f32 v59, v58  }
0xf0: {  	v21 =	vor.u32 $0x60, v1;
	v20 =	vld.idx.msk [tilespmem:v60+s13+$0x0], $0xffff  }
0xf1: {  	v22 =	vld.idx.msk [tilespmem:v63+s12+$0x0], $0xffff;
	v2 =	vadd.f32 v3, v2;
	v3 =	vmul.f32 v62, v61  }
0xf2: {  	v24 =	vor.u32 $0x61, v1;
	v23 =	vld.idx.msk [tilespmem:v63+s13+$0x0], $0xffff  }
0xf3: {  	v25 =	vld.idx.msk [tilespmem:v18+s12+$0x0], $0xffff;
	v2 =	vadd.f32 v3, v2;
	v3 =	vmul.f32 v17, v16  }
0xf4: {  	v27 =	vor.u32 $0x62, v1;
	v26 =	vld.idx.msk [tilespmem:v18+s13+$0x0], $0xffff  }
0xf5: {  	v28 =	vld.idx.msk [tilespmem:v21+s12+$0x0], $0xffff;
	v2 =	vadd.f32 v3, v2;
	v3 =	vmul.f32 v20, v19  }
0xf6: {  	v30 =	vor.u32 $0x63, v1;
	v29 =	vld.idx.msk [tilespmem:v21+s13+$0x0], $0xffff  }
0xf7: {  	v31 =	vld.idx.msk [tilespmem:v24+s12+$0x0], $0xffff;
	v2 =	vadd.f32 v3, v2;
	v3 =	vmul.f32 v23, v22  }
0xf8: {  	v33 =	vor.u32 $0x64, v1;
	v32 =	vld.idx.msk [tilespmem:v24+s13+$0x0], $0xffff  }
0xf9: {  	v34 =	vld.idx.msk [tilespmem:v27+s12+$0x0], $0xffff;
	v2 =	vadd.f32 v3, v2;
	v3 =	vmul.f32 v26, v25  }
0xfa: {  	v36 =	vor.u32 $0x65, v1;
	v35 =	vld.idx.msk [tilespmem:v27+s13+$0x0], $0xffff  }
0xfb: {  	v37 =	vld.idx.msk [tilespmem:v30+s12+$0x0], $0xffff;
	v2 =	vadd.f32 v3, v2;
	v3 =	vmul.f32 v29, v28  }
0xfc: {  	v39 =	vor.u32 $0x66, v1;
	v38 =	vld.idx.msk [tilespmem:v30+s13+$0x0], $0xffff  }
0xfd: {  	v40 =	vld.idx.msk [tilespmem:v33+s12+$0x0], $0xffff;
	v2 =	vadd.f32 v3, v2;
	v3 =	vmul.f32 v32, v31  }
0xfe: {  	v42 =	vor.u32 $0x67, v1;
	v41 =	vld.idx.msk [tilespmem:v33+s13+$0x0], $0xffff  }
0xff: {  	v43 =	vld.idx.msk [tilespmem:v36+s12+$0x0], $0xffff;
	v2 =	vadd.f32 v3, v2;
	v3 =	vmul.f32 v35, v34  }
0x100: {  	v45 =	vor.u32 $0x68, v1;
	v44 =	vld.idx.msk [tilespmem:v36+s13+$0x0], $0xffff  }
0x101: {  	v46 =	vld.idx.msk [tilespmem:v39+s12+$0x0], $0xffff;
	v2 =	vadd.f32 v3, v2;
	v3 =	vmul.f32 v38, v37  }
0x102: {  	v48 =	vor.u32 $0x69, v1;
	v47 =	vld.idx.msk [tilespmem:v39+s13+$0x0], $0xffff  }
0x103: {  	v49 =	vld.idx.msk [tilespmem:v42+s12+$0x0], $0xffff;
	v2 =	vadd.f32 v3, v2;
	v3 =	vmul.f32 v41, v40  }
0x104: {  	v51 =	vor.u32 $0x6A, v1;
	v50 =	vld.idx.msk [tilespmem:v42+s13+$0x0], $0xffff  }
0x105: {  	v52 =	vld.idx.msk [tilespmem:v45+s12+$0x0], $0xffff;
	v2 =	vadd.f32 v3, v2;
	v3 =	vmul.f32 v44, v43  }
0x106: {  	v54 =	vor.u32 $0x6B, v1;
	v53 =	vld.idx.msk [tilespmem:v45+s13+$0x0], $0xffff  }
0x107: {  	v55 =	vld.idx.msk [tilespmem:v48+s12+$0x0], $0xffff;
	v2 =	vadd.f32 v3, v2;
	v3 =	vmul.f32 v47, v46  }
0x108: {  	v57 =	vor.u32 $0x6C, v1;
	v56 =	vld.idx.msk [tilespmem:v48+s13+$0x0], $0xffff  }
0x109: {  	v58 =	vld.idx.msk [tilespmem:v51+s12+$0x0], $0xffff;
	v2 =	vadd.f32 v3, v2;
	v3 =	vmul.f32 v50, v49  }
0x10a: {  	v60 =	vor.u32 $0x6D, v1;
	v59 =	vld.idx.msk [tilespmem:v51+s13+$0x0], $0xffff  }
0x10b: {  	v61 =	vld.idx.msk [tilespmem:v54+s12+$0x0], $0xffff;
	v2 =	vadd.f32 v3, v2;
	v3 =	vmul.f32 v53, v52  }
0x10c: {  	v63 =	vor.u32 $0x6E, v1;
	v62 =	vld.idx.msk [tilespmem:v54+s13+$0x0], $0xffff  }
0x10d: {  	v16 =	vld.idx.msk [tilespmem:v57+s12+$0x0], $0xffff;
	v2 =	vadd.f32 v3, v2;
	v3 =	vmul.f32 v56, v55  }
0x10e: {  	v18 =	vor.u32 $0x6F, v1;
	v17 =	vld.idx.msk [tilespmem:v57+s13+$0x0], $0xffff  }
0x10f: {  	v19 =	vld.idx.msk [tilespmem:v60+s12+$0x0], $0xffff;
	v2 =	vadd.f32 v3, v2;
	v3 =	vmul.f32 v59, v58  }
0x110: {  	v21 =	vor.u32 $0x70, v1;
	v20 =	vld.idx.msk [tilespmem:v60+s13+$0x0], $0xffff  }
0x111: {  	v22 =	vld.idx.msk [tilespmem:v63+s12+$0x0], $0xffff;
	v2 =	vadd.f32 v3, v2;
	v3 =	vmul.f32 v62, v61  }
0x112: {  	v24 =	vor.u32 $0x71, v1;
	v23 =	vld.idx.msk [tilespmem:v63+s13+$0x0], $0xffff  }
0x113: {  	v25 =	vld.idx.msk [tilespmem:v18+s12+$0x0], $0xffff;
	v2 =	vadd.f32 v3, v2;
	v3 =	vmul.f32 v17, v16  }
0x114: {  	v27 =	vor.u32 $0x72, v1;
	v26 =	vld.idx.msk [tilespmem:v18+s13+$0x0], $0xffff  }
0x115: {  	v28 =	vld.idx.msk [tilespmem:v21+s12+$0x0], $0xffff;
	v2 =	vadd.f32 v3, v2;
	v3 =	vmul.f32 v20, v19  }
0x116: {  	v30 =	vor.u32 $0x73, v1;
	v29 =	vld.idx.msk [tilespmem:v21+s13+$0x0], $0xffff  }
0x117: {  	v31 =	vld.idx.msk [tilespmem:v24+s12+$0x0], $0xffff;
	v2 =	vadd.f32 v3, v2;
	v3 =	vmul.f32 v23, v22  }
0x118: {  	v33 =	vor.u32 $0x74, v1;
	v32 =	vld.idx.msk [tilespmem:v24+s13+$0x0], $0xffff  }
0x119: {  	v34 =	vld.idx.msk [tilespmem:v27+s12+$0x0], $0xffff;
	v2 =	vadd.f32 v3, v2;
	v3 =	vmul.f32 v26, v25  }
0x11a: {  	v36 =	vor.u32 $0x75, v1;
	v35 =	vld.idx.msk [tilespmem:v27+s13+$0x0], $0xffff  }
0x11b: {  	v37 =	vld.idx.msk [tilespmem:v30+s12+$0x0], $0xffff;
	v2 =	vadd.f32 v3, v2;
	v3 =	vmul.f32 v29, v28  }
0x11c: {  	v39 =	vor.u32 $0x76, v1;
	v38 =	vld.idx.msk [tilespmem:v30+s13+$0x0], $0xffff  }
0x11d: {  	v40 =	vld.idx.msk [tilespmem:v33+s12+$0x0], $0xffff;
	v2 =	vadd.f32 v3, v2;
	v3 =	vmul.f32 v32, v31  }
0x11e: {  	v42 =	vor.u32 $0x77, v1;
	v41 =	vld.idx.msk [tilespmem:v33+s13+$0x0], $0xffff  }
0x11f: {  	v43 =	vld.idx.msk [tilespmem:v36+s12+$0x0], $0xffff;
	v2 =	vadd.f32 v3, v2;
	v3 =	vmul.f32 v35, v34  }
0x120: {  	v45 =	vor.u32 $0x78, v1;
	v44 =	vld.idx.msk [tilespmem:v36+s13+$0x0], $0xffff  }
0x121: {  	v46 =	vld.idx.msk [tilespmem:v39+s12+$0x0], $0xffff;
	v2 =	vadd.f32 v3, v2;
	v3 =	vmul.f32 v38, v37  }
0x122: {  	v48 =	vor.u32 $0x79, v1;
	v47 =	vld.idx.msk [tilespmem:v39+s13+$0x0], $0xffff  }
0x123: {  	v49 =	vld.idx.msk [tilespmem:v42+s12+$0x0], $0xffff;
	v2 =	vadd.f32 v3, v2;
	v3 =	vmul.f32 v41, v40  }
0x124: {  	v51 =	vor.u32 $0x7A, v1;
	v50 =	vld.idx.msk [tilespmem:v42+s13+$0x0], $0xffff  }
0x125: {  	v52 =	vld.idx.msk [tilespmem:v45+s12+$0x0], $0xffff;
	v2 =	vadd.f32 v3, v2;
	v3 =	vmul.f32 v44, v43  }
0x126: {  	v54 =	vor.u32 $0x7B, v1;
	v53 =	vld.idx.msk [tilespmem:v45+s13+$0x0], $0xffff  }
0x127: {  	v55 =	vld.idx.msk [tilespmem:v48+s12+$0x0], $0xffff;
	v2 =	vadd.f32 v3, v2;
	v3 =	vmul.f32 v47, v46  }
0x128: {  	v57 =	vor.u32 $0x7C, v1;
	v56 =	vld.idx.msk [tilespmem:v48+s13+$0x0], $0xffff  }
0x129: {  	v58 =	vld.idx.msk [tilespmem:v51+s12+$0x0], $0xffff;
	v2 =	vadd.f32 v3, v2;
	v3 =	vmul.f32 v50, v49  }
0x12a: {  	v60 =	vor.u32 $0x7D, v1;
	v59 =	vld.idx.msk [tilespmem:v51+s13+$0x0], $0xffff  }
0x12b: {  	v61 =	vld.idx.msk [tilespmem:v54+s12+$0x0], $0xffff;
	v2 =	vadd.f32 v3, v2;
	v3 =	vmul.f32 v53, v52  }
0x12c: {  	v63 =	vor.u32 $0x7E, v1;
	v62 =	vld.idx.msk [tilespmem:v54+s13+$0x0], $0xffff  }
0x12d: {  	v16 =	vld.idx.msk [tilespmem:v57+s12+$0x0], $0xffff;
	v2 =	vadd.f32 v3, v2;
	v3 =	vmul.f32 v56, v55  }
0x12e: {  	v1 =	vor.u32 $0x7F, v1;
	v17 =	vld.idx.msk [tilespmem:v57+s13+$0x0], $0xffff  }
0x12f: {  	v18 =	vld.idx.msk [tilespmem:v60+s12+$0x0], $0xffff;
	v2 =	vadd.f32 v3, v2;
	v3 =	vmul.f32 v59, v58  }
0x130: {  	v19 =	vld.idx.msk [tilespmem:v60+s13+$0x0], $0xffff  }
0x131: {  	v21 =	vld.idx.msk [tilespmem:v63+s13+$0x0], $0xffff;
	v2 =	vadd.f32 v3, v2;
	v3 =	vmul.f32 v62, v61  }
0x132: {  	v20 =	vld.idx.msk [tilespmem:v63+s12+$0x0], $0xffff  }
0x133: {  	v22 =	vld.idx.msk [tilespmem:v1+s12+$0x0], $0xffff;
	v2 =	vadd.f32 v3, v2;
	v3 =	vmul.f32 v17, v16  }
0x134: {  	v1 =	vld.idx.msk [tilespmem:v1+s13+$0x0], $0xffff  }
0x135: {  	v2 =	vadd.f32 v3, v2;
	v3 =	vmul.f32 v19, v18;
	_ =	sdelay $0x1  }
0x136: {  	v2 =	vadd.f32 v3, v2;
	v3 =	vmul.f32 v21, v20;
	_ =	sdelay $0x1  }
0x137: {  	v1 =	vmul.f32 v1, v22;
	v2 =	vadd.f32 v3, v2;
	_ =	sdelay $0x1  }
0x138: {  	v1 =	vadd.f32 v1, v2;
	_ =	sdelay $0x1  }
0x139: {  	v1 =	vsub.f32 $0.0e+00, v1;
	_ =	sdelay $0x1  }
0x13a: {  	v1 =	vmul.f32 $1.442695020e+00, v1;
	_ =	sdelay $0x1  }
0x13b: {  	(erf) = vpow2.f32 v1;
	_ =	sdelay $0x8  }
0x13c: {  	v1 =	vpop (erf)  }
0x13d: {  	v1 =	vadd.f32 $1.000000000e+00, v1;
	_ =	sdelay $0x1  }
0x13e: {  	(erf) = vrcp.f32 v1;
	_ =	sdelay $0x2  }
0x13f: {  	s30 =	simm.s32 $0x10  }
0x140: {  	v1 =	vmov s30  }
0x141: {  	v1 =	vshll.u32 v1, $0x7  }
0x142: {  	v1 =	vor.u32 v0, v1;
	_ =	sdelay $0x1  }
0x143: {  	v2 =	vor.u32 $0x1, v1  }
0x144: {  	v3 =	vpop (erf)  }
0x145: {  	v23 =	vor.u32 $0x2, v1;
	[tilespmem:s20+$0x0] =	vst v3  }
0x146: {  	v3 =	vld.idx.msk [tilespmem:v1+s13+$0x0], $0xffff  }
0x147: {  	v25 =	vor.u32 $0x3, v1;
	v24 =	vld.idx.msk [tilespmem:v1+s12+$0x0], $0xffff  }
0x148: {  	v26 =	vld.idx.msk [tilespmem:v2+s12+$0x0], $0xffff  }
0x149: {  	v27 =	vor.u32 $0x4, v1;
	v2 =	vld.idx.msk [tilespmem:v2+s13+$0x0], $0xffff  }
0x14a: {  	v28 =	vld.idx.msk [tilespmem:v23+s12+$0x0], $0xffff  }
0x14b: {  	v29 =	vor.u32 $0x5, v1;
	v4 =	vld.idx.msk [tilespmem:v23+s13+$0x0], $0xffff  }
0x14c: {  	v30 =	vld.idx.msk [tilespmem:v25+s12+$0x0], $0xffff;
	v3 =	vmul.f32 v3, v24  }
0x14d: {  	v32 =	vor.u32 $0x6, v1;
	v31 =	vld.idx.msk [tilespmem:v25+s13+$0x0], $0xffff  }
0x14e: {  	v33 =	vld.idx.msk [tilespmem:v27+s12+$0x0], $0xffff;
	v2 =	vmul.f32 v2, v26;
	v3 =	vadd.f32 $0.0e+00, v3  }
0x14f: {  	v35 =	vor.u32 $0x7, v1;
	v34 =	vld.idx.msk [tilespmem:v27+s13+$0x0], $0xffff  }
0x150: {  	v36 =	vld.idx.msk [tilespmem:v29+s12+$0x0], $0xffff;
	v2 =	vadd.f32 v2, v3;
	v3 =	vmul.f32 v4, v28  }
0x151: {  	v38 =	vor.u32 $0x8, v1;
	v37 =	vld.idx.msk [tilespmem:v29+s13+$0x0], $0xffff  }
0x152: {  	v39 =	vld.idx.msk [tilespmem:v32+s12+$0x0], $0xffff;
	v2 =	vadd.f32 v3, v2;
	v3 =	vmul.f32 v31, v30  }
0x153: {  	v41 =	vor.u32 $0x9, v1;
	v40 =	vld.idx.msk [tilespmem:v32+s13+$0x0], $0xffff  }
0x154: {  	v42 =	vld.idx.msk [tilespmem:v35+s12+$0x0], $0xffff;
	v2 =	vadd.f32 v3, v2;
	v3 =	vmul.f32 v34, v33  }
0x155: {  	v44 =	vor.u32 $0xA, v1;
	v43 =	vld.idx.msk [tilespmem:v35+s13+$0x0], $0xffff  }
0x156: {  	v45 =	vld.idx.msk [tilespmem:v38+s12+$0x0], $0xffff;
	v2 =	vadd.f32 v3, v2;
	v3 =	vmul.f32 v37, v36  }
0x157: {  	v47 =	vor.u32 $0xB, v1;
	v46 =	vld.idx.msk [tilespmem:v38+s13+$0x0], $0xffff  }
0x158: {  	v48 =	vld.idx.msk [tilespmem:v41+s12+$0x0], $0xffff;
	v2 =	vadd.f32 v3, v2;
	v3 =	vmul.f32 v40, v39  }
0x159: {  	v50 =	vor.u32 $0xC, v1;
	v49 =	vld.idx.msk [tilespmem:v41+s13+$0x0], $0xffff  }
0x15a: {  	v51 =	vld.idx.msk [tilespmem:v44+s12+$0x0], $0xffff;
	v2 =	vadd.f32 v3, v2;
	v3 =	vmul.f32 v43, v42  }
0x15b: {  	v53 =	vor.u32 $0xD, v1;
	v52 =	vld.idx.msk [tilespmem:v44+s13+$0x0], $0xffff  }
0x15c: {  	v54 =	vld.idx.msk [tilespmem:v47+s12+$0x0], $0xffff;
	v2 =	vadd.f32 v3, v2;
	v3 =	vmul.f32 v46, v45  }
0x15d: {  	v56 =	vor.u32 $0xE, v1;
	v55 =	vld.idx.msk [tilespmem:v47+s13+$0x0], $0xffff  }
0x15e: {  	v57 =	vld.idx.msk [tilespmem:v50+s12+$0x0], $0xffff;
	v2 =	vadd.f32 v3, v2;
	v3 =	vmul.f32 v49, v48  }
0x15f: {  	v59 =	vor.u32 $0xF, v1;
	v58 =	vld.idx.msk [tilespmem:v50+s13+$0x0], $0xffff  }
0x160: {  	v60 =	vld.idx.msk [tilespmem:v53+s12+$0x0], $0xffff;
	v2 =	vadd.f32 v3, v2;
	v3 =	vmul.f32 v52, v51  }
0x161: {  	v62 =	vor.u32 $0x10, v1;
	v61 =	vld.idx.msk [tilespmem:v53+s13+$0x0], $0xffff  }
0x162: {  	v63 =	vld.idx.msk [tilespmem:v56+s12+$0x0], $0xffff;
	v2 =	vadd.f32 v3, v2;
	v3 =	vmul.f32 v55, v54  }
0x163: {  	v17 =	vor.u32 $0x11, v1;
	v16 =	vld.idx.msk [tilespmem:v56+s13+$0x0], $0xffff  }
0x164: {  	v18 =	vld.idx.msk [tilespmem:v59+s12+$0x0], $0xffff;
	v2 =	vadd.f32 v3, v2;
	v3 =	vmul.f32 v58, v57  }
0x165: {  	v20 =	vor.u32 $0x12, v1;
	v19 =	vld.idx.msk [tilespmem:v59+s13+$0x0], $0xffff  }
0x166: {  	v21 =	vld.idx.msk [tilespmem:v62+s12+$0x0], $0xffff;
	v2 =	vadd.f32 v3, v2;
	v3 =	vmul.f32 v61, v60  }
0x167: {  	v22 =	vld.idx.msk [tilespmem:v62+s13+$0x0], $0xffff;
	v23 =	vor.u32 $0x13, v1  }
0x168: {  	v25 =	vld.idx.msk [tilespmem:v17+s13+$0x0], $0xffff;
	v2 =	vadd.f32 v3, v2;
	v3 =	vmul.f32 v16, v63  }
0x169: {  	v24 =	vld.idx.msk [tilespmem:v17+s12+$0x0], $0xffff;
	v26 =	vor.u32 $0x14, v1  }
0x16a: {  	v27 =	vld.idx.msk [tilespmem:v20+s12+$0x0], $0xffff;
	v2 =	vadd.f32 v3, v2;
	v3 =	vmul.f32 v19, v18  }
0x16b: {  	v29 =	vor.u32 $0x15, v1;
	v28 =	vld.idx.msk [tilespmem:v20+s13+$0x0], $0xffff  }
0x16c: {  	v30 =	vld.idx.msk [tilespmem:v23+s12+$0x0], $0xffff;
	v2 =	vadd.f32 v3, v2;
	v3 =	vmul.f32 v22, v21  }
0x16d: {  	v32 =	vor.u32 $0x16, v1;
	v31 =	vld.idx.msk [tilespmem:v23+s13+$0x0], $0xffff  }
0x16e: {  	v33 =	vld.idx.msk [tilespmem:v26+s12+$0x0], $0xffff;
	v2 =	vadd.f32 v3, v2;
	v3 =	vmul.f32 v25, v24  }
0x16f: {  	v35 =	vor.u32 $0x17, v1;
	v34 =	vld.idx.msk [tilespmem:v26+s13+$0x0], $0xffff  }
0x170: {  	v36 =	vld.idx.msk [tilespmem:v29+s12+$0x0], $0xffff;
	v2 =	vadd.f32 v3, v2;
	v3 =	vmul.f32 v28, v27  }
0x171: {  	v38 =	vor.u32 $0x18, v1;
	v37 =	vld.idx.msk [tilespmem:v29+s13+$0x0], $0xffff  }
0x172: {  	v39 =	vld.idx.msk [tilespmem:v32+s12+$0x0], $0xffff;
	v2 =	vadd.f32 v3, v2;
	v3 =	vmul.f32 v31, v30  }
0x173: {  	v41 =	vor.u32 $0x19, v1;
	v40 =	vld.idx.msk [tilespmem:v32+s13+$0x0], $0xffff  }
0x174: {  	v42 =	vld.idx.msk [tilespmem:v35+s12+$0x0], $0xffff;
	v2 =	vadd.f32 v3, v2;
	v3 =	vmul.f32 v34, v33  }
0x175: {  	v44 =	vor.u32 $0x1A, v1;
	v43 =	vld.idx.msk [tilespmem:v35+s13+$0x0], $0xffff  }
0x176: {  	v45 =	vld.idx.msk [tilespmem:v38+s12+$0x0], $0xffff;
	v2 =	vadd.f32 v3, v2;
	v3 =	vmul.f32 v37, v36  }
0x177: {  	v47 =	vor.u32 $0x1B, v1;
	v46 =	vld.idx.msk [tilespmem:v38+s13+$0x0], $0xffff  }
0x178: {  	v48 =	vld.idx.msk [tilespmem:v41+s12+$0x0], $0xffff;
	v2 =	vadd.f32 v3, v2;
	v3 =	vmul.f32 v40, v39  }
0x179: {  	v50 =	vor.u32 $0x1C, v1;
	v49 =	vld.idx.msk [tilespmem:v41+s13+$0x0], $0xffff  }
0x17a: {  	v51 =	vld.idx.msk [tilespmem:v44+s12+$0x0], $0xffff;
	v2 =	vadd.f32 v3, v2;
	v3 =	vmul.f32 v43, v42  }
0x17b: {  	v53 =	vor.u32 $0x1D, v1;
	v52 =	vld.idx.msk [tilespmem:v44+s13+$0x0], $0xffff  }
0x17c: {  	v54 =	vld.idx.msk [tilespmem:v47+s12+$0x0], $0xffff;
	v2 =	vadd.f32 v3, v2;
	v3 =	vmul.f32 v46, v45  }
0x17d: {  	v56 =	vor.u32 $0x1E, v1;
	v55 =	vld.idx.msk [tilespmem:v47+s13+$0x0], $0xffff  }
0x17e: {  	v57 =	vld.idx.msk [tilespmem:v50+s12+$0x0], $0xffff;
	v2 =	vadd.f32 v3, v2;
	v3 =	vmul.f32 v49, v48  }
0x17f: {  	v59 =	vor.u32 $0x1F, v1;
	v58 =	vld.idx.msk [tilespmem:v50+s13+$0x0], $0xffff  }
0x180: {  	v60 =	vld.idx.msk [tilespmem:v53+s12+$0x0], $0xffff;
	v2 =	vadd.f32 v3, v2;
	v3 =	vmul.f32 v52, v51  }
0x181: {  	v62 =	vor.u32 $0x20, v1;
	v61 =	vld.idx.msk [tilespmem:v53+s13+$0x0], $0xffff  }
0x182: {  	v63 =	vld.idx.msk [tilespmem:v56+s12+$0x0], $0xffff;
	v2 =	vadd.f32 v3, v2;
	v3 =	vmul.f32 v55, v54  }
0x183: {  	v17 =	vor.u32 $0x21, v1;
	v16 =	vld.idx.msk [tilespmem:v56+s13+$0x0], $0xffff  }
0x184: {  	v18 =	vld.idx.msk [tilespmem:v59+s12+$0x0], $0xffff;
	v2 =	vadd.f32 v3, v2;
	v3 =	vmul.f32 v58, v57  }
0x185: {  	v20 =	vor.u32 $0x22, v1;
	v19 =	vld.idx.msk [tilespmem:v59+s13+$0x0], $0xffff  }
0x186: {  	v21 =	vld.idx.msk [tilespmem:v62+s12+$0x0], $0xffff;
	v2 =	vadd.f32 v3, v2;
	v3 =	vmul.f32 v61, v60  }
0x187: {  	v23 =	vor.u32 $0x23, v1;
	v22 =	vld.idx.msk [tilespmem:v62+s13+$0x0], $0xffff  }
0x188: {  	v24 =	vld.idx.msk [tilespmem:v17+s12+$0x0], $0xffff;
	v2 =	vadd.f32 v3, v2;
	v3 =	vmul.f32 v16, v63  }
0x189: {  	v26 =	vor.u32 $0x24, v1;
	v25 =	vld.idx.msk [tilespmem:v17+s13+$0x0], $0xffff  }
0x18a: {  	v27 =	vld.idx.msk [tilespmem:v20+s12+$0x0], $0xffff;
	v2 =	vadd.f32 v3, v2;
	v3 =	vmul.f32 v19, v18  }
0x18b: {  	v29 =	vor.u32 $0x25, v1;
	v28 =	vld.idx.msk [tilespmem:v20+s13+$0x0], $0xffff  }
0x18c: {  	v30 =	vld.idx.msk [tilespmem:v23+s12+$0x0], $0xffff;
	v2 =	vadd.f32 v3, v2;
	v3 =	vmul.f32 v22, v21  }
0x18d: {  	v32 =	vor.u32 $0x26, v1;
	v31 =	vld.idx.msk [tilespmem:v23+s13+$0x0], $0xffff  }
0x18e: {  	v33 =	vld.idx.msk [tilespmem:v26+s12+$0x0], $0xffff;
	v2 =	vadd.f32 v3, v2;
	v3 =	vmul.f32 v25, v24  }
0x18f: {  	v35 =	vor.u32 $0x27, v1;
	v34 =	vld.idx.msk [tilespmem:v26+s13+$0x0], $0xffff  }
0x190: {  	v36 =	vld.idx.msk [tilespmem:v29+s12+$0x0], $0xffff;
	v2 =	vadd.f32 v3, v2;
	v3 =	vmul.f32 v28, v27  }
0x191: {  	v38 =	vor.u32 $0x28, v1;
	v37 =	vld.idx.msk [tilespmem:v29+s13+$0x0], $0xffff  }
0x192: {  	v39 =	vld.idx.msk [tilespmem:v32+s12+$0x0], $0xffff;
	v2 =	vadd.f32 v3, v2;
	v3 =	vmul.f32 v31, v30  }
0x193: {  	v41 =	vor.u32 $0x29, v1;
	v40 =	vld.idx.msk [tilespmem:v32+s13+$0x0], $0xffff  }
0x194: {  	v42 =	vld.idx.msk [tilespmem:v35+s12+$0x0], $0xffff;
	v2 =	vadd.f32 v3, v2;
	v3 =	vmul.f32 v34, v33  }
0x195: {  	v44 =	vor.u32 $0x2A, v1;
	v43 =	vld.idx.msk [tilespmem:v35+s13+$0x0], $0xffff  }
0x196: {  	v45 =	vld.idx.msk [tilespmem:v38+s12+$0x0], $0xffff;
	v2 =	vadd.f32 v3, v2;
	v3 =	vmul.f32 v37, v36  }
0x197: {  	v47 =	vor.u32 $0x2B, v1;
	v46 =	vld.idx.msk [tilespmem:v38+s13+$0x0], $0xffff  }
0x198: {  	v48 =	vld.idx.msk [tilespmem:v41+s12+$0x0], $0xffff;
	v2 =	vadd.f32 v3, v2;
	v3 =	vmul.f32 v40, v39  }
0x199: {  	v50 =	vor.u32 $0x2C, v1;
	v49 =	vld.idx.msk [tilespmem:v41+s13+$0x0], $0xffff  }
0x19a: {  	v51 =	vld.idx.msk [tilespmem:v44+s12+$0x0], $0xffff;
	v2 =	vadd.f32 v3, v2;
	v3 =	vmul.f32 v43, v42  }
0x19b: {  	v53 =	vor.u32 $0x2D, v1;
	v52 =	vld.idx.msk [tilespmem:v44+s13+$0x0], $0xffff  }
0x19c: {  	v54 =	vld.idx.msk [tilespmem:v47+s12+$0x0], $0xffff;
	v2 =	vadd.f32 v3, v2;
	v3 =	vmul.f32 v46, v45  }
0x19d: {  	v56 =	vor.u32 $0x2E, v1;
	v55 =	vld.idx.msk [tilespmem:v47+s13+$0x0], $0xffff  }
0x19e: {  	v57 =	vld.idx.msk [tilespmem:v50+s12+$0x0], $0xffff;
	v2 =	vadd.f32 v3, v2;
	v3 =	vmul.f32 v49, v48  }
0x19f: {  	v59 =	vor.u32 $0x2F, v1;
	v58 =	vld.idx.msk [tilespmem:v50+s13+$0x0], $0xffff  }
0x1a0: {  	v60 =	vld.idx.msk [tilespmem:v53+s12+$0x0], $0xffff;
	v2 =	vadd.f32 v3, v2;
	v3 =	vmul.f32 v52, v51  }
0x1a1: {  	v62 =	vor.u32 $0x30, v1;
	v61 =	vld.idx.msk [tilespmem:v53+s13+$0x0], $0xffff  }
0x1a2: {  	v63 =	vld.idx.msk [tilespmem:v56+s12+$0x0], $0xffff;
	v2 =	vadd.f32 v3, v2;
	v3 =	vmul.f32 v55, v54  }
0x1a3: {  	v17 =	vor.u32 $0x31, v1;
	v16 =	vld.idx.msk [tilespmem:v56+s13+$0x0], $0xffff  }
0x1a4: {  	v18 =	vld.idx.msk [tilespmem:v59+s12+$0x0], $0xffff;
	v2 =	vadd.f32 v3, v2;
	v3 =	vmul.f32 v58, v57  }
0x1a5: {  	v20 =	vor.u32 $0x32, v1;
	v19 =	vld.idx.msk [tilespmem:v59+s13+$0x0], $0xffff  }
0x1a6: {  	v21 =	vld.idx.msk [tilespmem:v62+s12+$0x0], $0xffff;
	v2 =	vadd.f32 v3, v2;
	v3 =	vmul.f32 v61, v60  }
0x1a7: {  	v23 =	vor.u32 $0x33, v1;
	v22 =	vld.idx.msk [tilespmem:v62+s13+$0x0], $0xffff  }
0x1a8: {  	v24 =	vld.idx.msk [tilespmem:v17+s12+$0x0], $0xffff;
	v2 =	vadd.f32 v3, v2;
	v3 =	vmul.f32 v16, v63  }
0x1a9: {  	v26 =	vor.u32 $0x34, v1;
	v25 =	vld.idx.msk [tilespmem:v17+s13+$0x0], $0xffff  }
0x1aa: {  	v27 =	vld.idx.msk [tilespmem:v20+s12+$0x0], $0xffff;
	v2 =	vadd.f32 v3, v2;
	v3 =	vmul.f32 v19, v18  }
0x1ab: {  	v29 =	vor.u32 $0x35, v1;
	v28 =	vld.idx.msk [tilespmem:v20+s13+$0x0], $0xffff  }
0x1ac: {  	v30 =	vld.idx.msk [tilespmem:v23+s12+$0x0], $0xffff;
	v2 =	vadd.f32 v3, v2;
	v3 =	vmul.f32 v22, v21  }
0x1ad: {  	v32 =	vor.u32 $0x36, v1;
	v31 =	vld.idx.msk [tilespmem:v23+s13+$0x0], $0xffff  }
0x1ae: {  	v33 =	vld.idx.msk [tilespmem:v26+s12+$0x0], $0xffff;
	v2 =	vadd.f32 v3, v2;
	v3 =	vmul.f32 v25, v24  }
0x1af: {  	v35 =	vor.u32 $0x37, v1;
	v34 =	vld.idx.msk [tilespmem:v26+s13+$0x0], $0xffff  }
0x1b0: {  	v36 =	vld.idx.msk [tilespmem:v29+s12+$0x0], $0xffff;
	v2 =	vadd.f32 v3, v2;
	v3 =	vmul.f32 v28, v27  }
0x1b1: {  	v38 =	vor.u32 $0x38, v1;
	v37 =	vld.idx.msk [tilespmem:v29+s13+$0x0], $0xffff  }
0x1b2: {  	v39 =	vld.idx.msk [tilespmem:v32+s12+$0x0], $0xffff;
	v2 =	vadd.f32 v3, v2;
	v3 =	vmul.f32 v31, v30  }
0x1b3: {  	v41 =	vor.u32 $0x39, v1;
	v40 =	vld.idx.msk [tilespmem:v32+s13+$0x0], $0xffff  }
0x1b4: {  	v42 =	vld.idx.msk [tilespmem:v35+s12+$0x0], $0xffff;
	v2 =	vadd.f32 v3, v2;
	v3 =	vmul.f32 v34, v33  }
0x1b5: {  	v44 =	vor.u32 $0x3A, v1;
	v43 =	vld.idx.msk [tilespmem:v35+s13+$0x0], $0xffff  }
0x1b6: {  	v45 =	vld.idx.msk [tilespmem:v38+s12+$0x0], $0xffff;
	v2 =	vadd.f32 v3, v2;
	v3 =	vmul.f32 v37, v36  }
0x1b7: {  	v47 =	vor.u32 $0x3B, v1;
	v46 =	vld.idx.msk [tilespmem:v38+s13+$0x0], $0xffff  }
0x1b8: {  	v48 =	vld.idx.msk [tilespmem:v41+s12+$0x0], $0xffff;
	v2 =	vadd.f32 v3, v2;
	v3 =	vmul.f32 v40, v39  }
0x1b9: {  	v50 =	vor.u32 $0x3C, v1;
	v49 =	vld.idx.msk [tilespmem:v41+s13+$0x0], $0xffff  }
0x1ba: {  	v51 =	vld.idx.msk [tilespmem:v44+s12+$0x0], $0xffff;
	v2 =	vadd.f32 v3, v2;
	v3 =	vmul.f32 v43, v42  }
0x1bb: {  	v53 =	vor.u32 $0x3D, v1;
	v52 =	vld.idx.msk [tilespmem:v44+s13+$0x0], $0xffff  }
0x1bc: {  	v54 =	vld.idx.msk [tilespmem:v47+s12+$0x0], $0xffff;
	v2 =	vadd.f32 v3, v2;
	v3 =	vmul.f32 v46, v45  }
0x1bd: {  	v56 =	vor.u32 $0x3E, v1;
	v55 =	vld.idx.msk [tilespmem:v47+s13+$0x0], $0xffff  }
0x1be: {  	v57 =	vld.idx.msk [tilespmem:v50+s12+$0x0], $0xffff;
	v2 =	vadd.f32 v3, v2;
	v3 =	vmul.f32 v49, v48  }
0x1bf: {  	v59 =	vor.u32 $0x3F, v1;
	v58 =	vld.idx.msk [tilespmem:v50+s13+$0x0], $0xffff  }
0x1c0: {  	v60 =	vld.idx.msk [tilespmem:v53+s12+$0x0], $0xffff;
	v2 =	vadd.f32 v3, v2;
	v3 =	vmul.f32 v52, v51  }
0x1c1: {  	v62 =	vor.u32 $0x40, v1;
	v61 =	vld.idx.msk [tilespmem:v53+s13+$0x0], $0xffff  }
0x1c2: {  	v63 =	vld.idx.msk [tilespmem:v56+s12+$0x0], $0xffff;
	v2 =	vadd.f32 v3, v2;
	v3 =	vmul.f32 v55, v54  }
0x1c3: {  	v17 =	vor.u32 $0x41, v1;
	v16 =	vld.idx.msk [tilespmem:v56+s13+$0x0], $0xffff  }
0x1c4: {  	v18 =	vld.idx.msk [tilespmem:v59+s12+$0x0], $0xffff;
	v2 =	vadd.f32 v3, v2;
	v3 =	vmul.f32 v58, v57  }
0x1c5: {  	v20 =	vor.u32 $0x42, v1;
	v19 =	vld.idx.msk [tilespmem:v59+s13+$0x0], $0xffff  }
0x1c6: {  	v21 =	vld.idx.msk [tilespmem:v62+s12+$0x0], $0xffff;
	v2 =	vadd.f32 v3, v2;
	v3 =	vmul.f32 v61, v60  }
0x1c7: {  	v23 =	vor.u32 $0x43, v1;
	v22 =	vld.idx.msk [tilespmem:v62+s13+$0x0], $0xffff  }
0x1c8: {  	v24 =	vld.idx.msk [tilespmem:v17+s12+$0x0], $0xffff;
	v2 =	vadd.f32 v3, v2;
	v3 =	vmul.f32 v16, v63  }
0x1c9: {  	v26 =	vor.u32 $0x44, v1;
	v25 =	vld.idx.msk [tilespmem:v17+s13+$0x0], $0xffff  }
0x1ca: {  	v27 =	vld.idx.msk [tilespmem:v20+s12+$0x0], $0xffff;
	v2 =	vadd.f32 v3, v2;
	v3 =	vmul.f32 v19, v18  }
0x1cb: {  	v29 =	vor.u32 $0x45, v1;
	v28 =	vld.idx.msk [tilespmem:v20+s13+$0x0], $0xffff  }
0x1cc: {  	v30 =	vld.idx.msk [tilespmem:v23+s12+$0x0], $0xffff;
	v2 =	vadd.f32 v3, v2;
	v3 =	vmul.f32 v22, v21  }
0x1cd: {  	v32 =	vor.u32 $0x46, v1;
	v31 =	vld.idx.msk [tilespmem:v23+s13+$0x0], $0xffff  }
0x1ce: {  	v33 =	vld.idx.msk [tilespmem:v26+s12+$0x0], $0xffff;
	v2 =	vadd.f32 v3, v2;
	v3 =	vmul.f32 v25, v24  }
0x1cf: {  	v35 =	vor.u32 $0x47, v1;
	v34 =	vld.idx.msk [tilespmem:v26+s13+$0x0], $0xffff  }
0x1d0: {  	v36 =	vld.idx.msk [tilespmem:v29+s12+$0x0], $0xffff;
	v2 =	vadd.f32 v3, v2;
	v3 =	vmul.f32 v28, v27  }
0x1d1: {  	v38 =	vor.u32 $0x48, v1;
	v37 =	vld.idx.msk [tilespmem:v29+s13+$0x0], $0xffff  }
0x1d2: {  	v39 =	vld.idx.msk [tilespmem:v32+s12+$0x0], $0xffff;
	v2 =	vadd.f32 v3, v2;
	v3 =	vmul.f32 v31, v30  }
0x1d3: {  	v41 =	vor.u32 $0x49, v1;
	v40 =	vld.idx.msk [tilespmem:v32+s13+$0x0], $0xffff  }
0x1d4: {  	v42 =	vld.idx.msk [tilespmem:v35+s12+$0x0], $0xffff;
	v2 =	vadd.f32 v3, v2;
	v3 =	vmul.f32 v34, v33  }
0x1d5: {  	v44 =	vor.u32 $0x4A, v1;
	v43 =	vld.idx.msk [tilespmem:v35+s13+$0x0], $0xffff  }
0x1d6: {  	v45 =	vld.idx.msk [tilespmem:v38+s12+$0x0], $0xffff;
	v2 =	vadd.f32 v3, v2;
	v3 =	vmul.f32 v37, v36  }
0x1d7: {  	v47 =	vor.u32 $0x4B, v1;
	v46 =	vld.idx.msk [tilespmem:v38+s13+$0x0], $0xffff  }
0x1d8: {  	v48 =	vld.idx.msk [tilespmem:v41+s12+$0x0], $0xffff;
	v2 =	vadd.f32 v3, v2;
	v3 =	vmul.f32 v40, v39  }
0x1d9: {  	v50 =	vor.u32 $0x4C, v1;
	v49 =	vld.idx.msk [tilespmem:v41+s13+$0x0], $0xffff  }
0x1da: {  	v51 =	vld.idx.msk [tilespmem:v44+s12+$0x0], $0xffff;
	v2 =	vadd.f32 v3, v2;
	v3 =	vmul.f32 v43, v42  }
0x1db: {  	v53 =	vor.u32 $0x4D, v1;
	v52 =	vld.idx.msk [tilespmem:v44+s13+$0x0], $0xffff  }
0x1dc: {  	v54 =	vld.idx.msk [tilespmem:v47+s12+$0x0], $0xffff;
	v2 =	vadd.f32 v3, v2;
	v3 =	vmul.f32 v46, v45  }
0x1dd: {  	v56 =	vor.u32 $0x4E, v1;
	v55 =	vld.idx.msk [tilespmem:v47+s13+$0x0], $0xffff  }
0x1de: {  	v57 =	vld.idx.msk [tilespmem:v50+s12+$0x0], $0xffff;
	v2 =	vadd.f32 v3, v2;
	v3 =	vmul.f32 v49, v48  }
0x1df: {  	v59 =	vor.u32 $0x4F, v1;
	v58 =	vld.idx.msk [tilespmem:v50+s13+$0x0], $0xffff  }
0x1e0: {  	v60 =	vld.idx.msk [tilespmem:v53+s12+$0x0], $0xffff;
	v2 =	vadd.f32 v3, v2;
	v3 =	vmul.f32 v52, v51  }
0x1e1: {  	v62 =	vor.u32 $0x50, v1;
	v61 =	vld.idx.msk [tilespmem:v53+s13+$0x0], $0xffff  }
0x1e2: {  	v63 =	vld.idx.msk [tilespmem:v56+s12+$0x0], $0xffff;
	v2 =	vadd.f32 v3, v2;
	v3 =	vmul.f32 v55, v54  }
0x1e3: {  	v17 =	vor.u32 $0x51, v1;
	v16 =	vld.idx.msk [tilespmem:v56+s13+$0x0], $0xffff  }
0x1e4: {  	v18 =	vld.idx.msk [tilespmem:v59+s12+$0x0], $0xffff;
	v2 =	vadd.f32 v3, v2;
	v3 =	vmul.f32 v58, v57  }
0x1e5: {  	v20 =	vor.u32 $0x52, v1;
	v19 =	vld.idx.msk [tilespmem:v59+s13+$0x0], $0xffff  }
0x1e6: {  	v21 =	vld.idx.msk [tilespmem:v62+s12+$0x0], $0xffff;
	v2 =	vadd.f32 v3, v2;
	v3 =	vmul.f32 v61, v60  }
0x1e7: {  	v23 =	vor.u32 $0x53, v1;
	v22 =	vld.idx.msk [tilespmem:v62+s13+$0x0], $0xffff  }
0x1e8: {  	v24 =	vld.idx.msk [tilespmem:v17+s12+$0x0], $0xffff;
	v2 =	vadd.f32 v3, v2;
	v3 =	vmul.f32 v16, v63  }
0x1e9: {  	v26 =	vor.u32 $0x54, v1;
	v25 =	vld.idx.msk [tilespmem:v17+s13+$0x0], $0xffff  }
0x1ea: {  	v27 =	vld.idx.msk [tilespmem:v20+s12+$0x0], $0xffff;
	v2 =	vadd.f32 v3, v2;
	v3 =	vmul.f32 v19, v18  }
0x1eb: {  	v29 =	vor.u32 $0x55, v1;
	v28 =	vld.idx.msk [tilespmem:v20+s13+$0x0], $0xffff  }
0x1ec: {  	v30 =	vld.idx.msk [tilespmem:v23+s12+$0x0], $0xffff;
	v2 =	vadd.f32 v3, v2;
	v3 =	vmul.f32 v22, v21  }
0x1ed: {  	v32 =	vor.u32 $0x56, v1;
	v31 =	vld.idx.msk [tilespmem:v23+s13+$0x0], $0xffff  }
0x1ee: {  	v33 =	vld.idx.msk [tilespmem:v26+s12+$0x0], $0xffff;
	v2 =	vadd.f32 v3, v2;
	v3 =	vmul.f32 v25, v24  }
0x1ef: {  	v35 =	vor.u32 $0x57, v1;
	v34 =	vld.idx.msk [tilespmem:v26+s13+$0x0], $0xffff  }
0x1f0: {  	v36 =	vld.idx.msk [tilespmem:v29+s12+$0x0], $0xffff;
	v2 =	vadd.f32 v3, v2;
	v3 =	vmul.f32 v28, v27  }
0x1f1: {  	v38 =	vor.u32 $0x58, v1;
	v37 =	vld.idx.msk [tilespmem:v29+s13+$0x0], $0xffff  }
0x1f2: {  	v39 =	vld.idx.msk [tilespmem:v32+s12+$0x0], $0xffff;
	v2 =	vadd.f32 v3, v2;
	v3 =	vmul.f32 v31, v30  }
0x1f3: {  	v41 =	vor.u32 $0x59, v1;
	v40 =	vld.idx.msk [tilespmem:v32+s13+$0x0], $0xffff  }
0x1f4: {  	v42 =	vld.idx.msk [tilespmem:v35+s12+$0x0], $0xffff;
	v2 =	vadd.f32 v3, v2;
	v3 =	vmul.f32 v34, v33  }
0x1f5: {  	v44 =	vor.u32 $0x5A, v1;
	v43 =	vld.idx.msk [tilespmem:v35+s13+$0x0], $0xffff  }
0x1f6: {  	v45 =	vld.idx.msk [tilespmem:v38+s12+$0x0], $0xffff;
	v2 =	vadd.f32 v3, v2;
	v3 =	vmul.f32 v37, v36  }
0x1f7: {  	v47 =	vor.u32 $0x5B, v1;
	v46 =	vld.idx.msk [tilespmem:v38+s13+$0x0], $0xffff  }
0x1f8: {  	v48 =	vld.idx.msk [tilespmem:v41+s12+$0x0], $0xffff;
	v2 =	vadd.f32 v3, v2;
	v3 =	vmul.f32 v40, v39  }
0x1f9: {  	v50 =	vor.u32 $0x5C, v1;
	v49 =	vld.idx.msk [tilespmem:v41+s13+$0x0], $0xffff  }
0x1fa: {  	v51 =	vld.idx.msk [tilespmem:v44+s12+$0x0], $0xffff;
	v2 =	vadd.f32 v3, v2;
	v3 =	vmul.f32 v43, v42  }
0x1fb: {  	v53 =	vor.u32 $0x5D, v1;
	v52 =	vld.idx.msk [tilespmem:v44+s13+$0x0], $0xffff  }
0x1fc: {  	v54 =	vld.idx.msk [tilespmem:v47+s12+$0x0], $0xffff;
	v2 =	vadd.f32 v3, v2;
	v3 =	vmul.f32 v46, v45  }
0x1fd: {  	v56 =	vor.u32 $0x5E, v1;
	v55 =	vld.idx.msk [tilespmem:v47+s13+$0x0], $0xffff  }
0x1fe: {  	v57 =	vld.idx.msk [tilespmem:v50+s12+$0x0], $0xffff;
	v2 =	vadd.f32 v3, v2;
	v3 =	vmul.f32 v49, v48  }
0x1ff: {  	v59 =	vor.u32 $0x5F, v1;
	v58 =	vld.idx.msk [tilespmem:v50+s13+$0x0], $0xffff  }
0x200: {  	v60 =	vld.idx.msk [tilespmem:v53+s12+$0x0], $0xffff;
	v2 =	vadd.f32 v3, v2;
	v3 =	vmul.f32 v52, v51  }
0x201: {  	v62 =	vor.u32 $0x60, v1;
	v61 =	vld.idx.msk [tilespmem:v53+s13+$0x0], $0xffff  }
0x202: {  	v63 =	vld.idx.msk [tilespmem:v56+s12+$0x0], $0xffff;
	v2 =	vadd.f32 v3, v2;
	v3 =	vmul.f32 v55, v54  }
0x203: {  	v17 =	vor.u32 $0x61, v1;
	v16 =	vld.idx.msk [tilespmem:v56+s13+$0x0], $0xffff  }
0x204: {  	v18 =	vld.idx.msk [tilespmem:v59+s12+$0x0], $0xffff;
	v2 =	vadd.f32 v3, v2;
	v3 =	vmul.f32 v58, v57  }
0x205: {  	v20 =	vor.u32 $0x62, v1;
	v19 =	vld.idx.msk [tilespmem:v59+s13+$0x0], $0xffff  }
0x206: {  	v21 =	vld.idx.msk [tilespmem:v62+s12+$0x0], $0xffff;
	v2 =	vadd.f32 v3, v2;
	v3 =	vmul.f32 v61, v60  }
0x207: {  	v23 =	vor.u32 $0x63, v1;
	v22 =	vld.idx.msk [tilespmem:v62+s13+$0x0], $0xffff  }
0x208: {  	v24 =	vld.idx.msk [tilespmem:v17+s12+$0x0], $0xffff;
	v2 =	vadd.f32 v3, v2;
	v3 =	vmul.f32 v16, v63  }
0x209: {  	v26 =	vor.u32 $0x64, v1;
	v25 =	vld.idx.msk [tilespmem:v17+s13+$0x0], $0xffff  }
0x20a: {  	v27 =	vld.idx.msk [tilespmem:v20+s12+$0x0], $0xffff;
	v2 =	vadd.f32 v3, v2;
	v3 =	vmul.f32 v19, v18  }
0x20b: {  	v29 =	vor.u32 $0x65, v1;
	v28 =	vld.idx.msk [tilespmem:v20+s13+$0x0], $0xffff  }
0x20c: {  	v30 =	vld.idx.msk [tilespmem:v23+s12+$0x0], $0xffff;
	v2 =	vadd.f32 v3, v2;
	v3 =	vmul.f32 v22, v21  }
0x20d: {  	v32 =	vor.u32 $0x66, v1;
	v31 =	vld.idx.msk [tilespmem:v23+s13+$0x0], $0xffff  }
0x20e: {  	v33 =	vld.idx.msk [tilespmem:v26+s12+$0x0], $0xffff;
	v2 =	vadd.f32 v3, v2;
	v3 =	vmul.f32 v25, v24  }
0x20f: {  	v35 =	vor.u32 $0x67, v1;
	v34 =	vld.idx.msk [tilespmem:v26+s13+$0x0], $0xffff  }
0x210: {  	v36 =	vld.idx.msk [tilespmem:v29+s12+$0x0], $0xffff;
	v2 =	vadd.f32 v3, v2;
	v3 =	vmul.f32 v28, v27  }
0x211: {  	v38 =	vor.u32 $0x68, v1;
	v37 =	vld.idx.msk [tilespmem:v29+s13+$0x0], $0xffff  }
0x212: {  	v39 =	vld.idx.msk [tilespmem:v32+s12+$0x0], $0xffff;
	v2 =	vadd.f32 v3, v2;
	v3 =	vmul.f32 v31, v30  }
0x213: {  	v41 =	vor.u32 $0x69, v1;
	v40 =	vld.idx.msk [tilespmem:v32+s13+$0x0], $0xffff  }
0x214: {  	v42 =	vld.idx.msk [tilespmem:v35+s12+$0x0], $0xffff;
	v2 =	vadd.f32 v3, v2;
	v3 =	vmul.f32 v34, v33  }
0x215: {  	v44 =	vor.u32 $0x6A, v1;
	v43 =	vld.idx.msk [tilespmem:v35+s13+$0x0], $0xffff  }
0x216: {  	v45 =	vld.idx.msk [tilespmem:v38+s12+$0x0], $0xffff;
	v2 =	vadd.f32 v3, v2;
	v3 =	vmul.f32 v37, v36  }
0x217: {  	v47 =	vor.u32 $0x6B, v1;
	v46 =	vld.idx.msk [tilespmem:v38+s13+$0x0], $0xffff  }
0x218: {  	v48 =	vld.idx.msk [tilespmem:v41+s12+$0x0], $0xffff;
	v2 =	vadd.f32 v3, v2;
	v3 =	vmul.f32 v40, v39  }
0x219: {  	v50 =	vor.u32 $0x6C, v1;
	v49 =	vld.idx.msk [tilespmem:v41+s13+$0x0], $0xffff  }
0x21a: {  	v51 =	vld.idx.msk [tilespmem:v44+s12+$0x0], $0xffff;
	v2 =	vadd.f32 v3, v2;
	v3 =	vmul.f32 v43, v42  }
0x21b: {  	v53 =	vor.u32 $0x6D, v1;
	v52 =	vld.idx.msk [tilespmem:v44+s13+$0x0], $0xffff  }
0x21c: {  	v54 =	vld.idx.msk [tilespmem:v47+s12+$0x0], $0xffff;
	v2 =	vadd.f32 v3, v2;
	v3 =	vmul.f32 v46, v45  }
0x21d: {  	v56 =	vor.u32 $0x6E, v1;
	v55 =	vld.idx.msk [tilespmem:v47+s13+$0x0], $0xffff  }
0x21e: {  	v57 =	vld.idx.msk [tilespmem:v50+s12+$0x0], $0xffff;
	v2 =	vadd.f32 v3, v2;
	v3 =	vmul.f32 v49, v48  }
0x21f: {  	v59 =	vor.u32 $0x6F, v1;
	v58 =	vld.idx.msk [tilespmem:v50+s13+$0x0], $0xffff  }
0x220: {  	v60 =	vld.idx.msk [tilespmem:v53+s12+$0x0], $0xffff;
	v2 =	vadd.f32 v3, v2;
	v3 =	vmul.f32 v52, v51  }
0x221: {  	v62 =	vor.u32 $0x70, v1;
	v61 =	vld.idx.msk [tilespmem:v53+s13+$0x0], $0xffff  }
0x222: {  	v63 =	vld.idx.msk [tilespmem:v56+s12+$0x0], $0xffff;
	v2 =	vadd.f32 v3, v2;
	v3 =	vmul.f32 v55, v54  }
0x223: {  	v17 =	vor.u32 $0x71, v1;
	v16 =	vld.idx.msk [tilespmem:v56+s13+$0x0], $0xffff  }
0x224: {  	v18 =	vld.idx.msk [tilespmem:v59+s12+$0x0], $0xffff;
	v2 =	vadd.f32 v3, v2;
	v3 =	vmul.f32 v58, v57  }
0x225: {  	v20 =	vor.u32 $0x72, v1;
	v19 =	vld.idx.msk [tilespmem:v59+s13+$0x0], $0xffff  }
0x226: {  	v21 =	vld.idx.msk [tilespmem:v62+s12+$0x0], $0xffff;
	v2 =	vadd.f32 v3, v2;
	v3 =	vmul.f32 v61, v60  }
0x227: {  	v23 =	vor.u32 $0x73, v1;
	v22 =	vld.idx.msk [tilespmem:v62+s13+$0x0], $0xffff  }
0x228: {  	v24 =	vld.idx.msk [tilespmem:v17+s12+$0x0], $0xffff;
	v2 =	vadd.f32 v3, v2;
	v3 =	vmul.f32 v16, v63  }
0x229: {  	v26 =	vor.u32 $0x74, v1;
	v25 =	vld.idx.msk [tilespmem:v17+s13+$0x0], $0xffff  }
0x22a: {  	v27 =	vld.idx.msk [tilespmem:v20+s12+$0x0], $0xffff;
	v2 =	vadd.f32 v3, v2;
	v3 =	vmul.f32 v19, v18  }
0x22b: {  	v29 =	vor.u32 $0x75, v1;
	v28 =	vld.idx.msk [tilespmem:v20+s13+$0x0], $0xffff  }
0x22c: {  	v30 =	vld.idx.msk [tilespmem:v23+s12+$0x0], $0xffff;
	v2 =	vadd.f32 v3, v2;
	v3 =	vmul.f32 v22, v21  }
0x22d: {  	v32 =	vor.u32 $0x76, v1;
	v31 =	vld.idx.msk [tilespmem:v23+s13+$0x0], $0xffff  }
0x22e: {  	v33 =	vld.idx.msk [tilespmem:v26+s12+$0x0], $0xffff;
	v2 =	vadd.f32 v3, v2;
	v3 =	vmul.f32 v25, v24  }
0x22f: {  	v35 =	vor.u32 $0x77, v1;
	v34 =	vld.idx.msk [tilespmem:v26+s13+$0x0], $0xffff  }
0x230: {  	v36 =	vld.idx.msk [tilespmem:v29+s12+$0x0], $0xffff;
	v2 =	vadd.f32 v3, v2;
	v3 =	vmul.f32 v28, v27  }
0x231: {  	v38 =	vor.u32 $0x78, v1;
	v37 =	vld.idx.msk [tilespmem:v29+s13+$0x0], $0xffff  }
0x232: {  	v39 =	vld.idx.msk [tilespmem:v32+s12+$0x0], $0xffff;
	v2 =	vadd.f32 v3, v2;
	v3 =	vmul.f32 v31, v30  }
0x233: {  	v41 =	vor.u32 $0x79, v1;
	v40 =	vld.idx.msk [tilespmem:v32+s13+$0x0], $0xffff  }
0x234: {  	v42 =	vld.idx.msk [tilespmem:v35+s12+$0x0], $0xffff;
	v2 =	vadd.f32 v3, v2;
	v3 =	vmul.f32 v34, v33  }
0x235: {  	v44 =	vor.u32 $0x7A, v1;
	v43 =	vld.idx.msk [tilespmem:v35+s13+$0x0], $0xffff  }
0x236: {  	v45 =	vld.idx.msk [tilespmem:v38+s12+$0x0], $0xffff;
	v2 =	vadd.f32 v3, v2;
	v3 =	vmul.f32 v37, v36  }
0x237: {  	v47 =	vor.u32 $0x7B, v1;
	v46 =	vld.idx.msk [tilespmem:v38+s13+$0x0], $0xffff  }
0x238: {  	v48 =	vld.idx.msk [tilespmem:v41+s12+$0x0], $0xffff;
	v2 =	vadd.f32 v3, v2;
	v3 =	vmul.f32 v40, v39  }
0x239: {  	v50 =	vor.u32 $0x7C, v1;
	v49 =	vld.idx.msk [tilespmem:v41+s13+$0x0], $0xffff  }
0x23a: {  	v51 =	vld.idx.msk [tilespmem:v44+s12+$0x0], $0xffff;
	v2 =	vadd.f32 v3, v2;
	v3 =	vmul.f32 v43, v42  }
0x23b: {  	v53 =	vor.u32 $0x7D, v1;
	v52 =	vld.idx.msk [tilespmem:v44+s13+$0x0], $0xffff  }
0x23c: {  	v54 =	vld.idx.msk [tilespmem:v47+s12+$0x0], $0xffff;
	v2 =	vadd.f32 v3, v2;
	v3 =	vmul.f32 v46, v45  }
0x23d: {  	v56 =	vor.u32 $0x7E, v1;
	v55 =	vld.idx.msk [tilespmem:v47+s13+$0x0], $0xffff  }
0x23e: {  	v57 =	vld.idx.msk [tilespmem:v50+s12+$0x0], $0xffff;
	v2 =	vadd.f32 v3, v2;
	v3 =	vmul.f32 v49, v48  }
0x23f: {  	v1 =	vor.u32 $0x7F, v1;
	v58 =	vld.idx.msk [tilespmem:v50+s13+$0x0], $0xffff  }
0x240: {  	v59 =	vld.idx.msk [tilespmem:v53+s12+$0x0], $0xffff;
	v2 =	vadd.f32 v3, v2;
	v3 =	vmul.f32 v52, v51  }
0x241: {  	v60 =	vld.idx.msk [tilespmem:v53+s13+$0x0], $0xffff  }
0x242: {  	v62 =	vld.idx.msk [tilespmem:v56+s13+$0x0], $0xffff;
	v2 =	vadd.f32 v3, v2;
	v3 =	vmul.f32 v55, v54  }
0x243: {  	v61 =	vld.idx.msk [tilespmem:v56+s12+$0x0], $0xffff  }
0x244: {  	v63 =	vld.idx.msk [tilespmem:v1+s12+$0x0], $0xffff;
	v2 =	vadd.f32 v3, v2;
	v3 =	vmul.f32 v58, v57  }
0x245: {  	v1 =	vld.idx.msk [tilespmem:v1+s13+$0x0], $0xffff  }
0x246: {  	v2 =	vadd.f32 v3, v2;
	v3 =	vmul.f32 v60, v59;
	_ =	sdelay $0x1  }
0x247: {  	v2 =	vadd.f32 v3, v2;
	v3 =	vmul.f32 v62, v61;
	_ =	sdelay $0x1  }
0x248: {  	v1 =	vmul.f32 v1, v63;
	v2 =	vadd.f32 v3, v2;
	_ =	sdelay $0x1  }
0x249: {  	v1 =	vadd.f32 v1, v2;
	_ =	sdelay $0x1  }
0x24a: {  	v1 =	vsub.f32 $0.0e+00, v1;
	_ =	sdelay $0x1  }
0x24b: {  	v1 =	vmul.f32 $1.442695020e+00, v1;
	_ =	sdelay $0x1  }
0x24c: {  	(erf) = vpow2.f32 v1;
	_ =	sdelay $0x8  }
0x24d: {  	v1 =	vpop (erf)  }
0x24e: {  	v1 =	vadd.f32 $1.000000000e+00, v1;
	_ =	sdelay $0x1  }
0x24f: {  	(erf) = vrcp.f32 v1;
	_ =	sdelay $0x2  }
0x250: {  	s31 =	simm.s32 $0x20  }
0x251: {  	v2 =	vmov s31  }
0x252: {  	s24 =	simm.s32 $0x30;
	s23 =	smov.u32 s20;
	v1 =	vshll.u32 v2, $0x7  }
.LBB2_4:
0x253: {  	p0 =	sne.s32 s24, $0x40;
	v1 =	vor.u32 v0, v1;
	_ =	sdelay $0x1  }
0x254: {  	v2 =	vor.u32 $0x1, v1  }
0x255: {  	s23 =	sadd.s32 $0x10, s23;
	v3 =	vpop (erf)  }
0x256: {  	v4 =	vor.u32 $0x2, v1;
	[tilespmem:s23+$0x0] =	vst v3  }
0x257: {  	v3 =	vld.idx.msk [tilespmem:v1+s13+$0x0], $0xffff  }
0x258: {  	v6 =	vor.u32 $0x3, v1;
	v5 =	vld.idx.msk [tilespmem:v1+s12+$0x0], $0xffff  }
0x259: {  	v7 =	vld.idx.msk [tilespmem:v2+s12+$0x0], $0xffff  }
0x25a: {  	v8 =	vor.u32 $0x4, v1;
	v2 =	vld.idx.msk [tilespmem:v2+s13+$0x0], $0xffff  }
0x25b: {  	v9 =	vld.idx.msk [tilespmem:v4+s12+$0x0], $0xffff  }
0x25c: {  	v10 =	vor.u32 $0x5, v1;
	v4 =	vld.idx.msk [tilespmem:v4+s13+$0x0], $0xffff  }
0x25d: {  	v11 =	vld.idx.msk [tilespmem:v6+s12+$0x0], $0xffff  }
0x25e: {  	v3 =	vmul.f32 v3, v5;
	v5 =	vld.idx.msk [tilespmem:v6+s13+$0x0], $0xffff;
	v6 =	vor.u32 $0x6, v1  }
0x25f: {  	v12 =	vld.idx.msk [tilespmem:v8+s12+$0x0], $0xffff  }
0x260: {  	v3 =	vadd.f32 $0.0e+00, v3;
	v2 =	vmul.f32 v2, v7;
	v7 =	vld.idx.msk [tilespmem:v8+s13+$0x0], $0xffff;
	v8 =	vor.u32 $0x7, v1  }
0x261: {  	v13 =	vld.idx.msk [tilespmem:v10+s12+$0x0], $0xffff  }
0x262: {  	v2 =	vadd.f32 v2, v3;
	v3 =	vmul.f32 v4, v9;
	v9 =	vor.u32 $0x8, v1;
	v4 =	vld.idx.msk [tilespmem:v10+s13+$0x0], $0xffff  }
0x263: {  	v10 =	vld.idx.msk [tilespmem:v6+s12+$0x0], $0xffff  }
0x264: {  	v2 =	vadd.f32 v3, v2;
	v3 =	vmul.f32 v5, v11;
	v5 =	vld.idx.msk [tilespmem:v6+s13+$0x0], $0xffff;
	v6 =	vor.u32 $0x9, v1  }
0x265: {  	v11 =	vld.idx.msk [tilespmem:v8+s12+$0x0], $0xffff  }
0x266: {  	v2 =	vadd.f32 v3, v2;
	v3 =	vmul.f32 v7, v12;
	v7 =	vld.idx.msk [tilespmem:v8+s13+$0x0], $0xffff;
	v8 =	vor.u32 $0xA, v1  }
0x267: {  	v12 =	vld.idx.msk [tilespmem:v9+s12+$0x0], $0xffff  }
0x268: {  	v2 =	vadd.f32 v3, v2;
	v3 =	vmul.f32 v4, v13;
	v4 =	vld.idx.msk [tilespmem:v9+s13+$0x0], $0xffff;
	v9 =	vor.u32 $0xB, v1  }
0x269: {  	v13 =	vld.idx.msk [tilespmem:v6+s12+$0x0], $0xffff  }
0x26a: {  	v2 =	vadd.f32 v3, v2;
	v3 =	vmul.f32 v5, v10;
	v5 =	vld.idx.msk [tilespmem:v6+s13+$0x0], $0xffff;
	v6 =	vor.u32 $0xC, v1  }
0x26b: {  	v10 =	vld.idx.msk [tilespmem:v8+s12+$0x0], $0xffff  }
0x26c: {  	v2 =	vadd.f32 v3, v2;
	v3 =	vmul.f32 v7, v11;
	v7 =	vld.idx.msk [tilespmem:v8+s13+$0x0], $0xffff;
	v8 =	vor.u32 $0xD, v1  }
0x26d: {  	v11 =	vld.idx.msk [tilespmem:v9+s12+$0x0], $0xffff  }
0x26e: {  	v2 =	vadd.f32 v3, v2;
	v3 =	vmul.f32 v4, v12;
	v4 =	vld.idx.msk [tilespmem:v9+s13+$0x0], $0xffff;
	v9 =	vor.u32 $0xE, v1  }
0x26f: {  	v12 =	vld.idx.msk [tilespmem:v6+s12+$0x0], $0xffff  }
0x270: {  	v2 =	vadd.f32 v3, v2;
	v3 =	vmul.f32 v5, v13;
	v5 =	vld.idx.msk [tilespmem:v6+s13+$0x0], $0xffff;
	v6 =	vor.u32 $0xF, v1  }
0x271: {  	v13 =	vld.idx.msk [tilespmem:v8+s12+$0x0], $0xffff  }
0x272: {  	v2 =	vadd.f32 v3, v2;
	v3 =	vmul.f32 v7, v10;
	v7 =	vld.idx.msk [tilespmem:v8+s13+$0x0], $0xffff;
	v8 =	vor.u32 $0x10, v1  }
0x273: {  	v10 =	vld.idx.msk [tilespmem:v9+s12+$0x0], $0xffff  }
0x274: {  	v2 =	vadd.f32 v3, v2;
	v3 =	vmul.f32 v4, v11;
	v4 =	vld.idx.msk [tilespmem:v9+s13+$0x0], $0xffff;
	v9 =	vor.u32 $0x11, v1  }
0x275: {  	v11 =	vld.idx.msk [tilespmem:v6+s12+$0x0], $0xffff  }
0x276: {  	v2 =	vadd.f32 v3, v2;
	v3 =	vmul.f32 v5, v12;
	v5 =	vld.idx.msk [tilespmem:v6+s13+$0x0], $0xffff;
	v6 =	vor.u32 $0x12, v1  }
0x277: {  	v12 =	vld.idx.msk [tilespmem:v8+s12+$0x0], $0xffff  }
0x278: {  	v2 =	vadd.f32 v3, v2;
	v3 =	vmul.f32 v7, v13;
	v7 =	vld.idx.msk [tilespmem:v8+s13+$0x0], $0xffff;
	v8 =	vor.u32 $0x13, v1  }
0x279: {  	v13 =	vld.idx.msk [tilespmem:v9+s12+$0x0], $0xffff  }
0x27a: {  	v2 =	vadd.f32 v3, v2;
	v3 =	vmul.f32 v4, v10;
	v4 =	vld.idx.msk [tilespmem:v9+s13+$0x0], $0xffff;
	v9 =	vor.u32 $0x14, v1  }
0x27b: {  	v10 =	vld.idx.msk [tilespmem:v6+s12+$0x0], $0xffff  }
0x27c: {  	v2 =	vadd.f32 v3, v2;
	v3 =	vmul.f32 v5, v11;
	v5 =	vld.idx.msk [tilespmem:v6+s13+$0x0], $0xffff;
	v6 =	vor.u32 $0x15, v1  }
0x27d: {  	v11 =	vld.idx.msk [tilespmem:v8+s12+$0x0], $0xffff  }
0x27e: {  	v2 =	vadd.f32 v3, v2;
	v3 =	vmul.f32 v7, v12;
	v7 =	vld.idx.msk [tilespmem:v8+s13+$0x0], $0xffff;
	v8 =	vor.u32 $0x16, v1  }
0x27f: {  	v12 =	vld.idx.msk [tilespmem:v9+s12+$0x0], $0xffff  }
0x280: {  	v2 =	vadd.f32 v3, v2;
	v3 =	vmul.f32 v4, v13;
	v4 =	vld.idx.msk [tilespmem:v9+s13+$0x0], $0xffff;
	v9 =	vor.u32 $0x17, v1  }
0x281: {  	v13 =	vld.idx.msk [tilespmem:v6+s12+$0x0], $0xffff  }
0x282: {  	v2 =	vadd.f32 v3, v2;
	v3 =	vmul.f32 v5, v10;
	v5 =	vld.idx.msk [tilespmem:v6+s13+$0x0], $0xffff;
	v6 =	vor.u32 $0x18, v1  }
0x283: {  	v10 =	vld.idx.msk [tilespmem:v8+s12+$0x0], $0xffff  }
0x284: {  	v2 =	vadd.f32 v3, v2;
	v3 =	vmul.f32 v7, v11;
	v7 =	vld.idx.msk [tilespmem:v8+s13+$0x0], $0xffff;
	v8 =	vor.u32 $0x19, v1  }
0x285: {  	v11 =	vld.idx.msk [tilespmem:v9+s12+$0x0], $0xffff  }
0x286: {  	v2 =	vadd.f32 v3, v2;
	v3 =	vmul.f32 v4, v12;
	v4 =	vld.idx.msk [tilespmem:v9+s13+$0x0], $0xffff;
	v9 =	vor.u32 $0x1A, v1  }
0x287: {  	v12 =	vld.idx.msk [tilespmem:v6+s12+$0x0], $0xffff  }
0x288: {  	v2 =	vadd.f32 v3, v2;
	v3 =	vmul.f32 v5, v13;
	v5 =	vld.idx.msk [tilespmem:v6+s13+$0x0], $0xffff;
	v6 =	vor.u32 $0x1B, v1  }
0x289: {  	v13 =	vld.idx.msk [tilespmem:v8+s12+$0x0], $0xffff  }
0x28a: {  	v2 =	vadd.f32 v3, v2;
	v3 =	vmul.f32 v7, v10;
	v7 =	vld.idx.msk [tilespmem:v8+s13+$0x0], $0xffff;
	v8 =	vor.u32 $0x1C, v1  }
0x28b: {  	v10 =	vld.idx.msk [tilespmem:v9+s12+$0x0], $0xffff  }
0x28c: {  	v2 =	vadd.f32 v3, v2;
	v3 =	vmul.f32 v4, v11;
	v4 =	vld.idx.msk [tilespmem:v9+s13+$0x0], $0xffff;
	v9 =	vor.u32 $0x1D, v1  }
0x28d: {  	v11 =	vld.idx.msk [tilespmem:v6+s12+$0x0], $0xffff  }
0x28e: {  	v2 =	vadd.f32 v3, v2;
	v3 =	vmul.f32 v5, v12;
	v5 =	vld.idx.msk [tilespmem:v6+s13+$0x0], $0xffff;
	v6 =	vor.u32 $0x1E, v1  }
0x28f: {  	v12 =	vld.idx.msk [tilespmem:v8+s12+$0x0], $0xffff  }
0x290: {  	v2 =	vadd.f32 v3, v2;
	v3 =	vmul.f32 v7, v13;
	v7 =	vld.idx.msk [tilespmem:v8+s13+$0x0], $0xffff;
	v8 =	vor.u32 $0x1F, v1  }
0x291: {  	v13 =	vld.idx.msk [tilespmem:v9+s12+$0x0], $0xffff  }
0x292: {  	v2 =	vadd.f32 v3, v2;
	v3 =	vmul.f32 v4, v10;
	v4 =	vld.idx.msk [tilespmem:v9+s13+$0x0], $0xffff;
	v9 =	vor.u32 $0x20, v1  }
0x293: {  	v10 =	vld.idx.msk [tilespmem:v6+s12+$0x0], $0xffff  }
0x294: {  	v2 =	vadd.f32 v3, v2;
	v3 =	vmul.f32 v5, v11;
	v5 =	vld.idx.msk [tilespmem:v6+s13+$0x0], $0xffff;
	v6 =	vor.u32 $0x21, v1  }
0x295: {  	v11 =	vld.idx.msk [tilespmem:v8+s12+$0x0], $0xffff  }
0x296: {  	v2 =	vadd.f32 v3, v2;
	v3 =	vmul.f32 v7, v12;
	v7 =	vld.idx.msk [tilespmem:v8+s13+$0x0], $0xffff;
	v8 =	vor.u32 $0x22, v1  }
0x297: {  	v12 =	vld.idx.msk [tilespmem:v9+s12+$0x0], $0xffff  }
0x298: {  	v2 =	vadd.f32 v3, v2;
	v3 =	vmul.f32 v4, v13;
	v4 =	vld.idx.msk [tilespmem:v9+s13+$0x0], $0xffff;
	v9 =	vor.u32 $0x23, v1  }
0x299: {  	v13 =	vld.idx.msk [tilespmem:v6+s12+$0x0], $0xffff  }
0x29a: {  	v2 =	vadd.f32 v3, v2;
	v3 =	vmul.f32 v5, v10;
	v5 =	vld.idx.msk [tilespmem:v6+s13+$0x0], $0xffff;
	v6 =	vor.u32 $0x24, v1  }
0x29b: {  	v10 =	vld.idx.msk [tilespmem:v8+s12+$0x0], $0xffff  }
0x29c: {  	v2 =	vadd.f32 v3, v2;
	v3 =	vmul.f32 v7, v11;
	v7 =	vld.idx.msk [tilespmem:v8+s13+$0x0], $0xffff;
	v8 =	vor.u32 $0x25, v1  }
0x29d: {  	v11 =	vld.idx.msk [tilespmem:v9+s12+$0x0], $0xffff  }
0x29e: {  	v2 =	vadd.f32 v3, v2;
	v3 =	vmul.f32 v4, v12;
	v4 =	vld.idx.msk [tilespmem:v9+s13+$0x0], $0xffff;
	v9 =	vor.u32 $0x26, v1  }
0x29f: {  	v12 =	vld.idx.msk [tilespmem:v6+s12+$0x0], $0xffff  }
0x2a0: {  	v2 =	vadd.f32 v3, v2;
	v3 =	vmul.f32 v5, v13;
	v5 =	vld.idx.msk [tilespmem:v6+s13+$0x0], $0xffff;
	v6 =	vor.u32 $0x27, v1  }
0x2a1: {  	v13 =	vld.idx.msk [tilespmem:v8+s12+$0x0], $0xffff  }
0x2a2: {  	v2 =	vadd.f32 v3, v2;
	v3 =	vmul.f32 v7, v10;
	v7 =	vld.idx.msk [tilespmem:v8+s13+$0x0], $0xffff;
	v8 =	vor.u32 $0x28, v1  }
0x2a3: {  	v10 =	vld.idx.msk [tilespmem:v9+s12+$0x0], $0xffff  }
0x2a4: {  	v2 =	vadd.f32 v3, v2;
	v3 =	vmul.f32 v4, v11;
	v4 =	vld.idx.msk [tilespmem:v9+s13+$0x0], $0xffff;
	v9 =	vor.u32 $0x29, v1  }
0x2a5: {  	v11 =	vld.idx.msk [tilespmem:v6+s12+$0x0], $0xffff  }
0x2a6: {  	v2 =	vadd.f32 v3, v2;
	v3 =	vmul.f32 v5, v12;
	v5 =	vld.idx.msk [tilespmem:v6+s13+$0x0], $0xffff;
	v6 =	vor.u32 $0x2A, v1  }
0x2a7: {  	v12 =	vld.idx.msk [tilespmem:v8+s12+$0x0], $0xffff  }
0x2a8: {  	v2 =	vadd.f32 v3, v2;
	v3 =	vmul.f32 v7, v13;
	v7 =	vld.idx.msk [tilespmem:v8+s13+$0x0], $0xffff;
	v8 =	vor.u32 $0x2B, v1  }
0x2a9: {  	v13 =	vld.idx.msk [tilespmem:v9+s12+$0x0], $0xffff  }
0x2aa: {  	v2 =	vadd.f32 v3, v2;
	v3 =	vmul.f32 v4, v10;
	v4 =	vld.idx.msk [tilespmem:v9+s13+$0x0], $0xffff;
	v9 =	vor.u32 $0x2C, v1  }
0x2ab: {  	v10 =	vld.idx.msk [tilespmem:v6+s12+$0x0], $0xffff  }
0x2ac: {  	v2 =	vadd.f32 v3, v2;
	v3 =	vmul.f32 v5, v11;
	v5 =	vld.idx.msk [tilespmem:v6+s13+$0x0], $0xffff;
	v6 =	vor.u32 $0x2D, v1  }
0x2ad: {  	v11 =	vld.idx.msk [tilespmem:v8+s12+$0x0], $0xffff  }
0x2ae: {  	v2 =	vadd.f32 v3, v2;
	v3 =	vmul.f32 v7, v12;
	v7 =	vld.idx.msk [tilespmem:v8+s13+$0x0], $0xffff;
	v8 =	vor.u32 $0x2E, v1  }
0x2af: {  	v12 =	vld.idx.msk [tilespmem:v9+s12+$0x0], $0xffff  }
0x2b0: {  	v2 =	vadd.f32 v3, v2;
	v3 =	vmul.f32 v4, v13;
	v4 =	vld.idx.msk [tilespmem:v9+s13+$0x0], $0xffff;
	v9 =	vor.u32 $0x2F, v1  }
0x2b1: {  	v13 =	vld.idx.msk [tilespmem:v6+s12+$0x0], $0xffff  }
0x2b2: {  	v2 =	vadd.f32 v3, v2;
	v3 =	vmul.f32 v5, v10;
	v5 =	vld.idx.msk [tilespmem:v6+s13+$0x0], $0xffff;
	v6 =	vor.u32 $0x30, v1  }
0x2b3: {  	v10 =	vld.idx.msk [tilespmem:v8+s12+$0x0], $0xffff  }
0x2b4: {  	v2 =	vadd.f32 v3, v2;
	v3 =	vmul.f32 v7, v11;
	v7 =	vld.idx.msk [tilespmem:v8+s13+$0x0], $0xffff;
	v8 =	vor.u32 $0x31, v1  }
0x2b5: {  	v11 =	vld.idx.msk [tilespmem:v9+s12+$0x0], $0xffff  }
0x2b6: {  	v2 =	vadd.f32 v3, v2;
	v3 =	vmul.f32 v4, v12;
	v4 =	vld.idx.msk [tilespmem:v9+s13+$0x0], $0xffff;
	v9 =	vor.u32 $0x32, v1  }
0x2b7: {  	v12 =	vld.idx.msk [tilespmem:v6+s12+$0x0], $0xffff  }
0x2b8: {  	v2 =	vadd.f32 v3, v2;
	v3 =	vmul.f32 v5, v13;
	v5 =	vld.idx.msk [tilespmem:v6+s13+$0x0], $0xffff;
	v6 =	vor.u32 $0x33, v1  }
0x2b9: {  	v13 =	vld.idx.msk [tilespmem:v8+s12+$0x0], $0xffff  }
0x2ba: {  	v2 =	vadd.f32 v3, v2;
	v3 =	vmul.f32 v7, v10;
	v7 =	vld.idx.msk [tilespmem:v8+s13+$0x0], $0xffff;
	v8 =	vor.u32 $0x34, v1  }
0x2bb: {  	v10 =	vld.idx.msk [tilespmem:v9+s12+$0x0], $0xffff  }
0x2bc: {  	v2 =	vadd.f32 v3, v2;
	v3 =	vmul.f32 v4, v11;
	v4 =	vld.idx.msk [tilespmem:v9+s13+$0x0], $0xffff;
	v9 =	vor.u32 $0x35, v1  }
0x2bd: {  	v11 =	vld.idx.msk [tilespmem:v6+s12+$0x0], $0xffff  }
0x2be: {  	v2 =	vadd.f32 v3, v2;
	v3 =	vmul.f32 v5, v12;
	v5 =	vld.idx.msk [tilespmem:v6+s13+$0x0], $0xffff;
	v6 =	vor.u32 $0x36, v1  }
0x2bf: {  	v12 =	vld.idx.msk [tilespmem:v8+s12+$0x0], $0xffff  }
0x2c0: {  	v2 =	vadd.f32 v3, v2;
	v3 =	vmul.f32 v7, v13;
	v7 =	vld.idx.msk [tilespmem:v8+s13+$0x0], $0xffff;
	v8 =	vor.u32 $0x37, v1  }
0x2c1: {  	v13 =	vld.idx.msk [tilespmem:v9+s12+$0x0], $0xffff  }
0x2c2: {  	v2 =	vadd.f32 v3, v2;
	v3 =	vmul.f32 v4, v10;
	v4 =	vld.idx.msk [tilespmem:v9+s13+$0x0], $0xffff;
	v9 =	vor.u32 $0x38, v1  }
0x2c3: {  	v10 =	vld.idx.msk [tilespmem:v6+s12+$0x0], $0xffff  }
0x2c4: {  	v2 =	vadd.f32 v3, v2;
	v3 =	vmul.f32 v5, v11;
	v5 =	vld.idx.msk [tilespmem:v6+s13+$0x0], $0xffff;
	v6 =	vor.u32 $0x39, v1  }
0x2c5: {  	v11 =	vld.idx.msk [tilespmem:v8+s12+$0x0], $0xffff  }
0x2c6: {  	v2 =	vadd.f32 v3, v2;
	v3 =	vmul.f32 v7, v12;
	v7 =	vld.idx.msk [tilespmem:v8+s13+$0x0], $0xffff;
	v8 =	vor.u32 $0x3A, v1  }
0x2c7: {  	v12 =	vld.idx.msk [tilespmem:v9+s12+$0x0], $0xffff  }
0x2c8: {  	v2 =	vadd.f32 v3, v2;
	v3 =	vmul.f32 v4, v13;
	v4 =	vld.idx.msk [tilespmem:v9+s13+$0x0], $0xffff;
	v9 =	vor.u32 $0x3B, v1  }
0x2c9: {  	v13 =	vld.idx.msk [tilespmem:v6+s12+$0x0], $0xffff  }
0x2ca: {  	v2 =	vadd.f32 v3, v2;
	v3 =	vmul.f32 v5, v10;
	v5 =	vld.idx.msk [tilespmem:v6+s13+$0x0], $0xffff;
	v6 =	vor.u32 $0x3C, v1  }
0x2cb: {  	v10 =	vld.idx.msk [tilespmem:v8+s12+$0x0], $0xffff  }
0x2cc: {  	v2 =	vadd.f32 v3, v2;
	v3 =	vmul.f32 v7, v11;
	v7 =	vld.idx.msk [tilespmem:v8+s13+$0x0], $0xffff;
	v8 =	vor.u32 $0x3D, v1  }
0x2cd: {  	v11 =	vld.idx.msk [tilespmem:v9+s12+$0x0], $0xffff  }
0x2ce: {  	v2 =	vadd.f32 v3, v2;
	v3 =	vmul.f32 v4, v12;
	v4 =	vld.idx.msk [tilespmem:v9+s13+$0x0], $0xffff;
	v9 =	vor.u32 $0x3E, v1  }
0x2cf: {  	v12 =	vld.idx.msk [tilespmem:v6+s12+$0x0], $0xffff  }
0x2d0: {  	v2 =	vadd.f32 v3, v2;
	v3 =	vmul.f32 v5, v13;
	v5 =	vld.idx.msk [tilespmem:v6+s13+$0x0], $0xffff;
	v6 =	vor.u32 $0x3F, v1  }
0x2d1: {  	v13 =	vld.idx.msk [tilespmem:v8+s12+$0x0], $0xffff  }
0x2d2: {  	v2 =	vadd.f32 v3, v2;
	v3 =	vmul.f32 v7, v10;
	v7 =	vld.idx.msk [tilespmem:v8+s13+$0x0], $0xffff;
	v8 =	vor.u32 $0x40, v1  }
0x2d3: {  	v10 =	vld.idx.msk [tilespmem:v9+s12+$0x0], $0xffff  }
0x2d4: {  	v2 =	vadd.f32 v3, v2;
	v3 =	vmul.f32 v4, v11;
	v4 =	vld.idx.msk [tilespmem:v9+s13+$0x0], $0xffff;
	v9 =	vor.u32 $0x41, v1  }
0x2d5: {  	v11 =	vld.idx.msk [tilespmem:v6+s12+$0x0], $0xffff  }
0x2d6: {  	v2 =	vadd.f32 v3, v2;
	v3 =	vmul.f32 v5, v12;
	v5 =	vld.idx.msk [tilespmem:v6+s13+$0x0], $0xffff;
	v6 =	vor.u32 $0x42, v1  }
0x2d7: {  	v12 =	vld.idx.msk [tilespmem:v8+s12+$0x0], $0xffff  }
0x2d8: {  	v2 =	vadd.f32 v3, v2;
	v3 =	vmul.f32 v7, v13;
	v7 =	vld.idx.msk [tilespmem:v8+s13+$0x0], $0xffff;
	v8 =	vor.u32 $0x43, v1  }
0x2d9: {  	v13 =	vld.idx.msk [tilespmem:v9+s12+$0x0], $0xffff  }
0x2da: {  	v2 =	vadd.f32 v3, v2;
	v3 =	vmul.f32 v4, v10;
	v4 =	vld.idx.msk [tilespmem:v9+s13+$0x0], $0xffff;
	v9 =	vor.u32 $0x44, v1  }
0x2db: {  	v10 =	vld.idx.msk [tilespmem:v6+s12+$0x0], $0xffff  }
0x2dc: {  	v2 =	vadd.f32 v3, v2;
	v3 =	vmul.f32 v5, v11;
	v5 =	vld.idx.msk [tilespmem:v6+s13+$0x0], $0xffff;
	v6 =	vor.u32 $0x45, v1  }
0x2dd: {  	v11 =	vld.idx.msk [tilespmem:v8+s12+$0x0], $0xffff  }
0x2de: {  	v2 =	vadd.f32 v3, v2;
	v3 =	vmul.f32 v7, v12;
	v7 =	vld.idx.msk [tilespmem:v8+s13+$0x0], $0xffff;
	v8 =	vor.u32 $0x46, v1  }
0x2df: {  	v12 =	vld.idx.msk [tilespmem:v9+s12+$0x0], $0xffff  }
0x2e0: {  	v2 =	vadd.f32 v3, v2;
	v3 =	vmul.f32 v4, v13;
	v4 =	vld.idx.msk [tilespmem:v9+s13+$0x0], $0xffff;
	v9 =	vor.u32 $0x47, v1  }
0x2e1: {  	v13 =	vld.idx.msk [tilespmem:v6+s12+$0x0], $0xffff  }
0x2e2: {  	v2 =	vadd.f32 v3, v2;
	v3 =	vmul.f32 v5, v10;
	v5 =	vld.idx.msk [tilespmem:v6+s13+$0x0], $0xffff;
	v6 =	vor.u32 $0x48, v1  }
0x2e3: {  	v10 =	vld.idx.msk [tilespmem:v8+s12+$0x0], $0xffff  }
0x2e4: {  	v2 =	vadd.f32 v3, v2;
	v3 =	vmul.f32 v7, v11;
	v7 =	vld.idx.msk [tilespmem:v8+s13+$0x0], $0xffff;
	v8 =	vor.u32 $0x49, v1  }
0x2e5: {  	v11 =	vld.idx.msk [tilespmem:v9+s12+$0x0], $0xffff  }
0x2e6: {  	v2 =	vadd.f32 v3, v2;
	v3 =	vmul.f32 v4, v12;
	v4 =	vld.idx.msk [tilespmem:v9+s13+$0x0], $0xffff;
	v9 =	vor.u32 $0x4A, v1  }
0x2e7: {  	v12 =	vld.idx.msk [tilespmem:v6+s12+$0x0], $0xffff  }
0x2e8: {  	v2 =	vadd.f32 v3, v2;
	v3 =	vmul.f32 v5, v13;
	v5 =	vld.idx.msk [tilespmem:v6+s13+$0x0], $0xffff;
	v6 =	vor.u32 $0x4B, v1  }
0x2e9: {  	v13 =	vld.idx.msk [tilespmem:v8+s12+$0x0], $0xffff  }
0x2ea: {  	v2 =	vadd.f32 v3, v2;
	v3 =	vmul.f32 v7, v10;
	v7 =	vld.idx.msk [tilespmem:v8+s13+$0x0], $0xffff;
	v8 =	vor.u32 $0x4C, v1  }
0x2eb: {  	v10 =	vld.idx.msk [tilespmem:v9+s12+$0x0], $0xffff  }
0x2ec: {  	v2 =	vadd.f32 v3, v2;
	v3 =	vmul.f32 v4, v11;
	v4 =	vld.idx.msk [tilespmem:v9+s13+$0x0], $0xffff;
	v9 =	vor.u32 $0x4D, v1  }
0x2ed: {  	v11 =	vld.idx.msk [tilespmem:v6+s12+$0x0], $0xffff  }
0x2ee: {  	v2 =	vadd.f32 v3, v2;
	v3 =	vmul.f32 v5, v12;
	v5 =	vld.idx.msk [tilespmem:v6+s13+$0x0], $0xffff;
	v6 =	vor.u32 $0x4E, v1  }
0x2ef: {  	v12 =	vld.idx.msk [tilespmem:v8+s12+$0x0], $0xffff  }
0x2f0: {  	v2 =	vadd.f32 v3, v2;
	v3 =	vmul.f32 v7, v13;
	v7 =	vld.idx.msk [tilespmem:v8+s13+$0x0], $0xffff;
	v8 =	vor.u32 $0x4F, v1  }
0x2f1: {  	v13 =	vld.idx.msk [tilespmem:v9+s12+$0x0], $0xffff  }
0x2f2: {  	v2 =	vadd.f32 v3, v2;
	v3 =	vmul.f32 v4, v10;
	v4 =	vld.idx.msk [tilespmem:v9+s13+$0x0], $0xffff;
	v9 =	vor.u32 $0x50, v1  }
0x2f3: {  	v10 =	vld.idx.msk [tilespmem:v6+s12+$0x0], $0xffff  }
0x2f4: {  	v2 =	vadd.f32 v3, v2;
	v3 =	vmul.f32 v5, v11;
	v5 =	vld.idx.msk [tilespmem:v6+s13+$0x0], $0xffff;
	v6 =	vor.u32 $0x51, v1  }
0x2f5: {  	v11 =	vld.idx.msk [tilespmem:v8+s12+$0x0], $0xffff  }
0x2f6: {  	v2 =	vadd.f32 v3, v2;
	v3 =	vmul.f32 v7, v12;
	v7 =	vld.idx.msk [tilespmem:v8+s13+$0x0], $0xffff;
	v8 =	vor.u32 $0x52, v1  }
0x2f7: {  	v12 =	vld.idx.msk [tilespmem:v9+s12+$0x0], $0xffff  }
0x2f8: {  	v2 =	vadd.f32 v3, v2;
	v3 =	vmul.f32 v4, v13;
	v4 =	vld.idx.msk [tilespmem:v9+s13+$0x0], $0xffff;
	v9 =	vor.u32 $0x53, v1  }
0x2f9: {  	v13 =	vld.idx.msk [tilespmem:v6+s12+$0x0], $0xffff  }
0x2fa: {  	v2 =	vadd.f32 v3, v2;
	v3 =	vmul.f32 v5, v10;
	v5 =	vld.idx.msk [tilespmem:v6+s13+$0x0], $0xffff;
	v6 =	vor.u32 $0x54, v1  }
0x2fb: {  	v10 =	vld.idx.msk [tilespmem:v8+s12+$0x0], $0xffff  }
0x2fc: {  	v2 =	vadd.f32 v3, v2;
	v3 =	vmul.f32 v7, v11;
	v7 =	vld.idx.msk [tilespmem:v8+s13+$0x0], $0xffff;
	v8 =	vor.u32 $0x55, v1  }
0x2fd: {  	v11 =	vld.idx.msk [tilespmem:v9+s12+$0x0], $0xffff  }
0x2fe: {  	v2 =	vadd.f32 v3, v2;
	v3 =	vmul.f32 v4, v12;
	v4 =	vld.idx.msk [tilespmem:v9+s13+$0x0], $0xffff;
	v9 =	vor.u32 $0x56, v1  }
0x2ff: {  	v12 =	vld.idx.msk [tilespmem:v6+s12+$0x0], $0xffff  }
0x300: {  	v2 =	vadd.f32 v3, v2;
	v3 =	vmul.f32 v5, v13;
	v5 =	vld.idx.msk [tilespmem:v6+s13+$0x0], $0xffff;
	v6 =	vor.u32 $0x57, v1  }
0x301: {  	v13 =	vld.idx.msk [tilespmem:v8+s12+$0x0], $0xffff  }
0x302: {  	v2 =	vadd.f32 v3, v2;
	v3 =	vmul.f32 v7, v10;
	v7 =	vld.idx.msk [tilespmem:v8+s13+$0x0], $0xffff;
	v8 =	vor.u32 $0x58, v1  }
0x303: {  	v10 =	vld.idx.msk [tilespmem:v9+s12+$0x0], $0xffff  }
0x304: {  	v2 =	vadd.f32 v3, v2;
	v3 =	vmul.f32 v4, v11;
	v4 =	vld.idx.msk [tilespmem:v9+s13+$0x0], $0xffff;
	v9 =	vor.u32 $0x59, v1  }
0x305: {  	v11 =	vld.idx.msk [tilespmem:v6+s12+$0x0], $0xffff  }
0x306: {  	v2 =	vadd.f32 v3, v2;
	v3 =	vmul.f32 v5, v12;
	v5 =	vld.idx.msk [tilespmem:v6+s13+$0x0], $0xffff;
	v6 =	vor.u32 $0x5A, v1  }
0x307: {  	v12 =	vld.idx.msk [tilespmem:v8+s12+$0x0], $0xffff  }
0x308: {  	v2 =	vadd.f32 v3, v2;
	v3 =	vmul.f32 v7, v13;
	v7 =	vld.idx.msk [tilespmem:v8+s13+$0x0], $0xffff;
	v8 =	vor.u32 $0x5B, v1  }
0x309: {  	v13 =	vld.idx.msk [tilespmem:v9+s12+$0x0], $0xffff  }
0x30a: {  	v2 =	vadd.f32 v3, v2;
	v3 =	vmul.f32 v4, v10;
	v4 =	vld.idx.msk [tilespmem:v9+s13+$0x0], $0xffff;
	v9 =	vor.u32 $0x5C, v1  }
0x30b: {  	v10 =	vld.idx.msk [tilespmem:v6+s12+$0x0], $0xffff  }
0x30c: {  	v2 =	vadd.f32 v3, v2;
	v3 =	vmul.f32 v5, v11;
	v5 =	vld.idx.msk [tilespmem:v6+s13+$0x0], $0xffff;
	v6 =	vor.u32 $0x5D, v1  }
0x30d: {  	v11 =	vld.idx.msk [tilespmem:v8+s12+$0x0], $0xffff  }
0x30e: {  	v2 =	vadd.f32 v3, v2;
	v3 =	vmul.f32 v7, v12;
	v7 =	vld.idx.msk [tilespmem:v8+s13+$0x0], $0xffff;
	v8 =	vor.u32 $0x5E, v1  }
0x30f: {  	v12 =	vld.idx.msk [tilespmem:v9+s12+$0x0], $0xffff  }
0x310: {  	v2 =	vadd.f32 v3, v2;
	v3 =	vmul.f32 v4, v13;
	v4 =	vld.idx.msk [tilespmem:v9+s13+$0x0], $0xffff;
	v9 =	vor.u32 $0x5F, v1  }
0x311: {  	v13 =	vld.idx.msk [tilespmem:v6+s12+$0x0], $0xffff  }
0x312: {  	v2 =	vadd.f32 v3, v2;
	v3 =	vmul.f32 v5, v10;
	v5 =	vld.idx.msk [tilespmem:v6+s13+$0x0], $0xffff;
	v6 =	vor.u32 $0x60, v1  }
0x313: {  	v10 =	vld.idx.msk [tilespmem:v8+s12+$0x0], $0xffff  }
0x314: {  	v2 =	vadd.f32 v3, v2;
	v3 =	vmul.f32 v7, v11;
	v7 =	vld.idx.msk [tilespmem:v8+s13+$0x0], $0xffff;
	v8 =	vor.u32 $0x61, v1  }
0x315: {  	v11 =	vld.idx.msk [tilespmem:v9+s12+$0x0], $0xffff  }
0x316: {  	v2 =	vadd.f32 v3, v2;
	v3 =	vmul.f32 v4, v12;
	v4 =	vld.idx.msk [tilespmem:v9+s13+$0x0], $0xffff;
	v9 =	vor.u32 $0x62, v1  }
0x317: {  	v12 =	vld.idx.msk [tilespmem:v6+s12+$0x0], $0xffff  }
0x318: {  	v2 =	vadd.f32 v3, v2;
	v3 =	vmul.f32 v5, v13;
	v5 =	vld.idx.msk [tilespmem:v6+s13+$0x0], $0xffff;
	v6 =	vor.u32 $0x63, v1  }
0x319: {  	v13 =	vld.idx.msk [tilespmem:v8+s12+$0x0], $0xffff  }
0x31a: {  	v2 =	vadd.f32 v3, v2;
	v3 =	vmul.f32 v7, v10;
	v7 =	vld.idx.msk [tilespmem:v8+s13+$0x0], $0xffff;
	v8 =	vor.u32 $0x64, v1  }
0x31b: {  	v10 =	vld.idx.msk [tilespmem:v9+s12+$0x0], $0xffff  }
0x31c: {  	v2 =	vadd.f32 v3, v2;
	v3 =	vmul.f32 v4, v11;
	v4 =	vld.idx.msk [tilespmem:v9+s13+$0x0], $0xffff;
	v9 =	vor.u32 $0x65, v1  }
0x31d: {  	v11 =	vld.idx.msk [tilespmem:v6+s12+$0x0], $0xffff  }
0x31e: {  	v2 =	vadd.f32 v3, v2;
	v3 =	vmul.f32 v5, v12;
	v5 =	vld.idx.msk [tilespmem:v6+s13+$0x0], $0xffff;
	v6 =	vor.u32 $0x66, v1  }
0x31f: {  	v12 =	vld.idx.msk [tilespmem:v8+s12+$0x0], $0xffff  }
0x320: {  	v2 =	vadd.f32 v3, v2;
	v3 =	vmul.f32 v7, v13;
	v7 =	vld.idx.msk [tilespmem:v8+s13+$0x0], $0xffff;
	v8 =	vor.u32 $0x67, v1  }
0x321: {  	v13 =	vld.idx.msk [tilespmem:v9+s12+$0x0], $0xffff  }
0x322: {  	v2 =	vadd.f32 v3, v2;
	v3 =	vmul.f32 v4, v10;
	v4 =	vld.idx.msk [tilespmem:v9+s13+$0x0], $0xffff;
	v9 =	vor.u32 $0x68, v1  }
0x323: {  	v10 =	vld.idx.msk [tilespmem:v6+s12+$0x0], $0xffff  }
0x324: {  	v2 =	vadd.f32 v3, v2;
	v3 =	vmul.f32 v5, v11;
	v5 =	vld.idx.msk [tilespmem:v6+s13+$0x0], $0xffff;
	v6 =	vor.u32 $0x69, v1  }
0x325: {  	v11 =	vld.idx.msk [tilespmem:v8+s12+$0x0], $0xffff  }
0x326: {  	v2 =	vadd.f32 v3, v2;
	v3 =	vmul.f32 v7, v12;
	v7 =	vld.idx.msk [tilespmem:v8+s13+$0x0], $0xffff;
	v8 =	vor.u32 $0x6A, v1  }
0x327: {  	v12 =	vld.idx.msk [tilespmem:v9+s12+$0x0], $0xffff  }
0x328: {  	v2 =	vadd.f32 v3, v2;
	v3 =	vmul.f32 v4, v13;
	v4 =	vld.idx.msk [tilespmem:v9+s13+$0x0], $0xffff;
	v9 =	vor.u32 $0x6B, v1  }
0x329: {  	v13 =	vld.idx.msk [tilespmem:v6+s12+$0x0], $0xffff  }
0x32a: {  	v2 =	vadd.f32 v3, v2;
	v3 =	vmul.f32 v5, v10;
	v5 =	vld.idx.msk [tilespmem:v6+s13+$0x0], $0xffff;
	v6 =	vor.u32 $0x6C, v1  }
0x32b: {  	v10 =	vld.idx.msk [tilespmem:v8+s12+$0x0], $0xffff  }
0x32c: {  	v2 =	vadd.f32 v3, v2;
	v3 =	vmul.f32 v7, v11;
	v7 =	vld.idx.msk [tilespmem:v8+s13+$0x0], $0xffff;
	v8 =	vor.u32 $0x6D, v1  }
0x32d: {  	v11 =	vld.idx.msk [tilespmem:v9+s12+$0x0], $0xffff  }
0x32e: {  	v2 =	vadd.f32 v3, v2;
	v3 =	vmul.f32 v4, v12;
	v4 =	vld.idx.msk [tilespmem:v9+s13+$0x0], $0xffff;
	v9 =	vor.u32 $0x6E, v1  }
0x32f: {  	v12 =	vld.idx.msk [tilespmem:v6+s12+$0x0], $0xffff  }
0x330: {  	v2 =	vadd.f32 v3, v2;
	v3 =	vmul.f32 v5, v13;
	v5 =	vld.idx.msk [tilespmem:v6+s13+$0x0], $0xffff;
	v6 =	vor.u32 $0x6F, v1  }
0x331: {  	v13 =	vld.idx.msk [tilespmem:v8+s12+$0x0], $0xffff  }
0x332: {  	v2 =	vadd.f32 v3, v2;
	v3 =	vmul.f32 v7, v10;
	v7 =	vld.idx.msk [tilespmem:v8+s13+$0x0], $0xffff;
	v8 =	vor.u32 $0x70, v1  }
0x333: {  	v10 =	vld.idx.msk [tilespmem:v9+s12+$0x0], $0xffff  }
0x334: {  	v2 =	vadd.f32 v3, v2;
	v3 =	vmul.f32 v4, v11;
	v4 =	vld.idx.msk [tilespmem:v9+s13+$0x0], $0xffff;
	v9 =	vor.u32 $0x71, v1  }
0x335: {  	v11 =	vld.idx.msk [tilespmem:v6+s12+$0x0], $0xffff  }
0x336: {  	v2 =	vadd.f32 v3, v2;
	v3 =	vmul.f32 v5, v12;
	v5 =	vld.idx.msk [tilespmem:v6+s13+$0x0], $0xffff;
	v6 =	vor.u32 $0x72, v1  }
0x337: {  	v12 =	vld.idx.msk [tilespmem:v8+s12+$0x0], $0xffff  }
0x338: {  	v2 =	vadd.f32 v3, v2;
	v3 =	vmul.f32 v7, v13;
	v7 =	vld.idx.msk [tilespmem:v8+s13+$0x0], $0xffff;
	v8 =	vor.u32 $0x73, v1  }
0x339: {  	v13 =	vld.idx.msk [tilespmem:v9+s12+$0x0], $0xffff  }
0x33a: {  	v2 =	vadd.f32 v3, v2;
	v3 =	vmul.f32 v4, v10;
	v4 =	vld.idx.msk [tilespmem:v9+s13+$0x0], $0xffff;
	v9 =	vor.u32 $0x74, v1  }
0x33b: {  	v10 =	vld.idx.msk [tilespmem:v6+s12+$0x0], $0xffff  }
0x33c: {  	v2 =	vadd.f32 v3, v2;
	v3 =	vmul.f32 v5, v11;
	v5 =	vld.idx.msk [tilespmem:v6+s13+$0x0], $0xffff;
	v6 =	vor.u32 $0x75, v1  }
0x33d: {  	v11 =	vld.idx.msk [tilespmem:v8+s12+$0x0], $0xffff  }
0x33e: {  	v2 =	vadd.f32 v3, v2;
	v3 =	vmul.f32 v7, v12;
	v7 =	vld.idx.msk [tilespmem:v8+s13+$0x0], $0xffff;
	v8 =	vor.u32 $0x76, v1  }
0x33f: {  	v12 =	vld.idx.msk [tilespmem:v9+s12+$0x0], $0xffff  }
0x340: {  	v2 =	vadd.f32 v3, v2;
	v3 =	vmul.f32 v4, v13;
	v4 =	vld.idx.msk [tilespmem:v9+s13+$0x0], $0xffff;
	v9 =	vor.u32 $0x77, v1  }
0x341: {  	v13 =	vld.idx.msk [tilespmem:v6+s12+$0x0], $0xffff  }
0x342: {  	v2 =	vadd.f32 v3, v2;
	v3 =	vmul.f32 v5, v10;
	v5 =	vld.idx.msk [tilespmem:v6+s13+$0x0], $0xffff;
	v6 =	vor.u32 $0x78, v1  }
0x343: {  	v10 =	vld.idx.msk [tilespmem:v8+s12+$0x0], $0xffff  }
0x344: {  	v2 =	vadd.f32 v3, v2;
	v3 =	vmul.f32 v7, v11;
	v7 =	vld.idx.msk [tilespmem:v8+s13+$0x0], $0xffff;
	v8 =	vor.u32 $0x79, v1  }
0x345: {  	v11 =	vld.idx.msk [tilespmem:v9+s12+$0x0], $0xffff  }
0x346: {  	v2 =	vadd.f32 v3, v2;
	v3 =	vmul.f32 v4, v12;
	v4 =	vld.idx.msk [tilespmem:v9+s13+$0x0], $0xffff;
	v9 =	vor.u32 $0x7A, v1  }
0x347: {  	v12 =	vld.idx.msk [tilespmem:v6+s12+$0x0], $0xffff  }
0x348: {  	v2 =	vadd.f32 v3, v2;
	v3 =	vmul.f32 v5, v13;
	v5 =	vld.idx.msk [tilespmem:v6+s13+$0x0], $0xffff;
	v6 =	vor.u32 $0x7B, v1  }
0x349: {  	v13 =	vld.idx.msk [tilespmem:v8+s12+$0x0], $0xffff  }
0x34a: {  	v2 =	vadd.f32 v3, v2;
	v3 =	vmul.f32 v7, v10;
	v7 =	vld.idx.msk [tilespmem:v8+s13+$0x0], $0xffff;
	v8 =	vor.u32 $0x7C, v1  }
0x34b: {  	v10 =	vld.idx.msk [tilespmem:v9+s12+$0x0], $0xffff  }
0x34c: {  	v2 =	vadd.f32 v3, v2;
	v3 =	vmul.f32 v4, v11;
	v4 =	vld.idx.msk [tilespmem:v9+s13+$0x0], $0xffff;
	v9 =	vor.u32 $0x7D, v1  }
0x34d: {  	v11 =	vld.idx.msk [tilespmem:v6+s12+$0x0], $0xffff  }
0x34e: {  	v2 =	vadd.f32 v3, v2;
	v3 =	vmul.f32 v5, v12;
	v5 =	vld.idx.msk [tilespmem:v6+s13+$0x0], $0xffff;
	v6 =	vor.u32 $0x7E, v1  }
0x34f: {  	v12 =	vld.idx.msk [tilespmem:v8+s12+$0x0], $0xffff  }
0x350: {  	v1 =	vor.u32 $0x7F, v1;
	v2 =	vadd.f32 v3, v2;
	v3 =	vmul.f32 v7, v13;
	v7 =	vld.idx.msk [tilespmem:v8+s13+$0x0], $0xffff  }
0x351: {  	v8 =	vld.idx.msk [tilespmem:v9+s12+$0x0], $0xffff  }
0x352: {  	v2 =	vadd.f32 v3, v2;
	v3 =	vmul.f32 v4, v10;
	v4 =	vld.idx.msk [tilespmem:v9+s13+$0x0], $0xffff  }
0x353: {  	v9 =	vld.idx.msk [tilespmem:v6+s12+$0x0], $0xffff  }
0x354: {  	v2 =	vadd.f32 v3, v2;
	v3 =	vmul.f32 v5, v11;
	v5 =	vld.idx.msk [tilespmem:v6+s13+$0x0], $0xffff  }
0x355: {  	v6 =	vld.idx.msk [tilespmem:v1+s12+$0x0], $0xffff  }
0x356: {  	v2 =	vadd.f32 v3, v2;
	v3 =	vmul.f32 v7, v12;
	v1 =	vld.idx.msk [tilespmem:v1+s13+$0x0], $0xffff;
	_ =	sdelay $0x1  }
0x357: {  	v2 =	vadd.f32 v3, v2;
	v3 =	vmul.f32 v4, v8;
	_ =	sdelay $0x1  }
0x358: {  	v2 =	vadd.f32 v3, v2;
	v3 =	vmul.f32 v5, v9;
	_ =	sdelay $0x1  }
0x359: {  	v2 =	vadd.f32 v3, v2;
	v1 =	vmul.f32 v1, v6;
	_ =	sdelay $0x1  }
0x35a: {  	v1 =	vadd.f32 v1, v2;
	_ =	sdelay $0x1  }
0x35b: {  	v1 =	vsub.f32 $0.0e+00, v1;
	_ =	sdelay $0x1  }
0x35c: {  	v1 =	vmul.f32 $1.442695020e+00, v1;
	_ =	sdelay $0x1  }
0x35d: {  	(erf) = vpow2.f32 v1;
	_ =	sdelay $0x8  }
0x35e: {  	v1 =	vpop (erf)  }
0x35f: {  	v1 =	vadd.f32 $1.000000000e+00, v1;
	_ =	sdelay $0x1  }
0x360: {  	(erf) = vrcp.f32 v1  }
.Ltmp5:
0x361: {  	(pc) =	sbr.rel @p0 .LBB2_4-.Ltmp5, $3  }
0x362: {  	_ =	sdelay $0x1  }
0x363: {  	v1 =	vmov s24  }
0x364: {  	s24 =	sadd.s32 $0x10, s24;
	v1 =	vshll.u32 v1, $0x7  }
0x365: {  	v1 =	vor.u32 v0, v1;
	_ =	sdelay $0x1  }
0x366: {  	v2 =	vor.u32 $0x1, v1  }
0x367: {  	s23 =	sadd.s32 $0x10, s23;
	v3 =	vpop (erf)  }
0x368: {  	v4 =	vor.u32 $0x2, v1;
	[tilespmem:s23+$0x0] =	vst v3  }
0x369: {  	v3 =	vld.idx.msk [tilespmem:v1+s13+$0x0], $0xffff  }
0x36a: {  	v6 =	vor.u32 $0x3, v1;
	v5 =	vld.idx.msk [tilespmem:v1+s12+$0x0], $0xffff  }
0x36b: {  	v7 =	vld.idx.msk [tilespmem:v2+s12+$0x0], $0xffff  }
0x36c: {  	v8 =	vor.u32 $0x4, v1;
	v2 =	vld.idx.msk [tilespmem:v2+s13+$0x0], $0xffff  }
0x36d: {  	v9 =	vld.idx.msk [tilespmem:v4+s12+$0x0], $0xffff  }
0x36e: {  	v10 =	vor.u32 $0x5, v1;
	v4 =	vld.idx.msk [tilespmem:v4+s13+$0x0], $0xffff  }
0x36f: {  	v11 =	vld.idx.msk [tilespmem:v6+s12+$0x0], $0xffff;
	v3 =	vmul.f32 v3, v5  }
0x370: {  	v34 =	vor.u32 $0x6, v1;
	v33 =	vld.idx.msk [tilespmem:v6+s13+$0x0], $0xffff  }
0x371: {  	v12 =	vld.idx.msk [tilespmem:v8+s12+$0x0], $0xffff;
	v2 =	vmul.f32 v2, v7;
	v3 =	vadd.f32 $0.0e+00, v3  }
0x372: {  	v36 =	vor.u32 $0x7, v1;
	v35 =	vld.idx.msk [tilespmem:v8+s13+$0x0], $0xffff  }
0x373: {  	v13 =	vld.idx.msk [tilespmem:v10+s12+$0x0], $0xffff;
	v2 =	vadd.f32 v2, v3;
	v3 =	vmul.f32 v4, v9  }
0x374: {  	v38 =	vor.u32 $0x8, v1;
	v37 =	vld.idx.msk [tilespmem:v10+s13+$0x0], $0xffff  }
0x375: {  	v39 =	vld.idx.msk [tilespmem:v34+s12+$0x0], $0xffff;
	v2 =	vadd.f32 v3, v2;
	v3 =	vmul.f32 v33, v11  }
0x376: {  	v41 =	vor.u32 $0x9, v1;
	v40 =	vld.idx.msk [tilespmem:v34+s13+$0x0], $0xffff  }
0x377: {  	v42 =	vld.idx.msk [tilespmem:v36+s12+$0x0], $0xffff;
	v2 =	vadd.f32 v3, v2;
	v3 =	vmul.f32 v35, v12  }
0x378: {  	v44 =	vor.u32 $0xA, v1;
	v43 =	vld.idx.msk [tilespmem:v36+s13+$0x0], $0xffff  }
0x379: {  	v45 =	vld.idx.msk [tilespmem:v38+s12+$0x0], $0xffff;
	v2 =	vadd.f32 v3, v2;
	v3 =	vmul.f32 v37, v13  }
0x37a: {  	v47 =	vor.u32 $0xB, v1;
	v46 =	vld.idx.msk [tilespmem:v38+s13+$0x0], $0xffff  }
0x37b: {  	v48 =	vld.idx.msk [tilespmem:v41+s12+$0x0], $0xffff;
	v2 =	vadd.f32 v3, v2;
	v3 =	vmul.f32 v40, v39  }
0x37c: {  	v50 =	vor.u32 $0xC, v1;
	v49 =	vld.idx.msk [tilespmem:v41+s13+$0x0], $0xffff  }
0x37d: {  	v51 =	vld.idx.msk [tilespmem:v44+s12+$0x0], $0xffff;
	v2 =	vadd.f32 v3, v2;
	v3 =	vmul.f32 v43, v42  }
0x37e: {  	v53 =	vor.u32 $0xD, v1;
	v52 =	vld.idx.msk [tilespmem:v44+s13+$0x0], $0xffff  }
0x37f: {  	v54 =	vld.idx.msk [tilespmem:v47+s12+$0x0], $0xffff;
	v2 =	vadd.f32 v3, v2;
	v3 =	vmul.f32 v46, v45  }
0x380: {  	v56 =	vor.u32 $0xE, v1;
	v55 =	vld.idx.msk [tilespmem:v47+s13+$0x0], $0xffff  }
0x381: {  	v57 =	vld.idx.msk [tilespmem:v50+s12+$0x0], $0xffff;
	v2 =	vadd.f32 v3, v2;
	v3 =	vmul.f32 v49, v48  }
0x382: {  	v59 =	vor.u32 $0xF, v1;
	v58 =	vld.idx.msk [tilespmem:v50+s13+$0x0], $0xffff  }
0x383: {  	v60 =	vld.idx.msk [tilespmem:v53+s12+$0x0], $0xffff;
	v2 =	vadd.f32 v3, v2;
	v3 =	vmul.f32 v52, v51  }
0x384: {  	v62 =	vor.u32 $0x10, v1;
	v61 =	vld.idx.msk [tilespmem:v53+s13+$0x0], $0xffff  }
0x385: {  	v63 =	vld.idx.msk [tilespmem:v56+s12+$0x0], $0xffff;
	v2 =	vadd.f32 v3, v2;
	v3 =	vmul.f32 v55, v54  }
0x386: {  	v17 =	vor.u32 $0x11, v1;
	v16 =	vld.idx.msk [tilespmem:v56+s13+$0x0], $0xffff  }
0x387: {  	v18 =	vld.idx.msk [tilespmem:v59+s12+$0x0], $0xffff;
	v2 =	vadd.f32 v3, v2;
	v3 =	vmul.f32 v58, v57  }
0x388: {  	v20 =	vor.u32 $0x12, v1;
	v19 =	vld.idx.msk [tilespmem:v59+s13+$0x0], $0xffff  }
0x389: {  	v21 =	vld.idx.msk [tilespmem:v62+s12+$0x0], $0xffff;
	v2 =	vadd.f32 v3, v2;
	v3 =	vmul.f32 v61, v60  }
0x38a: {  	v23 =	vor.u32 $0x13, v1;
	v22 =	vld.idx.msk [tilespmem:v62+s13+$0x0], $0xffff  }
0x38b: {  	v24 =	vld.idx.msk [tilespmem:v17+s12+$0x0], $0xffff;
	v2 =	vadd.f32 v3, v2;
	v3 =	vmul.f32 v16, v63  }
0x38c: {  	v26 =	vor.u32 $0x14, v1;
	v25 =	vld.idx.msk [tilespmem:v17+s13+$0x0], $0xffff  }
0x38d: {  	v27 =	vld.idx.msk [tilespmem:v20+s12+$0x0], $0xffff;
	v2 =	vadd.f32 v3, v2;
	v3 =	vmul.f32 v19, v18  }
0x38e: {  	v29 =	vor.u32 $0x15, v1;
	v28 =	vld.idx.msk [tilespmem:v20+s13+$0x0], $0xffff  }
0x38f: {  	v30 =	vld.idx.msk [tilespmem:v23+s12+$0x0], $0xffff;
	v2 =	vadd.f32 v3, v2;
	v3 =	vmul.f32 v22, v21  }
0x390: {  	v32 =	vor.u32 $0x16, v1;
	v31 =	vld.idx.msk [tilespmem:v23+s13+$0x0], $0xffff  }
0x391: {  	v34 =	vld.idx.msk [tilespmem:v26+s13+$0x0], $0xffff;
	v2 =	vadd.f32 v3, v2;
	v3 =	vmul.f32 v25, v24  }
0x392: {  	v33 =	vld.idx.msk [tilespmem:v26+s12+$0x0], $0xffff;
	v35 =	vor.u32 $0x17, v1  }
0x393: {  	v36 =	vld.idx.msk [tilespmem:v29+s12+$0x0], $0xffff;
	v2 =	vadd.f32 v3, v2;
	v3 =	vmul.f32 v28, v27  }
0x394: {  	v38 =	vor.u32 $0x18, v1;
	v37 =	vld.idx.msk [tilespmem:v29+s13+$0x0], $0xffff  }
0x395: {  	v39 =	vld.idx.msk [tilespmem:v32+s12+$0x0], $0xffff;
	v2 =	vadd.f32 v3, v2;
	v3 =	vmul.f32 v31, v30  }
0x396: {  	v41 =	vor.u32 $0x19, v1;
	v40 =	vld.idx.msk [tilespmem:v32+s13+$0x0], $0xffff  }
0x397: {  	v42 =	vld.idx.msk [tilespmem:v35+s12+$0x0], $0xffff;
	v2 =	vadd.f32 v3, v2;
	v3 =	vmul.f32 v34, v33  }
0x398: {  	v44 =	vor.u32 $0x1A, v1;
	v43 =	vld.idx.msk [tilespmem:v35+s13+$0x0], $0xffff  }
0x399: {  	v45 =	vld.idx.msk [tilespmem:v38+s12+$0x0], $0xffff;
	v2 =	vadd.f32 v3, v2;
	v3 =	vmul.f32 v37, v36  }
0x39a: {  	v47 =	vor.u32 $0x1B, v1;
	v46 =	vld.idx.msk [tilespmem:v38+s13+$0x0], $0xffff  }
0x39b: {  	v48 =	vld.idx.msk [tilespmem:v41+s12+$0x0], $0xffff;
	v2 =	vadd.f32 v3, v2;
	v3 =	vmul.f32 v40, v39  }
0x39c: {  	v50 =	vor.u32 $0x1C, v1;
	v49 =	vld.idx.msk [tilespmem:v41+s13+$0x0], $0xffff  }
0x39d: {  	v51 =	vld.idx.msk [tilespmem:v44+s12+$0x0], $0xffff;
	v2 =	vadd.f32 v3, v2;
	v3 =	vmul.f32 v43, v42  }
0x39e: {  	v53 =	vor.u32 $0x1D, v1;
	v52 =	vld.idx.msk [tilespmem:v44+s13+$0x0], $0xffff  }
0x39f: {  	v54 =	vld.idx.msk [tilespmem:v47+s12+$0x0], $0xffff;
	v2 =	vadd.f32 v3, v2;
	v3 =	vmul.f32 v46, v45  }
0x3a0: {  	v56 =	vor.u32 $0x1E, v1;
	v55 =	vld.idx.msk [tilespmem:v47+s13+$0x0], $0xffff  }
0x3a1: {  	v57 =	vld.idx.msk [tilespmem:v50+s12+$0x0], $0xffff;
	v2 =	vadd.f32 v3, v2;
	v3 =	vmul.f32 v49, v48  }
0x3a2: {  	v59 =	vor.u32 $0x1F, v1;
	v58 =	vld.idx.msk [tilespmem:v50+s13+$0x0], $0xffff  }
0x3a3: {  	v60 =	vld.idx.msk [tilespmem:v53+s12+$0x0], $0xffff;
	v2 =	vadd.f32 v3, v2;
	v3 =	vmul.f32 v52, v51  }
0x3a4: {  	v62 =	vor.u32 $0x20, v1;
	v61 =	vld.idx.msk [tilespmem:v53+s13+$0x0], $0xffff  }
0x3a5: {  	v63 =	vld.idx.msk [tilespmem:v56+s12+$0x0], $0xffff;
	v2 =	vadd.f32 v3, v2;
	v3 =	vmul.f32 v55, v54  }
0x3a6: {  	v17 =	vor.u32 $0x21, v1;
	v16 =	vld.idx.msk [tilespmem:v56+s13+$0x0], $0xffff  }
0x3a7: {  	v18 =	vld.idx.msk [tilespmem:v59+s12+$0x0], $0xffff;
	v2 =	vadd.f32 v3, v2;
	v3 =	vmul.f32 v58, v57  }
0x3a8: {  	v20 =	vor.u32 $0x22, v1;
	v19 =	vld.idx.msk [tilespmem:v59+s13+$0x0], $0xffff  }
0x3a9: {  	v21 =	vld.idx.msk [tilespmem:v62+s12+$0x0], $0xffff;
	v2 =	vadd.f32 v3, v2;
	v3 =	vmul.f32 v61, v60  }
0x3aa: {  	v23 =	vor.u32 $0x23, v1;
	v22 =	vld.idx.msk [tilespmem:v62+s13+$0x0], $0xffff  }
0x3ab: {  	v24 =	vld.idx.msk [tilespmem:v17+s12+$0x0], $0xffff;
	v2 =	vadd.f32 v3, v2;
	v3 =	vmul.f32 v16, v63  }
0x3ac: {  	v26 =	vor.u32 $0x24, v1;
	v25 =	vld.idx.msk [tilespmem:v17+s13+$0x0], $0xffff  }
0x3ad: {  	v27 =	vld.idx.msk [tilespmem:v20+s12+$0x0], $0xffff;
	v2 =	vadd.f32 v3, v2;
	v3 =	vmul.f32 v19, v18  }
0x3ae: {  	v29 =	vor.u32 $0x25, v1;
	v28 =	vld.idx.msk [tilespmem:v20+s13+$0x0], $0xffff  }
0x3af: {  	v30 =	vld.idx.msk [tilespmem:v23+s12+$0x0], $0xffff;
	v2 =	vadd.f32 v3, v2;
	v3 =	vmul.f32 v22, v21  }
0x3b0: {  	v32 =	vor.u32 $0x26, v1;
	v31 =	vld.idx.msk [tilespmem:v23+s13+$0x0], $0xffff  }
0x3b1: {  	v33 =	vld.idx.msk [tilespmem:v26+s12+$0x0], $0xffff;
	v2 =	vadd.f32 v3, v2;
	v3 =	vmul.f32 v25, v24  }
0x3b2: {  	v35 =	vor.u32 $0x27, v1;
	v34 =	vld.idx.msk [tilespmem:v26+s13+$0x0], $0xffff  }
0x3b3: {  	v36 =	vld.idx.msk [tilespmem:v29+s12+$0x0], $0xffff;
	v2 =	vadd.f32 v3, v2;
	v3 =	vmul.f32 v28, v27  }
0x3b4: {  	v38 =	vor.u32 $0x28, v1;
	v37 =	vld.idx.msk [tilespmem:v29+s13+$0x0], $0xffff  }
0x3b5: {  	v39 =	vld.idx.msk [tilespmem:v32+s12+$0x0], $0xffff;
	v2 =	vadd.f32 v3, v2;
	v3 =	vmul.f32 v31, v30  }
0x3b6: {  	v41 =	vor.u32 $0x29, v1;
	v40 =	vld.idx.msk [tilespmem:v32+s13+$0x0], $0xffff  }
0x3b7: {  	v42 =	vld.idx.msk [tilespmem:v35+s12+$0x0], $0xffff;
	v2 =	vadd.f32 v3, v2;
	v3 =	vmul.f32 v34, v33  }
0x3b8: {  	v44 =	vor.u32 $0x2A, v1;
	v43 =	vld.idx.msk [tilespmem:v35+s13+$0x0], $0xffff  }
0x3b9: {  	v45 =	vld.idx.msk [tilespmem:v38+s12+$0x0], $0xffff;
	v2 =	vadd.f32 v3, v2;
	v3 =	vmul.f32 v37, v36  }
0x3ba: {  	v47 =	vor.u32 $0x2B, v1;
	v46 =	vld.idx.msk [tilespmem:v38+s13+$0x0], $0xffff  }
0x3bb: {  	v48 =	vld.idx.msk [tilespmem:v41+s12+$0x0], $0xffff;
	v2 =	vadd.f32 v3, v2;
	v3 =	vmul.f32 v40, v39  }
0x3bc: {  	v50 =	vor.u32 $0x2C, v1;
	v49 =	vld.idx.msk [tilespmem:v41+s13+$0x0], $0xffff  }
0x3bd: {  	v51 =	vld.idx.msk [tilespmem:v44+s12+$0x0], $0xffff;
	v2 =	vadd.f32 v3, v2;
	v3 =	vmul.f32 v43, v42  }
0x3be: {  	v53 =	vor.u32 $0x2D, v1;
	v52 =	vld.idx.msk [tilespmem:v44+s13+$0x0], $0xffff  }
0x3bf: {  	v54 =	vld.idx.msk [tilespmem:v47+s12+$0x0], $0xffff;
	v2 =	vadd.f32 v3, v2;
	v3 =	vmul.f32 v46, v45  }
0x3c0: {  	v56 =	vor.u32 $0x2E, v1;
	v55 =	vld.idx.msk [tilespmem:v47+s13+$0x0], $0xffff  }
0x3c1: {  	v57 =	vld.idx.msk [tilespmem:v50+s12+$0x0], $0xffff;
	v2 =	vadd.f32 v3, v2;
	v3 =	vmul.f32 v49, v48  }
0x3c2: {  	v59 =	vor.u32 $0x2F, v1;
	v58 =	vld.idx.msk [tilespmem:v50+s13+$0x0], $0xffff  }
0x3c3: {  	v60 =	vld.idx.msk [tilespmem:v53+s12+$0x0], $0xffff;
	v2 =	vadd.f32 v3, v2;
	v3 =	vmul.f32 v52, v51  }
0x3c4: {  	v62 =	vor.u32 $0x30, v1;
	v61 =	vld.idx.msk [tilespmem:v53+s13+$0x0], $0xffff  }
0x3c5: {  	v63 =	vld.idx.msk [tilespmem:v56+s12+$0x0], $0xffff;
	v2 =	vadd.f32 v3, v2;
	v3 =	vmul.f32 v55, v54  }
0x3c6: {  	v17 =	vor.u32 $0x31, v1;
	v16 =	vld.idx.msk [tilespmem:v56+s13+$0x0], $0xffff  }
0x3c7: {  	v18 =	vld.idx.msk [tilespmem:v59+s12+$0x0], $0xffff;
	v2 =	vadd.f32 v3, v2;
	v3 =	vmul.f32 v58, v57  }
0x3c8: {  	v20 =	vor.u32 $0x32, v1;
	v19 =	vld.idx.msk [tilespmem:v59+s13+$0x0], $0xffff  }
0x3c9: {  	v21 =	vld.idx.msk [tilespmem:v62+s12+$0x0], $0xffff;
	v2 =	vadd.f32 v3, v2;
	v3 =	vmul.f32 v61, v60  }
0x3ca: {  	v23 =	vor.u32 $0x33, v1;
	v22 =	vld.idx.msk [tilespmem:v62+s13+$0x0], $0xffff  }
0x3cb: {  	v24 =	vld.idx.msk [tilespmem:v17+s12+$0x0], $0xffff;
	v2 =	vadd.f32 v3, v2;
	v3 =	vmul.f32 v16, v63  }
0x3cc: {  	v26 =	vor.u32 $0x34, v1;
	v25 =	vld.idx.msk [tilespmem:v17+s13+$0x0], $0xffff  }
0x3cd: {  	v27 =	vld.idx.msk [tilespmem:v20+s12+$0x0], $0xffff;
	v2 =	vadd.f32 v3, v2;
	v3 =	vmul.f32 v19, v18  }
0x3ce: {  	v29 =	vor.u32 $0x35, v1;
	v28 =	vld.idx.msk [tilespmem:v20+s13+$0x0], $0xffff  }
0x3cf: {  	v30 =	vld.idx.msk [tilespmem:v23+s12+$0x0], $0xffff;
	v2 =	vadd.f32 v3, v2;
	v3 =	vmul.f32 v22, v21  }
0x3d0: {  	v32 =	vor.u32 $0x36, v1;
	v31 =	vld.idx.msk [tilespmem:v23+s13+$0x0], $0xffff  }
0x3d1: {  	v33 =	vld.idx.msk [tilespmem:v26+s12+$0x0], $0xffff;
	v2 =	vadd.f32 v3, v2;
	v3 =	vmul.f32 v25, v24  }
0x3d2: {  	v35 =	vor.u32 $0x37, v1;
	v34 =	vld.idx.msk [tilespmem:v26+s13+$0x0], $0xffff  }
0x3d3: {  	v36 =	vld.idx.msk [tilespmem:v29+s12+$0x0], $0xffff;
	v2 =	vadd.f32 v3, v2;
	v3 =	vmul.f32 v28, v27  }
0x3d4: {  	v38 =	vor.u32 $0x38, v1;
	v37 =	vld.idx.msk [tilespmem:v29+s13+$0x0], $0xffff  }
0x3d5: {  	v39 =	vld.idx.msk [tilespmem:v32+s12+$0x0], $0xffff;
	v2 =	vadd.f32 v3, v2;
	v3 =	vmul.f32 v31, v30  }
0x3d6: {  	v41 =	vor.u32 $0x39, v1;
	v40 =	vld.idx.msk [tilespmem:v32+s13+$0x0], $0xffff  }
0x3d7: {  	v42 =	vld.idx.msk [tilespmem:v35+s12+$0x0], $0xffff;
	v2 =	vadd.f32 v3, v2;
	v3 =	vmul.f32 v34, v33  }
0x3d8: {  	v44 =	vor.u32 $0x3A, v1;
	v43 =	vld.idx.msk [tilespmem:v35+s13+$0x0], $0xffff  }
0x3d9: {  	v45 =	vld.idx.msk [tilespmem:v38+s12+$0x0], $0xffff;
	v2 =	vadd.f32 v3, v2;
	v3 =	vmul.f32 v37, v36  }
0x3da: {  	v47 =	vor.u32 $0x3B, v1;
	v46 =	vld.idx.msk [tilespmem:v38+s13+$0x0], $0xffff  }
0x3db: {  	v48 =	vld.idx.msk [tilespmem:v41+s12+$0x0], $0xffff;
	v2 =	vadd.f32 v3, v2;
	v3 =	vmul.f32 v40, v39  }
0x3dc: {  	v50 =	vor.u32 $0x3C, v1;
	v49 =	vld.idx.msk [tilespmem:v41+s13+$0x0], $0xffff  }
0x3dd: {  	v51 =	vld.idx.msk [tilespmem:v44+s12+$0x0], $0xffff;
	v2 =	vadd.f32 v3, v2;
	v3 =	vmul.f32 v43, v42  }
0x3de: {  	v53 =	vor.u32 $0x3D, v1;
	v52 =	vld.idx.msk [tilespmem:v44+s13+$0x0], $0xffff  }
0x3df: {  	v54 =	vld.idx.msk [tilespmem:v47+s12+$0x0], $0xffff;
	v2 =	vadd.f32 v3, v2;
	v3 =	vmul.f32 v46, v45  }
0x3e0: {  	v56 =	vor.u32 $0x3E, v1;
	v55 =	vld.idx.msk [tilespmem:v47+s13+$0x0], $0xffff  }
0x3e1: {  	v57 =	vld.idx.msk [tilespmem:v50+s12+$0x0], $0xffff;
	v2 =	vadd.f32 v3, v2;
	v3 =	vmul.f32 v49, v48  }
0x3e2: {  	v59 =	vor.u32 $0x3F, v1;
	v58 =	vld.idx.msk [tilespmem:v50+s13+$0x0], $0xffff  }
0x3e3: {  	v60 =	vld.idx.msk [tilespmem:v53+s12+$0x0], $0xffff;
	v2 =	vadd.f32 v3, v2;
	v3 =	vmul.f32 v52, v51  }
0x3e4: {  	v62 =	vor.u32 $0x40, v1;
	v61 =	vld.idx.msk [tilespmem:v53+s13+$0x0], $0xffff  }
0x3e5: {  	v63 =	vld.idx.msk [tilespmem:v56+s12+$0x0], $0xffff;
	v2 =	vadd.f32 v3, v2;
	v3 =	vmul.f32 v55, v54  }
0x3e6: {  	v17 =	vor.u32 $0x41, v1;
	v16 =	vld.idx.msk [tilespmem:v56+s13+$0x0], $0xffff  }
0x3e7: {  	v18 =	vld.idx.msk [tilespmem:v59+s12+$0x0], $0xffff;
	v2 =	vadd.f32 v3, v2;
	v3 =	vmul.f32 v58, v57  }
0x3e8: {  	v20 =	vor.u32 $0x42, v1;
	v19 =	vld.idx.msk [tilespmem:v59+s13+$0x0], $0xffff  }
0x3e9: {  	v21 =	vld.idx.msk [tilespmem:v62+s12+$0x0], $0xffff;
	v2 =	vadd.f32 v3, v2;
	v3 =	vmul.f32 v61, v60  }
0x3ea: {  	v23 =	vor.u32 $0x43, v1;
	v22 =	vld.idx.msk [tilespmem:v62+s13+$0x0], $0xffff  }
0x3eb: {  	v24 =	vld.idx.msk [tilespmem:v17+s12+$0x0], $0xffff;
	v2 =	vadd.f32 v3, v2;
	v3 =	vmul.f32 v16, v63  }
0x3ec: {  	v26 =	vor.u32 $0x44, v1;
	v25 =	vld.idx.msk [tilespmem:v17+s13+$0x0], $0xffff  }
0x3ed: {  	v27 =	vld.idx.msk [tilespmem:v20+s12+$0x0], $0xffff;
	v2 =	vadd.f32 v3, v2;
	v3 =	vmul.f32 v19, v18  }
0x3ee: {  	v29 =	vor.u32 $0x45, v1;
	v28 =	vld.idx.msk [tilespmem:v20+s13+$0x0], $0xffff  }
0x3ef: {  	v30 =	vld.idx.msk [tilespmem:v23+s12+$0x0], $0xffff;
	v2 =	vadd.f32 v3, v2;
	v3 =	vmul.f32 v22, v21  }
0x3f0: {  	v32 =	vor.u32 $0x46, v1;
	v31 =	vld.idx.msk [tilespmem:v23+s13+$0x0], $0xffff  }
0x3f1: {  	v33 =	vld.idx.msk [tilespmem:v26+s12+$0x0], $0xffff;
	v2 =	vadd.f32 v3, v2;
	v3 =	vmul.f32 v25, v24  }
0x3f2: {  	v35 =	vor.u32 $0x47, v1;
	v34 =	vld.idx.msk [tilespmem:v26+s13+$0x0], $0xffff  }
0x3f3: {  	v36 =	vld.idx.msk [tilespmem:v29+s12+$0x0], $0xffff;
	v2 =	vadd.f32 v3, v2;
	v3 =	vmul.f32 v28, v27  }
0x3f4: {  	v38 =	vor.u32 $0x48, v1;
	v37 =	vld.idx.msk [tilespmem:v29+s13+$0x0], $0xffff  }
0x3f5: {  	v39 =	vld.idx.msk [tilespmem:v32+s12+$0x0], $0xffff;
	v2 =	vadd.f32 v3, v2;
	v3 =	vmul.f32 v31, v30  }
0x3f6: {  	v41 =	vor.u32 $0x49, v1;
	v40 =	vld.idx.msk [tilespmem:v32+s13+$0x0], $0xffff  }
0x3f7: {  	v42 =	vld.idx.msk [tilespmem:v35+s12+$0x0], $0xffff;
	v2 =	vadd.f32 v3, v2;
	v3 =	vmul.f32 v34, v33  }
0x3f8: {  	v44 =	vor.u32 $0x4A, v1;
	v43 =	vld.idx.msk [tilespmem:v35+s13+$0x0], $0xffff  }
0x3f9: {  	v45 =	vld.idx.msk [tilespmem:v38+s12+$0x0], $0xffff;
	v2 =	vadd.f32 v3, v2;
	v3 =	vmul.f32 v37, v36  }
0x3fa: {  	v47 =	vor.u32 $0x4B, v1;
	v46 =	vld.idx.msk [tilespmem:v38+s13+$0x0], $0xffff  }
0x3fb: {  	v48 =	vld.idx.msk [tilespmem:v41+s12+$0x0], $0xffff;
	v2 =	vadd.f32 v3, v2;
	v3 =	vmul.f32 v40, v39  }
0x3fc: {  	v50 =	vor.u32 $0x4C, v1;
	v49 =	vld.idx.msk [tilespmem:v41+s13+$0x0], $0xffff  }
0x3fd: {  	v51 =	vld.idx.msk [tilespmem:v44+s12+$0x0], $0xffff;
	v2 =	vadd.f32 v3, v2;
	v3 =	vmul.f32 v43, v42  }
0x3fe: {  	v53 =	vor.u32 $0x4D, v1;
	v52 =	vld.idx.msk [tilespmem:v44+s13+$0x0], $0xffff  }
0x3ff: {  	v54 =	vld.idx.msk [tilespmem:v47+s12+$0x0], $0xffff;
	v2 =	vadd.f32 v3, v2;
	v3 =	vmul.f32 v46, v45  }
0x400: {  	v56 =	vor.u32 $0x4E, v1;
	v55 =	vld.idx.msk [tilespmem:v47+s13+$0x0], $0xffff  }
0x401: {  	v57 =	vld.idx.msk [tilespmem:v50+s12+$0x0], $0xffff;
	v2 =	vadd.f32 v3, v2;
	v3 =	vmul.f32 v49, v48  }
0x402: {  	v59 =	vor.u32 $0x4F, v1;
	v58 =	vld.idx.msk [tilespmem:v50+s13+$0x0], $0xffff  }
0x403: {  	v60 =	vld.idx.msk [tilespmem:v53+s12+$0x0], $0xffff;
	v2 =	vadd.f32 v3, v2;
	v3 =	vmul.f32 v52, v51  }
0x404: {  	v62 =	vor.u32 $0x50, v1;
	v61 =	vld.idx.msk [tilespmem:v53+s13+$0x0], $0xffff  }
0x405: {  	v63 =	vld.idx.msk [tilespmem:v56+s12+$0x0], $0xffff;
	v2 =	vadd.f32 v3, v2;
	v3 =	vmul.f32 v55, v54  }
0x406: {  	v17 =	vor.u32 $0x51, v1;
	v16 =	vld.idx.msk [tilespmem:v56+s13+$0x0], $0xffff  }
0x407: {  	v18 =	vld.idx.msk [tilespmem:v59+s12+$0x0], $0xffff;
	v2 =	vadd.f32 v3, v2;
	v3 =	vmul.f32 v58, v57  }
0x408: {  	v20 =	vor.u32 $0x52, v1;
	v19 =	vld.idx.msk [tilespmem:v59+s13+$0x0], $0xffff  }
0x409: {  	v21 =	vld.idx.msk [tilespmem:v62+s12+$0x0], $0xffff;
	v2 =	vadd.f32 v3, v2;
	v3 =	vmul.f32 v61, v60  }
0x40a: {  	v23 =	vor.u32 $0x53, v1;
	v22 =	vld.idx.msk [tilespmem:v62+s13+$0x0], $0xffff  }
0x40b: {  	v24 =	vld.idx.msk [tilespmem:v17+s12+$0x0], $0xffff;
	v2 =	vadd.f32 v3, v2;
	v3 =	vmul.f32 v16, v63  }
0x40c: {  	v26 =	vor.u32 $0x54, v1;
	v25 =	vld.idx.msk [tilespmem:v17+s13+$0x0], $0xffff  }
0x40d: {  	v27 =	vld.idx.msk [tilespmem:v20+s12+$0x0], $0xffff;
	v2 =	vadd.f32 v3, v2;
	v3 =	vmul.f32 v19, v18  }
0x40e: {  	v29 =	vor.u32 $0x55, v1;
	v28 =	vld.idx.msk [tilespmem:v20+s13+$0x0], $0xffff  }
0x40f: {  	v30 =	vld.idx.msk [tilespmem:v23+s12+$0x0], $0xffff;
	v2 =	vadd.f32 v3, v2;
	v3 =	vmul.f32 v22, v21  }
0x410: {  	v32 =	vor.u32 $0x56, v1;
	v31 =	vld.idx.msk [tilespmem:v23+s13+$0x0], $0xffff  }
0x411: {  	v33 =	vld.idx.msk [tilespmem:v26+s12+$0x0], $0xffff;
	v2 =	vadd.f32 v3, v2;
	v3 =	vmul.f32 v25, v24  }
0x412: {  	v35 =	vor.u32 $0x57, v1;
	v34 =	vld.idx.msk [tilespmem:v26+s13+$0x0], $0xffff  }
0x413: {  	v36 =	vld.idx.msk [tilespmem:v29+s12+$0x0], $0xffff;
	v2 =	vadd.f32 v3, v2;
	v3 =	vmul.f32 v28, v27  }
0x414: {  	v38 =	vor.u32 $0x58, v1;
	v37 =	vld.idx.msk [tilespmem:v29+s13+$0x0], $0xffff  }
0x415: {  	v39 =	vld.idx.msk [tilespmem:v32+s12+$0x0], $0xffff;
	v2 =	vadd.f32 v3, v2;
	v3 =	vmul.f32 v31, v30  }
0x416: {  	v41 =	vor.u32 $0x59, v1;
	v40 =	vld.idx.msk [tilespmem:v32+s13+$0x0], $0xffff  }
0x417: {  	v42 =	vld.idx.msk [tilespmem:v35+s12+$0x0], $0xffff;
	v2 =	vadd.f32 v3, v2;
	v3 =	vmul.f32 v34, v33  }
0x418: {  	v44 =	vor.u32 $0x5A, v1;
	v43 =	vld.idx.msk [tilespmem:v35+s13+$0x0], $0xffff  }
0x419: {  	v45 =	vld.idx.msk [tilespmem:v38+s12+$0x0], $0xffff;
	v2 =	vadd.f32 v3, v2;
	v3 =	vmul.f32 v37, v36  }
0x41a: {  	v47 =	vor.u32 $0x5B, v1;
	v46 =	vld.idx.msk [tilespmem:v38+s13+$0x0], $0xffff  }
0x41b: {  	v48 =	vld.idx.msk [tilespmem:v41+s12+$0x0], $0xffff;
	v2 =	vadd.f32 v3, v2;
	v3 =	vmul.f32 v40, v39  }
0x41c: {  	v50 =	vor.u32 $0x5C, v1;
	v49 =	vld.idx.msk [tilespmem:v41+s13+$0x0], $0xffff  }
0x41d: {  	v51 =	vld.idx.msk [tilespmem:v44+s12+$0x0], $0xffff;
	v2 =	vadd.f32 v3, v2;
	v3 =	vmul.f32 v43, v42  }
0x41e: {  	v53 =	vor.u32 $0x5D, v1;
	v52 =	vld.idx.msk [tilespmem:v44+s13+$0x0], $0xffff  }
0x41f: {  	v54 =	vld.idx.msk [tilespmem:v47+s12+$0x0], $0xffff;
	v2 =	vadd.f32 v3, v2;
	v3 =	vmul.f32 v46, v45  }
0x420: {  	v56 =	vor.u32 $0x5E, v1;
	v55 =	vld.idx.msk [tilespmem:v47+s13+$0x0], $0xffff  }
0x421: {  	v57 =	vld.idx.msk [tilespmem:v50+s12+$0x0], $0xffff;
	v2 =	vadd.f32 v3, v2;
	v3 =	vmul.f32 v49, v48  }
0x422: {  	v59 =	vor.u32 $0x5F, v1;
	v58 =	vld.idx.msk [tilespmem:v50+s13+$0x0], $0xffff  }
0x423: {  	v60 =	vld.idx.msk [tilespmem:v53+s12+$0x0], $0xffff;
	v2 =	vadd.f32 v3, v2;
	v3 =	vmul.f32 v52, v51  }
0x424: {  	v62 =	vor.u32 $0x60, v1;
	v61 =	vld.idx.msk [tilespmem:v53+s13+$0x0], $0xffff  }
0x425: {  	v63 =	vld.idx.msk [tilespmem:v56+s12+$0x0], $0xffff;
	v2 =	vadd.f32 v3, v2;
	v3 =	vmul.f32 v55, v54  }
0x426: {  	v17 =	vor.u32 $0x61, v1;
	v16 =	vld.idx.msk [tilespmem:v56+s13+$0x0], $0xffff  }
0x427: {  	v18 =	vld.idx.msk [tilespmem:v59+s12+$0x0], $0xffff;
	v2 =	vadd.f32 v3, v2;
	v3 =	vmul.f32 v58, v57  }
0x428: {  	v20 =	vor.u32 $0x62, v1;
	v19 =	vld.idx.msk [tilespmem:v59+s13+$0x0], $0xffff  }
0x429: {  	v21 =	vld.idx.msk [tilespmem:v62+s12+$0x0], $0xffff;
	v2 =	vadd.f32 v3, v2;
	v3 =	vmul.f32 v61, v60  }
0x42a: {  	v23 =	vor.u32 $0x63, v1;
	v22 =	vld.idx.msk [tilespmem:v62+s13+$0x0], $0xffff  }
0x42b: {  	v24 =	vld.idx.msk [tilespmem:v17+s12+$0x0], $0xffff;
	v2 =	vadd.f32 v3, v2;
	v3 =	vmul.f32 v16, v63  }
0x42c: {  	v26 =	vor.u32 $0x64, v1;
	v25 =	vld.idx.msk [tilespmem:v17+s13+$0x0], $0xffff  }
0x42d: {  	v27 =	vld.idx.msk [tilespmem:v20+s12+$0x0], $0xffff;
	v2 =	vadd.f32 v3, v2;
	v3 =	vmul.f32 v19, v18  }
0x42e: {  	v29 =	vor.u32 $0x65, v1;
	v28 =	vld.idx.msk [tilespmem:v20+s13+$0x0], $0xffff  }
0x42f: {  	v30 =	vld.idx.msk [tilespmem:v23+s12+$0x0], $0xffff;
	v2 =	vadd.f32 v3, v2;
	v3 =	vmul.f32 v22, v21  }
0x430: {  	v32 =	vor.u32 $0x66, v1;
	v31 =	vld.idx.msk [tilespmem:v23+s13+$0x0], $0xffff  }
0x431: {  	v33 =	vld.idx.msk [tilespmem:v26+s12+$0x0], $0xffff;
	v2 =	vadd.f32 v3, v2;
	v3 =	vmul.f32 v25, v24  }
0x432: {  	v35 =	vor.u32 $0x67, v1;
	v34 =	vld.idx.msk [tilespmem:v26+s13+$0x0], $0xffff  }
0x433: {  	v36 =	vld.idx.msk [tilespmem:v29+s12+$0x0], $0xffff;
	v2 =	vadd.f32 v3, v2;
	v3 =	vmul.f32 v28, v27  }
0x434: {  	v38 =	vor.u32 $0x68, v1;
	v37 =	vld.idx.msk [tilespmem:v29+s13+$0x0], $0xffff  }
0x435: {  	v39 =	vld.idx.msk [tilespmem:v32+s12+$0x0], $0xffff;
	v2 =	vadd.f32 v3, v2;
	v3 =	vmul.f32 v31, v30  }
0x436: {  	v41 =	vor.u32 $0x69, v1;
	v40 =	vld.idx.msk [tilespmem:v32+s13+$0x0], $0xffff  }
0x437: {  	v42 =	vld.idx.msk [tilespmem:v35+s12+$0x0], $0xffff;
	v2 =	vadd.f32 v3, v2;
	v3 =	vmul.f32 v34, v33  }
0x438: {  	v44 =	vor.u32 $0x6A, v1;
	v43 =	vld.idx.msk [tilespmem:v35+s13+$0x0], $0xffff  }
0x439: {  	v45 =	vld.idx.msk [tilespmem:v38+s12+$0x0], $0xffff;
	v2 =	vadd.f32 v3, v2;
	v3 =	vmul.f32 v37, v36  }
0x43a: {  	v47 =	vor.u32 $0x6B, v1;
	v46 =	vld.idx.msk [tilespmem:v38+s13+$0x0], $0xffff  }
0x43b: {  	v48 =	vld.idx.msk [tilespmem:v41+s12+$0x0], $0xffff;
	v2 =	vadd.f32 v3, v2;
	v3 =	vmul.f32 v40, v39  }
0x43c: {  	v50 =	vor.u32 $0x6C, v1;
	v49 =	vld.idx.msk [tilespmem:v41+s13+$0x0], $0xffff  }
0x43d: {  	v51 =	vld.idx.msk [tilespmem:v44+s12+$0x0], $0xffff;
	v2 =	vadd.f32 v3, v2;
	v3 =	vmul.f32 v43, v42  }
0x43e: {  	v53 =	vor.u32 $0x6D, v1;
	v52 =	vld.idx.msk [tilespmem:v44+s13+$0x0], $0xffff  }
0x43f: {  	v54 =	vld.idx.msk [tilespmem:v47+s12+$0x0], $0xffff;
	v2 =	vadd.f32 v3, v2;
	v3 =	vmul.f32 v46, v45  }
0x440: {  	v56 =	vor.u32 $0x6E, v1;
	v55 =	vld.idx.msk [tilespmem:v47+s13+$0x0], $0xffff  }
0x441: {  	v57 =	vld.idx.msk [tilespmem:v50+s12+$0x0], $0xffff;
	v2 =	vadd.f32 v3, v2;
	v3 =	vmul.f32 v49, v48  }
0x442: {  	v59 =	vor.u32 $0x6F, v1;
	v58 =	vld.idx.msk [tilespmem:v50+s13+$0x0], $0xffff  }
0x443: {  	v60 =	vld.idx.msk [tilespmem:v53+s12+$0x0], $0xffff;
	v2 =	vadd.f32 v3, v2;
	v3 =	vmul.f32 v52, v51  }
0x444: {  	v62 =	vor.u32 $0x70, v1;
	v61 =	vld.idx.msk [tilespmem:v53+s13+$0x0], $0xffff  }
0x445: {  	v63 =	vld.idx.msk [tilespmem:v56+s12+$0x0], $0xffff;
	v2 =	vadd.f32 v3, v2;
	v3 =	vmul.f32 v55, v54  }
0x446: {  	v17 =	vor.u32 $0x71, v1;
	v16 =	vld.idx.msk [tilespmem:v56+s13+$0x0], $0xffff  }
0x447: {  	v18 =	vld.idx.msk [tilespmem:v59+s12+$0x0], $0xffff;
	v2 =	vadd.f32 v3, v2;
	v3 =	vmul.f32 v58, v57  }
0x448: {  	v20 =	vor.u32 $0x72, v1;
	v19 =	vld.idx.msk [tilespmem:v59+s13+$0x0], $0xffff  }
0x449: {  	v21 =	vld.idx.msk [tilespmem:v62+s12+$0x0], $0xffff;
	v2 =	vadd.f32 v3, v2;
	v3 =	vmul.f32 v61, v60  }
0x44a: {  	v23 =	vor.u32 $0x73, v1;
	v22 =	vld.idx.msk [tilespmem:v62+s13+$0x0], $0xffff  }
0x44b: {  	v24 =	vld.idx.msk [tilespmem:v17+s12+$0x0], $0xffff;
	v2 =	vadd.f32 v3, v2;
	v3 =	vmul.f32 v16, v63  }
0x44c: {  	v26 =	vor.u32 $0x74, v1;
	v25 =	vld.idx.msk [tilespmem:v17+s13+$0x0], $0xffff  }
0x44d: {  	v27 =	vld.idx.msk [tilespmem:v20+s12+$0x0], $0xffff;
	v2 =	vadd.f32 v3, v2;
	v3 =	vmul.f32 v19, v18  }
0x44e: {  	v29 =	vor.u32 $0x75, v1;
	v28 =	vld.idx.msk [tilespmem:v20+s13+$0x0], $0xffff  }
0x44f: {  	v30 =	vld.idx.msk [tilespmem:v23+s12+$0x0], $0xffff;
	v2 =	vadd.f32 v3, v2;
	v3 =	vmul.f32 v22, v21  }
0x450: {  	v32 =	vor.u32 $0x76, v1;
	v31 =	vld.idx.msk [tilespmem:v23+s13+$0x0], $0xffff  }
0x451: {  	v33 =	vld.idx.msk [tilespmem:v26+s12+$0x0], $0xffff;
	v2 =	vadd.f32 v3, v2;
	v3 =	vmul.f32 v25, v24  }
0x452: {  	v35 =	vor.u32 $0x77, v1;
	v34 =	vld.idx.msk [tilespmem:v26+s13+$0x0], $0xffff  }
0x453: {  	v36 =	vld.idx.msk [tilespmem:v29+s12+$0x0], $0xffff;
	v2 =	vadd.f32 v3, v2;
	v3 =	vmul.f32 v28, v27  }
0x454: {  	v38 =	vor.u32 $0x78, v1;
	v37 =	vld.idx.msk [tilespmem:v29+s13+$0x0], $0xffff  }
0x455: {  	v39 =	vld.idx.msk [tilespmem:v32+s12+$0x0], $0xffff;
	v2 =	vadd.f32 v3, v2;
	v3 =	vmul.f32 v31, v30  }
0x456: {  	v41 =	vor.u32 $0x79, v1;
	v40 =	vld.idx.msk [tilespmem:v32+s13+$0x0], $0xffff  }
0x457: {  	v42 =	vld.idx.msk [tilespmem:v35+s12+$0x0], $0xffff;
	v2 =	vadd.f32 v3, v2;
	v3 =	vmul.f32 v34, v33  }
0x458: {  	v44 =	vor.u32 $0x7A, v1;
	v43 =	vld.idx.msk [tilespmem:v35+s13+$0x0], $0xffff  }
0x459: {  	v45 =	vld.idx.msk [tilespmem:v38+s12+$0x0], $0xffff;
	v2 =	vadd.f32 v3, v2;
	v3 =	vmul.f32 v37, v36  }
0x45a: {  	v47 =	vor.u32 $0x7B, v1;
	v46 =	vld.idx.msk [tilespmem:v38+s13+$0x0], $0xffff  }
0x45b: {  	v48 =	vld.idx.msk [tilespmem:v41+s12+$0x0], $0xffff;
	v2 =	vadd.f32 v3, v2;
	v3 =	vmul.f32 v40, v39  }
0x45c: {  	v50 =	vor.u32 $0x7C, v1;
	v49 =	vld.idx.msk [tilespmem:v41+s13+$0x0], $0xffff  }
0x45d: {  	v51 =	vld.idx.msk [tilespmem:v44+s12+$0x0], $0xffff;
	v2 =	vadd.f32 v3, v2;
	v3 =	vmul.f32 v43, v42  }
0x45e: {  	v53 =	vor.u32 $0x7D, v1;
	v52 =	vld.idx.msk [tilespmem:v44+s13+$0x0], $0xffff  }
0x45f: {  	v54 =	vld.idx.msk [tilespmem:v47+s12+$0x0], $0xffff;
	v2 =	vadd.f32 v3, v2;
	v3 =	vmul.f32 v46, v45  }
0x460: {  	v56 =	vor.u32 $0x7E, v1;
	v55 =	vld.idx.msk [tilespmem:v47+s13+$0x0], $0xffff  }
0x461: {  	v57 =	vld.idx.msk [tilespmem:v50+s12+$0x0], $0xffff;
	v2 =	vadd.f32 v3, v2;
	v3 =	vmul.f32 v49, v48  }
0x462: {  	v1 =	vor.u32 $0x7F, v1;
	v58 =	vld.idx.msk [tilespmem:v50+s13+$0x0], $0xffff  }
0x463: {  	v59 =	vld.idx.msk [tilespmem:v53+s12+$0x0], $0xffff;
	v2 =	vadd.f32 v3, v2;
	v3 =	vmul.f32 v52, v51  }
0x464: {  	v60 =	vld.idx.msk [tilespmem:v53+s13+$0x0], $0xffff  }
0x465: {  	v62 =	vld.idx.msk [tilespmem:v56+s13+$0x0], $0xffff;
	v2 =	vadd.f32 v3, v2;
	v3 =	vmul.f32 v55, v54  }
0x466: {  	v61 =	vld.idx.msk [tilespmem:v56+s12+$0x0], $0xffff  }
0x467: {  	v63 =	vld.idx.msk [tilespmem:v1+s12+$0x0], $0xffff;
	v2 =	vadd.f32 v3, v2;
	v3 =	vmul.f32 v58, v57  }
0x468: {  	v1 =	vld.idx.msk [tilespmem:v1+s13+$0x0], $0xffff  }
0x469: {  	v2 =	vadd.f32 v3, v2;
	v3 =	vmul.f32 v60, v59;
	_ =	sdelay $0x1  }
0x46a: {  	v2 =	vadd.f32 v3, v2;
	v3 =	vmul.f32 v62, v61;
	_ =	sdelay $0x1  }
0x46b: {  	v1 =	vmul.f32 v1, v63;
	v2 =	vadd.f32 v3, v2;
	_ =	sdelay $0x1  }
0x46c: {  	v1 =	vadd.f32 v1, v2;
	_ =	sdelay $0x1  }
0x46d: {  	v1 =	vsub.f32 $0.0e+00, v1;
	_ =	sdelay $0x1  }
0x46e: {  	v1 =	vmul.f32 $1.442695020e+00, v1;
	_ =	sdelay $0x1  }
0x46f: {  	(erf) = vpow2.f32 v1;
	_ =	sdelay $0x8  }
0x470: {  	v1 =	vpop (erf)  }
0x471: {  	v1 =	vadd.f32 $1.000000000e+00, v1;
	_ =	sdelay $0x1  }
0x472: {  	(erf) = vrcp.f32 v1;
	_ =	sdelay $0x4  }
0x473: {  	p0 =	seq.s32 s22, $0x0  }
.Ltmp6:
0x474: {  	_ = 	snop;
	(pc) =	sbr.rel @p0 .LBB2_9-.Ltmp6, $3  }
0x475: {  	_ =	sdelay $0x1  }
0x476: {  	s23 =	sadd.s32 $0x10, s23;
	v1 =	vpop (erf)  }
0x477: {  	[tilespmem:s23+$0x0] =	vst v1  }
.LBB2_6:
0x478: {  	p0 =	seq.s32 s21, $0x7C  }
0x479: {  	s22 =	smul.u32 @!p0 $0x50, s21;
	_ =	sdelay $0x1  }
0x47a: {  	s24 =	simm.s32 @!p0 $0x50;
	s25 =	simm.s32 @!p0 $0x4F00;
	s23 =	sadd.s32 @!p0 $0x50, s22  }
0x47b: {  	[tilespmem:s25], [sflag:$0x1] =	stream.indirect.gather @!p0 [hbm4b:s1+s24], $0x80, s23, s24, $0xb8;
	[tilespmem:$0x11680] =	vst v63  }
0x47c: {  	s29 =	simm.s32 $0x0;
	s22 =	sadd.s32 @!p0 $0x27D0, s22;
	s23 =	simm.s32 @!p0 $0x7700  }
0x47d: {  	v1 =	vmov s29;
	[tilespmem:s23], [sflag:$0x1] =	stream.indirect.gather @!p0 [hbm4b:s2+s24], $0x80, s22, s24, $0xb8;
	[tilespmem:$0x11680] =	vst v63  }
0x47e: {  	v1 =	vshll.u32 v1, $0x7;
	_ =	swait.ge [sflag:s14], $0x2800  }
0x47f: {  	v1 =	vor.u32 v0, v1;
	[sflag:s14] =	ssyncset.done $0x0  }
0x480: {  	[sflag:s14] =	ssyncadd.s32 $0xFFFFD800  }
0x481: {  	v2 =	vor.u32 $0x1, v1;
	_ =	swait.ge [sflag:s14], $0x2800  }
0x482: {  	[sflag:s14] =	ssyncset.done $0x0  }
0x483: {  	v3 =	vor.u32 $0x2, v1;
	[sflag:s14] =	ssyncadd.s32 $0xFFFFD800  }
0x484: {  	v4 =	vld.idx.msk [tilespmem:v1+s16+$0x0], $0xffff  }
0x485: {  	v6 =	vor.u32 $0x3, v1;
	v5 =	vld.idx.msk [tilespmem:v1+s15+$0x0], $0xffff  }
0x486: {  	v7 =	vld.idx.msk [tilespmem:v2+s15+$0x0], $0xffff  }
0x487: {  	v8 =	vor.u32 $0x4, v1;
	v2 =	vld.idx.msk [tilespmem:v2+s16+$0x0], $0xffff  }
0x488: {  	v9 =	vld.idx.msk [tilespmem:v3+s15+$0x0], $0xffff  }
0x489: {  	v10 =	vor.u32 $0x5, v1;
	v3 =	vld.idx.msk [tilespmem:v3+s16+$0x0], $0xffff  }
0x48a: {  	v11 =	vld.idx.msk [tilespmem:v6+s15+$0x0], $0xffff;
	v4 =	vmul.f32 v4, v5  }
0x48b: {  	v41 =	vor.u32 $0x6, v1;
	v40 =	vld.idx.msk [tilespmem:v6+s16+$0x0], $0xffff  }
0x48c: {  	v12 =	vld.idx.msk [tilespmem:v8+s15+$0x0], $0xffff;
	v2 =	vmul.f32 v2, v7;
	v4 =	vadd.f32 $0.0e+00, v4  }
0x48d: {  	v43 =	vor.u32 $0x7, v1;
	v42 =	vld.idx.msk [tilespmem:v8+s16+$0x0], $0xffff  }
0x48e: {  	v13 =	vld.idx.msk [tilespmem:v10+s15+$0x0], $0xffff;
	v3 =	vmul.f32 v3, v9;
	v2 =	vadd.f32 v2, v4  }
0x48f: {  	v45 =	vor.u32 $0x8, v1;
	v44 =	vld.idx.msk [tilespmem:v10+s16+$0x0], $0xffff  }
0x490: {  	v46 =	vld.idx.msk [tilespmem:v41+s15+$0x0], $0xffff;
	v2 =	vadd.f32 v3, v2;
	v3 =	vmul.f32 v40, v11  }
0x491: {  	v48 =	vor.u32 $0x9, v1;
	v47 =	vld.idx.msk [tilespmem:v41+s16+$0x0], $0xffff  }
0x492: {  	v49 =	vld.idx.msk [tilespmem:v43+s15+$0x0], $0xffff;
	v2 =	vadd.f32 v3, v2;
	v3 =	vmul.f32 v42, v12  }
0x493: {  	v51 =	vor.u32 $0xA, v1;
	v50 =	vld.idx.msk [tilespmem:v43+s16+$0x0], $0xffff  }
0x494: {  	v52 =	vld.idx.msk [tilespmem:v45+s15+$0x0], $0xffff;
	v2 =	vadd.f32 v3, v2;
	v3 =	vmul.f32 v44, v13  }
0x495: {  	v54 =	vor.u32 $0xB, v1;
	v53 =	vld.idx.msk [tilespmem:v45+s16+$0x0], $0xffff  }
0x496: {  	v55 =	vld.idx.msk [tilespmem:v48+s15+$0x0], $0xffff;
	v2 =	vadd.f32 v3, v2;
	v3 =	vmul.f32 v47, v46  }
0x497: {  	v57 =	vor.u32 $0xC, v1;
	v56 =	vld.idx.msk [tilespmem:v48+s16+$0x0], $0xffff  }
0x498: {  	v58 =	vld.idx.msk [tilespmem:v51+s15+$0x0], $0xffff;
	v2 =	vadd.f32 v3, v2;
	v3 =	vmul.f32 v50, v49  }
0x499: {  	v60 =	vor.u32 $0xD, v1;
	v59 =	vld.idx.msk [tilespmem:v51+s16+$0x0], $0xffff  }
0x49a: {  	v61 =	vld.idx.msk [tilespmem:v54+s15+$0x0], $0xffff;
	v2 =	vadd.f32 v3, v2;
	v3 =	vmul.f32 v53, v52  }
0x49b: {  	v63 =	vor.u32 $0xE, v1;
	v62 =	vld.idx.msk [tilespmem:v54+s16+$0x0], $0xffff  }
0x49c: {  	v16 =	vld.idx.msk [tilespmem:v57+s15+$0x0], $0xffff;
	v2 =	vadd.f32 v3, v2;
	v3 =	vmul.f32 v56, v55  }
0x49d: {  	v18 =	vor.u32 $0xF, v1;
	v17 =	vld.idx.msk [tilespmem:v57+s16+$0x0], $0xffff  }
0x49e: {  	v19 =	vld.idx.msk [tilespmem:v60+s15+$0x0], $0xffff;
	v2 =	vadd.f32 v3, v2;
	v3 =	vmul.f32 v59, v58  }
0x49f: {  	v21 =	vor.u32 $0x10, v1;
	v20 =	vld.idx.msk [tilespmem:v60+s16+$0x0], $0xffff  }
0x4a0: {  	v22 =	vld.idx.msk [tilespmem:v63+s15+$0x0], $0xffff;
	v2 =	vadd.f32 v3, v2;
	v3 =	vmul.f32 v62, v61  }
0x4a1: {  	v24 =	vor.u32 $0x11, v1;
	v23 =	vld.idx.msk [tilespmem:v63+s16+$0x0], $0xffff  }
0x4a2: {  	v25 =	vld.idx.msk [tilespmem:v18+s15+$0x0], $0xffff;
	v2 =	vadd.f32 v3, v2;
	v3 =	vmul.f32 v17, v16  }
0x4a3: {  	v27 =	vor.u32 $0x12, v1;
	v26 =	vld.idx.msk [tilespmem:v18+s16+$0x0], $0xffff  }
0x4a4: {  	v28 =	vld.idx.msk [tilespmem:v21+s15+$0x0], $0xffff;
	v2 =	vadd.f32 v3, v2;
	v3 =	vmul.f32 v20, v19  }
0x4a5: {  	v30 =	vor.u32 $0x13, v1;
	v29 =	vld.idx.msk [tilespmem:v21+s16+$0x0], $0xffff  }
0x4a6: {  	v31 =	vld.idx.msk [tilespmem:v24+s15+$0x0], $0xffff;
	v2 =	vadd.f32 v3, v2;
	v3 =	vmul.f32 v23, v22  }
0x4a7: {  	v33 =	vor.u32 $0x14, v1;
	v32 =	vld.idx.msk [tilespmem:v24+s16+$0x0], $0xffff  }
0x4a8: {  	v34 =	vld.idx.msk [tilespmem:v27+s15+$0x0], $0xffff;
	v2 =	vadd.f32 v3, v2;
	v3 =	vmul.f32 v26, v25  }
0x4a9: {  	v36 =	vor.u32 $0x15, v1;
	v35 =	vld.idx.msk [tilespmem:v27+s16+$0x0], $0xffff  }
0x4aa: {  	v37 =	vld.idx.msk [tilespmem:v30+s15+$0x0], $0xffff;
	v2 =	vadd.f32 v3, v2;
	v3 =	vmul.f32 v29, v28  }
0x4ab: {  	v39 =	vor.u32 $0x16, v1;
	v38 =	vld.idx.msk [tilespmem:v30+s16+$0x0], $0xffff  }
0x4ac: {  	v41 =	vld.idx.msk [tilespmem:v33+s16+$0x0], $0xffff;
	v2 =	vadd.f32 v3, v2;
	v3 =	vmul.f32 v32, v31  }
0x4ad: {  	v40 =	vld.idx.msk [tilespmem:v33+s15+$0x0], $0xffff;
	v42 =	vor.u32 $0x17, v1  }
0x4ae: {  	v43 =	vld.idx.msk [tilespmem:v36+s15+$0x0], $0xffff;
	v2 =	vadd.f32 v3, v2;
	v3 =	vmul.f32 v35, v34  }
0x4af: {  	v45 =	vor.u32 $0x18, v1;
	v44 =	vld.idx.msk [tilespmem:v36+s16+$0x0], $0xffff  }
0x4b0: {  	v46 =	vld.idx.msk [tilespmem:v39+s15+$0x0], $0xffff;
	v2 =	vadd.f32 v3, v2;
	v3 =	vmul.f32 v38, v37  }
0x4b1: {  	v48 =	vor.u32 $0x19, v1;
	v47 =	vld.idx.msk [tilespmem:v39+s16+$0x0], $0xffff  }
0x4b2: {  	v49 =	vld.idx.msk [tilespmem:v42+s15+$0x0], $0xffff;
	v2 =	vadd.f32 v3, v2;
	v3 =	vmul.f32 v41, v40  }
0x4b3: {  	v51 =	vor.u32 $0x1A, v1;
	v50 =	vld.idx.msk [tilespmem:v42+s16+$0x0], $0xffff  }
0x4b4: {  	v52 =	vld.idx.msk [tilespmem:v45+s15+$0x0], $0xffff;
	v2 =	vadd.f32 v3, v2;
	v3 =	vmul.f32 v44, v43  }
0x4b5: {  	v54 =	vor.u32 $0x1B, v1;
	v53 =	vld.idx.msk [tilespmem:v45+s16+$0x0], $0xffff  }
0x4b6: {  	v55 =	vld.idx.msk [tilespmem:v48+s15+$0x0], $0xffff;
	v2 =	vadd.f32 v3, v2;
	v3 =	vmul.f32 v47, v46  }
0x4b7: {  	v57 =	vor.u32 $0x1C, v1;
	v56 =	vld.idx.msk [tilespmem:v48+s16+$0x0], $0xffff  }
0x4b8: {  	v58 =	vld.idx.msk [tilespmem:v51+s15+$0x0], $0xffff;
	v2 =	vadd.f32 v3, v2;
	v3 =	vmul.f32 v50, v49  }
0x4b9: {  	v60 =	vor.u32 $0x1D, v1;
	v59 =	vld.idx.msk [tilespmem:v51+s16+$0x0], $0xffff  }
0x4ba: {  	v61 =	vld.idx.msk [tilespmem:v54+s15+$0x0], $0xffff;
	v2 =	vadd.f32 v3, v2;
	v3 =	vmul.f32 v53, v52  }
0x4bb: {  	v63 =	vor.u32 $0x1E, v1;
	v62 =	vld.idx.msk [tilespmem:v54+s16+$0x0], $0xffff  }
0x4bc: {  	v16 =	vld.idx.msk [tilespmem:v57+s15+$0x0], $0xffff;
	v2 =	vadd.f32 v3, v2;
	v3 =	vmul.f32 v56, v55  }
0x4bd: {  	v18 =	vor.u32 $0x1F, v1;
	v17 =	vld.idx.msk [tilespmem:v57+s16+$0x0], $0xffff  }
0x4be: {  	v19 =	vld.idx.msk [tilespmem:v60+s15+$0x0], $0xffff;
	v2 =	vadd.f32 v3, v2;
	v3 =	vmul.f32 v59, v58  }
0x4bf: {  	v21 =	vor.u32 $0x20, v1;
	v20 =	vld.idx.msk [tilespmem:v60+s16+$0x0], $0xffff  }
0x4c0: {  	v22 =	vld.idx.msk [tilespmem:v63+s15+$0x0], $0xffff;
	v2 =	vadd.f32 v3, v2;
	v3 =	vmul.f32 v62, v61  }
0x4c1: {  	v24 =	vor.u32 $0x21, v1;
	v23 =	vld.idx.msk [tilespmem:v63+s16+$0x0], $0xffff  }
0x4c2: {  	v25 =	vld.idx.msk [tilespmem:v18+s15+$0x0], $0xffff;
	v2 =	vadd.f32 v3, v2;
	v3 =	vmul.f32 v17, v16  }
0x4c3: {  	v27 =	vor.u32 $0x22, v1;
	v26 =	vld.idx.msk [tilespmem:v18+s16+$0x0], $0xffff  }
0x4c4: {  	v28 =	vld.idx.msk [tilespmem:v21+s15+$0x0], $0xffff;
	v2 =	vadd.f32 v3, v2;
	v3 =	vmul.f32 v20, v19  }
0x4c5: {  	v30 =	vor.u32 $0x23, v1;
	v29 =	vld.idx.msk [tilespmem:v21+s16+$0x0], $0xffff  }
0x4c6: {  	v31 =	vld.idx.msk [tilespmem:v24+s15+$0x0], $0xffff;
	v2 =	vadd.f32 v3, v2;
	v3 =	vmul.f32 v23, v22  }
0x4c7: {  	v33 =	vor.u32 $0x24, v1;
	v32 =	vld.idx.msk [tilespmem:v24+s16+$0x0], $0xffff  }
0x4c8: {  	v34 =	vld.idx.msk [tilespmem:v27+s15+$0x0], $0xffff;
	v2 =	vadd.f32 v3, v2;
	v3 =	vmul.f32 v26, v25  }
0x4c9: {  	v36 =	vor.u32 $0x25, v1;
	v35 =	vld.idx.msk [tilespmem:v27+s16+$0x0], $0xffff  }
0x4ca: {  	v37 =	vld.idx.msk [tilespmem:v30+s15+$0x0], $0xffff;
	v2 =	vadd.f32 v3, v2;
	v3 =	vmul.f32 v29, v28  }
0x4cb: {  	v39 =	vor.u32 $0x26, v1;
	v38 =	vld.idx.msk [tilespmem:v30+s16+$0x0], $0xffff  }
0x4cc: {  	v40 =	vld.idx.msk [tilespmem:v33+s15+$0x0], $0xffff;
	v2 =	vadd.f32 v3, v2;
	v3 =	vmul.f32 v32, v31  }
0x4cd: {  	v42 =	vor.u32 $0x27, v1;
	v41 =	vld.idx.msk [tilespmem:v33+s16+$0x0], $0xffff  }
0x4ce: {  	v43 =	vld.idx.msk [tilespmem:v36+s15+$0x0], $0xffff;
	v2 =	vadd.f32 v3, v2;
	v3 =	vmul.f32 v35, v34  }
0x4cf: {  	v45 =	vor.u32 $0x28, v1;
	v44 =	vld.idx.msk [tilespmem:v36+s16+$0x0], $0xffff  }
0x4d0: {  	v46 =	vld.idx.msk [tilespmem:v39+s15+$0x0], $0xffff;
	v2 =	vadd.f32 v3, v2;
	v3 =	vmul.f32 v38, v37  }
0x4d1: {  	v48 =	vor.u32 $0x29, v1;
	v47 =	vld.idx.msk [tilespmem:v39+s16+$0x0], $0xffff  }
0x4d2: {  	v49 =	vld.idx.msk [tilespmem:v42+s15+$0x0], $0xffff;
	v2 =	vadd.f32 v3, v2;
	v3 =	vmul.f32 v41, v40  }
0x4d3: {  	v51 =	vor.u32 $0x2A, v1;
	v50 =	vld.idx.msk [tilespmem:v42+s16+$0x0], $0xffff  }
0x4d4: {  	v52 =	vld.idx.msk [tilespmem:v45+s15+$0x0], $0xffff;
	v2 =	vadd.f32 v3, v2;
	v3 =	vmul.f32 v44, v43  }
0x4d5: {  	v54 =	vor.u32 $0x2B, v1;
	v53 =	vld.idx.msk [tilespmem:v45+s16+$0x0], $0xffff  }
0x4d6: {  	v55 =	vld.idx.msk [tilespmem:v48+s15+$0x0], $0xffff;
	v2 =	vadd.f32 v3, v2;
	v3 =	vmul.f32 v47, v46  }
0x4d7: {  	v57 =	vor.u32 $0x2C, v1;
	v56 =	vld.idx.msk [tilespmem:v48+s16+$0x0], $0xffff  }
0x4d8: {  	v58 =	vld.idx.msk [tilespmem:v51+s15+$0x0], $0xffff;
	v2 =	vadd.f32 v3, v2;
	v3 =	vmul.f32 v50, v49  }
0x4d9: {  	v60 =	vor.u32 $0x2D, v1;
	v59 =	vld.idx.msk [tilespmem:v51+s16+$0x0], $0xffff  }
0x4da: {  	v61 =	vld.idx.msk [tilespmem:v54+s15+$0x0], $0xffff;
	v2 =	vadd.f32 v3, v2;
	v3 =	vmul.f32 v53, v52  }
0x4db: {  	v63 =	vor.u32 $0x2E, v1;
	v62 =	vld.idx.msk [tilespmem:v54+s16+$0x0], $0xffff  }
0x4dc: {  	v16 =	vld.idx.msk [tilespmem:v57+s15+$0x0], $0xffff;
	v2 =	vadd.f32 v3, v2;
	v3 =	vmul.f32 v56, v55  }
0x4dd: {  	v18 =	vor.u32 $0x2F, v1;
	v17 =	vld.idx.msk [tilespmem:v57+s16+$0x0], $0xffff  }
0x4de: {  	v19 =	vld.idx.msk [tilespmem:v60+s15+$0x0], $0xffff;
	v2 =	vadd.f32 v3, v2;
	v3 =	vmul.f32 v59, v58  }
0x4df: {  	v21 =	vor.u32 $0x30, v1;
	v20 =	vld.idx.msk [tilespmem:v60+s16+$0x0], $0xffff  }
0x4e0: {  	v22 =	vld.idx.msk [tilespmem:v63+s15+$0x0], $0xffff;
	v2 =	vadd.f32 v3, v2;
	v3 =	vmul.f32 v62, v61  }
0x4e1: {  	v24 =	vor.u32 $0x31, v1;
	v23 =	vld.idx.msk [tilespmem:v63+s16+$0x0], $0xffff  }
0x4e2: {  	v25 =	vld.idx.msk [tilespmem:v18+s15+$0x0], $0xffff;
	v2 =	vadd.f32 v3, v2;
	v3 =	vmul.f32 v17, v16  }
0x4e3: {  	v27 =	vor.u32 $0x32, v1;
	v26 =	vld.idx.msk [tilespmem:v18+s16+$0x0], $0xffff  }
0x4e4: {  	v28 =	vld.idx.msk [tilespmem:v21+s15+$0x0], $0xffff;
	v2 =	vadd.f32 v3, v2;
	v3 =	vmul.f32 v20, v19  }
0x4e5: {  	v30 =	vor.u32 $0x33, v1;
	v29 =	vld.idx.msk [tilespmem:v21+s16+$0x0], $0xffff  }
0x4e6: {  	v31 =	vld.idx.msk [tilespmem:v24+s15+$0x0], $0xffff;
	v2 =	vadd.f32 v3, v2;
	v3 =	vmul.f32 v23, v22  }
0x4e7: {  	v33 =	vor.u32 $0x34, v1;
	v32 =	vld.idx.msk [tilespmem:v24+s16+$0x0], $0xffff  }
0x4e8: {  	v34 =	vld.idx.msk [tilespmem:v27+s15+$0x0], $0xffff;
	v2 =	vadd.f32 v3, v2;
	v3 =	vmul.f32 v26, v25  }
0x4e9: {  	v36 =	vor.u32 $0x35, v1;
	v35 =	vld.idx.msk [tilespmem:v27+s16+$0x0], $0xffff  }
0x4ea: {  	v37 =	vld.idx.msk [tilespmem:v30+s15+$0x0], $0xffff;
	v2 =	vadd.f32 v3, v2;
	v3 =	vmul.f32 v29, v28  }
0x4eb: {  	v39 =	vor.u32 $0x36, v1;
	v38 =	vld.idx.msk [tilespmem:v30+s16+$0x0], $0xffff  }
0x4ec: {  	v40 =	vld.idx.msk [tilespmem:v33+s15+$0x0], $0xffff;
	v2 =	vadd.f32 v3, v2;
	v3 =	vmul.f32 v32, v31  }
0x4ed: {  	v42 =	vor.u32 $0x37, v1;
	v41 =	vld.idx.msk [tilespmem:v33+s16+$0x0], $0xffff  }
0x4ee: {  	v43 =	vld.idx.msk [tilespmem:v36+s15+$0x0], $0xffff;
	v2 =	vadd.f32 v3, v2;
	v3 =	vmul.f32 v35, v34  }
0x4ef: {  	v45 =	vor.u32 $0x38, v1;
	v44 =	vld.idx.msk [tilespmem:v36+s16+$0x0], $0xffff  }
0x4f0: {  	v46 =	vld.idx.msk [tilespmem:v39+s15+$0x0], $0xffff;
	v2 =	vadd.f32 v3, v2;
	v3 =	vmul.f32 v38, v37  }
0x4f1: {  	v48 =	vor.u32 $0x39, v1;
	v47 =	vld.idx.msk [tilespmem:v39+s16+$0x0], $0xffff  }
0x4f2: {  	v49 =	vld.idx.msk [tilespmem:v42+s15+$0x0], $0xffff;
	v2 =	vadd.f32 v3, v2;
	v3 =	vmul.f32 v41, v40  }
0x4f3: {  	v51 =	vor.u32 $0x3A, v1;
	v50 =	vld.idx.msk [tilespmem:v42+s16+$0x0], $0xffff  }
0x4f4: {  	v52 =	vld.idx.msk [tilespmem:v45+s15+$0x0], $0xffff;
	v2 =	vadd.f32 v3, v2;
	v3 =	vmul.f32 v44, v43  }
0x4f5: {  	v54 =	vor.u32 $0x3B, v1;
	v53 =	vld.idx.msk [tilespmem:v45+s16+$0x0], $0xffff  }
0x4f6: {  	v55 =	vld.idx.msk [tilespmem:v48+s15+$0x0], $0xffff;
	v2 =	vadd.f32 v3, v2;
	v3 =	vmul.f32 v47, v46  }
0x4f7: {  	v57 =	vor.u32 $0x3C, v1;
	v56 =	vld.idx.msk [tilespmem:v48+s16+$0x0], $0xffff  }
0x4f8: {  	v58 =	vld.idx.msk [tilespmem:v51+s15+$0x0], $0xffff;
	v2 =	vadd.f32 v3, v2;
	v3 =	vmul.f32 v50, v49  }
0x4f9: {  	v60 =	vor.u32 $0x3D, v1;
	v59 =	vld.idx.msk [tilespmem:v51+s16+$0x0], $0xffff  }
0x4fa: {  	v61 =	vld.idx.msk [tilespmem:v54+s15+$0x0], $0xffff;
	v2 =	vadd.f32 v3, v2;
	v3 =	vmul.f32 v53, v52  }
0x4fb: {  	v63 =	vor.u32 $0x3E, v1;
	v62 =	vld.idx.msk [tilespmem:v54+s16+$0x0], $0xffff  }
0x4fc: {  	v16 =	vld.idx.msk [tilespmem:v57+s15+$0x0], $0xffff;
	v2 =	vadd.f32 v3, v2;
	v3 =	vmul.f32 v56, v55  }
0x4fd: {  	v18 =	vor.u32 $0x3F, v1;
	v17 =	vld.idx.msk [tilespmem:v57+s16+$0x0], $0xffff  }
0x4fe: {  	v19 =	vld.idx.msk [tilespmem:v60+s15+$0x0], $0xffff;
	v2 =	vadd.f32 v3, v2;
	v3 =	vmul.f32 v59, v58  }
0x4ff: {  	v21 =	vor.u32 $0x40, v1;
	v20 =	vld.idx.msk [tilespmem:v60+s16+$0x0], $0xffff  }
0x500: {  	v22 =	vld.idx.msk [tilespmem:v63+s15+$0x0], $0xffff;
	v2 =	vadd.f32 v3, v2;
	v3 =	vmul.f32 v62, v61  }
0x501: {  	v24 =	vor.u32 $0x41, v1;
	v23 =	vld.idx.msk [tilespmem:v63+s16+$0x0], $0xffff  }
0x502: {  	v25 =	vld.idx.msk [tilespmem:v18+s15+$0x0], $0xffff;
	v2 =	vadd.f32 v3, v2;
	v3 =	vmul.f32 v17, v16  }
0x503: {  	v27 =	vor.u32 $0x42, v1;
	v26 =	vld.idx.msk [tilespmem:v18+s16+$0x0], $0xffff  }
0x504: {  	v28 =	vld.idx.msk [tilespmem:v21+s15+$0x0], $0xffff;
	v2 =	vadd.f32 v3, v2;
	v3 =	vmul.f32 v20, v19  }
0x505: {  	v30 =	vor.u32 $0x43, v1;
	v29 =	vld.idx.msk [tilespmem:v21+s16+$0x0], $0xffff  }
0x506: {  	v31 =	vld.idx.msk [tilespmem:v24+s15+$0x0], $0xffff;
	v2 =	vadd.f32 v3, v2;
	v3 =	vmul.f32 v23, v22  }
0x507: {  	v33 =	vor.u32 $0x44, v1;
	v32 =	vld.idx.msk [tilespmem:v24+s16+$0x0], $0xffff  }
0x508: {  	v34 =	vld.idx.msk [tilespmem:v27+s15+$0x0], $0xffff;
	v2 =	vadd.f32 v3, v2;
	v3 =	vmul.f32 v26, v25  }
0x509: {  	v36 =	vor.u32 $0x45, v1;
	v35 =	vld.idx.msk [tilespmem:v27+s16+$0x0], $0xffff  }
0x50a: {  	v37 =	vld.idx.msk [tilespmem:v30+s15+$0x0], $0xffff;
	v2 =	vadd.f32 v3, v2;
	v3 =	vmul.f32 v29, v28  }
0x50b: {  	v39 =	vor.u32 $0x46, v1;
	v38 =	vld.idx.msk [tilespmem:v30+s16+$0x0], $0xffff  }
0x50c: {  	v40 =	vld.idx.msk [tilespmem:v33+s15+$0x0], $0xffff;
	v2 =	vadd.f32 v3, v2;
	v3 =	vmul.f32 v32, v31  }
0x50d: {  	v42 =	vor.u32 $0x47, v1;
	v41 =	vld.idx.msk [tilespmem:v33+s16+$0x0], $0xffff  }
0x50e: {  	v43 =	vld.idx.msk [tilespmem:v36+s15+$0x0], $0xffff;
	v2 =	vadd.f32 v3, v2;
	v3 =	vmul.f32 v35, v34  }
0x50f: {  	v45 =	vor.u32 $0x48, v1;
	v44 =	vld.idx.msk [tilespmem:v36+s16+$0x0], $0xffff  }
0x510: {  	v46 =	vld.idx.msk [tilespmem:v39+s15+$0x0], $0xffff;
	v2 =	vadd.f32 v3, v2;
	v3 =	vmul.f32 v38, v37  }
0x511: {  	v48 =	vor.u32 $0x49, v1;
	v47 =	vld.idx.msk [tilespmem:v39+s16+$0x0], $0xffff  }
0x512: {  	v49 =	vld.idx.msk [tilespmem:v42+s15+$0x0], $0xffff;
	v2 =	vadd.f32 v3, v2;
	v3 =	vmul.f32 v41, v40  }
0x513: {  	v51 =	vor.u32 $0x4A, v1;
	v50 =	vld.idx.msk [tilespmem:v42+s16+$0x0], $0xffff  }
0x514: {  	v52 =	vld.idx.msk [tilespmem:v45+s15+$0x0], $0xffff;
	v2 =	vadd.f32 v3, v2;
	v3 =	vmul.f32 v44, v43  }
0x515: {  	v54 =	vor.u32 $0x4B, v1;
	v53 =	vld.idx.msk [tilespmem:v45+s16+$0x0], $0xffff  }
0x516: {  	v55 =	vld.idx.msk [tilespmem:v48+s15+$0x0], $0xffff;
	v2 =	vadd.f32 v3, v2;
	v3 =	vmul.f32 v47, v46  }
0x517: {  	v57 =	vor.u32 $0x4C, v1;
	v56 =	vld.idx.msk [tilespmem:v48+s16+$0x0], $0xffff  }
0x518: {  	v58 =	vld.idx.msk [tilespmem:v51+s15+$0x0], $0xffff;
	v2 =	vadd.f32 v3, v2;
	v3 =	vmul.f32 v50, v49  }
0x519: {  	v60 =	vor.u32 $0x4D, v1;
	v59 =	vld.idx.msk [tilespmem:v51+s16+$0x0], $0xffff  }
0x51a: {  	v61 =	vld.idx.msk [tilespmem:v54+s15+$0x0], $0xffff;
	v2 =	vadd.f32 v3, v2;
	v3 =	vmul.f32 v53, v52  }
0x51b: {  	v63 =	vor.u32 $0x4E, v1;
	v62 =	vld.idx.msk [tilespmem:v54+s16+$0x0], $0xffff  }
0x51c: {  	v16 =	vld.idx.msk [tilespmem:v57+s15+$0x0], $0xffff;
	v2 =	vadd.f32 v3, v2;
	v3 =	vmul.f32 v56, v55  }
0x51d: {  	v18 =	vor.u32 $0x4F, v1;
	v17 =	vld.idx.msk [tilespmem:v57+s16+$0x0], $0xffff  }
0x51e: {  	v19 =	vld.idx.msk [tilespmem:v60+s15+$0x0], $0xffff;
	v2 =	vadd.f32 v3, v2;
	v3 =	vmul.f32 v59, v58  }
0x51f: {  	v21 =	vor.u32 $0x50, v1;
	v20 =	vld.idx.msk [tilespmem:v60+s16+$0x0], $0xffff  }
0x520: {  	v22 =	vld.idx.msk [tilespmem:v63+s15+$0x0], $0xffff;
	v2 =	vadd.f32 v3, v2;
	v3 =	vmul.f32 v62, v61  }
0x521: {  	v24 =	vor.u32 $0x51, v1;
	v23 =	vld.idx.msk [tilespmem:v63+s16+$0x0], $0xffff  }
0x522: {  	v25 =	vld.idx.msk [tilespmem:v18+s15+$0x0], $0xffff;
	v2 =	vadd.f32 v3, v2;
	v3 =	vmul.f32 v17, v16  }
0x523: {  	v27 =	vor.u32 $0x52, v1;
	v26 =	vld.idx.msk [tilespmem:v18+s16+$0x0], $0xffff  }
0x524: {  	v28 =	vld.idx.msk [tilespmem:v21+s15+$0x0], $0xffff;
	v2 =	vadd.f32 v3, v2;
	v3 =	vmul.f32 v20, v19  }
0x525: {  	v30 =	vor.u32 $0x53, v1;
	v29 =	vld.idx.msk [tilespmem:v21+s16+$0x0], $0xffff  }
0x526: {  	v31 =	vld.idx.msk [tilespmem:v24+s15+$0x0], $0xffff;
	v2 =	vadd.f32 v3, v2;
	v3 =	vmul.f32 v23, v22  }
0x527: {  	v33 =	vor.u32 $0x54, v1;
	v32 =	vld.idx.msk [tilespmem:v24+s16+$0x0], $0xffff  }
0x528: {  	v34 =	vld.idx.msk [tilespmem:v27+s15+$0x0], $0xffff;
	v2 =	vadd.f32 v3, v2;
	v3 =	vmul.f32 v26, v25  }
0x529: {  	v36 =	vor.u32 $0x55, v1;
	v35 =	vld.idx.msk [tilespmem:v27+s16+$0x0], $0xffff  }
0x52a: {  	v37 =	vld.idx.msk [tilespmem:v30+s15+$0x0], $0xffff;
	v2 =	vadd.f32 v3, v2;
	v3 =	vmul.f32 v29, v28  }
0x52b: {  	v39 =	vor.u32 $0x56, v1;
	v38 =	vld.idx.msk [tilespmem:v30+s16+$0x0], $0xffff  }
0x52c: {  	v40 =	vld.idx.msk [tilespmem:v33+s15+$0x0], $0xffff;
	v2 =	vadd.f32 v3, v2;
	v3 =	vmul.f32 v32, v31  }
0x52d: {  	v42 =	vor.u32 $0x57, v1;
	v41 =	vld.idx.msk [tilespmem:v33+s16+$0x0], $0xffff  }
0x52e: {  	v43 =	vld.idx.msk [tilespmem:v36+s15+$0x0], $0xffff;
	v2 =	vadd.f32 v3, v2;
	v3 =	vmul.f32 v35, v34  }
0x52f: {  	v45 =	vor.u32 $0x58, v1;
	v44 =	vld.idx.msk [tilespmem:v36+s16+$0x0], $0xffff  }
0x530: {  	v46 =	vld.idx.msk [tilespmem:v39+s15+$0x0], $0xffff;
	v2 =	vadd.f32 v3, v2;
	v3 =	vmul.f32 v38, v37  }
0x531: {  	v48 =	vor.u32 $0x59, v1;
	v47 =	vld.idx.msk [tilespmem:v39+s16+$0x0], $0xffff  }
0x532: {  	v49 =	vld.idx.msk [tilespmem:v42+s15+$0x0], $0xffff;
	v2 =	vadd.f32 v3, v2;
	v3 =	vmul.f32 v41, v40  }
0x533: {  	v51 =	vor.u32 $0x5A, v1;
	v50 =	vld.idx.msk [tilespmem:v42+s16+$0x0], $0xffff  }
0x534: {  	v52 =	vld.idx.msk [tilespmem:v45+s15+$0x0], $0xffff;
	v2 =	vadd.f32 v3, v2;
	v3 =	vmul.f32 v44, v43  }
0x535: {  	v54 =	vor.u32 $0x5B, v1;
	v53 =	vld.idx.msk [tilespmem:v45+s16+$0x0], $0xffff  }
0x536: {  	v55 =	vld.idx.msk [tilespmem:v48+s15+$0x0], $0xffff;
	v2 =	vadd.f32 v3, v2;
	v3 =	vmul.f32 v47, v46  }
0x537: {  	v57 =	vor.u32 $0x5C, v1;
	v56 =	vld.idx.msk [tilespmem:v48+s16+$0x0], $0xffff  }
0x538: {  	v58 =	vld.idx.msk [tilespmem:v51+s15+$0x0], $0xffff;
	v2 =	vadd.f32 v3, v2;
	v3 =	vmul.f32 v50, v49  }
0x539: {  	v60 =	vor.u32 $0x5D, v1;
	v59 =	vld.idx.msk [tilespmem:v51+s16+$0x0], $0xffff  }
0x53a: {  	v61 =	vld.idx.msk [tilespmem:v54+s15+$0x0], $0xffff;
	v2 =	vadd.f32 v3, v2;
	v3 =	vmul.f32 v53, v52  }
0x53b: {  	v63 =	vor.u32 $0x5E, v1;
	v62 =	vld.idx.msk [tilespmem:v54+s16+$0x0], $0xffff  }
0x53c: {  	v16 =	vld.idx.msk [tilespmem:v57+s15+$0x0], $0xffff;
	v2 =	vadd.f32 v3, v2;
	v3 =	vmul.f32 v56, v55  }
0x53d: {  	v18 =	vor.u32 $0x5F, v1;
	v17 =	vld.idx.msk [tilespmem:v57+s16+$0x0], $0xffff  }
0x53e: {  	v19 =	vld.idx.msk [tilespmem:v60+s15+$0x0], $0xffff;
	v2 =	vadd.f32 v3, v2;
	v3 =	vmul.f32 v59, v58  }
0x53f: {  	v21 =	vor.u32 $0x60, v1;
	v20 =	vld.idx.msk [tilespmem:v60+s16+$0x0], $0xffff  }
0x540: {  	v22 =	vld.idx.msk [tilespmem:v63+s15+$0x0], $0xffff;
	v2 =	vadd.f32 v3, v2;
	v3 =	vmul.f32 v62, v61  }
0x541: {  	v24 =	vor.u32 $0x61, v1;
	v23 =	vld.idx.msk [tilespmem:v63+s16+$0x0], $0xffff  }
0x542: {  	v25 =	vld.idx.msk [tilespmem:v18+s15+$0x0], $0xffff;
	v2 =	vadd.f32 v3, v2;
	v3 =	vmul.f32 v17, v16  }
0x543: {  	v27 =	vor.u32 $0x62, v1;
	v26 =	vld.idx.msk [tilespmem:v18+s16+$0x0], $0xffff  }
0x544: {  	v28 =	vld.idx.msk [tilespmem:v21+s15+$0x0], $0xffff;
	v2 =	vadd.f32 v3, v2;
	v3 =	vmul.f32 v20, v19  }
0x545: {  	v30 =	vor.u32 $0x63, v1;
	v29 =	vld.idx.msk [tilespmem:v21+s16+$0x0], $0xffff  }
0x546: {  	v31 =	vld.idx.msk [tilespmem:v24+s15+$0x0], $0xffff;
	v2 =	vadd.f32 v3, v2;
	v3 =	vmul.f32 v23, v22  }
0x547: {  	v33 =	vor.u32 $0x64, v1;
	v32 =	vld.idx.msk [tilespmem:v24+s16+$0x0], $0xffff  }
0x548: {  	v34 =	vld.idx.msk [tilespmem:v27+s15+$0x0], $0xffff;
	v2 =	vadd.f32 v3, v2;
	v3 =	vmul.f32 v26, v25  }
0x549: {  	v36 =	vor.u32 $0x65, v1;
	v35 =	vld.idx.msk [tilespmem:v27+s16+$0x0], $0xffff  }
0x54a: {  	v37 =	vld.idx.msk [tilespmem:v30+s15+$0x0], $0xffff;
	v2 =	vadd.f32 v3, v2;
	v3 =	vmul.f32 v29, v28  }
0x54b: {  	v39 =	vor.u32 $0x66, v1;
	v38 =	vld.idx.msk [tilespmem:v30+s16+$0x0], $0xffff  }
0x54c: {  	v40 =	vld.idx.msk [tilespmem:v33+s15+$0x0], $0xffff;
	v2 =	vadd.f32 v3, v2;
	v3 =	vmul.f32 v32, v31  }
0x54d: {  	v42 =	vor.u32 $0x67, v1;
	v41 =	vld.idx.msk [tilespmem:v33+s16+$0x0], $0xffff  }
0x54e: {  	v43 =	vld.idx.msk [tilespmem:v36+s15+$0x0], $0xffff;
	v2 =	vadd.f32 v3, v2;
	v3 =	vmul.f32 v35, v34  }
0x54f: {  	v45 =	vor.u32 $0x68, v1;
	v44 =	vld.idx.msk [tilespmem:v36+s16+$0x0], $0xffff  }
0x550: {  	v46 =	vld.idx.msk [tilespmem:v39+s15+$0x0], $0xffff;
	v2 =	vadd.f32 v3, v2;
	v3 =	vmul.f32 v38, v37  }
0x551: {  	v48 =	vor.u32 $0x69, v1;
	v47 =	vld.idx.msk [tilespmem:v39+s16+$0x0], $0xffff  }
0x552: {  	v49 =	vld.idx.msk [tilespmem:v42+s15+$0x0], $0xffff;
	v2 =	vadd.f32 v3, v2;
	v3 =	vmul.f32 v41, v40  }
0x553: {  	v51 =	vor.u32 $0x6A, v1;
	v50 =	vld.idx.msk [tilespmem:v42+s16+$0x0], $0xffff  }
0x554: {  	v52 =	vld.idx.msk [tilespmem:v45+s15+$0x0], $0xffff;
	v2 =	vadd.f32 v3, v2;
	v3 =	vmul.f32 v44, v43  }
0x555: {  	v54 =	vor.u32 $0x6B, v1;
	v53 =	vld.idx.msk [tilespmem:v45+s16+$0x0], $0xffff  }
0x556: {  	v55 =	vld.idx.msk [tilespmem:v48+s15+$0x0], $0xffff;
	v2 =	vadd.f32 v3, v2;
	v3 =	vmul.f32 v47, v46  }
0x557: {  	v57 =	vor.u32 $0x6C, v1;
	v56 =	vld.idx.msk [tilespmem:v48+s16+$0x0], $0xffff  }
0x558: {  	v58 =	vld.idx.msk [tilespmem:v51+s15+$0x0], $0xffff;
	v2 =	vadd.f32 v3, v2;
	v3 =	vmul.f32 v50, v49  }
0x559: {  	v60 =	vor.u32 $0x6D, v1;
	v59 =	vld.idx.msk [tilespmem:v51+s16+$0x0], $0xffff  }
0x55a: {  	v61 =	vld.idx.msk [tilespmem:v54+s15+$0x0], $0xffff;
	v2 =	vadd.f32 v3, v2;
	v3 =	vmul.f32 v53, v52  }
0x55b: {  	v63 =	vor.u32 $0x6E, v1;
	v62 =	vld.idx.msk [tilespmem:v54+s16+$0x0], $0xffff  }
0x55c: {  	v16 =	vld.idx.msk [tilespmem:v57+s15+$0x0], $0xffff;
	v2 =	vadd.f32 v3, v2;
	v3 =	vmul.f32 v56, v55  }
0x55d: {  	v18 =	vor.u32 $0x6F, v1;
	v17 =	vld.idx.msk [tilespmem:v57+s16+$0x0], $0xffff  }
0x55e: {  	v19 =	vld.idx.msk [tilespmem:v60+s15+$0x0], $0xffff;
	v2 =	vadd.f32 v3, v2;
	v3 =	vmul.f32 v59, v58  }
0x55f: {  	v21 =	vor.u32 $0x70, v1;
	v20 =	vld.idx.msk [tilespmem:v60+s16+$0x0], $0xffff  }
0x560: {  	v22 =	vld.idx.msk [tilespmem:v63+s15+$0x0], $0xffff;
	v2 =	vadd.f32 v3, v2;
	v3 =	vmul.f32 v62, v61  }
0x561: {  	v24 =	vor.u32 $0x71, v1;
	v23 =	vld.idx.msk [tilespmem:v63+s16+$0x0], $0xffff  }
0x562: {  	v25 =	vld.idx.msk [tilespmem:v18+s15+$0x0], $0xffff;
	v2 =	vadd.f32 v3, v2;
	v3 =	vmul.f32 v17, v16  }
0x563: {  	v27 =	vor.u32 $0x72, v1;
	v26 =	vld.idx.msk [tilespmem:v18+s16+$0x0], $0xffff  }
0x564: {  	v28 =	vld.idx.msk [tilespmem:v21+s15+$0x0], $0xffff;
	v2 =	vadd.f32 v3, v2;
	v3 =	vmul.f32 v20, v19  }
0x565: {  	v30 =	vor.u32 $0x73, v1;
	v29 =	vld.idx.msk [tilespmem:v21+s16+$0x0], $0xffff  }
0x566: {  	v31 =	vld.idx.msk [tilespmem:v24+s15+$0x0], $0xffff;
	v2 =	vadd.f32 v3, v2;
	v3 =	vmul.f32 v23, v22  }
0x567: {  	v33 =	vor.u32 $0x74, v1;
	v32 =	vld.idx.msk [tilespmem:v24+s16+$0x0], $0xffff  }
0x568: {  	v34 =	vld.idx.msk [tilespmem:v27+s15+$0x0], $0xffff;
	v2 =	vadd.f32 v3, v2;
	v3 =	vmul.f32 v26, v25  }
0x569: {  	v36 =	vor.u32 $0x75, v1;
	v35 =	vld.idx.msk [tilespmem:v27+s16+$0x0], $0xffff  }
0x56a: {  	v37 =	vld.idx.msk [tilespmem:v30+s15+$0x0], $0xffff;
	v2 =	vadd.f32 v3, v2;
	v3 =	vmul.f32 v29, v28  }
0x56b: {  	v39 =	vor.u32 $0x76, v1;
	v38 =	vld.idx.msk [tilespmem:v30+s16+$0x0], $0xffff  }
0x56c: {  	v40 =	vld.idx.msk [tilespmem:v33+s15+$0x0], $0xffff;
	v2 =	vadd.f32 v3, v2;
	v3 =	vmul.f32 v32, v31  }
0x56d: {  	v42 =	vor.u32 $0x77, v1;
	v41 =	vld.idx.msk [tilespmem:v33+s16+$0x0], $0xffff  }
0x56e: {  	v43 =	vld.idx.msk [tilespmem:v36+s15+$0x0], $0xffff;
	v2 =	vadd.f32 v3, v2;
	v3 =	vmul.f32 v35, v34  }
0x56f: {  	v45 =	vor.u32 $0x78, v1;
	v44 =	vld.idx.msk [tilespmem:v36+s16+$0x0], $0xffff  }
0x570: {  	v46 =	vld.idx.msk [tilespmem:v39+s15+$0x0], $0xffff;
	v2 =	vadd.f32 v3, v2;
	v3 =	vmul.f32 v38, v37  }
0x571: {  	v48 =	vor.u32 $0x79, v1;
	v47 =	vld.idx.msk [tilespmem:v39+s16+$0x0], $0xffff  }
0x572: {  	v49 =	vld.idx.msk [tilespmem:v42+s15+$0x0], $0xffff;
	v2 =	vadd.f32 v3, v2;
	v3 =	vmul.f32 v41, v40  }
0x573: {  	v51 =	vor.u32 $0x7A, v1;
	v50 =	vld.idx.msk [tilespmem:v42+s16+$0x0], $0xffff  }
0x574: {  	v52 =	vld.idx.msk [tilespmem:v45+s15+$0x0], $0xffff;
	v2 =	vadd.f32 v3, v2;
	v3 =	vmul.f32 v44, v43  }
0x575: {  	v54 =	vor.u32 $0x7B, v1;
	v53 =	vld.idx.msk [tilespmem:v45+s16+$0x0], $0xffff  }
0x576: {  	v55 =	vld.idx.msk [tilespmem:v48+s15+$0x0], $0xffff;
	v2 =	vadd.f32 v3, v2;
	v3 =	vmul.f32 v47, v46  }
0x577: {  	v57 =	vor.u32 $0x7C, v1;
	v56 =	vld.idx.msk [tilespmem:v48+s16+$0x0], $0xffff  }
0x578: {  	v58 =	vld.idx.msk [tilespmem:v51+s15+$0x0], $0xffff;
	v2 =	vadd.f32 v3, v2;
	v3 =	vmul.f32 v50, v49  }
0x579: {  	v60 =	vor.u32 $0x7D, v1;
	v59 =	vld.idx.msk [tilespmem:v51+s16+$0x0], $0xffff  }
0x57a: {  	v61 =	vld.idx.msk [tilespmem:v54+s15+$0x0], $0xffff;
	v2 =	vadd.f32 v3, v2;
	v3 =	vmul.f32 v53, v52  }
0x57b: {  	v63 =	vor.u32 $0x7E, v1;
	v62 =	vld.idx.msk [tilespmem:v54+s16+$0x0], $0xffff  }
0x57c: {  	v16 =	vld.idx.msk [tilespmem:v57+s15+$0x0], $0xffff;
	v2 =	vadd.f32 v3, v2;
	v3 =	vmul.f32 v56, v55  }
0x57d: {  	v1 =	vor.u32 $0x7F, v1;
	v17 =	vld.idx.msk [tilespmem:v57+s16+$0x0], $0xffff  }
0x57e: {  	v18 =	vld.idx.msk [tilespmem:v60+s15+$0x0], $0xffff;
	v2 =	vadd.f32 v3, v2;
	v3 =	vmul.f32 v59, v58  }
0x57f: {  	v19 =	vld.idx.msk [tilespmem:v60+s16+$0x0], $0xffff  }
0x580: {  	v21 =	vld.idx.msk [tilespmem:v63+s16+$0x0], $0xffff;
	v2 =	vadd.f32 v3, v2;
	v3 =	vmul.f32 v62, v61  }
0x581: {  	v20 =	vld.idx.msk [tilespmem:v63+s15+$0x0], $0xffff  }
0x582: {  	v22 =	vld.idx.msk [tilespmem:v1+s15+$0x0], $0xffff;
	v2 =	vadd.f32 v3, v2;
	v3 =	vmul.f32 v17, v16  }
0x583: {  	v1 =	vld.idx.msk [tilespmem:v1+s16+$0x0], $0xffff  }
0x584: {  	v2 =	vadd.f32 v3, v2;
	v3 =	vmul.f32 v19, v18;
	_ =	sdelay $0x1  }
0x585: {  	v2 =	vadd.f32 v3, v2;
	v3 =	vmul.f32 v21, v20;
	_ =	sdelay $0x1  }
0x586: {  	v1 =	vmul.f32 v1, v22;
	v2 =	vadd.f32 v3, v2;
	_ =	sdelay $0x1  }
0x587: {  	v1 =	vadd.f32 v1, v2;
	_ =	sdelay $0x1  }
0x588: {  	v1 =	vsub.f32 $0.0e+00, v1;
	_ =	sdelay $0x1  }
0x589: {  	v1 =	vmul.f32 $1.442695020e+00, v1;
	_ =	sdelay $0x1  }
0x58a: {  	(erf) = vpow2.f32 v1;
	_ =	sdelay $0x8  }
0x58b: {  	v1 =	vpop (erf)  }
0x58c: {  	v1 =	vadd.f32 $1.000000000e+00, v1;
	_ =	sdelay $0x1  }
0x58d: {  	(erf) = vrcp.f32 v1;
	_ =	sdelay $0x2  }
0x58e: {  	s30 =	simm.s32 $0x10  }
0x58f: {  	v1 =	vmov s30  }
0x590: {  	v1 =	vshll.u32 v1, $0x7  }
0x591: {  	v1 =	vor.u32 v0, v1;
	_ =	sdelay $0x1  }
0x592: {  	v2 =	vor.u32 $0x1, v1  }
0x593: {  	v3 =	vpop (erf)  }
0x594: {  	v23 =	vor.u32 $0x2, v1;
	[tilespmem:s20+$0x0] =	vst v3  }
0x595: {  	v3 =	vld.idx.msk [tilespmem:v1+s16+$0x0], $0xffff  }
0x596: {  	v25 =	vor.u32 $0x3, v1;
	v24 =	vld.idx.msk [tilespmem:v1+s15+$0x0], $0xffff  }
0x597: {  	v26 =	vld.idx.msk [tilespmem:v2+s15+$0x0], $0xffff  }
0x598: {  	v27 =	vor.u32 $0x4, v1;
	v2 =	vld.idx.msk [tilespmem:v2+s16+$0x0], $0xffff  }
0x599: {  	v28 =	vld.idx.msk [tilespmem:v23+s15+$0x0], $0xffff  }
0x59a: {  	v29 =	vor.u32 $0x5, v1;
	v4 =	vld.idx.msk [tilespmem:v23+s16+$0x0], $0xffff  }
0x59b: {  	v30 =	vld.idx.msk [tilespmem:v25+s15+$0x0], $0xffff;
	v3 =	vmul.f32 v3, v24  }
0x59c: {  	v32 =	vor.u32 $0x6, v1;
	v31 =	vld.idx.msk [tilespmem:v25+s16+$0x0], $0xffff  }
0x59d: {  	v33 =	vld.idx.msk [tilespmem:v27+s15+$0x0], $0xffff;
	v2 =	vmul.f32 v2, v26;
	v3 =	vadd.f32 $0.0e+00, v3  }
0x59e: {  	v35 =	vor.u32 $0x7, v1;
	v34 =	vld.idx.msk [tilespmem:v27+s16+$0x0], $0xffff  }
0x59f: {  	v36 =	vld.idx.msk [tilespmem:v29+s15+$0x0], $0xffff;
	v2 =	vadd.f32 v2, v3;
	v3 =	vmul.f32 v4, v28  }
0x5a0: {  	v38 =	vor.u32 $0x8, v1;
	v37 =	vld.idx.msk [tilespmem:v29+s16+$0x0], $0xffff  }
0x5a1: {  	v39 =	vld.idx.msk [tilespmem:v32+s15+$0x0], $0xffff;
	v2 =	vadd.f32 v3, v2;
	v3 =	vmul.f32 v31, v30  }
0x5a2: {  	v41 =	vor.u32 $0x9, v1;
	v40 =	vld.idx.msk [tilespmem:v32+s16+$0x0], $0xffff  }
0x5a3: {  	v42 =	vld.idx.msk [tilespmem:v35+s15+$0x0], $0xffff;
	v2 =	vadd.f32 v3, v2;
	v3 =	vmul.f32 v34, v33  }
0x5a4: {  	v44 =	vor.u32 $0xA, v1;
	v43 =	vld.idx.msk [tilespmem:v35+s16+$0x0], $0xffff  }
0x5a5: {  	v45 =	vld.idx.msk [tilespmem:v38+s15+$0x0], $0xffff;
	v2 =	vadd.f32 v3, v2;
	v3 =	vmul.f32 v37, v36  }
0x5a6: {  	v47 =	vor.u32 $0xB, v1;
	v46 =	vld.idx.msk [tilespmem:v38+s16+$0x0], $0xffff  }
0x5a7: {  	v48 =	vld.idx.msk [tilespmem:v41+s15+$0x0], $0xffff;
	v2 =	vadd.f32 v3, v2;
	v3 =	vmul.f32 v40, v39  }
0x5a8: {  	v50 =	vor.u32 $0xC, v1;
	v49 =	vld.idx.msk [tilespmem:v41+s16+$0x0], $0xffff  }
0x5a9: {  	v51 =	vld.idx.msk [tilespmem:v44+s15+$0x0], $0xffff;
	v2 =	vadd.f32 v3, v2;
	v3 =	vmul.f32 v43, v42  }
0x5aa: {  	v53 =	vor.u32 $0xD, v1;
	v52 =	vld.idx.msk [tilespmem:v44+s16+$0x0], $0xffff  }
0x5ab: {  	v54 =	vld.idx.msk [tilespmem:v47+s15+$0x0], $0xffff;
	v2 =	vadd.f32 v3, v2;
	v3 =	vmul.f32 v46, v45  }
0x5ac: {  	v56 =	vor.u32 $0xE, v1;
	v55 =	vld.idx.msk [tilespmem:v47+s16+$0x0], $0xffff  }
0x5ad: {  	v57 =	vld.idx.msk [tilespmem:v50+s15+$0x0], $0xffff;
	v2 =	vadd.f32 v3, v2;
	v3 =	vmul.f32 v49, v48  }
0x5ae: {  	v59 =	vor.u32 $0xF, v1;
	v58 =	vld.idx.msk [tilespmem:v50+s16+$0x0], $0xffff  }
0x5af: {  	v60 =	vld.idx.msk [tilespmem:v53+s15+$0x0], $0xffff;
	v2 =	vadd.f32 v3, v2;
	v3 =	vmul.f32 v52, v51  }
0x5b0: {  	v62 =	vor.u32 $0x10, v1;
	v61 =	vld.idx.msk [tilespmem:v53+s16+$0x0], $0xffff  }
0x5b1: {  	v63 =	vld.idx.msk [tilespmem:v56+s15+$0x0], $0xffff;
	v2 =	vadd.f32 v3, v2;
	v3 =	vmul.f32 v55, v54  }
0x5b2: {  	v17 =	vor.u32 $0x11, v1;
	v16 =	vld.idx.msk [tilespmem:v56+s16+$0x0], $0xffff  }
0x5b3: {  	v18 =	vld.idx.msk [tilespmem:v59+s15+$0x0], $0xffff;
	v2 =	vadd.f32 v3, v2;
	v3 =	vmul.f32 v58, v57  }
0x5b4: {  	v20 =	vor.u32 $0x12, v1;
	v19 =	vld.idx.msk [tilespmem:v59+s16+$0x0], $0xffff  }
0x5b5: {  	v21 =	vld.idx.msk [tilespmem:v62+s15+$0x0], $0xffff;
	v2 =	vadd.f32 v3, v2;
	v3 =	vmul.f32 v61, v60  }
0x5b6: {  	v22 =	vld.idx.msk [tilespmem:v62+s16+$0x0], $0xffff;
	v23 =	vor.u32 $0x13, v1  }
0x5b7: {  	v25 =	vld.idx.msk [tilespmem:v17+s16+$0x0], $0xffff;
	v2 =	vadd.f32 v3, v2;
	v3 =	vmul.f32 v16, v63  }
0x5b8: {  	v24 =	vld.idx.msk [tilespmem:v17+s15+$0x0], $0xffff;
	v26 =	vor.u32 $0x14, v1  }
0x5b9: {  	v27 =	vld.idx.msk [tilespmem:v20+s15+$0x0], $0xffff;
	v2 =	vadd.f32 v3, v2;
	v3 =	vmul.f32 v19, v18  }
0x5ba: {  	v29 =	vor.u32 $0x15, v1;
	v28 =	vld.idx.msk [tilespmem:v20+s16+$0x0], $0xffff  }
0x5bb: {  	v30 =	vld.idx.msk [tilespmem:v23+s15+$0x0], $0xffff;
	v2 =	vadd.f32 v3, v2;
	v3 =	vmul.f32 v22, v21  }
0x5bc: {  	v32 =	vor.u32 $0x16, v1;
	v31 =	vld.idx.msk [tilespmem:v23+s16+$0x0], $0xffff  }
0x5bd: {  	v33 =	vld.idx.msk [tilespmem:v26+s15+$0x0], $0xffff;
	v2 =	vadd.f32 v3, v2;
	v3 =	vmul.f32 v25, v24  }
0x5be: {  	v35 =	vor.u32 $0x17, v1;
	v34 =	vld.idx.msk [tilespmem:v26+s16+$0x0], $0xffff  }
0x5bf: {  	v36 =	vld.idx.msk [tilespmem:v29+s15+$0x0], $0xffff;
	v2 =	vadd.f32 v3, v2;
	v3 =	vmul.f32 v28, v27  }
0x5c0: {  	v38 =	vor.u32 $0x18, v1;
	v37 =	vld.idx.msk [tilespmem:v29+s16+$0x0], $0xffff  }
0x5c1: {  	v39 =	vld.idx.msk [tilespmem:v32+s15+$0x0], $0xffff;
	v2 =	vadd.f32 v3, v2;
	v3 =	vmul.f32 v31, v30  }
0x5c2: {  	v41 =	vor.u32 $0x19, v1;
	v40 =	vld.idx.msk [tilespmem:v32+s16+$0x0], $0xffff  }
0x5c3: {  	v42 =	vld.idx.msk [tilespmem:v35+s15+$0x0], $0xffff;
	v2 =	vadd.f32 v3, v2;
	v3 =	vmul.f32 v34, v33  }
0x5c4: {  	v44 =	vor.u32 $0x1A, v1;
	v43 =	vld.idx.msk [tilespmem:v35+s16+$0x0], $0xffff  }
0x5c5: {  	v45 =	vld.idx.msk [tilespmem:v38+s15+$0x0], $0xffff;
	v2 =	vadd.f32 v3, v2;
	v3 =	vmul.f32 v37, v36  }
0x5c6: {  	v47 =	vor.u32 $0x1B, v1;
	v46 =	vld.idx.msk [tilespmem:v38+s16+$0x0], $0xffff  }
0x5c7: {  	v48 =	vld.idx.msk [tilespmem:v41+s15+$0x0], $0xffff;
	v2 =	vadd.f32 v3, v2;
	v3 =	vmul.f32 v40, v39  }
0x5c8: {  	v50 =	vor.u32 $0x1C, v1;
	v49 =	vld.idx.msk [tilespmem:v41+s16+$0x0], $0xffff  }
0x5c9: {  	v51 =	vld.idx.msk [tilespmem:v44+s15+$0x0], $0xffff;
	v2 =	vadd.f32 v3, v2;
	v3 =	vmul.f32 v43, v42  }
0x5ca: {  	v53 =	vor.u32 $0x1D, v1;
	v52 =	vld.idx.msk [tilespmem:v44+s16+$0x0], $0xffff  }
0x5cb: {  	v54 =	vld.idx.msk [tilespmem:v47+s15+$0x0], $0xffff;
	v2 =	vadd.f32 v3, v2;
	v3 =	vmul.f32 v46, v45  }
0x5cc: {  	v56 =	vor.u32 $0x1E, v1;
	v55 =	vld.idx.msk [tilespmem:v47+s16+$0x0], $0xffff  }
0x5cd: {  	v57 =	vld.idx.msk [tilespmem:v50+s15+$0x0], $0xffff;
	v2 =	vadd.f32 v3, v2;
	v3 =	vmul.f32 v49, v48  }
0x5ce: {  	v59 =	vor.u32 $0x1F, v1;
	v58 =	vld.idx.msk [tilespmem:v50+s16+$0x0], $0xffff  }
0x5cf: {  	v60 =	vld.idx.msk [tilespmem:v53+s15+$0x0], $0xffff;
	v2 =	vadd.f32 v3, v2;
	v3 =	vmul.f32 v52, v51  }
0x5d0: {  	v62 =	vor.u32 $0x20, v1;
	v61 =	vld.idx.msk [tilespmem:v53+s16+$0x0], $0xffff  }
0x5d1: {  	v63 =	vld.idx.msk [tilespmem:v56+s15+$0x0], $0xffff;
	v2 =	vadd.f32 v3, v2;
	v3 =	vmul.f32 v55, v54  }
0x5d2: {  	v17 =	vor.u32 $0x21, v1;
	v16 =	vld.idx.msk [tilespmem:v56+s16+$0x0], $0xffff  }
0x5d3: {  	v18 =	vld.idx.msk [tilespmem:v59+s15+$0x0], $0xffff;
	v2 =	vadd.f32 v3, v2;
	v3 =	vmul.f32 v58, v57  }
0x5d4: {  	v20 =	vor.u32 $0x22, v1;
	v19 =	vld.idx.msk [tilespmem:v59+s16+$0x0], $0xffff  }
0x5d5: {  	v21 =	vld.idx.msk [tilespmem:v62+s15+$0x0], $0xffff;
	v2 =	vadd.f32 v3, v2;
	v3 =	vmul.f32 v61, v60  }
0x5d6: {  	v23 =	vor.u32 $0x23, v1;
	v22 =	vld.idx.msk [tilespmem:v62+s16+$0x0], $0xffff  }
0x5d7: {  	v24 =	vld.idx.msk [tilespmem:v17+s15+$0x0], $0xffff;
	v2 =	vadd.f32 v3, v2;
	v3 =	vmul.f32 v16, v63  }
0x5d8: {  	v26 =	vor.u32 $0x24, v1;
	v25 =	vld.idx.msk [tilespmem:v17+s16+$0x0], $0xffff  }
0x5d9: {  	v27 =	vld.idx.msk [tilespmem:v20+s15+$0x0], $0xffff;
	v2 =	vadd.f32 v3, v2;
	v3 =	vmul.f32 v19, v18  }
0x5da: {  	v29 =	vor.u32 $0x25, v1;
	v28 =	vld.idx.msk [tilespmem:v20+s16+$0x0], $0xffff  }
0x5db: {  	v30 =	vld.idx.msk [tilespmem:v23+s15+$0x0], $0xffff;
	v2 =	vadd.f32 v3, v2;
	v3 =	vmul.f32 v22, v21  }
0x5dc: {  	v32 =	vor.u32 $0x26, v1;
	v31 =	vld.idx.msk [tilespmem:v23+s16+$0x0], $0xffff  }
0x5dd: {  	v33 =	vld.idx.msk [tilespmem:v26+s15+$0x0], $0xffff;
	v2 =	vadd.f32 v3, v2;
	v3 =	vmul.f32 v25, v24  }
0x5de: {  	v35 =	vor.u32 $0x27, v1;
	v34 =	vld.idx.msk [tilespmem:v26+s16+$0x0], $0xffff  }
0x5df: {  	v36 =	vld.idx.msk [tilespmem:v29+s15+$0x0], $0xffff;
	v2 =	vadd.f32 v3, v2;
	v3 =	vmul.f32 v28, v27  }
0x5e0: {  	v38 =	vor.u32 $0x28, v1;
	v37 =	vld.idx.msk [tilespmem:v29+s16+$0x0], $0xffff  }
0x5e1: {  	v39 =	vld.idx.msk [tilespmem:v32+s15+$0x0], $0xffff;
	v2 =	vadd.f32 v3, v2;
	v3 =	vmul.f32 v31, v30  }
0x5e2: {  	v41 =	vor.u32 $0x29, v1;
	v40 =	vld.idx.msk [tilespmem:v32+s16+$0x0], $0xffff  }
0x5e3: {  	v42 =	vld.idx.msk [tilespmem:v35+s15+$0x0], $0xffff;
	v2 =	vadd.f32 v3, v2;
	v3 =	vmul.f32 v34, v33  }
0x5e4: {  	v44 =	vor.u32 $0x2A, v1;
	v43 =	vld.idx.msk [tilespmem:v35+s16+$0x0], $0xffff  }
0x5e5: {  	v45 =	vld.idx.msk [tilespmem:v38+s15+$0x0], $0xffff;
	v2 =	vadd.f32 v3, v2;
	v3 =	vmul.f32 v37, v36  }
0x5e6: {  	v47 =	vor.u32 $0x2B, v1;
	v46 =	vld.idx.msk [tilespmem:v38+s16+$0x0], $0xffff  }
0x5e7: {  	v48 =	vld.idx.msk [tilespmem:v41+s15+$0x0], $0xffff;
	v2 =	vadd.f32 v3, v2;
	v3 =	vmul.f32 v40, v39  }
0x5e8: {  	v50 =	vor.u32 $0x2C, v1;
	v49 =	vld.idx.msk [tilespmem:v41+s16+$0x0], $0xffff  }
0x5e9: {  	v51 =	vld.idx.msk [tilespmem:v44+s15+$0x0], $0xffff;
	v2 =	vadd.f32 v3, v2;
	v3 =	vmul.f32 v43, v42  }
0x5ea: {  	v53 =	vor.u32 $0x2D, v1;
	v52 =	vld.idx.msk [tilespmem:v44+s16+$0x0], $0xffff  }
0x5eb: {  	v54 =	vld.idx.msk [tilespmem:v47+s15+$0x0], $0xffff;
	v2 =	vadd.f32 v3, v2;
	v3 =	vmul.f32 v46, v45  }
0x5ec: {  	v56 =	vor.u32 $0x2E, v1;
	v55 =	vld.idx.msk [tilespmem:v47+s16+$0x0], $0xffff  }
0x5ed: {  	v57 =	vld.idx.msk [tilespmem:v50+s15+$0x0], $0xffff;
	v2 =	vadd.f32 v3, v2;
	v3 =	vmul.f32 v49, v48  }
0x5ee: {  	v59 =	vor.u32 $0x2F, v1;
	v58 =	vld.idx.msk [tilespmem:v50+s16+$0x0], $0xffff  }
0x5ef: {  	v60 =	vld.idx.msk [tilespmem:v53+s15+$0x0], $0xffff;
	v2 =	vadd.f32 v3, v2;
	v3 =	vmul.f32 v52, v51  }
0x5f0: {  	v62 =	vor.u32 $0x30, v1;
	v61 =	vld.idx.msk [tilespmem:v53+s16+$0x0], $0xffff  }
0x5f1: {  	v63 =	vld.idx.msk [tilespmem:v56+s15+$0x0], $0xffff;
	v2 =	vadd.f32 v3, v2;
	v3 =	vmul.f32 v55, v54  }
0x5f2: {  	v17 =	vor.u32 $0x31, v1;
	v16 =	vld.idx.msk [tilespmem:v56+s16+$0x0], $0xffff  }
0x5f3: {  	v18 =	vld.idx.msk [tilespmem:v59+s15+$0x0], $0xffff;
	v2 =	vadd.f32 v3, v2;
	v3 =	vmul.f32 v58, v57  }
0x5f4: {  	v20 =	vor.u32 $0x32, v1;
	v19 =	vld.idx.msk [tilespmem:v59+s16+$0x0], $0xffff  }
0x5f5: {  	v21 =	vld.idx.msk [tilespmem:v62+s15+$0x0], $0xffff;
	v2 =	vadd.f32 v3, v2;
	v3 =	vmul.f32 v61, v60  }
0x5f6: {  	v23 =	vor.u32 $0x33, v1;
	v22 =	vld.idx.msk [tilespmem:v62+s16+$0x0], $0xffff  }
0x5f7: {  	v24 =	vld.idx.msk [tilespmem:v17+s15+$0x0], $0xffff;
	v2 =	vadd.f32 v3, v2;
	v3 =	vmul.f32 v16, v63  }
0x5f8: {  	v26 =	vor.u32 $0x34, v1;
	v25 =	vld.idx.msk [tilespmem:v17+s16+$0x0], $0xffff  }
0x5f9: {  	v27 =	vld.idx.msk [tilespmem:v20+s15+$0x0], $0xffff;
	v2 =	vadd.f32 v3, v2;
	v3 =	vmul.f32 v19, v18  }
0x5fa: {  	v29 =	vor.u32 $0x35, v1;
	v28 =	vld.idx.msk [tilespmem:v20+s16+$0x0], $0xffff  }
0x5fb: {  	v30 =	vld.idx.msk [tilespmem:v23+s15+$0x0], $0xffff;
	v2 =	vadd.f32 v3, v2;
	v3 =	vmul.f32 v22, v21  }
0x5fc: {  	v32 =	vor.u32 $0x36, v1;
	v31 =	vld.idx.msk [tilespmem:v23+s16+$0x0], $0xffff  }
0x5fd: {  	v33 =	vld.idx.msk [tilespmem:v26+s15+$0x0], $0xffff;
	v2 =	vadd.f32 v3, v2;
	v3 =	vmul.f32 v25, v24  }
0x5fe: {  	v35 =	vor.u32 $0x37, v1;
	v34 =	vld.idx.msk [tilespmem:v26+s16+$0x0], $0xffff  }
0x5ff: {  	v36 =	vld.idx.msk [tilespmem:v29+s15+$0x0], $0xffff;
	v2 =	vadd.f32 v3, v2;
	v3 =	vmul.f32 v28, v27  }
0x600: {  	v38 =	vor.u32 $0x38, v1;
	v37 =	vld.idx.msk [tilespmem:v29+s16+$0x0], $0xffff  }
0x601: {  	v39 =	vld.idx.msk [tilespmem:v32+s15+$0x0], $0xffff;
	v2 =	vadd.f32 v3, v2;
	v3 =	vmul.f32 v31, v30  }
0x602: {  	v41 =	vor.u32 $0x39, v1;
	v40 =	vld.idx.msk [tilespmem:v32+s16+$0x0], $0xffff  }
0x603: {  	v42 =	vld.idx.msk [tilespmem:v35+s15+$0x0], $0xffff;
	v2 =	vadd.f32 v3, v2;
	v3 =	vmul.f32 v34, v33  }
0x604: {  	v44 =	vor.u32 $0x3A, v1;
	v43 =	vld.idx.msk [tilespmem:v35+s16+$0x0], $0xffff  }
0x605: {  	v45 =	vld.idx.msk [tilespmem:v38+s15+$0x0], $0xffff;
	v2 =	vadd.f32 v3, v2;
	v3 =	vmul.f32 v37, v36  }
0x606: {  	v47 =	vor.u32 $0x3B, v1;
	v46 =	vld.idx.msk [tilespmem:v38+s16+$0x0], $0xffff  }
0x607: {  	v48 =	vld.idx.msk [tilespmem:v41+s15+$0x0], $0xffff;
	v2 =	vadd.f32 v3, v2;
	v3 =	vmul.f32 v40, v39  }
0x608: {  	v50 =	vor.u32 $0x3C, v1;
	v49 =	vld.idx.msk [tilespmem:v41+s16+$0x0], $0xffff  }
0x609: {  	v51 =	vld.idx.msk [tilespmem:v44+s15+$0x0], $0xffff;
	v2 =	vadd.f32 v3, v2;
	v3 =	vmul.f32 v43, v42  }
0x60a: {  	v53 =	vor.u32 $0x3D, v1;
	v52 =	vld.idx.msk [tilespmem:v44+s16+$0x0], $0xffff  }
0x60b: {  	v54 =	vld.idx.msk [tilespmem:v47+s15+$0x0], $0xffff;
	v2 =	vadd.f32 v3, v2;
	v3 =	vmul.f32 v46, v45  }
0x60c: {  	v56 =	vor.u32 $0x3E, v1;
	v55 =	vld.idx.msk [tilespmem:v47+s16+$0x0], $0xffff  }
0x60d: {  	v57 =	vld.idx.msk [tilespmem:v50+s15+$0x0], $0xffff;
	v2 =	vadd.f32 v3, v2;
	v3 =	vmul.f32 v49, v48  }
0x60e: {  	v59 =	vor.u32 $0x3F, v1;
	v58 =	vld.idx.msk [tilespmem:v50+s16+$0x0], $0xffff  }
0x60f: {  	v60 =	vld.idx.msk [tilespmem:v53+s15+$0x0], $0xffff;
	v2 =	vadd.f32 v3, v2;
	v3 =	vmul.f32 v52, v51  }
0x610: {  	v62 =	vor.u32 $0x40, v1;
	v61 =	vld.idx.msk [tilespmem:v53+s16+$0x0], $0xffff  }
0x611: {  	v63 =	vld.idx.msk [tilespmem:v56+s15+$0x0], $0xffff;
	v2 =	vadd.f32 v3, v2;
	v3 =	vmul.f32 v55, v54  }
0x612: {  	v17 =	vor.u32 $0x41, v1;
	v16 =	vld.idx.msk [tilespmem:v56+s16+$0x0], $0xffff  }
0x613: {  	v18 =	vld.idx.msk [tilespmem:v59+s15+$0x0], $0xffff;
	v2 =	vadd.f32 v3, v2;
	v3 =	vmul.f32 v58, v57  }
0x614: {  	v20 =	vor.u32 $0x42, v1;
	v19 =	vld.idx.msk [tilespmem:v59+s16+$0x0], $0xffff  }
0x615: {  	v21 =	vld.idx.msk [tilespmem:v62+s15+$0x0], $0xffff;
	v2 =	vadd.f32 v3, v2;
	v3 =	vmul.f32 v61, v60  }
0x616: {  	v23 =	vor.u32 $0x43, v1;
	v22 =	vld.idx.msk [tilespmem:v62+s16+$0x0], $0xffff  }
0x617: {  	v24 =	vld.idx.msk [tilespmem:v17+s15+$0x0], $0xffff;
	v2 =	vadd.f32 v3, v2;
	v3 =	vmul.f32 v16, v63  }
0x618: {  	v26 =	vor.u32 $0x44, v1;
	v25 =	vld.idx.msk [tilespmem:v17+s16+$0x0], $0xffff  }
0x619: {  	v27 =	vld.idx.msk [tilespmem:v20+s15+$0x0], $0xffff;
	v2 =	vadd.f32 v3, v2;
	v3 =	vmul.f32 v19, v18  }
0x61a: {  	v29 =	vor.u32 $0x45, v1;
	v28 =	vld.idx.msk [tilespmem:v20+s16+$0x0], $0xffff  }
0x61b: {  	v30 =	vld.idx.msk [tilespmem:v23+s15+$0x0], $0xffff;
	v2 =	vadd.f32 v3, v2;
	v3 =	vmul.f32 v22, v21  }
0x61c: {  	v32 =	vor.u32 $0x46, v1;
	v31 =	vld.idx.msk [tilespmem:v23+s16+$0x0], $0xffff  }
0x61d: {  	v33 =	vld.idx.msk [tilespmem:v26+s15+$0x0], $0xffff;
	v2 =	vadd.f32 v3, v2;
	v3 =	vmul.f32 v25, v24  }
0x61e: {  	v35 =	vor.u32 $0x47, v1;
	v34 =	vld.idx.msk [tilespmem:v26+s16+$0x0], $0xffff  }
0x61f: {  	v36 =	vld.idx.msk [tilespmem:v29+s15+$0x0], $0xffff;
	v2 =	vadd.f32 v3, v2;
	v3 =	vmul.f32 v28, v27  }
0x620: {  	v38 =	vor.u32 $0x48, v1;
	v37 =	vld.idx.msk [tilespmem:v29+s16+$0x0], $0xffff  }
0x621: {  	v39 =	vld.idx.msk [tilespmem:v32+s15+$0x0], $0xffff;
	v2 =	vadd.f32 v3, v2;
	v3 =	vmul.f32 v31, v30  }
0x622: {  	v41 =	vor.u32 $0x49, v1;
	v40 =	vld.idx.msk [tilespmem:v32+s16+$0x0], $0xffff  }
0x623: {  	v42 =	vld.idx.msk [tilespmem:v35+s15+$0x0], $0xffff;
	v2 =	vadd.f32 v3, v2;
	v3 =	vmul.f32 v34, v33  }
0x624: {  	v44 =	vor.u32 $0x4A, v1;
	v43 =	vld.idx.msk [tilespmem:v35+s16+$0x0], $0xffff  }
0x625: {  	v45 =	vld.idx.msk [tilespmem:v38+s15+$0x0], $0xffff;
	v2 =	vadd.f32 v3, v2;
	v3 =	vmul.f32 v37, v36  }
0x626: {  	v47 =	vor.u32 $0x4B, v1;
	v46 =	vld.idx.msk [tilespmem:v38+s16+$0x0], $0xffff  }
0x627: {  	v48 =	vld.idx.msk [tilespmem:v41+s15+$0x0], $0xffff;
	v2 =	vadd.f32 v3, v2;
	v3 =	vmul.f32 v40, v39  }
0x628: {  	v50 =	vor.u32 $0x4C, v1;
	v49 =	vld.idx.msk [tilespmem:v41+s16+$0x0], $0xffff  }
0x629: {  	v51 =	vld.idx.msk [tilespmem:v44+s15+$0x0], $0xffff;
	v2 =	vadd.f32 v3, v2;
	v3 =	vmul.f32 v43, v42  }
0x62a: {  	v53 =	vor.u32 $0x4D, v1;
	v52 =	vld.idx.msk [tilespmem:v44+s16+$0x0], $0xffff  }
0x62b: {  	v54 =	vld.idx.msk [tilespmem:v47+s15+$0x0], $0xffff;
	v2 =	vadd.f32 v3, v2;
	v3 =	vmul.f32 v46, v45  }
0x62c: {  	v56 =	vor.u32 $0x4E, v1;
	v55 =	vld.idx.msk [tilespmem:v47+s16+$0x0], $0xffff  }
0x62d: {  	v57 =	vld.idx.msk [tilespmem:v50+s15+$0x0], $0xffff;
	v2 =	vadd.f32 v3, v2;
	v3 =	vmul.f32 v49, v48  }
0x62e: {  	v59 =	vor.u32 $0x4F, v1;
	v58 =	vld.idx.msk [tilespmem:v50+s16+$0x0], $0xffff  }
0x62f: {  	v60 =	vld.idx.msk [tilespmem:v53+s15+$0x0], $0xffff;
	v2 =	vadd.f32 v3, v2;
	v3 =	vmul.f32 v52, v51  }
0x630: {  	v62 =	vor.u32 $0x50, v1;
	v61 =	vld.idx.msk [tilespmem:v53+s16+$0x0], $0xffff  }
0x631: {  	v63 =	vld.idx.msk [tilespmem:v56+s15+$0x0], $0xffff;
	v2 =	vadd.f32 v3, v2;
	v3 =	vmul.f32 v55, v54  }
0x632: {  	v17 =	vor.u32 $0x51, v1;
	v16 =	vld.idx.msk [tilespmem:v56+s16+$0x0], $0xffff  }
0x633: {  	v18 =	vld.idx.msk [tilespmem:v59+s15+$0x0], $0xffff;
	v2 =	vadd.f32 v3, v2;
	v3 =	vmul.f32 v58, v57  }
0x634: {  	v20 =	vor.u32 $0x52, v1;
	v19 =	vld.idx.msk [tilespmem:v59+s16+$0x0], $0xffff  }
0x635: {  	v21 =	vld.idx.msk [tilespmem:v62+s15+$0x0], $0xffff;
	v2 =	vadd.f32 v3, v2;
	v3 =	vmul.f32 v61, v60  }
0x636: {  	v23 =	vor.u32 $0x53, v1;
	v22 =	vld.idx.msk [tilespmem:v62+s16+$0x0], $0xffff  }
0x637: {  	v24 =	vld.idx.msk [tilespmem:v17+s15+$0x0], $0xffff;
	v2 =	vadd.f32 v3, v2;
	v3 =	vmul.f32 v16, v63  }
0x638: {  	v26 =	vor.u32 $0x54, v1;
	v25 =	vld.idx.msk [tilespmem:v17+s16+$0x0], $0xffff  }
0x639: {  	v27 =	vld.idx.msk [tilespmem:v20+s15+$0x0], $0xffff;
	v2 =	vadd.f32 v3, v2;
	v3 =	vmul.f32 v19, v18  }
0x63a: {  	v29 =	vor.u32 $0x55, v1;
	v28 =	vld.idx.msk [tilespmem:v20+s16+$0x0], $0xffff  }
0x63b: {  	v30 =	vld.idx.msk [tilespmem:v23+s15+$0x0], $0xffff;
	v2 =	vadd.f32 v3, v2;
	v3 =	vmul.f32 v22, v21  }
0x63c: {  	v32 =	vor.u32 $0x56, v1;
	v31 =	vld.idx.msk [tilespmem:v23+s16+$0x0], $0xffff  }
0x63d: {  	v33 =	vld.idx.msk [tilespmem:v26+s15+$0x0], $0xffff;
	v2 =	vadd.f32 v3, v2;
	v3 =	vmul.f32 v25, v24  }
0x63e: {  	v35 =	vor.u32 $0x57, v1;
	v34 =	vld.idx.msk [tilespmem:v26+s16+$0x0], $0xffff  }
0x63f: {  	v36 =	vld.idx.msk [tilespmem:v29+s15+$0x0], $0xffff;
	v2 =	vadd.f32 v3, v2;
	v3 =	vmul.f32 v28, v27  }
0x640: {  	v38 =	vor.u32 $0x58, v1;
	v37 =	vld.idx.msk [tilespmem:v29+s16+$0x0], $0xffff  }
0x641: {  	v39 =	vld.idx.msk [tilespmem:v32+s15+$0x0], $0xffff;
	v2 =	vadd.f32 v3, v2;
	v3 =	vmul.f32 v31, v30  }
0x642: {  	v41 =	vor.u32 $0x59, v1;
	v40 =	vld.idx.msk [tilespmem:v32+s16+$0x0], $0xffff  }
0x643: {  	v42 =	vld.idx.msk [tilespmem:v35+s15+$0x0], $0xffff;
	v2 =	vadd.f32 v3, v2;
	v3 =	vmul.f32 v34, v33  }
0x644: {  	v44 =	vor.u32 $0x5A, v1;
	v43 =	vld.idx.msk [tilespmem:v35+s16+$0x0], $0xffff  }
0x645: {  	v45 =	vld.idx.msk [tilespmem:v38+s15+$0x0], $0xffff;
	v2 =	vadd.f32 v3, v2;
	v3 =	vmul.f32 v37, v36  }
0x646: {  	v47 =	vor.u32 $0x5B, v1;
	v46 =	vld.idx.msk [tilespmem:v38+s16+$0x0], $0xffff  }
0x647: {  	v48 =	vld.idx.msk [tilespmem:v41+s15+$0x0], $0xffff;
	v2 =	vadd.f32 v3, v2;
	v3 =	vmul.f32 v40, v39  }
0x648: {  	v50 =	vor.u32 $0x5C, v1;
	v49 =	vld.idx.msk [tilespmem:v41+s16+$0x0], $0xffff  }
0x649: {  	v51 =	vld.idx.msk [tilespmem:v44+s15+$0x0], $0xffff;
	v2 =	vadd.f32 v3, v2;
	v3 =	vmul.f32 v43, v42  }
0x64a: {  	v53 =	vor.u32 $0x5D, v1;
	v52 =	vld.idx.msk [tilespmem:v44+s16+$0x0], $0xffff  }
0x64b: {  	v54 =	vld.idx.msk [tilespmem:v47+s15+$0x0], $0xffff;
	v2 =	vadd.f32 v3, v2;
	v3 =	vmul.f32 v46, v45  }
0x64c: {  	v56 =	vor.u32 $0x5E, v1;
	v55 =	vld.idx.msk [tilespmem:v47+s16+$0x0], $0xffff  }
0x64d: {  	v57 =	vld.idx.msk [tilespmem:v50+s15+$0x0], $0xffff;
	v2 =	vadd.f32 v3, v2;
	v3 =	vmul.f32 v49, v48  }
0x64e: {  	v59 =	vor.u32 $0x5F, v1;
	v58 =	vld.idx.msk [tilespmem:v50+s16+$0x0], $0xffff  }
0x64f: {  	v60 =	vld.idx.msk [tilespmem:v53+s15+$0x0], $0xffff;
	v2 =	vadd.f32 v3, v2;
	v3 =	vmul.f32 v52, v51  }
0x650: {  	v62 =	vor.u32 $0x60, v1;
	v61 =	vld.idx.msk [tilespmem:v53+s16+$0x0], $0xffff  }
0x651: {  	v63 =	vld.idx.msk [tilespmem:v56+s15+$0x0], $0xffff;
	v2 =	vadd.f32 v3, v2;
	v3 =	vmul.f32 v55, v54  }
0x652: {  	v17 =	vor.u32 $0x61, v1;
	v16 =	vld.idx.msk [tilespmem:v56+s16+$0x0], $0xffff  }
0x653: {  	v18 =	vld.idx.msk [tilespmem:v59+s15+$0x0], $0xffff;
	v2 =	vadd.f32 v3, v2;
	v3 =	vmul.f32 v58, v57  }
0x654: {  	v20 =	vor.u32 $0x62, v1;
	v19 =	vld.idx.msk [tilespmem:v59+s16+$0x0], $0xffff  }
0x655: {  	v21 =	vld.idx.msk [tilespmem:v62+s15+$0x0], $0xffff;
	v2 =	vadd.f32 v3, v2;
	v3 =	vmul.f32 v61, v60  }
0x656: {  	v23 =	vor.u32 $0x63, v1;
	v22 =	vld.idx.msk [tilespmem:v62+s16+$0x0], $0xffff  }
0x657: {  	v24 =	vld.idx.msk [tilespmem:v17+s15+$0x0], $0xffff;
	v2 =	vadd.f32 v3, v2;
	v3 =	vmul.f32 v16, v63  }
0x658: {  	v26 =	vor.u32 $0x64, v1;
	v25 =	vld.idx.msk [tilespmem:v17+s16+$0x0], $0xffff  }
0x659: {  	v27 =	vld.idx.msk [tilespmem:v20+s15+$0x0], $0xffff;
	v2 =	vadd.f32 v3, v2;
	v3 =	vmul.f32 v19, v18  }
0x65a: {  	v29 =	vor.u32 $0x65, v1;
	v28 =	vld.idx.msk [tilespmem:v20+s16+$0x0], $0xffff  }
0x65b: {  	v30 =	vld.idx.msk [tilespmem:v23+s15+$0x0], $0xffff;
	v2 =	vadd.f32 v3, v2;
	v3 =	vmul.f32 v22, v21  }
0x65c: {  	v32 =	vor.u32 $0x66, v1;
	v31 =	vld.idx.msk [tilespmem:v23+s16+$0x0], $0xffff  }
0x65d: {  	v33 =	vld.idx.msk [tilespmem:v26+s15+$0x0], $0xffff;
	v2 =	vadd.f32 v3, v2;
	v3 =	vmul.f32 v25, v24  }
0x65e: {  	v35 =	vor.u32 $0x67, v1;
	v34 =	vld.idx.msk [tilespmem:v26+s16+$0x0], $0xffff  }
0x65f: {  	v36 =	vld.idx.msk [tilespmem:v29+s15+$0x0], $0xffff;
	v2 =	vadd.f32 v3, v2;
	v3 =	vmul.f32 v28, v27  }
0x660: {  	v38 =	vor.u32 $0x68, v1;
	v37 =	vld.idx.msk [tilespmem:v29+s16+$0x0], $0xffff  }
0x661: {  	v39 =	vld.idx.msk [tilespmem:v32+s15+$0x0], $0xffff;
	v2 =	vadd.f32 v3, v2;
	v3 =	vmul.f32 v31, v30  }
0x662: {  	v41 =	vor.u32 $0x69, v1;
	v40 =	vld.idx.msk [tilespmem:v32+s16+$0x0], $0xffff  }
0x663: {  	v42 =	vld.idx.msk [tilespmem:v35+s15+$0x0], $0xffff;
	v2 =	vadd.f32 v3, v2;
	v3 =	vmul.f32 v34, v33  }
0x664: {  	v44 =	vor.u32 $0x6A, v1;
	v43 =	vld.idx.msk [tilespmem:v35+s16+$0x0], $0xffff  }
0x665: {  	v45 =	vld.idx.msk [tilespmem:v38+s15+$0x0], $0xffff;
	v2 =	vadd.f32 v3, v2;
	v3 =	vmul.f32 v37, v36  }
0x666: {  	v47 =	vor.u32 $0x6B, v1;
	v46 =	vld.idx.msk [tilespmem:v38+s16+$0x0], $0xffff  }
0x667: {  	v48 =	vld.idx.msk [tilespmem:v41+s15+$0x0], $0xffff;
	v2 =	vadd.f32 v3, v2;
	v3 =	vmul.f32 v40, v39  }
0x668: {  	v50 =	vor.u32 $0x6C, v1;
	v49 =	vld.idx.msk [tilespmem:v41+s16+$0x0], $0xffff  }
0x669: {  	v51 =	vld.idx.msk [tilespmem:v44+s15+$0x0], $0xffff;
	v2 =	vadd.f32 v3, v2;
	v3 =	vmul.f32 v43, v42  }
0x66a: {  	v53 =	vor.u32 $0x6D, v1;
	v52 =	vld.idx.msk [tilespmem:v44+s16+$0x0], $0xffff  }
0x66b: {  	v54 =	vld.idx.msk [tilespmem:v47+s15+$0x0], $0xffff;
	v2 =	vadd.f32 v3, v2;
	v3 =	vmul.f32 v46, v45  }
0x66c: {  	v56 =	vor.u32 $0x6E, v1;
	v55 =	vld.idx.msk [tilespmem:v47+s16+$0x0], $0xffff  }
0x66d: {  	v57 =	vld.idx.msk [tilespmem:v50+s15+$0x0], $0xffff;
	v2 =	vadd.f32 v3, v2;
	v3 =	vmul.f32 v49, v48  }
0x66e: {  	v59 =	vor.u32 $0x6F, v1;
	v58 =	vld.idx.msk [tilespmem:v50+s16+$0x0], $0xffff  }
0x66f: {  	v60 =	vld.idx.msk [tilespmem:v53+s15+$0x0], $0xffff;
	v2 =	vadd.f32 v3, v2;
	v3 =	vmul.f32 v52, v51  }
0x670: {  	v62 =	vor.u32 $0x70, v1;
	v61 =	vld.idx.msk [tilespmem:v53+s16+$0x0], $0xffff  }
0x671: {  	v63 =	vld.idx.msk [tilespmem:v56+s15+$0x0], $0xffff;
	v2 =	vadd.f32 v3, v2;
	v3 =	vmul.f32 v55, v54  }
0x672: {  	v17 =	vor.u32 $0x71, v1;
	v16 =	vld.idx.msk [tilespmem:v56+s16+$0x0], $0xffff  }
0x673: {  	v18 =	vld.idx.msk [tilespmem:v59+s15+$0x0], $0xffff;
	v2 =	vadd.f32 v3, v2;
	v3 =	vmul.f32 v58, v57  }
0x674: {  	v20 =	vor.u32 $0x72, v1;
	v19 =	vld.idx.msk [tilespmem:v59+s16+$0x0], $0xffff  }
0x675: {  	v21 =	vld.idx.msk [tilespmem:v62+s15+$0x0], $0xffff;
	v2 =	vadd.f32 v3, v2;
	v3 =	vmul.f32 v61, v60  }
0x676: {  	v23 =	vor.u32 $0x73, v1;
	v22 =	vld.idx.msk [tilespmem:v62+s16+$0x0], $0xffff  }
0x677: {  	v24 =	vld.idx.msk [tilespmem:v17+s15+$0x0], $0xffff;
	v2 =	vadd.f32 v3, v2;
	v3 =	vmul.f32 v16, v63  }
0x678: {  	v26 =	vor.u32 $0x74, v1;
	v25 =	vld.idx.msk [tilespmem:v17+s16+$0x0], $0xffff  }
0x679: {  	v27 =	vld.idx.msk [tilespmem:v20+s15+$0x0], $0xffff;
	v2 =	vadd.f32 v3, v2;
	v3 =	vmul.f32 v19, v18  }
0x67a: {  	v29 =	vor.u32 $0x75, v1;
	v28 =	vld.idx.msk [tilespmem:v20+s16+$0x0], $0xffff  }
0x67b: {  	v30 =	vld.idx.msk [tilespmem:v23+s15+$0x0], $0xffff;
	v2 =	vadd.f32 v3, v2;
	v3 =	vmul.f32 v22, v21  }
0x67c: {  	v32 =	vor.u32 $0x76, v1;
	v31 =	vld.idx.msk [tilespmem:v23+s16+$0x0], $0xffff  }
0x67d: {  	v33 =	vld.idx.msk [tilespmem:v26+s15+$0x0], $0xffff;
	v2 =	vadd.f32 v3, v2;
	v3 =	vmul.f32 v25, v24  }
0x67e: {  	v35 =	vor.u32 $0x77, v1;
	v34 =	vld.idx.msk [tilespmem:v26+s16+$0x0], $0xffff  }
0x67f: {  	v36 =	vld.idx.msk [tilespmem:v29+s15+$0x0], $0xffff;
	v2 =	vadd.f32 v3, v2;
	v3 =	vmul.f32 v28, v27  }
0x680: {  	v38 =	vor.u32 $0x78, v1;
	v37 =	vld.idx.msk [tilespmem:v29+s16+$0x0], $0xffff  }
0x681: {  	v39 =	vld.idx.msk [tilespmem:v32+s15+$0x0], $0xffff;
	v2 =	vadd.f32 v3, v2;
	v3 =	vmul.f32 v31, v30  }
0x682: {  	v41 =	vor.u32 $0x79, v1;
	v40 =	vld.idx.msk [tilespmem:v32+s16+$0x0], $0xffff  }
0x683: {  	v42 =	vld.idx.msk [tilespmem:v35+s15+$0x0], $0xffff;
	v2 =	vadd.f32 v3, v2;
	v3 =	vmul.f32 v34, v33  }
0x684: {  	v44 =	vor.u32 $0x7A, v1;
	v43 =	vld.idx.msk [tilespmem:v35+s16+$0x0], $0xffff  }
0x685: {  	v45 =	vld.idx.msk [tilespmem:v38+s15+$0x0], $0xffff;
	v2 =	vadd.f32 v3, v2;
	v3 =	vmul.f32 v37, v36  }
0x686: {  	v47 =	vor.u32 $0x7B, v1;
	v46 =	vld.idx.msk [tilespmem:v38+s16+$0x0], $0xffff  }
0x687: {  	v48 =	vld.idx.msk [tilespmem:v41+s15+$0x0], $0xffff;
	v2 =	vadd.f32 v3, v2;
	v3 =	vmul.f32 v40, v39  }
0x688: {  	v50 =	vor.u32 $0x7C, v1;
	v49 =	vld.idx.msk [tilespmem:v41+s16+$0x0], $0xffff  }
0x689: {  	v51 =	vld.idx.msk [tilespmem:v44+s15+$0x0], $0xffff;
	v2 =	vadd.f32 v3, v2;
	v3 =	vmul.f32 v43, v42  }
0x68a: {  	v53 =	vor.u32 $0x7D, v1;
	v52 =	vld.idx.msk [tilespmem:v44+s16+$0x0], $0xffff  }
0x68b: {  	v54 =	vld.idx.msk [tilespmem:v47+s15+$0x0], $0xffff;
	v2 =	vadd.f32 v3, v2;
	v3 =	vmul.f32 v46, v45  }
0x68c: {  	v56 =	vor.u32 $0x7E, v1;
	v55 =	vld.idx.msk [tilespmem:v47+s16+$0x0], $0xffff  }
0x68d: {  	v57 =	vld.idx.msk [tilespmem:v50+s15+$0x0], $0xffff;
	v2 =	vadd.f32 v3, v2;
	v3 =	vmul.f32 v49, v48  }
0x68e: {  	v1 =	vor.u32 $0x7F, v1;
	v58 =	vld.idx.msk [tilespmem:v50+s16+$0x0], $0xffff  }
0x68f: {  	v59 =	vld.idx.msk [tilespmem:v53+s15+$0x0], $0xffff;
	v2 =	vadd.f32 v3, v2;
	v3 =	vmul.f32 v52, v51  }
0x690: {  	v60 =	vld.idx.msk [tilespmem:v53+s16+$0x0], $0xffff  }
0x691: {  	v62 =	vld.idx.msk [tilespmem:v56+s16+$0x0], $0xffff;
	v2 =	vadd.f32 v3, v2;
	v3 =	vmul.f32 v55, v54  }
0x692: {  	v61 =	vld.idx.msk [tilespmem:v56+s15+$0x0], $0xffff  }
0x693: {  	v63 =	vld.idx.msk [tilespmem:v1+s15+$0x0], $0xffff;
	v2 =	vadd.f32 v3, v2;
	v3 =	vmul.f32 v58, v57  }
0x694: {  	v1 =	vld.idx.msk [tilespmem:v1+s16+$0x0], $0xffff  }
0x695: {  	v2 =	vadd.f32 v3, v2;
	v3 =	vmul.f32 v60, v59;
	_ =	sdelay $0x1  }
0x696: {  	v2 =	vadd.f32 v3, v2;
	v3 =	vmul.f32 v62, v61;
	_ =	sdelay $0x1  }
0x697: {  	v1 =	vmul.f32 v1, v63;
	v2 =	vadd.f32 v3, v2;
	_ =	sdelay $0x1  }
0x698: {  	v1 =	vadd.f32 v1, v2;
	_ =	sdelay $0x1  }
0x699: {  	v1 =	vsub.f32 $0.0e+00, v1;
	_ =	sdelay $0x1  }
0x69a: {  	v1 =	vmul.f32 $1.442695020e+00, v1;
	_ =	sdelay $0x1  }
0x69b: {  	(erf) = vpow2.f32 v1;
	_ =	sdelay $0x8  }
0x69c: {  	v1 =	vpop (erf)  }
0x69d: {  	v1 =	vadd.f32 $1.000000000e+00, v1;
	_ =	sdelay $0x1  }
0x69e: {  	(erf) = vrcp.f32 v1;
	_ =	sdelay $0x2  }
0x69f: {  	s31 =	simm.s32 $0x20  }
0x6a0: {  	v2 =	vmov s31  }
0x6a1: {  	s23 =	simm.s32 $0x30;
	s22 =	smov.u32 s20;
	v1 =	vshll.u32 v2, $0x7  }
.LBB2_7:
0x6a2: {  	p0 =	sne.s32 s23, $0x40;
	v1 =	vor.u32 v0, v1;
	_ =	sdelay $0x1  }
0x6a3: {  	v2 =	vor.u32 $0x1, v1  }
0x6a4: {  	s22 =	sadd.s32 $0x10, s22;
	v3 =	vpop (erf)  }
0x6a5: {  	v4 =	vor.u32 $0x2, v1;
	[tilespmem:s22+$0x0] =	vst v3  }
0x6a6: {  	v3 =	vld.idx.msk [tilespmem:v1+s16+$0x0], $0xffff  }
0x6a7: {  	v6 =	vor.u32 $0x3, v1;
	v5 =	vld.idx.msk [tilespmem:v1+s15+$0x0], $0xffff  }
0x6a8: {  	v7 =	vld.idx.msk [tilespmem:v2+s15+$0x0], $0xffff  }
0x6a9: {  	v8 =	vor.u32 $0x4, v1;
	v2 =	vld.idx.msk [tilespmem:v2+s16+$0x0], $0xffff  }
0x6aa: {  	v9 =	vld.idx.msk [tilespmem:v4+s15+$0x0], $0xffff  }
0x6ab: {  	v10 =	vor.u32 $0x5, v1;
	v4 =	vld.idx.msk [tilespmem:v4+s16+$0x0], $0xffff  }
0x6ac: {  	v11 =	vld.idx.msk [tilespmem:v6+s15+$0x0], $0xffff  }
0x6ad: {  	v3 =	vmul.f32 v3, v5;
	v5 =	vld.idx.msk [tilespmem:v6+s16+$0x0], $0xffff;
	v6 =	vor.u32 $0x6, v1  }
0x6ae: {  	v12 =	vld.idx.msk [tilespmem:v8+s15+$0x0], $0xffff  }
0x6af: {  	v3 =	vadd.f32 $0.0e+00, v3;
	v2 =	vmul.f32 v2, v7;
	v7 =	vld.idx.msk [tilespmem:v8+s16+$0x0], $0xffff;
	v8 =	vor.u32 $0x7, v1  }
0x6b0: {  	v13 =	vld.idx.msk [tilespmem:v10+s15+$0x0], $0xffff  }
0x6b1: {  	v2 =	vadd.f32 v2, v3;
	v3 =	vmul.f32 v4, v9;
	v9 =	vor.u32 $0x8, v1;
	v4 =	vld.idx.msk [tilespmem:v10+s16+$0x0], $0xffff  }
0x6b2: {  	v10 =	vld.idx.msk [tilespmem:v6+s15+$0x0], $0xffff  }
0x6b3: {  	v2 =	vadd.f32 v3, v2;
	v3 =	vmul.f32 v5, v11;
	v5 =	vld.idx.msk [tilespmem:v6+s16+$0x0], $0xffff;
	v6 =	vor.u32 $0x9, v1  }
0x6b4: {  	v11 =	vld.idx.msk [tilespmem:v8+s15+$0x0], $0xffff  }
0x6b5: {  	v2 =	vadd.f32 v3, v2;
	v3 =	vmul.f32 v7, v12;
	v7 =	vld.idx.msk [tilespmem:v8+s16+$0x0], $0xffff;
	v8 =	vor.u32 $0xA, v1  }
0x6b6: {  	v12 =	vld.idx.msk [tilespmem:v9+s15+$0x0], $0xffff  }
0x6b7: {  	v2 =	vadd.f32 v3, v2;
	v3 =	vmul.f32 v4, v13;
	v4 =	vld.idx.msk [tilespmem:v9+s16+$0x0], $0xffff;
	v9 =	vor.u32 $0xB, v1  }
0x6b8: {  	v13 =	vld.idx.msk [tilespmem:v6+s15+$0x0], $0xffff  }
0x6b9: {  	v2 =	vadd.f32 v3, v2;
	v3 =	vmul.f32 v5, v10;
	v5 =	vld.idx.msk [tilespmem:v6+s16+$0x0], $0xffff;
	v6 =	vor.u32 $0xC, v1  }
0x6ba: {  	v10 =	vld.idx.msk [tilespmem:v8+s15+$0x0], $0xffff  }
0x6bb: {  	v2 =	vadd.f32 v3, v2;
	v3 =	vmul.f32 v7, v11;
	v7 =	vld.idx.msk [tilespmem:v8+s16+$0x0], $0xffff;
	v8 =	vor.u32 $0xD, v1  }
0x6bc: {  	v11 =	vld.idx.msk [tilespmem:v9+s15+$0x0], $0xffff  }
0x6bd: {  	v2 =	vadd.f32 v3, v2;
	v3 =	vmul.f32 v4, v12;
	v4 =	vld.idx.msk [tilespmem:v9+s16+$0x0], $0xffff;
	v9 =	vor.u32 $0xE, v1  }
0x6be: {  	v12 =	vld.idx.msk [tilespmem:v6+s15+$0x0], $0xffff  }
0x6bf: {  	v2 =	vadd.f32 v3, v2;
	v3 =	vmul.f32 v5, v13;
	v5 =	vld.idx.msk [tilespmem:v6+s16+$0x0], $0xffff;
	v6 =	vor.u32 $0xF, v1  }
0x6c0: {  	v13 =	vld.idx.msk [tilespmem:v8+s15+$0x0], $0xffff  }
0x6c1: {  	v2 =	vadd.f32 v3, v2;
	v3 =	vmul.f32 v7, v10;
	v7 =	vld.idx.msk [tilespmem:v8+s16+$0x0], $0xffff;
	v8 =	vor.u32 $0x10, v1  }
0x6c2: {  	v10 =	vld.idx.msk [tilespmem:v9+s15+$0x0], $0xffff  }
0x6c3: {  	v2 =	vadd.f32 v3, v2;
	v3 =	vmul.f32 v4, v11;
	v4 =	vld.idx.msk [tilespmem:v9+s16+$0x0], $0xffff;
	v9 =	vor.u32 $0x11, v1  }
0x6c4: {  	v11 =	vld.idx.msk [tilespmem:v6+s15+$0x0], $0xffff  }
0x6c5: {  	v2 =	vadd.f32 v3, v2;
	v3 =	vmul.f32 v5, v12;
	v5 =	vld.idx.msk [tilespmem:v6+s16+$0x0], $0xffff;
	v6 =	vor.u32 $0x12, v1  }
0x6c6: {  	v12 =	vld.idx.msk [tilespmem:v8+s15+$0x0], $0xffff  }
0x6c7: {  	v2 =	vadd.f32 v3, v2;
	v3 =	vmul.f32 v7, v13;
	v7 =	vld.idx.msk [tilespmem:v8+s16+$0x0], $0xffff;
	v8 =	vor.u32 $0x13, v1  }
0x6c8: {  	v13 =	vld.idx.msk [tilespmem:v9+s15+$0x0], $0xffff  }
0x6c9: {  	v2 =	vadd.f32 v3, v2;
	v3 =	vmul.f32 v4, v10;
	v4 =	vld.idx.msk [tilespmem:v9+s16+$0x0], $0xffff;
	v9 =	vor.u32 $0x14, v1  }
0x6ca: {  	v10 =	vld.idx.msk [tilespmem:v6+s15+$0x0], $0xffff  }
0x6cb: {  	v2 =	vadd.f32 v3, v2;
	v3 =	vmul.f32 v5, v11;
	v5 =	vld.idx.msk [tilespmem:v6+s16+$0x0], $0xffff;
	v6 =	vor.u32 $0x15, v1  }
0x6cc: {  	v11 =	vld.idx.msk [tilespmem:v8+s15+$0x0], $0xffff  }
0x6cd: {  	v2 =	vadd.f32 v3, v2;
	v3 =	vmul.f32 v7, v12;
	v7 =	vld.idx.msk [tilespmem:v8+s16+$0x0], $0xffff;
	v8 =	vor.u32 $0x16, v1  }
0x6ce: {  	v12 =	vld.idx.msk [tilespmem:v9+s15+$0x0], $0xffff  }
0x6cf: {  	v2 =	vadd.f32 v3, v2;
	v3 =	vmul.f32 v4, v13;
	v4 =	vld.idx.msk [tilespmem:v9+s16+$0x0], $0xffff;
	v9 =	vor.u32 $0x17, v1  }
0x6d0: {  	v13 =	vld.idx.msk [tilespmem:v6+s15+$0x0], $0xffff  }
0x6d1: {  	v2 =	vadd.f32 v3, v2;
	v3 =	vmul.f32 v5, v10;
	v5 =	vld.idx.msk [tilespmem:v6+s16+$0x0], $0xffff;
	v6 =	vor.u32 $0x18, v1  }
0x6d2: {  	v10 =	vld.idx.msk [tilespmem:v8+s15+$0x0], $0xffff  }
0x6d3: {  	v2 =	vadd.f32 v3, v2;
	v3 =	vmul.f32 v7, v11;
	v7 =	vld.idx.msk [tilespmem:v8+s16+$0x0], $0xffff;
	v8 =	vor.u32 $0x19, v1  }
0x6d4: {  	v11 =	vld.idx.msk [tilespmem:v9+s15+$0x0], $0xffff  }
0x6d5: {  	v2 =	vadd.f32 v3, v2;
	v3 =	vmul.f32 v4, v12;
	v4 =	vld.idx.msk [tilespmem:v9+s16+$0x0], $0xffff;
	v9 =	vor.u32 $0x1A, v1  }
0x6d6: {  	v12 =	vld.idx.msk [tilespmem:v6+s15+$0x0], $0xffff  }
0x6d7: {  	v2 =	vadd.f32 v3, v2;
	v3 =	vmul.f32 v5, v13;
	v5 =	vld.idx.msk [tilespmem:v6+s16+$0x0], $0xffff;
	v6 =	vor.u32 $0x1B, v1  }
0x6d8: {  	v13 =	vld.idx.msk [tilespmem:v8+s15+$0x0], $0xffff  }
0x6d9: {  	v2 =	vadd.f32 v3, v2;
	v3 =	vmul.f32 v7, v10;
	v7 =	vld.idx.msk [tilespmem:v8+s16+$0x0], $0xffff;
	v8 =	vor.u32 $0x1C, v1  }
0x6da: {  	v10 =	vld.idx.msk [tilespmem:v9+s15+$0x0], $0xffff  }
0x6db: {  	v2 =	vadd.f32 v3, v2;
	v3 =	vmul.f32 v4, v11;
	v4 =	vld.idx.msk [tilespmem:v9+s16+$0x0], $0xffff;
	v9 =	vor.u32 $0x1D, v1  }
0x6dc: {  	v11 =	vld.idx.msk [tilespmem:v6+s15+$0x0], $0xffff  }
0x6dd: {  	v2 =	vadd.f32 v3, v2;
	v3 =	vmul.f32 v5, v12;
	v5 =	vld.idx.msk [tilespmem:v6+s16+$0x0], $0xffff;
	v6 =	vor.u32 $0x1E, v1  }
0x6de: {  	v12 =	vld.idx.msk [tilespmem:v8+s15+$0x0], $0xffff  }
0x6df: {  	v2 =	vadd.f32 v3, v2;
	v3 =	vmul.f32 v7, v13;
	v7 =	vld.idx.msk [tilespmem:v8+s16+$0x0], $0xffff;
	v8 =	vor.u32 $0x1F, v1  }
0x6e0: {  	v13 =	vld.idx.msk [tilespmem:v9+s15+$0x0], $0xffff  }
0x6e1: {  	v2 =	vadd.f32 v3, v2;
	v3 =	vmul.f32 v4, v10;
	v4 =	vld.idx.msk [tilespmem:v9+s16+$0x0], $0xffff;
	v9 =	vor.u32 $0x20, v1  }
0x6e2: {  	v10 =	vld.idx.msk [tilespmem:v6+s15+$0x0], $0xffff  }
0x6e3: {  	v2 =	vadd.f32 v3, v2;
	v3 =	vmul.f32 v5, v11;
	v5 =	vld.idx.msk [tilespmem:v6+s16+$0x0], $0xffff;
	v6 =	vor.u32 $0x21, v1  }
0x6e4: {  	v11 =	vld.idx.msk [tilespmem:v8+s15+$0x0], $0xffff  }
0x6e5: {  	v2 =	vadd.f32 v3, v2;
	v3 =	vmul.f32 v7, v12;
	v7 =	vld.idx.msk [tilespmem:v8+s16+$0x0], $0xffff;
	v8 =	vor.u32 $0x22, v1  }
0x6e6: {  	v12 =	vld.idx.msk [tilespmem:v9+s15+$0x0], $0xffff  }
0x6e7: {  	v2 =	vadd.f32 v3, v2;
	v3 =	vmul.f32 v4, v13;
	v4 =	vld.idx.msk [tilespmem:v9+s16+$0x0], $0xffff;
	v9 =	vor.u32 $0x23, v1  }
0x6e8: {  	v13 =	vld.idx.msk [tilespmem:v6+s15+$0x0], $0xffff  }
0x6e9: {  	v2 =	vadd.f32 v3, v2;
	v3 =	vmul.f32 v5, v10;
	v5 =	vld.idx.msk [tilespmem:v6+s16+$0x0], $0xffff;
	v6 =	vor.u32 $0x24, v1  }
0x6ea: {  	v10 =	vld.idx.msk [tilespmem:v8+s15+$0x0], $0xffff  }
0x6eb: {  	v2 =	vadd.f32 v3, v2;
	v3 =	vmul.f32 v7, v11;
	v7 =	vld.idx.msk [tilespmem:v8+s16+$0x0], $0xffff;
	v8 =	vor.u32 $0x25, v1  }
0x6ec: {  	v11 =	vld.idx.msk [tilespmem:v9+s15+$0x0], $0xffff  }
0x6ed: {  	v2 =	vadd.f32 v3, v2;
	v3 =	vmul.f32 v4, v12;
	v4 =	vld.idx.msk [tilespmem:v9+s16+$0x0], $0xffff;
	v9 =	vor.u32 $0x26, v1  }
0x6ee: {  	v12 =	vld.idx.msk [tilespmem:v6+s15+$0x0], $0xffff  }
0x6ef: {  	v2 =	vadd.f32 v3, v2;
	v3 =	vmul.f32 v5, v13;
	v5 =	vld.idx.msk [tilespmem:v6+s16+$0x0], $0xffff;
	v6 =	vor.u32 $0x27, v1  }
0x6f0: {  	v13 =	vld.idx.msk [tilespmem:v8+s15+$0x0], $0xffff  }
0x6f1: {  	v2 =	vadd.f32 v3, v2;
	v3 =	vmul.f32 v7, v10;
	v7 =	vld.idx.msk [tilespmem:v8+s16+$0x0], $0xffff;
	v8 =	vor.u32 $0x28, v1  }
0x6f2: {  	v10 =	vld.idx.msk [tilespmem:v9+s15+$0x0], $0xffff  }
0x6f3: {  	v2 =	vadd.f32 v3, v2;
	v3 =	vmul.f32 v4, v11;
	v4 =	vld.idx.msk [tilespmem:v9+s16+$0x0], $0xffff;
	v9 =	vor.u32 $0x29, v1  }
0x6f4: {  	v11 =	vld.idx.msk [tilespmem:v6+s15+$0x0], $0xffff  }
0x6f5: {  	v2 =	vadd.f32 v3, v2;
	v3 =	vmul.f32 v5, v12;
	v5 =	vld.idx.msk [tilespmem:v6+s16+$0x0], $0xffff;
	v6 =	vor.u32 $0x2A, v1  }
0x6f6: {  	v12 =	vld.idx.msk [tilespmem:v8+s15+$0x0], $0xffff  }
0x6f7: {  	v2 =	vadd.f32 v3, v2;
	v3 =	vmul.f32 v7, v13;
	v7 =	vld.idx.msk [tilespmem:v8+s16+$0x0], $0xffff;
	v8 =	vor.u32 $0x2B, v1  }
0x6f8: {  	v13 =	vld.idx.msk [tilespmem:v9+s15+$0x0], $0xffff  }
0x6f9: {  	v2 =	vadd.f32 v3, v2;
	v3 =	vmul.f32 v4, v10;
	v4 =	vld.idx.msk [tilespmem:v9+s16+$0x0], $0xffff;
	v9 =	vor.u32 $0x2C, v1  }
0x6fa: {  	v10 =	vld.idx.msk [tilespmem:v6+s15+$0x0], $0xffff  }
0x6fb: {  	v2 =	vadd.f32 v3, v2;
	v3 =	vmul.f32 v5, v11;
	v5 =	vld.idx.msk [tilespmem:v6+s16+$0x0], $0xffff;
	v6 =	vor.u32 $0x2D, v1  }
0x6fc: {  	v11 =	vld.idx.msk [tilespmem:v8+s15+$0x0], $0xffff  }
0x6fd: {  	v2 =	vadd.f32 v3, v2;
	v3 =	vmul.f32 v7, v12;
	v7 =	vld.idx.msk [tilespmem:v8+s16+$0x0], $0xffff;
	v8 =	vor.u32 $0x2E, v1  }
0x6fe: {  	v12 =	vld.idx.msk [tilespmem:v9+s15+$0x0], $0xffff  }
0x6ff: {  	v2 =	vadd.f32 v3, v2;
	v3 =	vmul.f32 v4, v13;
	v4 =	vld.idx.msk [tilespmem:v9+s16+$0x0], $0xffff;
	v9 =	vor.u32 $0x2F, v1  }
0x700: {  	v13 =	vld.idx.msk [tilespmem:v6+s15+$0x0], $0xffff  }
0x701: {  	v2 =	vadd.f32 v3, v2;
	v3 =	vmul.f32 v5, v10;
	v5 =	vld.idx.msk [tilespmem:v6+s16+$0x0], $0xffff;
	v6 =	vor.u32 $0x30, v1  }
0x702: {  	v10 =	vld.idx.msk [tilespmem:v8+s15+$0x0], $0xffff  }
0x703: {  	v2 =	vadd.f32 v3, v2;
	v3 =	vmul.f32 v7, v11;
	v7 =	vld.idx.msk [tilespmem:v8+s16+$0x0], $0xffff;
	v8 =	vor.u32 $0x31, v1  }
0x704: {  	v11 =	vld.idx.msk [tilespmem:v9+s15+$0x0], $0xffff  }
0x705: {  	v2 =	vadd.f32 v3, v2;
	v3 =	vmul.f32 v4, v12;
	v4 =	vld.idx.msk [tilespmem:v9+s16+$0x0], $0xffff;
	v9 =	vor.u32 $0x32, v1  }
0x706: {  	v12 =	vld.idx.msk [tilespmem:v6+s15+$0x0], $0xffff  }
0x707: {  	v2 =	vadd.f32 v3, v2;
	v3 =	vmul.f32 v5, v13;
	v5 =	vld.idx.msk [tilespmem:v6+s16+$0x0], $0xffff;
	v6 =	vor.u32 $0x33, v1  }
0x708: {  	v13 =	vld.idx.msk [tilespmem:v8+s15+$0x0], $0xffff  }
0x709: {  	v2 =	vadd.f32 v3, v2;
	v3 =	vmul.f32 v7, v10;
	v7 =	vld.idx.msk [tilespmem:v8+s16+$0x0], $0xffff;
	v8 =	vor.u32 $0x34, v1  }
0x70a: {  	v10 =	vld.idx.msk [tilespmem:v9+s15+$0x0], $0xffff  }
0x70b: {  	v2 =	vadd.f32 v3, v2;
	v3 =	vmul.f32 v4, v11;
	v4 =	vld.idx.msk [tilespmem:v9+s16+$0x0], $0xffff;
	v9 =	vor.u32 $0x35, v1  }
0x70c: {  	v11 =	vld.idx.msk [tilespmem:v6+s15+$0x0], $0xffff  }
0x70d: {  	v2 =	vadd.f32 v3, v2;
	v3 =	vmul.f32 v5, v12;
	v5 =	vld.idx.msk [tilespmem:v6+s16+$0x0], $0xffff;
	v6 =	vor.u32 $0x36, v1  }
0x70e: {  	v12 =	vld.idx.msk [tilespmem:v8+s15+$0x0], $0xffff  }
0x70f: {  	v2 =	vadd.f32 v3, v2;
	v3 =	vmul.f32 v7, v13;
	v7 =	vld.idx.msk [tilespmem:v8+s16+$0x0], $0xffff;
	v8 =	vor.u32 $0x37, v1  }
0x710: {  	v13 =	vld.idx.msk [tilespmem:v9+s15+$0x0], $0xffff  }
0x711: {  	v2 =	vadd.f32 v3, v2;
	v3 =	vmul.f32 v4, v10;
	v4 =	vld.idx.msk [tilespmem:v9+s16+$0x0], $0xffff;
	v9 =	vor.u32 $0x38, v1  }
0x712: {  	v10 =	vld.idx.msk [tilespmem:v6+s15+$0x0], $0xffff  }
0x713: {  	v2 =	vadd.f32 v3, v2;
	v3 =	vmul.f32 v5, v11;
	v5 =	vld.idx.msk [tilespmem:v6+s16+$0x0], $0xffff;
	v6 =	vor.u32 $0x39, v1  }
0x714: {  	v11 =	vld.idx.msk [tilespmem:v8+s15+$0x0], $0xffff  }
0x715: {  	v2 =	vadd.f32 v3, v2;
	v3 =	vmul.f32 v7, v12;
	v7 =	vld.idx.msk [tilespmem:v8+s16+$0x0], $0xffff;
	v8 =	vor.u32 $0x3A, v1  }
0x716: {  	v12 =	vld.idx.msk [tilespmem:v9+s15+$0x0], $0xffff  }
0x717: {  	v2 =	vadd.f32 v3, v2;
	v3 =	vmul.f32 v4, v13;
	v4 =	vld.idx.msk [tilespmem:v9+s16+$0x0], $0xffff;
	v9 =	vor.u32 $0x3B, v1  }
0x718: {  	v13 =	vld.idx.msk [tilespmem:v6+s15+$0x0], $0xffff  }
0x719: {  	v2 =	vadd.f32 v3, v2;
	v3 =	vmul.f32 v5, v10;
	v5 =	vld.idx.msk [tilespmem:v6+s16+$0x0], $0xffff;
	v6 =	vor.u32 $0x3C, v1  }
0x71a: {  	v10 =	vld.idx.msk [tilespmem:v8+s15+$0x0], $0xffff  }
0x71b: {  	v2 =	vadd.f32 v3, v2;
	v3 =	vmul.f32 v7, v11;
	v7 =	vld.idx.msk [tilespmem:v8+s16+$0x0], $0xffff;
	v8 =	vor.u32 $0x3D, v1  }
0x71c: {  	v11 =	vld.idx.msk [tilespmem:v9+s15+$0x0], $0xffff  }
0x71d: {  	v2 =	vadd.f32 v3, v2;
	v3 =	vmul.f32 v4, v12;
	v4 =	vld.idx.msk [tilespmem:v9+s16+$0x0], $0xffff;
	v9 =	vor.u32 $0x3E, v1  }
0x71e: {  	v12 =	vld.idx.msk [tilespmem:v6+s15+$0x0], $0xffff  }
0x71f: {  	v2 =	vadd.f32 v3, v2;
	v3 =	vmul.f32 v5, v13;
	v5 =	vld.idx.msk [tilespmem:v6+s16+$0x0], $0xffff;
	v6 =	vor.u32 $0x3F, v1  }
0x720: {  	v13 =	vld.idx.msk [tilespmem:v8+s15+$0x0], $0xffff  }
0x721: {  	v2 =	vadd.f32 v3, v2;
	v3 =	vmul.f32 v7, v10;
	v7 =	vld.idx.msk [tilespmem:v8+s16+$0x0], $0xffff;
	v8 =	vor.u32 $0x40, v1  }
0x722: {  	v10 =	vld.idx.msk [tilespmem:v9+s15+$0x0], $0xffff  }
0x723: {  	v2 =	vadd.f32 v3, v2;
	v3 =	vmul.f32 v4, v11;
	v4 =	vld.idx.msk [tilespmem:v9+s16+$0x0], $0xffff;
	v9 =	vor.u32 $0x41, v1  }
0x724: {  	v11 =	vld.idx.msk [tilespmem:v6+s15+$0x0], $0xffff  }
0x725: {  	v2 =	vadd.f32 v3, v2;
	v3 =	vmul.f32 v5, v12;
	v5 =	vld.idx.msk [tilespmem:v6+s16+$0x0], $0xffff;
	v6 =	vor.u32 $0x42, v1  }
0x726: {  	v12 =	vld.idx.msk [tilespmem:v8+s15+$0x0], $0xffff  }
0x727: {  	v2 =	vadd.f32 v3, v2;
	v3 =	vmul.f32 v7, v13;
	v7 =	vld.idx.msk [tilespmem:v8+s16+$0x0], $0xffff;
	v8 =	vor.u32 $0x43, v1  }
0x728: {  	v13 =	vld.idx.msk [tilespmem:v9+s15+$0x0], $0xffff  }
0x729: {  	v2 =	vadd.f32 v3, v2;
	v3 =	vmul.f32 v4, v10;
	v4 =	vld.idx.msk [tilespmem:v9+s16+$0x0], $0xffff;
	v9 =	vor.u32 $0x44, v1  }
0x72a: {  	v10 =	vld.idx.msk [tilespmem:v6+s15+$0x0], $0xffff  }
0x72b: {  	v2 =	vadd.f32 v3, v2;
	v3 =	vmul.f32 v5, v11;
	v5 =	vld.idx.msk [tilespmem:v6+s16+$0x0], $0xffff;
	v6 =	vor.u32 $0x45, v1  }
0x72c: {  	v11 =	vld.idx.msk [tilespmem:v8+s15+$0x0], $0xffff  }
0x72d: {  	v2 =	vadd.f32 v3, v2;
	v3 =	vmul.f32 v7, v12;
	v7 =	vld.idx.msk [tilespmem:v8+s16+$0x0], $0xffff;
	v8 =	vor.u32 $0x46, v1  }
0x72e: {  	v12 =	vld.idx.msk [tilespmem:v9+s15+$0x0], $0xffff  }
0x72f: {  	v2 =	vadd.f32 v3, v2;
	v3 =	vmul.f32 v4, v13;
	v4 =	vld.idx.msk [tilespmem:v9+s16+$0x0], $0xffff;
	v9 =	vor.u32 $0x47, v1  }
0x730: {  	v13 =	vld.idx.msk [tilespmem:v6+s15+$0x0], $0xffff  }
0x731: {  	v2 =	vadd.f32 v3, v2;
	v3 =	vmul.f32 v5, v10;
	v5 =	vld.idx.msk [tilespmem:v6+s16+$0x0], $0xffff;
	v6 =	vor.u32 $0x48, v1  }
0x732: {  	v10 =	vld.idx.msk [tilespmem:v8+s15+$0x0], $0xffff  }
0x733: {  	v2 =	vadd.f32 v3, v2;
	v3 =	vmul.f32 v7, v11;
	v7 =	vld.idx.msk [tilespmem:v8+s16+$0x0], $0xffff;
	v8 =	vor.u32 $0x49, v1  }
0x734: {  	v11 =	vld.idx.msk [tilespmem:v9+s15+$0x0], $0xffff  }
0x735: {  	v2 =	vadd.f32 v3, v2;
	v3 =	vmul.f32 v4, v12;
	v4 =	vld.idx.msk [tilespmem:v9+s16+$0x0], $0xffff;
	v9 =	vor.u32 $0x4A, v1  }
0x736: {  	v12 =	vld.idx.msk [tilespmem:v6+s15+$0x0], $0xffff  }
0x737: {  	v2 =	vadd.f32 v3, v2;
	v3 =	vmul.f32 v5, v13;
	v5 =	vld.idx.msk [tilespmem:v6+s16+$0x0], $0xffff;
	v6 =	vor.u32 $0x4B, v1  }
0x738: {  	v13 =	vld.idx.msk [tilespmem:v8+s15+$0x0], $0xffff  }
0x739: {  	v2 =	vadd.f32 v3, v2;
	v3 =	vmul.f32 v7, v10;
	v7 =	vld.idx.msk [tilespmem:v8+s16+$0x0], $0xffff;
	v8 =	vor.u32 $0x4C, v1  }
0x73a: {  	v10 =	vld.idx.msk [tilespmem:v9+s15+$0x0], $0xffff  }
0x73b: {  	v2 =	vadd.f32 v3, v2;
	v3 =	vmul.f32 v4, v11;
	v4 =	vld.idx.msk [tilespmem:v9+s16+$0x0], $0xffff;
	v9 =	vor.u32 $0x4D, v1  }
0x73c: {  	v11 =	vld.idx.msk [tilespmem:v6+s15+$0x0], $0xffff  }
0x73d: {  	v2 =	vadd.f32 v3, v2;
	v3 =	vmul.f32 v5, v12;
	v5 =	vld.idx.msk [tilespmem:v6+s16+$0x0], $0xffff;
	v6 =	vor.u32 $0x4E, v1  }
0x73e: {  	v12 =	vld.idx.msk [tilespmem:v8+s15+$0x0], $0xffff  }
0x73f: {  	v2 =	vadd.f32 v3, v2;
	v3 =	vmul.f32 v7, v13;
	v7 =	vld.idx.msk [tilespmem:v8+s16+$0x0], $0xffff;
	v8 =	vor.u32 $0x4F, v1  }
0x740: {  	v13 =	vld.idx.msk [tilespmem:v9+s15+$0x0], $0xffff  }
0x741: {  	v2 =	vadd.f32 v3, v2;
	v3 =	vmul.f32 v4, v10;
	v4 =	vld.idx.msk [tilespmem:v9+s16+$0x0], $0xffff;
	v9 =	vor.u32 $0x50, v1  }
0x742: {  	v10 =	vld.idx.msk [tilespmem:v6+s15+$0x0], $0xffff  }
0x743: {  	v2 =	vadd.f32 v3, v2;
	v3 =	vmul.f32 v5, v11;
	v5 =	vld.idx.msk [tilespmem:v6+s16+$0x0], $0xffff;
	v6 =	vor.u32 $0x51, v1  }
0x744: {  	v11 =	vld.idx.msk [tilespmem:v8+s15+$0x0], $0xffff  }
0x745: {  	v2 =	vadd.f32 v3, v2;
	v3 =	vmul.f32 v7, v12;
	v7 =	vld.idx.msk [tilespmem:v8+s16+$0x0], $0xffff;
	v8 =	vor.u32 $0x52, v1  }
0x746: {  	v12 =	vld.idx.msk [tilespmem:v9+s15+$0x0], $0xffff  }
0x747: {  	v2 =	vadd.f32 v3, v2;
	v3 =	vmul.f32 v4, v13;
	v4 =	vld.idx.msk [tilespmem:v9+s16+$0x0], $0xffff;
	v9 =	vor.u32 $0x53, v1  }
0x748: {  	v13 =	vld.idx.msk [tilespmem:v6+s15+$0x0], $0xffff  }
0x749: {  	v2 =	vadd.f32 v3, v2;
	v3 =	vmul.f32 v5, v10;
	v5 =	vld.idx.msk [tilespmem:v6+s16+$0x0], $0xffff;
	v6 =	vor.u32 $0x54, v1  }
0x74a: {  	v10 =	vld.idx.msk [tilespmem:v8+s15+$0x0], $0xffff  }
0x74b: {  	v2 =	vadd.f32 v3, v2;
	v3 =	vmul.f32 v7, v11;
	v7 =	vld.idx.msk [tilespmem:v8+s16+$0x0], $0xffff;
	v8 =	vor.u32 $0x55, v1  }
0x74c: {  	v11 =	vld.idx.msk [tilespmem:v9+s15+$0x0], $0xffff  }
0x74d: {  	v2 =	vadd.f32 v3, v2;
	v3 =	vmul.f32 v4, v12;
	v4 =	vld.idx.msk [tilespmem:v9+s16+$0x0], $0xffff;
	v9 =	vor.u32 $0x56, v1  }
0x74e: {  	v12 =	vld.idx.msk [tilespmem:v6+s15+$0x0], $0xffff  }
0x74f: {  	v2 =	vadd.f32 v3, v2;
	v3 =	vmul.f32 v5, v13;
	v5 =	vld.idx.msk [tilespmem:v6+s16+$0x0], $0xffff;
	v6 =	vor.u32 $0x57, v1  }
0x750: {  	v13 =	vld.idx.msk [tilespmem:v8+s15+$0x0], $0xffff  }
0x751: {  	v2 =	vadd.f32 v3, v2;
	v3 =	vmul.f32 v7, v10;
	v7 =	vld.idx.msk [tilespmem:v8+s16+$0x0], $0xffff;
	v8 =	vor.u32 $0x58, v1  }
0x752: {  	v10 =	vld.idx.msk [tilespmem:v9+s15+$0x0], $0xffff  }
0x753: {  	v2 =	vadd.f32 v3, v2;
	v3 =	vmul.f32 v4, v11;
	v4 =	vld.idx.msk [tilespmem:v9+s16+$0x0], $0xffff;
	v9 =	vor.u32 $0x59, v1  }
0x754: {  	v11 =	vld.idx.msk [tilespmem:v6+s15+$0x0], $0xffff  }
0x755: {  	v2 =	vadd.f32 v3, v2;
	v3 =	vmul.f32 v5, v12;
	v5 =	vld.idx.msk [tilespmem:v6+s16+$0x0], $0xffff;
	v6 =	vor.u32 $0x5A, v1  }
0x756: {  	v12 =	vld.idx.msk [tilespmem:v8+s15+$0x0], $0xffff  }
0x757: {  	v2 =	vadd.f32 v3, v2;
	v3 =	vmul.f32 v7, v13;
	v7 =	vld.idx.msk [tilespmem:v8+s16+$0x0], $0xffff;
	v8 =	vor.u32 $0x5B, v1  }
0x758: {  	v13 =	vld.idx.msk [tilespmem:v9+s15+$0x0], $0xffff  }
0x759: {  	v2 =	vadd.f32 v3, v2;
	v3 =	vmul.f32 v4, v10;
	v4 =	vld.idx.msk [tilespmem:v9+s16+$0x0], $0xffff;
	v9 =	vor.u32 $0x5C, v1  }
0x75a: {  	v10 =	vld.idx.msk [tilespmem:v6+s15+$0x0], $0xffff  }
0x75b: {  	v2 =	vadd.f32 v3, v2;
	v3 =	vmul.f32 v5, v11;
	v5 =	vld.idx.msk [tilespmem:v6+s16+$0x0], $0xffff;
	v6 =	vor.u32 $0x5D, v1  }
0x75c: {  	v11 =	vld.idx.msk [tilespmem:v8+s15+$0x0], $0xffff  }
0x75d: {  	v2 =	vadd.f32 v3, v2;
	v3 =	vmul.f32 v7, v12;
	v7 =	vld.idx.msk [tilespmem:v8+s16+$0x0], $0xffff;
	v8 =	vor.u32 $0x5E, v1  }
0x75e: {  	v12 =	vld.idx.msk [tilespmem:v9+s15+$0x0], $0xffff  }
0x75f: {  	v2 =	vadd.f32 v3, v2;
	v3 =	vmul.f32 v4, v13;
	v4 =	vld.idx.msk [tilespmem:v9+s16+$0x0], $0xffff;
	v9 =	vor.u32 $0x5F, v1  }
0x760: {  	v13 =	vld.idx.msk [tilespmem:v6+s15+$0x0], $0xffff  }
0x761: {  	v2 =	vadd.f32 v3, v2;
	v3 =	vmul.f32 v5, v10;
	v5 =	vld.idx.msk [tilespmem:v6+s16+$0x0], $0xffff;
	v6 =	vor.u32 $0x60, v1  }
0x762: {  	v10 =	vld.idx.msk [tilespmem:v8+s15+$0x0], $0xffff  }
0x763: {  	v2 =	vadd.f32 v3, v2;
	v3 =	vmul.f32 v7, v11;
	v7 =	vld.idx.msk [tilespmem:v8+s16+$0x0], $0xffff;
	v8 =	vor.u32 $0x61, v1  }
0x764: {  	v11 =	vld.idx.msk [tilespmem:v9+s15+$0x0], $0xffff  }
0x765: {  	v2 =	vadd.f32 v3, v2;
	v3 =	vmul.f32 v4, v12;
	v4 =	vld.idx.msk [tilespmem:v9+s16+$0x0], $0xffff;
	v9 =	vor.u32 $0x62, v1  }
0x766: {  	v12 =	vld.idx.msk [tilespmem:v6+s15+$0x0], $0xffff  }
0x767: {  	v2 =	vadd.f32 v3, v2;
	v3 =	vmul.f32 v5, v13;
	v5 =	vld.idx.msk [tilespmem:v6+s16+$0x0], $0xffff;
	v6 =	vor.u32 $0x63, v1  }
0x768: {  	v13 =	vld.idx.msk [tilespmem:v8+s15+$0x0], $0xffff  }
0x769: {  	v2 =	vadd.f32 v3, v2;
	v3 =	vmul.f32 v7, v10;
	v7 =	vld.idx.msk [tilespmem:v8+s16+$0x0], $0xffff;
	v8 =	vor.u32 $0x64, v1  }
0x76a: {  	v10 =	vld.idx.msk [tilespmem:v9+s15+$0x0], $0xffff  }
0x76b: {  	v2 =	vadd.f32 v3, v2;
	v3 =	vmul.f32 v4, v11;
	v4 =	vld.idx.msk [tilespmem:v9+s16+$0x0], $0xffff;
	v9 =	vor.u32 $0x65, v1  }
0x76c: {  	v11 =	vld.idx.msk [tilespmem:v6+s15+$0x0], $0xffff  }
0x76d: {  	v2 =	vadd.f32 v3, v2;
	v3 =	vmul.f32 v5, v12;
	v5 =	vld.idx.msk [tilespmem:v6+s16+$0x0], $0xffff;
	v6 =	vor.u32 $0x66, v1  }
0x76e: {  	v12 =	vld.idx.msk [tilespmem:v8+s15+$0x0], $0xffff  }
0x76f: {  	v2 =	vadd.f32 v3, v2;
	v3 =	vmul.f32 v7, v13;
	v7 =	vld.idx.msk [tilespmem:v8+s16+$0x0], $0xffff;
	v8 =	vor.u32 $0x67, v1  }
0x770: {  	v13 =	vld.idx.msk [tilespmem:v9+s15+$0x0], $0xffff  }
0x771: {  	v2 =	vadd.f32 v3, v2;
	v3 =	vmul.f32 v4, v10;
	v4 =	vld.idx.msk [tilespmem:v9+s16+$0x0], $0xffff;
	v9 =	vor.u32 $0x68, v1  }
0x772: {  	v10 =	vld.idx.msk [tilespmem:v6+s15+$0x0], $0xffff  }
0x773: {  	v2 =	vadd.f32 v3, v2;
	v3 =	vmul.f32 v5, v11;
	v5 =	vld.idx.msk [tilespmem:v6+s16+$0x0], $0xffff;
	v6 =	vor.u32 $0x69, v1  }
0x774: {  	v11 =	vld.idx.msk [tilespmem:v8+s15+$0x0], $0xffff  }
0x775: {  	v2 =	vadd.f32 v3, v2;
	v3 =	vmul.f32 v7, v12;
	v7 =	vld.idx.msk [tilespmem:v8+s16+$0x0], $0xffff;
	v8 =	vor.u32 $0x6A, v1  }
0x776: {  	v12 =	vld.idx.msk [tilespmem:v9+s15+$0x0], $0xffff  }
0x777: {  	v2 =	vadd.f32 v3, v2;
	v3 =	vmul.f32 v4, v13;
	v4 =	vld.idx.msk [tilespmem:v9+s16+$0x0], $0xffff;
	v9 =	vor.u32 $0x6B, v1  }
0x778: {  	v13 =	vld.idx.msk [tilespmem:v6+s15+$0x0], $0xffff  }
0x779: {  	v2 =	vadd.f32 v3, v2;
	v3 =	vmul.f32 v5, v10;
	v5 =	vld.idx.msk [tilespmem:v6+s16+$0x0], $0xffff;
	v6 =	vor.u32 $0x6C, v1  }
0x77a: {  	v10 =	vld.idx.msk [tilespmem:v8+s15+$0x0], $0xffff  }
0x77b: {  	v2 =	vadd.f32 v3, v2;
	v3 =	vmul.f32 v7, v11;
	v7 =	vld.idx.msk [tilespmem:v8+s16+$0x0], $0xffff;
	v8 =	vor.u32 $0x6D, v1  }
0x77c: {  	v11 =	vld.idx.msk [tilespmem:v9+s15+$0x0], $0xffff  }
0x77d: {  	v2 =	vadd.f32 v3, v2;
	v3 =	vmul.f32 v4, v12;
	v4 =	vld.idx.msk [tilespmem:v9+s16+$0x0], $0xffff;
	v9 =	vor.u32 $0x6E, v1  }
0x77e: {  	v12 =	vld.idx.msk [tilespmem:v6+s15+$0x0], $0xffff  }
0x77f: {  	v2 =	vadd.f32 v3, v2;
	v3 =	vmul.f32 v5, v13;
	v5 =	vld.idx.msk [tilespmem:v6+s16+$0x0], $0xffff;
	v6 =	vor.u32 $0x6F, v1  }
0x780: {  	v13 =	vld.idx.msk [tilespmem:v8+s15+$0x0], $0xffff  }
0x781: {  	v2 =	vadd.f32 v3, v2;
	v3 =	vmul.f32 v7, v10;
	v7 =	vld.idx.msk [tilespmem:v8+s16+$0x0], $0xffff;
	v8 =	vor.u32 $0x70, v1  }
0x782: {  	v10 =	vld.idx.msk [tilespmem:v9+s15+$0x0], $0xffff  }
0x783: {  	v2 =	vadd.f32 v3, v2;
	v3 =	vmul.f32 v4, v11;
	v4 =	vld.idx.msk [tilespmem:v9+s16+$0x0], $0xffff;
	v9 =	vor.u32 $0x71, v1  }
0x784: {  	v11 =	vld.idx.msk [tilespmem:v6+s15+$0x0], $0xffff  }
0x785: {  	v2 =	vadd.f32 v3, v2;
	v3 =	vmul.f32 v5, v12;
	v5 =	vld.idx.msk [tilespmem:v6+s16+$0x0], $0xffff;
	v6 =	vor.u32 $0x72, v1  }
0x786: {  	v12 =	vld.idx.msk [tilespmem:v8+s15+$0x0], $0xffff  }
0x787: {  	v2 =	vadd.f32 v3, v2;
	v3 =	vmul.f32 v7, v13;
	v7 =	vld.idx.msk [tilespmem:v8+s16+$0x0], $0xffff;
	v8 =	vor.u32 $0x73, v1  }
0x788: {  	v13 =	vld.idx.msk [tilespmem:v9+s15+$0x0], $0xffff  }
0x789: {  	v2 =	vadd.f32 v3, v2;
	v3 =	vmul.f32 v4, v10;
	v4 =	vld.idx.msk [tilespmem:v9+s16+$0x0], $0xffff;
	v9 =	vor.u32 $0x74, v1  }
0x78a: {  	v10 =	vld.idx.msk [tilespmem:v6+s15+$0x0], $0xffff  }
0x78b: {  	v2 =	vadd.f32 v3, v2;
	v3 =	vmul.f32 v5, v11;
	v5 =	vld.idx.msk [tilespmem:v6+s16+$0x0], $0xffff;
	v6 =	vor.u32 $0x75, v1  }
0x78c: {  	v11 =	vld.idx.msk [tilespmem:v8+s15+$0x0], $0xffff  }
0x78d: {  	v2 =	vadd.f32 v3, v2;
	v3 =	vmul.f32 v7, v12;
	v7 =	vld.idx.msk [tilespmem:v8+s16+$0x0], $0xffff;
	v8 =	vor.u32 $0x76, v1  }
0x78e: {  	v12 =	vld.idx.msk [tilespmem:v9+s15+$0x0], $0xffff  }
0x78f: {  	v2 =	vadd.f32 v3, v2;
	v3 =	vmul.f32 v4, v13;
	v4 =	vld.idx.msk [tilespmem:v9+s16+$0x0], $0xffff;
	v9 =	vor.u32 $0x77, v1  }
0x790: {  	v13 =	vld.idx.msk [tilespmem:v6+s15+$0x0], $0xffff  }
0x791: {  	v2 =	vadd.f32 v3, v2;
	v3 =	vmul.f32 v5, v10;
	v5 =	vld.idx.msk [tilespmem:v6+s16+$0x0], $0xffff;
	v6 =	vor.u32 $0x78, v1  }
0x792: {  	v10 =	vld.idx.msk [tilespmem:v8+s15+$0x0], $0xffff  }
0x793: {  	v2 =	vadd.f32 v3, v2;
	v3 =	vmul.f32 v7, v11;
	v7 =	vld.idx.msk [tilespmem:v8+s16+$0x0], $0xffff;
	v8 =	vor.u32 $0x79, v1  }
0x794: {  	v11 =	vld.idx.msk [tilespmem:v9+s15+$0x0], $0xffff  }
0x795: {  	v2 =	vadd.f32 v3, v2;
	v3 =	vmul.f32 v4, v12;
	v4 =	vld.idx.msk [tilespmem:v9+s16+$0x0], $0xffff;
	v9 =	vor.u32 $0x7A, v1  }
0x796: {  	v12 =	vld.idx.msk [tilespmem:v6+s15+$0x0], $0xffff  }
0x797: {  	v2 =	vadd.f32 v3, v2;
	v3 =	vmul.f32 v5, v13;
	v5 =	vld.idx.msk [tilespmem:v6+s16+$0x0], $0xffff;
	v6 =	vor.u32 $0x7B, v1  }
0x798: {  	v13 =	vld.idx.msk [tilespmem:v8+s15+$0x0], $0xffff  }
0x799: {  	v2 =	vadd.f32 v3, v2;
	v3 =	vmul.f32 v7, v10;
	v7 =	vld.idx.msk [tilespmem:v8+s16+$0x0], $0xffff;
	v8 =	vor.u32 $0x7C, v1  }
0x79a: {  	v10 =	vld.idx.msk [tilespmem:v9+s15+$0x0], $0xffff  }
0x79b: {  	v2 =	vadd.f32 v3, v2;
	v3 =	vmul.f32 v4, v11;
	v4 =	vld.idx.msk [tilespmem:v9+s16+$0x0], $0xffff;
	v9 =	vor.u32 $0x7D, v1  }
0x79c: {  	v11 =	vld.idx.msk [tilespmem:v6+s15+$0x0], $0xffff  }
0x79d: {  	v2 =	vadd.f32 v3, v2;
	v3 =	vmul.f32 v5, v12;
	v5 =	vld.idx.msk [tilespmem:v6+s16+$0x0], $0xffff;
	v6 =	vor.u32 $0x7E, v1  }
0x79e: {  	v12 =	vld.idx.msk [tilespmem:v8+s15+$0x0], $0xffff  }
0x79f: {  	v1 =	vor.u32 $0x7F, v1;
	v2 =	vadd.f32 v3, v2;
	v3 =	vmul.f32 v7, v13;
	v7 =	vld.idx.msk [tilespmem:v8+s16+$0x0], $0xffff  }
0x7a0: {  	v8 =	vld.idx.msk [tilespmem:v9+s15+$0x0], $0xffff  }
0x7a1: {  	v2 =	vadd.f32 v3, v2;
	v3 =	vmul.f32 v4, v10;
	v4 =	vld.idx.msk [tilespmem:v9+s16+$0x0], $0xffff  }
0x7a2: {  	v9 =	vld.idx.msk [tilespmem:v6+s15+$0x0], $0xffff  }
0x7a3: {  	v2 =	vadd.f32 v3, v2;
	v3 =	vmul.f32 v5, v11;
	v5 =	vld.idx.msk [tilespmem:v6+s16+$0x0], $0xffff  }
0x7a4: {  	v6 =	vld.idx.msk [tilespmem:v1+s15+$0x0], $0xffff  }
0x7a5: {  	v2 =	vadd.f32 v3, v2;
	v3 =	vmul.f32 v7, v12;
	v1 =	vld.idx.msk [tilespmem:v1+s16+$0x0], $0xffff;
	_ =	sdelay $0x1  }
0x7a6: {  	v2 =	vadd.f32 v3, v2;
	v3 =	vmul.f32 v4, v8;
	_ =	sdelay $0x1  }
0x7a7: {  	v2 =	vadd.f32 v3, v2;
	v3 =	vmul.f32 v5, v9;
	_ =	sdelay $0x1  }
0x7a8: {  	v2 =	vadd.f32 v3, v2;
	v1 =	vmul.f32 v1, v6;
	_ =	sdelay $0x1  }
0x7a9: {  	v1 =	vadd.f32 v1, v2;
	_ =	sdelay $0x1  }
0x7aa: {  	v1 =	vsub.f32 $0.0e+00, v1;
	_ =	sdelay $0x1  }
0x7ab: {  	v1 =	vmul.f32 $1.442695020e+00, v1;
	_ =	sdelay $0x1  }
0x7ac: {  	(erf) = vpow2.f32 v1;
	_ =	sdelay $0x8  }
0x7ad: {  	v1 =	vpop (erf)  }
0x7ae: {  	v1 =	vadd.f32 $1.000000000e+00, v1;
	_ =	sdelay $0x1  }
0x7af: {  	(erf) = vrcp.f32 v1  }
.Ltmp7:
0x7b0: {  	(pc) =	sbr.rel @p0 .LBB2_7-.Ltmp7, $3  }
0x7b1: {  	_ =	sdelay $0x1  }
0x7b2: {  	v1 =	vmov s23  }
0x7b3: {  	s23 =	sadd.s32 $0x10, s23;
	v1 =	vshll.u32 v1, $0x7  }
0x7b4: {  	v1 =	vor.u32 v0, v1;
	_ =	sdelay $0x1  }
0x7b5: {  	v2 =	vor.u32 $0x1, v1  }
0x7b6: {  	s22 =	sadd.s32 $0x10, s22;
	v3 =	vpop (erf)  }
0x7b7: {  	v4 =	vor.u32 $0x2, v1;
	[tilespmem:s22+$0x0] =	vst v3  }
0x7b8: {  	v3 =	vld.idx.msk [tilespmem:v1+s16+$0x0], $0xffff  }
0x7b9: {  	v6 =	vor.u32 $0x3, v1;
	v5 =	vld.idx.msk [tilespmem:v1+s15+$0x0], $0xffff  }
0x7ba: {  	v7 =	vld.idx.msk [tilespmem:v2+s15+$0x0], $0xffff  }
0x7bb: {  	v8 =	vor.u32 $0x4, v1;
	v2 =	vld.idx.msk [tilespmem:v2+s16+$0x0], $0xffff  }
0x7bc: {  	v9 =	vld.idx.msk [tilespmem:v4+s15+$0x0], $0xffff  }
0x7bd: {  	v10 =	vor.u32 $0x5, v1;
	v4 =	vld.idx.msk [tilespmem:v4+s16+$0x0], $0xffff  }
0x7be: {  	v11 =	vld.idx.msk [tilespmem:v6+s15+$0x0], $0xffff;
	v3 =	vmul.f32 v3, v5  }
0x7bf: {  	v34 =	vor.u32 $0x6, v1;
	v33 =	vld.idx.msk [tilespmem:v6+s16+$0x0], $0xffff  }
0x7c0: {  	v12 =	vld.idx.msk [tilespmem:v8+s15+$0x0], $0xffff;
	v2 =	vmul.f32 v2, v7;
	v3 =	vadd.f32 $0.0e+00, v3  }
0x7c1: {  	v36 =	vor.u32 $0x7, v1;
	v35 =	vld.idx.msk [tilespmem:v8+s16+$0x0], $0xffff  }
0x7c2: {  	v13 =	vld.idx.msk [tilespmem:v10+s15+$0x0], $0xffff;
	v2 =	vadd.f32 v2, v3;
	v3 =	vmul.f32 v4, v9  }
0x7c3: {  	v38 =	vor.u32 $0x8, v1;
	v37 =	vld.idx.msk [tilespmem:v10+s16+$0x0], $0xffff  }
0x7c4: {  	v39 =	vld.idx.msk [tilespmem:v34+s15+$0x0], $0xffff;
	v2 =	vadd.f32 v3, v2;
	v3 =	vmul.f32 v33, v11  }
0x7c5: {  	v41 =	vor.u32 $0x9, v1;
	v40 =	vld.idx.msk [tilespmem:v34+s16+$0x0], $0xffff  }
0x7c6: {  	v42 =	vld.idx.msk [tilespmem:v36+s15+$0x0], $0xffff;
	v2 =	vadd.f32 v3, v2;
	v3 =	vmul.f32 v35, v12  }
0x7c7: {  	v44 =	vor.u32 $0xA, v1;
	v43 =	vld.idx.msk [tilespmem:v36+s16+$0x0], $0xffff  }
0x7c8: {  	v45 =	vld.idx.msk [tilespmem:v38+s15+$0x0], $0xffff;
	v2 =	vadd.f32 v3, v2;
	v3 =	vmul.f32 v37, v13  }
0x7c9: {  	v47 =	vor.u32 $0xB, v1;
	v46 =	vld.idx.msk [tilespmem:v38+s16+$0x0], $0xffff  }
0x7ca: {  	v48 =	vld.idx.msk [tilespmem:v41+s15+$0x0], $0xffff;
	v2 =	vadd.f32 v3, v2;
	v3 =	vmul.f32 v40, v39  }
0x7cb: {  	v50 =	vor.u32 $0xC, v1;
	v49 =	vld.idx.msk [tilespmem:v41+s16+$0x0], $0xffff  }
0x7cc: {  	v51 =	vld.idx.msk [tilespmem:v44+s15+$0x0], $0xffff;
	v2 =	vadd.f32 v3, v2;
	v3 =	vmul.f32 v43, v42  }
0x7cd: {  	v53 =	vor.u32 $0xD, v1;
	v52 =	vld.idx.msk [tilespmem:v44+s16+$0x0], $0xffff  }
0x7ce: {  	v54 =	vld.idx.msk [tilespmem:v47+s15+$0x0], $0xffff;
	v2 =	vadd.f32 v3, v2;
	v3 =	vmul.f32 v46, v45  }
0x7cf: {  	v56 =	vor.u32 $0xE, v1;
	v55 =	vld.idx.msk [tilespmem:v47+s16+$0x0], $0xffff  }
0x7d0: {  	v57 =	vld.idx.msk [tilespmem:v50+s15+$0x0], $0xffff;
	v2 =	vadd.f32 v3, v2;
	v3 =	vmul.f32 v49, v48  }
0x7d1: {  	v59 =	vor.u32 $0xF, v1;
	v58 =	vld.idx.msk [tilespmem:v50+s16+$0x0], $0xffff  }
0x7d2: {  	v60 =	vld.idx.msk [tilespmem:v53+s15+$0x0], $0xffff;
	v2 =	vadd.f32 v3, v2;
	v3 =	vmul.f32 v52, v51  }
0x7d3: {  	v62 =	vor.u32 $0x10, v1;
	v61 =	vld.idx.msk [tilespmem:v53+s16+$0x0], $0xffff  }
0x7d4: {  	v63 =	vld.idx.msk [tilespmem:v56+s15+$0x0], $0xffff;
	v2 =	vadd.f32 v3, v2;
	v3 =	vmul.f32 v55, v54  }
0x7d5: {  	v17 =	vor.u32 $0x11, v1;
	v16 =	vld.idx.msk [tilespmem:v56+s16+$0x0], $0xffff  }
0x7d6: {  	v18 =	vld.idx.msk [tilespmem:v59+s15+$0x0], $0xffff;
	v2 =	vadd.f32 v3, v2;
	v3 =	vmul.f32 v58, v57  }
0x7d7: {  	v20 =	vor.u32 $0x12, v1;
	v19 =	vld.idx.msk [tilespmem:v59+s16+$0x0], $0xffff  }
0x7d8: {  	v21 =	vld.idx.msk [tilespmem:v62+s15+$0x0], $0xffff;
	v2 =	vadd.f32 v3, v2;
	v3 =	vmul.f32 v61, v60  }
0x7d9: {  	v23 =	vor.u32 $0x13, v1;
	v22 =	vld.idx.msk [tilespmem:v62+s16+$0x0], $0xffff  }
0x7da: {  	v24 =	vld.idx.msk [tilespmem:v17+s15+$0x0], $0xffff;
	v2 =	vadd.f32 v3, v2;
	v3 =	vmul.f32 v16, v63  }
0x7db: {  	v26 =	vor.u32 $0x14, v1;
	v25 =	vld.idx.msk [tilespmem:v17+s16+$0x0], $0xffff  }
0x7dc: {  	v27 =	vld.idx.msk [tilespmem:v20+s15+$0x0], $0xffff;
	v2 =	vadd.f32 v3, v2;
	v3 =	vmul.f32 v19, v18  }
0x7dd: {  	v29 =	vor.u32 $0x15, v1;
	v28 =	vld.idx.msk [tilespmem:v20+s16+$0x0], $0xffff  }
0x7de: {  	v30 =	vld.idx.msk [tilespmem:v23+s15+$0x0], $0xffff;
	v2 =	vadd.f32 v3, v2;
	v3 =	vmul.f32 v22, v21  }
0x7df: {  	v32 =	vor.u32 $0x16, v1;
	v31 =	vld.idx.msk [tilespmem:v23+s16+$0x0], $0xffff  }
0x7e0: {  	v34 =	vld.idx.msk [tilespmem:v26+s16+$0x0], $0xffff;
	v2 =	vadd.f32 v3, v2;
	v3 =	vmul.f32 v25, v24  }
0x7e1: {  	v33 =	vld.idx.msk [tilespmem:v26+s15+$0x0], $0xffff;
	v35 =	vor.u32 $0x17, v1  }
0x7e2: {  	v36 =	vld.idx.msk [tilespmem:v29+s15+$0x0], $0xffff;
	v2 =	vadd.f32 v3, v2;
	v3 =	vmul.f32 v28, v27  }
0x7e3: {  	v38 =	vor.u32 $0x18, v1;
	v37 =	vld.idx.msk [tilespmem:v29+s16+$0x0], $0xffff  }
0x7e4: {  	v39 =	vld.idx.msk [tilespmem:v32+s15+$0x0], $0xffff;
	v2 =	vadd.f32 v3, v2;
	v3 =	vmul.f32 v31, v30  }
0x7e5: {  	v41 =	vor.u32 $0x19, v1;
	v40 =	vld.idx.msk [tilespmem:v32+s16+$0x0], $0xffff  }
0x7e6: {  	v42 =	vld.idx.msk [tilespmem:v35+s15+$0x0], $0xffff;
	v2 =	vadd.f32 v3, v2;
	v3 =	vmul.f32 v34, v33  }
0x7e7: {  	v44 =	vor.u32 $0x1A, v1;
	v43 =	vld.idx.msk [tilespmem:v35+s16+$0x0], $0xffff  }
0x7e8: {  	v45 =	vld.idx.msk [tilespmem:v38+s15+$0x0], $0xffff;
	v2 =	vadd.f32 v3, v2;
	v3 =	vmul.f32 v37, v36  }
0x7e9: {  	v47 =	vor.u32 $0x1B, v1;
	v46 =	vld.idx.msk [tilespmem:v38+s16+$0x0], $0xffff  }
0x7ea: {  	v48 =	vld.idx.msk [tilespmem:v41+s15+$0x0], $0xffff;
	v2 =	vadd.f32 v3, v2;
	v3 =	vmul.f32 v40, v39  }
0x7eb: {  	v50 =	vor.u32 $0x1C, v1;
	v49 =	vld.idx.msk [tilespmem:v41+s16+$0x0], $0xffff  }
0x7ec: {  	v51 =	vld.idx.msk [tilespmem:v44+s15+$0x0], $0xffff;
	v2 =	vadd.f32 v3, v2;
	v3 =	vmul.f32 v43, v42  }
0x7ed: {  	v53 =	vor.u32 $0x1D, v1;
	v52 =	vld.idx.msk [tilespmem:v44+s16+$0x0], $0xffff  }
0x7ee: {  	v54 =	vld.idx.msk [tilespmem:v47+s15+$0x0], $0xffff;
	v2 =	vadd.f32 v3, v2;
	v3 =	vmul.f32 v46, v45  }
0x7ef: {  	v56 =	vor.u32 $0x1E, v1;
	v55 =	vld.idx.msk [tilespmem:v47+s16+$0x0], $0xffff  }
0x7f0: {  	v57 =	vld.idx.msk [tilespmem:v50+s15+$0x0], $0xffff;
	v2 =	vadd.f32 v3, v2;
	v3 =	vmul.f32 v49, v48  }
0x7f1: {  	v59 =	vor.u32 $0x1F, v1;
	v58 =	vld.idx.msk [tilespmem:v50+s16+$0x0], $0xffff  }
0x7f2: {  	v60 =	vld.idx.msk [tilespmem:v53+s15+$0x0], $0xffff;
	v2 =	vadd.f32 v3, v2;
	v3 =	vmul.f32 v52, v51  }
0x7f3: {  	v62 =	vor.u32 $0x20, v1;
	v61 =	vld.idx.msk [tilespmem:v53+s16+$0x0], $0xffff  }
0x7f4: {  	v63 =	vld.idx.msk [tilespmem:v56+s15+$0x0], $0xffff;
	v2 =	vadd.f32 v3, v2;
	v3 =	vmul.f32 v55, v54  }
0x7f5: {  	v17 =	vor.u32 $0x21, v1;
	v16 =	vld.idx.msk [tilespmem:v56+s16+$0x0], $0xffff  }
0x7f6: {  	v18 =	vld.idx.msk [tilespmem:v59+s15+$0x0], $0xffff;
	v2 =	vadd.f32 v3, v2;
	v3 =	vmul.f32 v58, v57  }
0x7f7: {  	v20 =	vor.u32 $0x22, v1;
	v19 =	vld.idx.msk [tilespmem:v59+s16+$0x0], $0xffff  }
0x7f8: {  	v21 =	vld.idx.msk [tilespmem:v62+s15+$0x0], $0xffff;
	v2 =	vadd.f32 v3, v2;
	v3 =	vmul.f32 v61, v60  }
0x7f9: {  	v23 =	vor.u32 $0x23, v1;
	v22 =	vld.idx.msk [tilespmem:v62+s16+$0x0], $0xffff  }
0x7fa: {  	v24 =	vld.idx.msk [tilespmem:v17+s15+$0x0], $0xffff;
	v2 =	vadd.f32 v3, v2;
	v3 =	vmul.f32 v16, v63  }
0x7fb: {  	v26 =	vor.u32 $0x24, v1;
	v25 =	vld.idx.msk [tilespmem:v17+s16+$0x0], $0xffff  }
0x7fc: {  	v27 =	vld.idx.msk [tilespmem:v20+s15+$0x0], $0xffff;
	v2 =	vadd.f32 v3, v2;
	v3 =	vmul.f32 v19, v18  }
0x7fd: {  	v29 =	vor.u32 $0x25, v1;
	v28 =	vld.idx.msk [tilespmem:v20+s16+$0x0], $0xffff  }
0x7fe: {  	v30 =	vld.idx.msk [tilespmem:v23+s15+$0x0], $0xffff;
	v2 =	vadd.f32 v3, v2;
	v3 =	vmul.f32 v22, v21  }
0x7ff: {  	v32 =	vor.u32 $0x26, v1;
	v31 =	vld.idx.msk [tilespmem:v23+s16+$0x0], $0xffff  }
0x800: {  	v33 =	vld.idx.msk [tilespmem:v26+s15+$0x0], $0xffff;
	v2 =	vadd.f32 v3, v2;
	v3 =	vmul.f32 v25, v24  }
0x801: {  	v35 =	vor.u32 $0x27, v1;
	v34 =	vld.idx.msk [tilespmem:v26+s16+$0x0], $0xffff  }
0x802: {  	v36 =	vld.idx.msk [tilespmem:v29+s15+$0x0], $0xffff;
	v2 =	vadd.f32 v3, v2;
	v3 =	vmul.f32 v28, v27  }
0x803: {  	v38 =	vor.u32 $0x28, v1;
	v37 =	vld.idx.msk [tilespmem:v29+s16+$0x0], $0xffff  }
0x804: {  	v39 =	vld.idx.msk [tilespmem:v32+s15+$0x0], $0xffff;
	v2 =	vadd.f32 v3, v2;
	v3 =	vmul.f32 v31, v30  }
0x805: {  	v41 =	vor.u32 $0x29, v1;
	v40 =	vld.idx.msk [tilespmem:v32+s16+$0x0], $0xffff  }
0x806: {  	v42 =	vld.idx.msk [tilespmem:v35+s15+$0x0], $0xffff;
	v2 =	vadd.f32 v3, v2;
	v3 =	vmul.f32 v34, v33  }
0x807: {  	v44 =	vor.u32 $0x2A, v1;
	v43 =	vld.idx.msk [tilespmem:v35+s16+$0x0], $0xffff  }
0x808: {  	v45 =	vld.idx.msk [tilespmem:v38+s15+$0x0], $0xffff;
	v2 =	vadd.f32 v3, v2;
	v3 =	vmul.f32 v37, v36  }
0x809: {  	v47 =	vor.u32 $0x2B, v1;
	v46 =	vld.idx.msk [tilespmem:v38+s16+$0x0], $0xffff  }
0x80a: {  	v48 =	vld.idx.msk [tilespmem:v41+s15+$0x0], $0xffff;
	v2 =	vadd.f32 v3, v2;
	v3 =	vmul.f32 v40, v39  }
0x80b: {  	v50 =	vor.u32 $0x2C, v1;
	v49 =	vld.idx.msk [tilespmem:v41+s16+$0x0], $0xffff  }
0x80c: {  	v51 =	vld.idx.msk [tilespmem:v44+s15+$0x0], $0xffff;
	v2 =	vadd.f32 v3, v2;
	v3 =	vmul.f32 v43, v42  }
0x80d: {  	v53 =	vor.u32 $0x2D, v1;
	v52 =	vld.idx.msk [tilespmem:v44+s16+$0x0], $0xffff  }
0x80e: {  	v54 =	vld.idx.msk [tilespmem:v47+s15+$0x0], $0xffff;
	v2 =	vadd.f32 v3, v2;
	v3 =	vmul.f32 v46, v45  }
0x80f: {  	v56 =	vor.u32 $0x2E, v1;
	v55 =	vld.idx.msk [tilespmem:v47+s16+$0x0], $0xffff  }
0x810: {  	v57 =	vld.idx.msk [tilespmem:v50+s15+$0x0], $0xffff;
	v2 =	vadd.f32 v3, v2;
	v3 =	vmul.f32 v49, v48  }
0x811: {  	v59 =	vor.u32 $0x2F, v1;
	v58 =	vld.idx.msk [tilespmem:v50+s16+$0x0], $0xffff  }
0x812: {  	v60 =	vld.idx.msk [tilespmem:v53+s15+$0x0], $0xffff;
	v2 =	vadd.f32 v3, v2;
	v3 =	vmul.f32 v52, v51  }
0x813: {  	v62 =	vor.u32 $0x30, v1;
	v61 =	vld.idx.msk [tilespmem:v53+s16+$0x0], $0xffff  }
0x814: {  	v63 =	vld.idx.msk [tilespmem:v56+s15+$0x0], $0xffff;
	v2 =	vadd.f32 v3, v2;
	v3 =	vmul.f32 v55, v54  }
0x815: {  	v17 =	vor.u32 $0x31, v1;
	v16 =	vld.idx.msk [tilespmem:v56+s16+$0x0], $0xffff  }
0x816: {  	v18 =	vld.idx.msk [tilespmem:v59+s15+$0x0], $0xffff;
	v2 =	vadd.f32 v3, v2;
	v3 =	vmul.f32 v58, v57  }
0x817: {  	v20 =	vor.u32 $0x32, v1;
	v19 =	vld.idx.msk [tilespmem:v59+s16+$0x0], $0xffff  }
0x818: {  	v21 =	vld.idx.msk [tilespmem:v62+s15+$0x0], $0xffff;
	v2 =	vadd.f32 v3, v2;
	v3 =	vmul.f32 v61, v60  }
0x819: {  	v23 =	vor.u32 $0x33, v1;
	v22 =	vld.idx.msk [tilespmem:v62+s16+$0x0], $0xffff  }
0x81a: {  	v24 =	vld.idx.msk [tilespmem:v17+s15+$0x0], $0xffff;
	v2 =	vadd.f32 v3, v2;
	v3 =	vmul.f32 v16, v63  }
0x81b: {  	v26 =	vor.u32 $0x34, v1;
	v25 =	vld.idx.msk [tilespmem:v17+s16+$0x0], $0xffff  }
0x81c: {  	v27 =	vld.idx.msk [tilespmem:v20+s15+$0x0], $0xffff;
	v2 =	vadd.f32 v3, v2;
	v3 =	vmul.f32 v19, v18  }
0x81d: {  	v29 =	vor.u32 $0x35, v1;
	v28 =	vld.idx.msk [tilespmem:v20+s16+$0x0], $0xffff  }
0x81e: {  	v30 =	vld.idx.msk [tilespmem:v23+s15+$0x0], $0xffff;
	v2 =	vadd.f32 v3, v2;
	v3 =	vmul.f32 v22, v21  }
0x81f: {  	v32 =	vor.u32 $0x36, v1;
	v31 =	vld.idx.msk [tilespmem:v23+s16+$0x0], $0xffff  }
0x820: {  	v33 =	vld.idx.msk [tilespmem:v26+s15+$0x0], $0xffff;
	v2 =	vadd.f32 v3, v2;
	v3 =	vmul.f32 v25, v24  }
0x821: {  	v35 =	vor.u32 $0x37, v1;
	v34 =	vld.idx.msk [tilespmem:v26+s16+$0x0], $0xffff  }
0x822: {  	v36 =	vld.idx.msk [tilespmem:v29+s15+$0x0], $0xffff;
	v2 =	vadd.f32 v3, v2;
	v3 =	vmul.f32 v28, v27  }
0x823: {  	v38 =	vor.u32 $0x38, v1;
	v37 =	vld.idx.msk [tilespmem:v29+s16+$0x0], $0xffff  }
0x824: {  	v39 =	vld.idx.msk [tilespmem:v32+s15+$0x0], $0xffff;
	v2 =	vadd.f32 v3, v2;
	v3 =	vmul.f32 v31, v30  }
0x825: {  	v41 =	vor.u32 $0x39, v1;
	v40 =	vld.idx.msk [tilespmem:v32+s16+$0x0], $0xffff  }
0x826: {  	v42 =	vld.idx.msk [tilespmem:v35+s15+$0x0], $0xffff;
	v2 =	vadd.f32 v3, v2;
	v3 =	vmul.f32 v34, v33  }
0x827: {  	v44 =	vor.u32 $0x3A, v1;
	v43 =	vld.idx.msk [tilespmem:v35+s16+$0x0], $0xffff  }
0x828: {  	v45 =	vld.idx.msk [tilespmem:v38+s15+$0x0], $0xffff;
	v2 =	vadd.f32 v3, v2;
	v3 =	vmul.f32 v37, v36  }
0x829: {  	v47 =	vor.u32 $0x3B, v1;
	v46 =	vld.idx.msk [tilespmem:v38+s16+$0x0], $0xffff  }
0x82a: {  	v48 =	vld.idx.msk [tilespmem:v41+s15+$0x0], $0xffff;
	v2 =	vadd.f32 v3, v2;
	v3 =	vmul.f32 v40, v39  }
0x82b: {  	v50 =	vor.u32 $0x3C, v1;
	v49 =	vld.idx.msk [tilespmem:v41+s16+$0x0], $0xffff  }
0x82c: {  	v51 =	vld.idx.msk [tilespmem:v44+s15+$0x0], $0xffff;
	v2 =	vadd.f32 v3, v2;
	v3 =	vmul.f32 v43, v42  }
0x82d: {  	v53 =	vor.u32 $0x3D, v1;
	v52 =	vld.idx.msk [tilespmem:v44+s16+$0x0], $0xffff  }
0x82e: {  	v54 =	vld.idx.msk [tilespmem:v47+s15+$0x0], $0xffff;
	v2 =	vadd.f32 v3, v2;
	v3 =	vmul.f32 v46, v45  }
0x82f: {  	v56 =	vor.u32 $0x3E, v1;
	v55 =	vld.idx.msk [tilespmem:v47+s16+$0x0], $0xffff  }
0x830: {  	v57 =	vld.idx.msk [tilespmem:v50+s15+$0x0], $0xffff;
	v2 =	vadd.f32 v3, v2;
	v3 =	vmul.f32 v49, v48  }
0x831: {  	v59 =	vor.u32 $0x3F, v1;
	v58 =	vld.idx.msk [tilespmem:v50+s16+$0x0], $0xffff  }
0x832: {  	v60 =	vld.idx.msk [tilespmem:v53+s15+$0x0], $0xffff;
	v2 =	vadd.f32 v3, v2;
	v3 =	vmul.f32 v52, v51  }
0x833: {  	v62 =	vor.u32 $0x40, v1;
	v61 =	vld.idx.msk [tilespmem:v53+s16+$0x0], $0xffff  }
0x834: {  	v63 =	vld.idx.msk [tilespmem:v56+s15+$0x0], $0xffff;
	v2 =	vadd.f32 v3, v2;
	v3 =	vmul.f32 v55, v54  }
0x835: {  	v17 =	vor.u32 $0x41, v1;
	v16 =	vld.idx.msk [tilespmem:v56+s16+$0x0], $0xffff  }
0x836: {  	v18 =	vld.idx.msk [tilespmem:v59+s15+$0x0], $0xffff;
	v2 =	vadd.f32 v3, v2;
	v3 =	vmul.f32 v58, v57  }
0x837: {  	v20 =	vor.u32 $0x42, v1;
	v19 =	vld.idx.msk [tilespmem:v59+s16+$0x0], $0xffff  }
0x838: {  	v21 =	vld.idx.msk [tilespmem:v62+s15+$0x0], $0xffff;
	v2 =	vadd.f32 v3, v2;
	v3 =	vmul.f32 v61, v60  }
0x839: {  	v23 =	vor.u32 $0x43, v1;
	v22 =	vld.idx.msk [tilespmem:v62+s16+$0x0], $0xffff  }
0x83a: {  	v24 =	vld.idx.msk [tilespmem:v17+s15+$0x0], $0xffff;
	v2 =	vadd.f32 v3, v2;
	v3 =	vmul.f32 v16, v63  }
0x83b: {  	v26 =	vor.u32 $0x44, v1;
	v25 =	vld.idx.msk [tilespmem:v17+s16+$0x0], $0xffff  }
0x83c: {  	v27 =	vld.idx.msk [tilespmem:v20+s15+$0x0], $0xffff;
	v2 =	vadd.f32 v3, v2;
	v3 =	vmul.f32 v19, v18  }
0x83d: {  	v29 =	vor.u32 $0x45, v1;
	v28 =	vld.idx.msk [tilespmem:v20+s16+$0x0], $0xffff  }
0x83e: {  	v30 =	vld.idx.msk [tilespmem:v23+s15+$0x0], $0xffff;
	v2 =	vadd.f32 v3, v2;
	v3 =	vmul.f32 v22, v21  }
0x83f: {  	v32 =	vor.u32 $0x46, v1;
	v31 =	vld.idx.msk [tilespmem:v23+s16+$0x0], $0xffff  }
0x840: {  	v33 =	vld.idx.msk [tilespmem:v26+s15+$0x0], $0xffff;
	v2 =	vadd.f32 v3, v2;
	v3 =	vmul.f32 v25, v24  }
0x841: {  	v35 =	vor.u32 $0x47, v1;
	v34 =	vld.idx.msk [tilespmem:v26+s16+$0x0], $0xffff  }
0x842: {  	v36 =	vld.idx.msk [tilespmem:v29+s15+$0x0], $0xffff;
	v2 =	vadd.f32 v3, v2;
	v3 =	vmul.f32 v28, v27  }
0x843: {  	v38 =	vor.u32 $0x48, v1;
	v37 =	vld.idx.msk [tilespmem:v29+s16+$0x0], $0xffff  }
0x844: {  	v39 =	vld.idx.msk [tilespmem:v32+s15+$0x0], $0xffff;
	v2 =	vadd.f32 v3, v2;
	v3 =	vmul.f32 v31, v30  }
0x845: {  	v41 =	vor.u32 $0x49, v1;
	v40 =	vld.idx.msk [tilespmem:v32+s16+$0x0], $0xffff  }
0x846: {  	v42 =	vld.idx.msk [tilespmem:v35+s15+$0x0], $0xffff;
	v2 =	vadd.f32 v3, v2;
	v3 =	vmul.f32 v34, v33  }
0x847: {  	v44 =	vor.u32 $0x4A, v1;
	v43 =	vld.idx.msk [tilespmem:v35+s16+$0x0], $0xffff  }
0x848: {  	v45 =	vld.idx.msk [tilespmem:v38+s15+$0x0], $0xffff;
	v2 =	vadd.f32 v3, v2;
	v3 =	vmul.f32 v37, v36  }
0x849: {  	v47 =	vor.u32 $0x4B, v1;
	v46 =	vld.idx.msk [tilespmem:v38+s16+$0x0], $0xffff  }
0x84a: {  	v48 =	vld.idx.msk [tilespmem:v41+s15+$0x0], $0xffff;
	v2 =	vadd.f32 v3, v2;
	v3 =	vmul.f32 v40, v39  }
0x84b: {  	v50 =	vor.u32 $0x4C, v1;
	v49 =	vld.idx.msk [tilespmem:v41+s16+$0x0], $0xffff  }
0x84c: {  	v51 =	vld.idx.msk [tilespmem:v44+s15+$0x0], $0xffff;
	v2 =	vadd.f32 v3, v2;
	v3 =	vmul.f32 v43, v42  }
0x84d: {  	v53 =	vor.u32 $0x4D, v1;
	v52 =	vld.idx.msk [tilespmem:v44+s16+$0x0], $0xffff  }
0x84e: {  	v54 =	vld.idx.msk [tilespmem:v47+s15+$0x0], $0xffff;
	v2 =	vadd.f32 v3, v2;
	v3 =	vmul.f32 v46, v45  }
0x84f: {  	v56 =	vor.u32 $0x4E, v1;
	v55 =	vld.idx.msk [tilespmem:v47+s16+$0x0], $0xffff  }
0x850: {  	v57 =	vld.idx.msk [tilespmem:v50+s15+$0x0], $0xffff;
	v2 =	vadd.f32 v3, v2;
	v3 =	vmul.f32 v49, v48  }
0x851: {  	v59 =	vor.u32 $0x4F, v1;
	v58 =	vld.idx.msk [tilespmem:v50+s16+$0x0], $0xffff  }
0x852: {  	v60 =	vld.idx.msk [tilespmem:v53+s15+$0x0], $0xffff;
	v2 =	vadd.f32 v3, v2;
	v3 =	vmul.f32 v52, v51  }
0x853: {  	v62 =	vor.u32 $0x50, v1;
	v61 =	vld.idx.msk [tilespmem:v53+s16+$0x0], $0xffff  }
0x854: {  	v63 =	vld.idx.msk [tilespmem:v56+s15+$0x0], $0xffff;
	v2 =	vadd.f32 v3, v2;
	v3 =	vmul.f32 v55, v54  }
0x855: {  	v17 =	vor.u32 $0x51, v1;
	v16 =	vld.idx.msk [tilespmem:v56+s16+$0x0], $0xffff  }
0x856: {  	v18 =	vld.idx.msk [tilespmem:v59+s15+$0x0], $0xffff;
	v2 =	vadd.f32 v3, v2;
	v3 =	vmul.f32 v58, v57  }
0x857: {  	v20 =	vor.u32 $0x52, v1;
	v19 =	vld.idx.msk [tilespmem:v59+s16+$0x0], $0xffff  }
0x858: {  	v21 =	vld.idx.msk [tilespmem:v62+s15+$0x0], $0xffff;
	v2 =	vadd.f32 v3, v2;
	v3 =	vmul.f32 v61, v60  }
0x859: {  	v23 =	vor.u32 $0x53, v1;
	v22 =	vld.idx.msk [tilespmem:v62+s16+$0x0], $0xffff  }
0x85a: {  	v24 =	vld.idx.msk [tilespmem:v17+s15+$0x0], $0xffff;
	v2 =	vadd.f32 v3, v2;
	v3 =	vmul.f32 v16, v63  }
0x85b: {  	v26 =	vor.u32 $0x54, v1;
	v25 =	vld.idx.msk [tilespmem:v17+s16+$0x0], $0xffff  }
0x85c: {  	v27 =	vld.idx.msk [tilespmem:v20+s15+$0x0], $0xffff;
	v2 =	vadd.f32 v3, v2;
	v3 =	vmul.f32 v19, v18  }
0x85d: {  	v29 =	vor.u32 $0x55, v1;
	v28 =	vld.idx.msk [tilespmem:v20+s16+$0x0], $0xffff  }
0x85e: {  	v30 =	vld.idx.msk [tilespmem:v23+s15+$0x0], $0xffff;
	v2 =	vadd.f32 v3, v2;
	v3 =	vmul.f32 v22, v21  }
0x85f: {  	v32 =	vor.u32 $0x56, v1;
	v31 =	vld.idx.msk [tilespmem:v23+s16+$0x0], $0xffff  }
0x860: {  	v33 =	vld.idx.msk [tilespmem:v26+s15+$0x0], $0xffff;
	v2 =	vadd.f32 v3, v2;
	v3 =	vmul.f32 v25, v24  }
0x861: {  	v35 =	vor.u32 $0x57, v1;
	v34 =	vld.idx.msk [tilespmem:v26+s16+$0x0], $0xffff  }
0x862: {  	v36 =	vld.idx.msk [tilespmem:v29+s15+$0x0], $0xffff;
	v2 =	vadd.f32 v3, v2;
	v3 =	vmul.f32 v28, v27  }
0x863: {  	v38 =	vor.u32 $0x58, v1;
	v37 =	vld.idx.msk [tilespmem:v29+s16+$0x0], $0xffff  }
0x864: {  	v39 =	vld.idx.msk [tilespmem:v32+s15+$0x0], $0xffff;
	v2 =	vadd.f32 v3, v2;
	v3 =	vmul.f32 v31, v30  }
0x865: {  	v41 =	vor.u32 $0x59, v1;
	v40 =	vld.idx.msk [tilespmem:v32+s16+$0x0], $0xffff  }
0x866: {  	v42 =	vld.idx.msk [tilespmem:v35+s15+$0x0], $0xffff;
	v2 =	vadd.f32 v3, v2;
	v3 =	vmul.f32 v34, v33  }
0x867: {  	v44 =	vor.u32 $0x5A, v1;
	v43 =	vld.idx.msk [tilespmem:v35+s16+$0x0], $0xffff  }
0x868: {  	v45 =	vld.idx.msk [tilespmem:v38+s15+$0x0], $0xffff;
	v2 =	vadd.f32 v3, v2;
	v3 =	vmul.f32 v37, v36  }
0x869: {  	v47 =	vor.u32 $0x5B, v1;
	v46 =	vld.idx.msk [tilespmem:v38+s16+$0x0], $0xffff  }
0x86a: {  	v48 =	vld.idx.msk [tilespmem:v41+s15+$0x0], $0xffff;
	v2 =	vadd.f32 v3, v2;
	v3 =	vmul.f32 v40, v39  }
0x86b: {  	v50 =	vor.u32 $0x5C, v1;
	v49 =	vld.idx.msk [tilespmem:v41+s16+$0x0], $0xffff  }
0x86c: {  	v51 =	vld.idx.msk [tilespmem:v44+s15+$0x0], $0xffff;
	v2 =	vadd.f32 v3, v2;
	v3 =	vmul.f32 v43, v42  }
0x86d: {  	v53 =	vor.u32 $0x5D, v1;
	v52 =	vld.idx.msk [tilespmem:v44+s16+$0x0], $0xffff  }
0x86e: {  	v54 =	vld.idx.msk [tilespmem:v47+s15+$0x0], $0xffff;
	v2 =	vadd.f32 v3, v2;
	v3 =	vmul.f32 v46, v45  }
0x86f: {  	v56 =	vor.u32 $0x5E, v1;
	v55 =	vld.idx.msk [tilespmem:v47+s16+$0x0], $0xffff  }
0x870: {  	v57 =	vld.idx.msk [tilespmem:v50+s15+$0x0], $0xffff;
	v2 =	vadd.f32 v3, v2;
	v3 =	vmul.f32 v49, v48  }
0x871: {  	v59 =	vor.u32 $0x5F, v1;
	v58 =	vld.idx.msk [tilespmem:v50+s16+$0x0], $0xffff  }
0x872: {  	v60 =	vld.idx.msk [tilespmem:v53+s15+$0x0], $0xffff;
	v2 =	vadd.f32 v3, v2;
	v3 =	vmul.f32 v52, v51  }
0x873: {  	v62 =	vor.u32 $0x60, v1;
	v61 =	vld.idx.msk [tilespmem:v53+s16+$0x0], $0xffff  }
0x874: {  	v63 =	vld.idx.msk [tilespmem:v56+s15+$0x0], $0xffff;
	v2 =	vadd.f32 v3, v2;
	v3 =	vmul.f32 v55, v54  }
0x875: {  	v17 =	vor.u32 $0x61, v1;
	v16 =	vld.idx.msk [tilespmem:v56+s16+$0x0], $0xffff  }
0x876: {  	v18 =	vld.idx.msk [tilespmem:v59+s15+$0x0], $0xffff;
	v2 =	vadd.f32 v3, v2;
	v3 =	vmul.f32 v58, v57  }
0x877: {  	v20 =	vor.u32 $0x62, v1;
	v19 =	vld.idx.msk [tilespmem:v59+s16+$0x0], $0xffff  }
0x878: {  	v21 =	vld.idx.msk [tilespmem:v62+s15+$0x0], $0xffff;
	v2 =	vadd.f32 v3, v2;
	v3 =	vmul.f32 v61, v60  }
0x879: {  	v23 =	vor.u32 $0x63, v1;
	v22 =	vld.idx.msk [tilespmem:v62+s16+$0x0], $0xffff  }
0x87a: {  	v24 =	vld.idx.msk [tilespmem:v17+s15+$0x0], $0xffff;
	v2 =	vadd.f32 v3, v2;
	v3 =	vmul.f32 v16, v63  }
0x87b: {  	v26 =	vor.u32 $0x64, v1;
	v25 =	vld.idx.msk [tilespmem:v17+s16+$0x0], $0xffff  }
0x87c: {  	v27 =	vld.idx.msk [tilespmem:v20+s15+$0x0], $0xffff;
	v2 =	vadd.f32 v3, v2;
	v3 =	vmul.f32 v19, v18  }
0x87d: {  	v29 =	vor.u32 $0x65, v1;
	v28 =	vld.idx.msk [tilespmem:v20+s16+$0x0], $0xffff  }
0x87e: {  	v30 =	vld.idx.msk [tilespmem:v23+s15+$0x0], $0xffff;
	v2 =	vadd.f32 v3, v2;
	v3 =	vmul.f32 v22, v21  }
0x87f: {  	v32 =	vor.u32 $0x66, v1;
	v31 =	vld.idx.msk [tilespmem:v23+s16+$0x0], $0xffff  }
0x880: {  	v33 =	vld.idx.msk [tilespmem:v26+s15+$0x0], $0xffff;
	v2 =	vadd.f32 v3, v2;
	v3 =	vmul.f32 v25, v24  }
0x881: {  	v35 =	vor.u32 $0x67, v1;
	v34 =	vld.idx.msk [tilespmem:v26+s16+$0x0], $0xffff  }
0x882: {  	v36 =	vld.idx.msk [tilespmem:v29+s15+$0x0], $0xffff;
	v2 =	vadd.f32 v3, v2;
	v3 =	vmul.f32 v28, v27  }
0x883: {  	v38 =	vor.u32 $0x68, v1;
	v37 =	vld.idx.msk [tilespmem:v29+s16+$0x0], $0xffff  }
0x884: {  	v39 =	vld.idx.msk [tilespmem:v32+s15+$0x0], $0xffff;
	v2 =	vadd.f32 v3, v2;
	v3 =	vmul.f32 v31, v30  }
0x885: {  	v41 =	vor.u32 $0x69, v1;
	v40 =	vld.idx.msk [tilespmem:v32+s16+$0x0], $0xffff  }
0x886: {  	v42 =	vld.idx.msk [tilespmem:v35+s15+$0x0], $0xffff;
	v2 =	vadd.f32 v3, v2;
	v3 =	vmul.f32 v34, v33  }
0x887: {  	v44 =	vor.u32 $0x6A, v1;
	v43 =	vld.idx.msk [tilespmem:v35+s16+$0x0], $0xffff  }
0x888: {  	v45 =	vld.idx.msk [tilespmem:v38+s15+$0x0], $0xffff;
	v2 =	vadd.f32 v3, v2;
	v3 =	vmul.f32 v37, v36  }
0x889: {  	v47 =	vor.u32 $0x6B, v1;
	v46 =	vld.idx.msk [tilespmem:v38+s16+$0x0], $0xffff  }
0x88a: {  	v48 =	vld.idx.msk [tilespmem:v41+s15+$0x0], $0xffff;
	v2 =	vadd.f32 v3, v2;
	v3 =	vmul.f32 v40, v39  }
0x88b: {  	v50 =	vor.u32 $0x6C, v1;
	v49 =	vld.idx.msk [tilespmem:v41+s16+$0x0], $0xffff  }
0x88c: {  	v51 =	vld.idx.msk [tilespmem:v44+s15+$0x0], $0xffff;
	v2 =	vadd.f32 v3, v2;
	v3 =	vmul.f32 v43, v42  }
0x88d: {  	v53 =	vor.u32 $0x6D, v1;
	v52 =	vld.idx.msk [tilespmem:v44+s16+$0x0], $0xffff  }
0x88e: {  	v54 =	vld.idx.msk [tilespmem:v47+s15+$0x0], $0xffff;
	v2 =	vadd.f32 v3, v2;
	v3 =	vmul.f32 v46, v45  }
0x88f: {  	v56 =	vor.u32 $0x6E, v1;
	v55 =	vld.idx.msk [tilespmem:v47+s16+$0x0], $0xffff  }
0x890: {  	v57 =	vld.idx.msk [tilespmem:v50+s15+$0x0], $0xffff;
	v2 =	vadd.f32 v3, v2;
	v3 =	vmul.f32 v49, v48  }
0x891: {  	v59 =	vor.u32 $0x6F, v1;
	v58 =	vld.idx.msk [tilespmem:v50+s16+$0x0], $0xffff  }
0x892: {  	v60 =	vld.idx.msk [tilespmem:v53+s15+$0x0], $0xffff;
	v2 =	vadd.f32 v3, v2;
	v3 =	vmul.f32 v52, v51  }
0x893: {  	v62 =	vor.u32 $0x70, v1;
	v61 =	vld.idx.msk [tilespmem:v53+s16+$0x0], $0xffff  }
0x894: {  	v63 =	vld.idx.msk [tilespmem:v56+s15+$0x0], $0xffff;
	v2 =	vadd.f32 v3, v2;
	v3 =	vmul.f32 v55, v54  }
0x895: {  	v17 =	vor.u32 $0x71, v1;
	v16 =	vld.idx.msk [tilespmem:v56+s16+$0x0], $0xffff  }
0x896: {  	v18 =	vld.idx.msk [tilespmem:v59+s15+$0x0], $0xffff;
	v2 =	vadd.f32 v3, v2;
	v3 =	vmul.f32 v58, v57  }
0x897: {  	v20 =	vor.u32 $0x72, v1;
	v19 =	vld.idx.msk [tilespmem:v59+s16+$0x0], $0xffff  }
0x898: {  	v21 =	vld.idx.msk [tilespmem:v62+s15+$0x0], $0xffff;
	v2 =	vadd.f32 v3, v2;
	v3 =	vmul.f32 v61, v60  }
0x899: {  	v23 =	vor.u32 $0x73, v1;
	v22 =	vld.idx.msk [tilespmem:v62+s16+$0x0], $0xffff  }
0x89a: {  	v24 =	vld.idx.msk [tilespmem:v17+s15+$0x0], $0xffff;
	v2 =	vadd.f32 v3, v2;
	v3 =	vmul.f32 v16, v63  }
0x89b: {  	v26 =	vor.u32 $0x74, v1;
	v25 =	vld.idx.msk [tilespmem:v17+s16+$0x0], $0xffff  }
0x89c: {  	v27 =	vld.idx.msk [tilespmem:v20+s15+$0x0], $0xffff;
	v2 =	vadd.f32 v3, v2;
	v3 =	vmul.f32 v19, v18  }
0x89d: {  	v29 =	vor.u32 $0x75, v1;
	v28 =	vld.idx.msk [tilespmem:v20+s16+$0x0], $0xffff  }
0x89e: {  	v30 =	vld.idx.msk [tilespmem:v23+s15+$0x0], $0xffff;
	v2 =	vadd.f32 v3, v2;
	v3 =	vmul.f32 v22, v21  }
0x89f: {  	v32 =	vor.u32 $0x76, v1;
	v31 =	vld.idx.msk [tilespmem:v23+s16+$0x0], $0xffff  }
0x8a0: {  	v33 =	vld.idx.msk [tilespmem:v26+s15+$0x0], $0xffff;
	v2 =	vadd.f32 v3, v2;
	v3 =	vmul.f32 v25, v24  }
0x8a1: {  	v35 =	vor.u32 $0x77, v1;
	v34 =	vld.idx.msk [tilespmem:v26+s16+$0x0], $0xffff  }
0x8a2: {  	v36 =	vld.idx.msk [tilespmem:v29+s15+$0x0], $0xffff;
	v2 =	vadd.f32 v3, v2;
	v3 =	vmul.f32 v28, v27  }
0x8a3: {  	v38 =	vor.u32 $0x78, v1;
	v37 =	vld.idx.msk [tilespmem:v29+s16+$0x0], $0xffff  }
0x8a4: {  	v39 =	vld.idx.msk [tilespmem:v32+s15+$0x0], $0xffff;
	v2 =	vadd.f32 v3, v2;
	v3 =	vmul.f32 v31, v30  }
0x8a5: {  	v41 =	vor.u32 $0x79, v1;
	v40 =	vld.idx.msk [tilespmem:v32+s16+$0x0], $0xffff  }
0x8a6: {  	v42 =	vld.idx.msk [tilespmem:v35+s15+$0x0], $0xffff;
	v2 =	vadd.f32 v3, v2;
	v3 =	vmul.f32 v34, v33  }
0x8a7: {  	v44 =	vor.u32 $0x7A, v1;
	v43 =	vld.idx.msk [tilespmem:v35+s16+$0x0], $0xffff  }
0x8a8: {  	v45 =	vld.idx.msk [tilespmem:v38+s15+$0x0], $0xffff;
	v2 =	vadd.f32 v3, v2;
	v3 =	vmul.f32 v37, v36  }
0x8a9: {  	v47 =	vor.u32 $0x7B, v1;
	v46 =	vld.idx.msk [tilespmem:v38+s16+$0x0], $0xffff  }
0x8aa: {  	v48 =	vld.idx.msk [tilespmem:v41+s15+$0x0], $0xffff;
	v2 =	vadd.f32 v3, v2;
	v3 =	vmul.f32 v40, v39  }
0x8ab: {  	v50 =	vor.u32 $0x7C, v1;
	v49 =	vld.idx.msk [tilespmem:v41+s16+$0x0], $0xffff  }
0x8ac: {  	v51 =	vld.idx.msk [tilespmem:v44+s15+$0x0], $0xffff;
	v2 =	vadd.f32 v3, v2;
	v3 =	vmul.f32 v43, v42  }
0x8ad: {  	v53 =	vor.u32 $0x7D, v1;
	v52 =	vld.idx.msk [tilespmem:v44+s16+$0x0], $0xffff  }
0x8ae: {  	v54 =	vld.idx.msk [tilespmem:v47+s15+$0x0], $0xffff;
	v2 =	vadd.f32 v3, v2;
	v3 =	vmul.f32 v46, v45  }
0x8af: {  	v56 =	vor.u32 $0x7E, v1;
	v55 =	vld.idx.msk [tilespmem:v47+s16+$0x0], $0xffff  }
0x8b0: {  	v57 =	vld.idx.msk [tilespmem:v50+s15+$0x0], $0xffff;
	v2 =	vadd.f32 v3, v2;
	v3 =	vmul.f32 v49, v48  }
0x8b1: {  	v1 =	vor.u32 $0x7F, v1;
	v58 =	vld.idx.msk [tilespmem:v50+s16+$0x0], $0xffff  }
0x8b2: {  	v59 =	vld.idx.msk [tilespmem:v53+s15+$0x0], $0xffff;
	v2 =	vadd.f32 v3, v2;
	v3 =	vmul.f32 v52, v51  }
0x8b3: {  	v60 =	vld.idx.msk [tilespmem:v53+s16+$0x0], $0xffff  }
0x8b4: {  	v62 =	vld.idx.msk [tilespmem:v56+s16+$0x0], $0xffff;
	v2 =	vadd.f32 v3, v2;
	v3 =	vmul.f32 v55, v54  }
0x8b5: {  	v61 =	vld.idx.msk [tilespmem:v56+s15+$0x0], $0xffff  }
0x8b6: {  	v63 =	vld.idx.msk [tilespmem:v1+s15+$0x0], $0xffff;
	v2 =	vadd.f32 v3, v2;
	v3 =	vmul.f32 v58, v57  }
0x8b7: {  	v1 =	vld.idx.msk [tilespmem:v1+s16+$0x0], $0xffff  }
0x8b8: {  	v2 =	vadd.f32 v3, v2;
	v3 =	vmul.f32 v60, v59;
	_ =	sdelay $0x1  }
0x8b9: {  	v2 =	vadd.f32 v3, v2;
	v3 =	vmul.f32 v62, v61;
	_ =	sdelay $0x1  }
0x8ba: {  	v1 =	vmul.f32 v1, v63;
	v2 =	vadd.f32 v3, v2;
	_ =	sdelay $0x1  }
0x8bb: {  	v1 =	vadd.f32 v1, v2;
	_ =	sdelay $0x1  }
0x8bc: {  	v1 =	vsub.f32 $0.0e+00, v1;
	_ =	sdelay $0x1  }
0x8bd: {  	v1 =	vmul.f32 $1.442695020e+00, v1;
	_ =	sdelay $0x1  }
0x8be: {  	(erf) = vpow2.f32 v1;
	_ =	sdelay $0x8  }
0x8bf: {  	v1 =	vpop (erf)  }
0x8c0: {  	v1 =	vadd.f32 $1.000000000e+00, v1;
	_ =	sdelay $0x1  }
0x8c1: {  	(erf) = vrcp.f32 v1;
	_ =	sdelay $0x5  }
.Ltmp8:
0x8c2: {  	_ = 	snop;
	(pc) =	sbr.rel .LBB2_9-.Ltmp8, $3  }
0x8c3: {  	_ =	sdelay $0x1  }
0x8c4: {  	s22 =	sadd.s32 $0x10, s22;
	v1 =	vpop (erf)  }
0x8c5: {  	[tilespmem:s22+$0x0] =	vst v1  }
.LBB2_11:
0x8c6: {  	_ =	sfence.sel $0x180000  }
0x8c7: {  	[bflag:$0x0] =	sbarrier.arrive $0xFFFF  }
0x8c8: {  	p0 =	sne.s32 s0, $0x0;
	_ =	strace $0x90000047  }
0x8c9: {  	s0 =	sadd.s32 @!p0 $0x100000, s3;
	[bflag:$0x2] =	sbarrier.arrive $0xFFFF  }
0x8ca: {  	[sflag:s0] =	ssyncadd.tile.s32 @!p0 $0x1;
	_ =	shalt  }
.Lfunc_end2:
_tile_overlayer_lowered:
.L_overlay_start_2:
0x8cb: {  	(tag) =	ssettag $0x2  }
0x8cc: {  	s0 =	rddreg [dreg:$0x0];
	s2 =	stileid.u32  }
0x8cd: {  	s1 =	rddreg [dreg:$0x1];
	p0 =	sne.s32 s2, $0x0  }
0x8ce: {  	s3 =	rddreg [dreg:$0x2];
	[bflag:$0x3] =	sbarrier.arrive $0xFFFF;
	s2 =	simm.s32 @!p0 $0x1C03  }
0x8cf: {  	[timem:s3], [sflag:s2] =	dma.local @!p0 [hbm:s0], s1  }
0x8d0: {  	s0 =	simm.s32 @!p0 $0x3  }
0x8d1: {  	_ =	swait.ge @!p0 [sflag:s0], s1  }
0x8d2: {  	s1 =	ssub.s32 @!p0 $0x0, s1;
	[sflag:s0] =	ssyncset.done @!p0 $0x0  }
0x8d3: {  	[sflag:s0] =	ssyncadd.s32 @!p0 s1  }
0x8d4: {  	[bflag:$0x3] =	sbarrier.arrive $0xFFFF  }
0x8d5: {  	_ =	shalt  }

</sc_bundles>
